<compile_context>
chip_gen: v7x
topology: tpu7x:2x2x1
jax: 0.10.2.dev20260603
libtpu: 0.0.44.dev20260713+nightly
codegen_flags: <defaults>
</compile_context>

<pallas_src>
import functools

import jax
import jax.numpy as jnp
from jax import lax
from jax.experimental import pallas as pl
from jax.experimental.pallas import tpu as pltpu
from jax.experimental.pallas import tpu_sc as plsc

SEEDS_P1 = (1609.0, 5154.0, 6527.0, 2426.0)
HASH_RANGE = 65536
NUM_HEADS = 4
EMBED_DIM = 64
LANES = 16
NC, NS = 2, 16
NW = NC * NS
N_SUB = 8
SUB = HASH_RANGE // N_SUB

B, T = 4, 512
TPAD = T + 8
POS = B * T
NA = B * (T - 1)
NB = B * (T - 2)
NAV = (NA + LANES - 1) // LANES
NBV = (NB + LANES - 1) // LANES
LIST = NAV * LANES + NBV * LANES
SENTINEL = HASH_RANGE


def _gather_body(tok_hbm, table_hbm, out_hbm,
                 tok_v, idxl, posl, lidx, lpos, buf, acc, sem):
    wid = lax.axis_index("s") * NC + lax.axis_index("c")
    h = wid // N_SUB
    ca = wid - h * N_SUB
    seed = jnp.float32(0.0)
    for i in range(NUM_HEADS):
        seed = jnp.where(h == i, jnp.float32(SEEDS_P1[i]), seed)

    def slab_copy(s):
        return pltpu.async_copy(
            table_hbm.at[h, pl.ds(ca * N_SUB, N_SUB), pl.ds(s * SUB, SUB)],
            buf, sem)

    cp = slab_copy(0)
    pltpu.sync_copy(tok_hbm, tok_v)
    iota = lax.iota(jnp.int32, LANES)
    zeros = jnp.zeros((LANES,), jnp.float32)

    def zbody(j, c):
        for ci in range(N_SUB):
            acc[ci, pl.ds(j * LANES, LANES)] = zeros
        return c
    lax.fori_loop(0, POS // LANES, zbody, 0)

    def hash_stream(base_slot, n_entries, win_len, is_tri):
        magic = (1 << 21) // win_len + 1

        def body(i, c):
            e = i * LANES + iota
            valid = e < n_entries
            e = jnp.minimum(e, n_entries - 1)
            b = (e * magic) >> 21
            w = e - b * win_len
            p = b * T + w
            ti = b * TPAD + w
            t0 = plsc.load_gather(tok_v, [ti]).astype(jnp.float32)
            t1 = plsc.load_gather(tok_v, [ti + 1]).astype(jnp.float32)
            hv = t0 * seed + t1 * seed
            if is_tri:
                t2 = plsc.load_gather(tok_v, [ti + 2]).astype(jnp.float32)
                hv = hv + t2 * seed
            hidx = hv.astype(jnp.int32) & (HASH_RANGE - 1)
            hidx = jnp.where(valid, hidx, SENTINEL)
            idxl[pl.ds(base_slot + i * LANES, LANES)] = hidx
            posl[pl.ds(base_slot + i * LANES, LANES)] = p
            return c
        return body

    lax.fori_loop(0, NAV, hash_stream(0, NA, T - 1, False), 0, unroll=4)
    lax.fori_loop(0, NBV, hash_stream(NAV * LANES, NB, T - 2, True), 0,
                  unroll=4)

    nlv = LIST // LANES
    ci_vecs = [iota * 0 + ci for ci in range(N_SUB)]

    for s in range(N_SUB):
        def cbody(i, off):
            lv = idxl[pl.ds(i * LANES, LANES)]
            pv = posl[pl.ds(i * LANES, LANES)]
            m = (lv >> 13) == s
            pf = plsc.cumsum(m.astype(jnp.int32))
            dest = off + pf - 1
            plsc.store_scatter(lidx, [dest], lv & (SUB - 1), mask=m)
            plsc.store_scatter(lpos, [dest], pv, mask=m)
            return off + pf[15]
        ns = lax.fori_loop(0, nlv, cbody, jnp.int32(0), unroll=4)
        cp.wait()

        def gbody(j, c):
            m = (j * LANES + iota) < ns
            rl = lidx[pl.ds(j * LANES, LANES)]
            pv = lpos[pl.ds(j * LANES, LANES)]
            for ci in range(N_SUB):
                val = plsc.load_gather(buf, [ci_vecs[ci], rl], mask=m)
                plsc.addupdate_scatter(acc, [ci_vecs[ci], pv], val, mask=m)
            return c
        nv = (ns + LANES - 1) >> 4
        lax.fori_loop(0, nv, gbody, 0)
        if s + 1 < N_SUB:
            cp = slab_copy(s + 1)

    pltpu.sync_copy(acc, out_hbm.at[pl.ds(wid * N_SUB, N_SUB)])


def _make_gather():
    mesh = plsc.VectorSubcoreMesh(
        core_axis_name="c", subcore_axis_name="s",
        num_cores=NC, num_subcores=NS)
    return pl.kernel(
        _gather_body,
        out_type=jax.ShapeDtypeStruct((NW * N_SUB, POS), jnp.float32),
        mesh=mesh,
        scratch_types=[
            pltpu.VMEM((B * TPAD,), jnp.int32),
            pltpu.VMEM((LIST,), jnp.int32),
            pltpu.VMEM((LIST,), jnp.int32),
            pltpu.VMEM((LIST + LANES,), jnp.int32),
            pltpu.VMEM((LIST + LANES,), jnp.int32),
            pltpu.VMEM((N_SUB, SUB), jnp.float32),
            pltpu.VMEM((N_SUB, POS), jnp.float32),
            pltpu.SemaphoreType.DMA,
        ],
        compiler_params=pltpu.CompilerParams(
            use_tc_tiling_on_sc=True, needs_layout_passes=False),
    )


def _dense_body(parts_ref, hid_ref, wh_ref, bh_ref, wg1_ref, bg1_ref,
                wg2_ref, bg2_ref, out_ref):
    parts = parts_ref[...]
    seq_t = parts[0:64] + parts[64:128] + parts[128:192] + parts[192:256]
    seq = jnp.transpose(seq_t) * 0.25
    hid = hid_ref[...]
    dn = (((1,), (1,)), ((), ()))
    proj = lax.dot_general(seq, wh_ref[...], dn,
                           preferred_element_type=jnp.float32) + bh_ref[...]
    hmid = hid + proj
    g1 = lax.dot_general(hmid, wg1_ref[...], dn,
                         preferred_element_type=jnp.float32) + bg1_ref[...]
    g1 = 0.5 * g1 * (1.0 + lax.erf(g1 * jnp.float32(0.7071067811865476)))
    g2 = jnp.sum(g1 * wg2_ref[...], axis=1, keepdims=True) + bg2_ref[...]
    gate = jax.nn.sigmoid(g2)
    out_ref[...] = hid + gate * proj


def kernel(token_ids, hidden_state, embeddings, W_hid, b_hid,
           W_g1, b_g1, W_g2, b_g2):
    D = hidden_state.shape[-1]
    tok_pad = jnp.pad(token_ids, ((0, 0), (0, TPAD - T))).reshape(-1)
    table_t = embeddings.transpose(0, 2, 1)
    parts = _make_gather()(tok_pad, table_t)

    out = pl.pallas_call(
        _dense_body,
        out_shape=jax.ShapeDtypeStruct((POS, D), jnp.float32),
    )(
        parts,
        hidden_state.reshape(POS, D),
        W_hid,
        b_hid.reshape(1, D),
        W_g1,
        b_g1.reshape(1, -1),
        W_g2,
        b_g2.reshape(1, 1),
    )
    return out.reshape(B, T, D)

# --- scband reference (transcript-rebuilt; emitter-appended) ---
"""Pipeline reference for scband-engram-module-7378753815202 (READ-ONLY COPY).

The authoritative reference and input builder live on the scoring server;
editing this copy changes nothing except your own understanding.
"""

import jax, jax.numpy as jnp
import numpy as np

VOCAB = 10000
D_MODEL = 256
EMBED_DIM = 64
NUM_HEADS = 4
HASH_RANGE = 65536
MAX_N = 3
B, T = 4, 512
# fixed multi-head hash seeds (stand-in for torch.manual_seed(42); torch.randint(0,10000,(4,)))
SEEDS = jnp.array([1608, 5153, 6526, 2425], dtype=jnp.float32)


def setup_inputs(seed: int = 0) -> dict:
    key = jax.random.key(seed)
    ks = jax.random.split(key, 9)
    token_ids = jax.random.randint(ks[0], (B, T), 0, VOCAB, dtype=jnp.int32)
    hidden_state = jax.random.normal(ks[1], (B, T, D_MODEL), dtype=jnp.float32)
    # MemoryBank.embeddings: (num_heads, hash_range, embed_dim) * 0.02
    embeddings = jax.random.normal(ks[2], (NUM_HEADS, HASH_RANGE, EMBED_DIM), dtype=jnp.float32) * 0.02
    # to_hidden: Linear(embed_dim -> d_model)
    W_hid = jax.random.normal(ks[3], (D_MODEL, EMBED_DIM), dtype=jnp.float32) * 0.05
    b_hid = jnp.zeros((D_MODEL,), dtype=jnp.float32)
    # gate_net: Linear(d_model -> d_model//2) -> GELU -> Linear(d_model//2 -> 1) -> Sigmoid
    W_g1 = jax.random.normal(ks[4], (D_MODEL // 2, D_MODEL), dtype=jnp.float32) * 0.05
    b_g1 = jnp.zeros((D_MODEL // 2,), dtype=jnp.float32)
    W_g2 = jax.random.normal(ks[5], (1, D_MODEL // 2), dtype=jnp.float32) * 0.05
    b_g2 = jnp.zeros((1,), dtype=jnp.float32)
    return {
        "token_ids": token_ids,
        "hidden_state": hidden_state,
        "embeddings": embeddings,
        "W_hid": W_hid,
        "b_hid": b_hid,
        "W_g1": W_g1,
        "b_g1": b_g1,
        "W_g2": W_g2,
        "b_g2": b_g2,
    }


def _memory_lookup(token_ids, embeddings):
    # vectorized translation of NGramExtractor + MultiHeadHasher + MemoryBank.lookup
    b, t = token_ids.shape
    seq_memory = jnp.zeros((b, t, EMBED_DIM), dtype=jnp.float32)
    h_idx = jnp.arange(NUM_HEADS).reshape(1, 1, NUM_HEADS)
    for n in range(2, MAX_N + 1):
        L = t - n + 1
        # windows: (B, L, n) of token ids for each n-gram starting position
        windows = jnp.stack([token_ids[:, i:i + L] for i in range(n)], axis=-1).astype(jnp.float32)
        # hash_val per head: sum_j tokens_j * (seed_h + 1)  -> (B, L, H)
        hv = jnp.sum(windows[:, :, None, :] * (SEEDS + 1.0)[None, None, :, None], axis=-1)
        idx = hv.astype(jnp.int32) % HASH_RANGE  # int() truncation; values are non-negative
        # embeddings[h, idx] gather -> (B, L, H, D); mean over heads
        embs = embeddings[h_idx, idx, :]
        emb = jnp.mean(embs, axis=2)
        seq_memory = seq_memory.at[:, :L, :].add(emb)
    return seq_memory


def reference(token_ids, hidden_state, embeddings, W_hid, b_hid, W_g1, b_g1, W_g2, b_g2):
    seq_memory = _memory_lookup(token_ids, embeddings)          # (B, T, embed_dim)
    memory_proj = seq_memory @ W_hid.T + b_hid                   # (B, T, d_model)
    h = hidden_state + memory_proj
    g = jax.nn.gelu(h @ W_g1.T + b_g1, approximate=False)
    gate = jax.nn.sigmoid(g @ W_g2.T + b_g2)                     # (B, T, 1)
    enhanced = hidden_state + gate * memory_proj                 # (B, T, d_model)
    return enhanced

if __name__ == "__main__":
    import jax
    _d = setup_inputs()
    print(jax.jit(kernel)(*tuple(_d.values())))

</pallas_src>

<mosaic_0001>
#map = affine_map<(d0, d1) -> (0)>
#map1 = affine_map<(d0, d1) -> (0, 0, 0)>
#map2 = affine_map<(d0, d1) -> (0, 0)>
module attributes {stable_mosaic.version = 14 : i64} {
  func.func @_gather_body(%arg0: i32, %arg1: i32, %arg2: memref<2080xi32, #tpu.memory_space<hbm>>, %arg3: memref<4x64x65536xf32, #tpu.memory_space<hbm>>, %arg4: memref<256x2048xf32, #tpu.memory_space<hbm>>, %arg5: memref<2080xi32, #tpu.memory_space<vmem>>, %arg6: memref<4096xi32, #tpu.memory_space<vmem>>, %arg7: memref<4096xi32, #tpu.memory_space<vmem>>, %arg8: memref<4112xi32, #tpu.memory_space<vmem>>, %arg9: memref<4112xi32, #tpu.memory_space<vmem>>, %arg10: memref<8x8192xf32, #tpu.memory_space<vmem>>, %arg11: memref<8x2048xf32, #tpu.memory_space<vmem>>, %arg12: memref<!tpu.dma_semaphore, #tpu.memory_space<semaphore_mem>>) attributes {dimension_semantics = [#tpu.dimension_semantics<core_parallel>, #tpu.dimension_semantics<subcore_parallel>], iteration_bounds = array<i64: 2, 16>, scalar_prefetch = 0 : i64, scratch_operands = 8 : i64, tpu.core_type = #tpu.core_type<sc_vector_subcore>, window_params = [{transform_indices = #map}, {transform_indices = #map1}, {transform_indices = #map2}]} {
    %mul3A = arith.constant 2 : i32
    %mul3A_0 = arith.muli %arg1, %mul3A : i32
    %add3A = arith.addi %mul3A_0, %arg0 : i32
    %jit3A = arith.constant 8 : i32
    %div3A = arith.divsi %add3A, %jit3A : i32
    %sign3A = arith.constant 0 : i32
    %sign3A_1 = arith.cmpi sgt, %add3A, %sign3A : i32
    %sign3A_2 = arith.extui %sign3A_1 : i1 to i32
    %sign3A_3 = arith.constant 0 : i32
    %sign3A_4 = arith.cmpi slt, %add3A, %sign3A_3 : i32
    %sign3A_5 = arith.extui %sign3A_4 : i1 to i32
    %sign3A_6 = arith.subi %sign3A_2, %sign3A_5 : i32
    %sign3A_7 = arith.constant 0 : i32
    %sign3A_8 = arith.cmpi sgt, %jit3A, %sign3A_7 : i32
    %sign3A_9 = arith.extui %sign3A_8 : i1 to i32
    %sign3A_10 = arith.constant 0 : i32
    %sign3A_11 = arith.cmpi slt, %jit3A, %sign3A_10 : i32
    %sign3A_12 = arith.extui %sign3A_11 : i1 to i32
    %sign3A_13 = arith.subi %sign3A_9, %sign3A_12 : i32
    %ne3A = arith.cmpi ne, %sign3A_6, %sign3A_13 : i32
    %rem3A = arith.remsi %add3A, %jit3A : i32
    %ne3A_14 = arith.constant 0 : i32
    %ne3A_15 = arith.cmpi ne, %rem3A, %ne3A_14 : i32
    %and3A = arith.andi %ne3A, %ne3A_15 : i1
    %sub3A = arith.constant 1 : i32
    %sub3A_16 = arith.subi %div3A, %sub3A : i32
    %select_n3A = arith.select %and3A, %sub3A_16, %div3A : i32
    %mul3A_17 = arith.constant 8 : i32
    %mul3A_18 = arith.muli %select_n3A, %mul3A_17 : i32
    %sub3A_19 = arith.subi %add3A, %mul3A_18 : i32
    %eq3A = arith.constant 0 : i32
    %eq3A_20 = arith.cmpi eq, %select_n3A, %eq3A : i32
    %jit3A_21 = arith.constant 1.609000e+03 : f32
    %jit3A_22 = arith.constant 0.000000e+00 : f32
    %select_n3A_23 = arith.select %eq3A_20, %jit3A_21, %jit3A_22 : f32
    %eq3A_24 = arith.constant 1 : i32
    %eq3A_25 = arith.cmpi eq, %select_n3A, %eq3A_24 : i32
    %jit3A_26 = arith.constant 5.154000e+03 : f32
    %select_n3A_27 = arith.select %eq3A_25, %jit3A_26, %select_n3A_23 : f32
    %eq3A_28 = arith.constant 2 : i32
    %eq3A_29 = arith.cmpi eq, %select_n3A, %eq3A_28 : i32
    %jit3A_30 = arith.constant 6.527000e+03 : f32
    %select_n3A_31 = arith.select %eq3A_29, %jit3A_30, %select_n3A_27 : f32
    %eq3A_32 = arith.constant 3 : i32
    %eq3A_33 = arith.cmpi eq, %select_n3A, %eq3A_32 : i32
    %jit3A_34 = arith.constant 2.426000e+03 : f32
    %select_n3A_35 = arith.select %eq3A_33, %jit3A_34, %select_n3A_31 : f32
    %mul3A_36 = arith.constant 8 : i32
    %mul3A_37 = arith.muli %sub3A_19, %mul3A_36 : i32
    %dma_start3A = arith.constant 0 : i32
    %dma_start3A_38 = tpu.memref_slice %arg3[%select_n3A, %mul3A_37, %dma_start3A] : memref<4x64x65536xf32, #tpu.memory_space<hbm>> -> memref<1x8x8192xf32, #tpu.memory_space<hbm>>
    %dma_start3A_39 = tpu.memref_squeeze %dma_start3A_38 : memref<1x8x8192xf32, #tpu.memory_space<hbm>> -> memref<8x8192xf32, #tpu.memory_space<hbm>>
    %dma_start3A_40 = arith.constant 0 : i32
    %dma_start3A_41 = tpu.memref_slice %arg3[%select_n3A, %mul3A_37, %dma_start3A_40] : memref<4x64x65536xf32, #tpu.memory_space<hbm>> -> memref<1x8x8192xf32, #tpu.memory_space<hbm>>
    %dma_start3A_42 = tpu.memref_squeeze %dma_start3A_41 : memref<1x8x8192xf32, #tpu.memory_space<hbm>> -> memref<8x8192xf32, #tpu.memory_space<hbm>>
    tpu.enqueue_dma source(%dma_start3A_42 : memref<8x8192xf32, #tpu.memory_space<hbm>>) target(%arg10 : memref<8x8192xf32, #tpu.memory_space<vmem>>) target_semaphore(%arg12 : memref<!tpu.dma_semaphore, #tpu.memory_space<semaphore_mem>>)
    "tpu.region"() ({
      %run_scoped3A = tpu.sem_alloc : memref<!tpu.dma_semaphore, #tpu.memory_space<semaphore_mem>>
      tpu.enqueue_dma source(%arg2 : memref<2080xi32, #tpu.memory_space<hbm>>) target(%arg5 : memref<2080xi32, #tpu.memory_space<vmem>>) target_semaphore(%run_scoped3A : memref<!tpu.dma_semaphore, #tpu.memory_space<semaphore_mem>>)
      tpu.wait_dma2 semaphore(%run_scoped3A : memref<!tpu.dma_semaphore, #tpu.memory_space<semaphore_mem>>) src(%arg2 : memref<2080xi32, #tpu.memory_space<hbm>>) dst(%arg5 : memref<2080xi32, #tpu.memory_space<vmem>>)
      tpu.yield
    }) : () -> ()
    %iota3A = tpu.iota {dimensions = array<i32: 0>} : vector<16xi32>
    %broadcast_in_dim3A = arith.constant 0.000000e+00 : f32
    %broadcast_in_dim3A_43 = vector.broadcast %broadcast_in_dim3A : f32 to vector<16xf32>
    %scan3A = arith.constant 0 : i32
    %scan3A_44 = arith.constant 0 : i32
    %scan3A_45 = arith.constant 128 : i32
    %scan3A_46 = arith.addi %scan3A_44, %scan3A_45 : i32
    %scan3A_47 = arith.constant 1 : i32
    scf.for %scan3A_396 = %scan3A_44 to %scan3A_46 step %scan3A_47  : i32 {
      %mul3A_397 = arith.constant 16 : i32
      %mul3A_398 = arith.muli %scan3A_396, %mul3A_397 : i32
      %swap3A = arith.constant 0 : i32
      %swap3A_399 = arith.index_cast %swap3A : i32 to index
      %swap3A_400 = arith.index_cast %mul3A_398 : i32 to index
      %swap3A_401 = tpu.vector_load %arg11[%swap3A_399, %swap3A_400] {strides = array<i32>} : memref<8x2048xf32, #tpu.memory_space<vmem>>, vector<16xf32>,
      tpu.vector_store %arg11[%swap3A_399, %swap3A_400], %broadcast_in_dim3A_43 {strides = array<i32>} : memref<8x2048xf32, #tpu.memory_space<vmem>>, vector<16xf32>,
      %mul3A_402 = arith.constant 16 : i32
      %mul3A_403 = arith.muli %scan3A_396, %mul3A_402 : i32
      %swap3A_404 = arith.constant 1 : i32
      %swap3A_405 = arith.index_cast %swap3A_404 : i32 to index
      %swap3A_406 = arith.index_cast %mul3A_403 : i32 to index
      %swap3A_407 = tpu.vector_load %arg11[%swap3A_405, %swap3A_406] {strides = array<i32>} : memref<8x2048xf32, #tpu.memory_space<vmem>>, vector<16xf32>,
      tpu.vector_store %arg11[%swap3A_405, %swap3A_406], %broadcast_in_dim3A_43 {strides = array<i32>} : memref<8x2048xf32, #tpu.memory_space<vmem>>, vector<16xf32>,
      %mul3A_408 = arith.constant 16 : i32
      %mul3A_409 = arith.muli %scan3A_396, %mul3A_408 : i32
      %swap3A_410 = arith.constant 2 : i32
      %swap3A_411 = arith.index_cast %swap3A_410 : i32 to index
      %swap3A_412 = arith.index_cast %mul3A_409 : i32 to index
      %swap3A_413 = tpu.vector_load %arg11[%swap3A_411, %swap3A_412] {strides = array<i32>} : memref<8x2048xf32, #tpu.memory_space<vmem>>, vector<16xf32>,
      tpu.vector_store %arg11[%swap3A_411, %swap3A_412], %broadcast_in_dim3A_43 {strides = array<i32>} : memref<8x2048xf32, #tpu.memory_space<vmem>>, vector<16xf32>,
      %mul3A_414 = arith.constant 16 : i32
      %mul3A_415 = arith.muli %scan3A_396, %mul3A_414 : i32
      %swap3A_416 = arith.constant 3 : i32
      %swap3A_417 = arith.index_cast %swap3A_416 : i32 to index
      %swap3A_418 = arith.index_cast %mul3A_415 : i32 to index
      %swap3A_419 = tpu.vector_load %arg11[%swap3A_417, %swap3A_418] {strides = array<i32>} : memref<8x2048xf32, #tpu.memory_space<vmem>>, vector<16xf32>,
      tpu.vector_store %arg11[%swap3A_417, %swap3A_418], %broadcast_in_dim3A_43 {strides = array<i32>} : memref<8x2048xf32, #tpu.memory_space<vmem>>, vector<16xf32>,
      %mul3A_420 = arith.constant 16 : i32
      %mul3A_421 = arith.muli %scan3A_396, %mul3A_420 : i32
      %swap3A_422 = arith.constant 4 : i32
      %swap3A_423 = arith.index_cast %swap3A_422 : i32 to index
      %swap3A_424 = arith.index_cast %mul3A_421 : i32 to index
      %swap3A_425 = tpu.vector_load %arg11[%swap3A_423, %swap3A_424] {strides = array<i32>} : memref<8x2048xf32, #tpu.memory_space<vmem>>, vector<16xf32>,
      tpu.vector_store %arg11[%swap3A_423, %swap3A_424], %broadcast_in_dim3A_43 {strides = array<i32>} : memref<8x2048xf32, #tpu.memory_space<vmem>>, vector<16xf32>,
      %mul3A_426 = arith.constant 16 : i32
      %mul3A_427 = arith.muli %scan3A_396, %mul3A_426 : i32
      %swap3A_428 = arith.constant 5 : i32
      %swap3A_429 = arith.index_cast %swap3A_428 : i32 to index
      %swap3A_430 = arith.index_cast %mul3A_427 : i32 to index
      %swap3A_431 = tpu.vector_load %arg11[%swap3A_429, %swap3A_430] {strides = array<i32>} : memref<8x2048xf32, #tpu.memory_space<vmem>>, vector<16xf32>,
      tpu.vector_store %arg11[%swap3A_429, %swap3A_430], %broadcast_in_dim3A_43 {strides = array<i32>} : memref<8x2048xf32, #tpu.memory_space<vmem>>, vector<16xf32>,
      %mul3A_432 = arith.constant 16 : i32
      %mul3A_433 = arith.muli %scan3A_396, %mul3A_432 : i32
      %swap3A_434 = arith.constant 6 : i32
      %swap3A_435 = arith.index_cast %swap3A_434 : i32 to index
      %swap3A_436 = arith.index_cast %mul3A_433 : i32 to index
      %swap3A_437 = tpu.vector_load %arg11[%swap3A_435, %swap3A_436] {strides = array<i32>} : memref<8x2048xf32, #tpu.memory_space<vmem>>, vector<16xf32>,
      tpu.vector_store %arg11[%swap3A_435, %swap3A_436], %broadcast_in_dim3A_43 {strides = array<i32>} : memref<8x2048xf32, #tpu.memory_space<vmem>>, vector<16xf32>,
      %mul3A_438 = arith.constant 16 : i32
      %mul3A_439 = arith.muli %scan3A_396, %mul3A_438 : i32
      %swap3A_440 = arith.constant 7 : i32
      %swap3A_441 = arith.index_cast %swap3A_440 : i32 to index
      %swap3A_442 = arith.index_cast %mul3A_439 : i32 to index
      %swap3A_443 = tpu.vector_load %arg11[%swap3A_441, %swap3A_442] {strides = array<i32>} : memref<8x2048xf32, #tpu.memory_space<vmem>>, vector<16xf32>,
      tpu.vector_store %arg11[%swap3A_441, %swap3A_442], %broadcast_in_dim3A_43 {strides = array<i32>} : memref<8x2048xf32, #tpu.memory_space<vmem>>, vector<16xf32>,
    }
    %scan3A_48 = arith.constant 128 : i32
    %scan3A_49 = arith.constant 0 : i32
    %scan3A_50 = arith.constant 0 : i32
    %scan3A_51 = arith.constant 128 : i32
    %scan3A_52 = arith.addi %scan3A_50, %scan3A_51 : i32
    %scan3A_53 = arith.constant 4 : i32
    scf.for %scan3A_396 = %scan3A_50 to %scan3A_52 step %scan3A_53  : i32 {
      %mul3A_397 = arith.constant 16 : i32
      %mul3A_398 = arith.muli %scan3A_396, %mul3A_397 : i32
      %add3A_399 = vector.broadcast %mul3A_398 : i32 to vector<16xi32>
      %add3A_400 = arith.addi %add3A_399, %iota3A : vector<16xi32>
      %lt3A = arith.constant 2044 : i32
      %lt3A_401 = vector.broadcast %lt3A : i32 to vector<16xi32>
      %lt3A_402 = arith.cmpi slt, %add3A_400, %lt3A_401 : vector<16xi32>
      %min3A = arith.constant 2043 : i32
      %min3A_403 = vector.broadcast %min3A : i32 to vector<16xi32>
      %min3A_404 = arith.minsi %add3A_400, %min3A_403 : vector<16xi32>
      %mul3A_405 = arith.constant 4105 : i32
      %mul3A_406 = vector.broadcast %mul3A_405 : i32 to vector<16xi32>
      %mul3A_407 = arith.muli %min3A_404, %mul3A_406 : vector<16xi32>
      %shift_right_arithmetic3A_408 = arith.constant 21 : i32
      %shift_right_arithmetic3A_409 = vector.broadcast %shift_right_arithmetic3A_408 : i32 to vector<16xi32>
      %shift_right_arithmetic3A_410 = arith.shrsi %mul3A_407, %shift_right_arithmetic3A_409 : vector<16xi32>
      %mul3A_411 = arith.constant 511 : i32
      %mul3A_412 = vector.broadcast %mul3A_411 : i32 to vector<16xi32>
      %mul3A_413 = arith.muli %shift_right_arithmetic3A_410, %mul3A_412 : vector<16xi32>
      %sub3A_414 = arith.subi %min3A_404, %mul3A_413 : vector<16xi32>
      %mul3A_415 = arith.constant 512 : i32
      %mul3A_416 = vector.broadcast %mul3A_415 : i32 to vector<16xi32>
      %mul3A_417 = arith.muli %shift_right_arithmetic3A_410, %mul3A_416 : vector<16xi32>
      %add3A_418 = arith.addi %mul3A_417, %sub3A_414 : vector<16xi32>
      %mul3A_419 = arith.constant 520 : i32
      %mul3A_420 = vector.broadcast %mul3A_419 : i32 to vector<16xi32>
      %mul3A_421 = arith.muli %shift_right_arithmetic3A_410, %mul3A_420 : vector<16xi32>
      %add3A_422 = arith.addi %mul3A_421, %sub3A_414 : vector<16xi32>
      %gather3A = tpu.vector_load_idx %arg5[%add3A_422] : memref<2080xi32, #tpu.memory_space<vmem>>[vector<16xi32>], vector<16xi32>,
      %convert_element_type3A = arith.sitofp %gather3A : vector<16xi32> to vector<16xf32>
      %add3A_423 = arith.constant 1 : i32
      %add3A_424 = vector.broadcast %add3A_423 : i32 to vector<16xi32>
      %add3A_425 = arith.addi %add3A_422, %add3A_424 : vector<16xi32>
      %gather3A_426 = tpu.vector_load_idx %arg5[%add3A_425] : memref<2080xi32, #tpu.memory_space<vmem>>[vector<16xi32>], vector<16xi32>,
      %convert_element_type3A_427 = arith.sitofp %gather3A_426 : vector<16xi32> to vector<16xf32>
      %mul3A_428 = vector.broadcast %select_n3A_35 : f32 to vector<16xf32>
      %mul3A_429 = arith.mulf %convert_element_type3A, %mul3A_428 : vector<16xf32>
      %mul3A_430 = vector.broadcast %select_n3A_35 : f32 to vector<16xf32>
      %mul3A_431 = arith.mulf %convert_element_type3A_427, %mul3A_430 : vector<16xf32>
      %add3A_432 = arith.addf %mul3A_429, %mul3A_431 : vector<16xf32>
      %convert_element_type3A_433 = arith.fptosi %add3A_432 : vector<16xf32> to vector<16xi32>
      %and3A_434 = arith.constant 65535 : i32
      %and3A_435 = vector.broadcast %and3A_434 : i32 to vector<16xi32>
      %and3A_436 = arith.andi %convert_element_type3A_433, %and3A_435 : vector<16xi32>
      %jit3A_437 = arith.constant 65536 : i32
      %broadcast_in_dim3A_438 = vector.broadcast %jit3A_437 : i32 to vector<16xi32>
      %select_n3A_439 = arith.select %lt3A_402, %and3A_436, %broadcast_in_dim3A_438 : vector<16xi1>, vector<16xi32>
      %mul3A_440 = arith.constant 16 : i32
      %mul3A_441 = arith.muli %scan3A_396, %mul3A_440 : i32
      %add3A_442 = arith.constant 0 : i32
      %add3A_443 = arith.addi %add3A_442, %mul3A_441 : i32
      %swap3A = arith.index_cast %add3A_443 : i32 to index
      %swap3A_444 = tpu.vector_load %arg6[%swap3A] {strides = array<i32>} : memref<4096xi32, #tpu.memory_space<vmem>>, vector<16xi32>,
      tpu.vector_store %arg6[%swap3A], %select_n3A_439 {strides = array<i32>} : memref<4096xi32, #tpu.memory_space<vmem>>, vector<16xi32>,
      %mul3A_445 = arith.constant 16 : i32
      %mul3A_446 = arith.muli %scan3A_396, %mul3A_445 : i32
      %add3A_447 = arith.constant 0 : i32
      %add3A_448 = arith.addi %add3A_447, %mul3A_446 : i32
      %swap3A_449 = arith.index_cast %add3A_448 : i32 to index
      %swap3A_450 = tpu.vector_load %arg7[%swap3A_449] {strides = array<i32>} : memref<4096xi32, #tpu.memory_space<vmem>>, vector<16xi32>,
      tpu.vector_store %arg7[%swap3A_449], %add3A_418 {strides = array<i32>} : memref<4096xi32, #tpu.memory_space<vmem>>, vector<16xi32>,
      %scan3A_451 = arith.constant 1 : i32
      %scan3A_452 = arith.addi %scan3A_396, %scan3A_451 : i32
      %mul3A_453 = arith.constant 16 : i32
      %mul3A_454 = arith.muli %scan3A_452, %mul3A_453 : i32
      %add3A_455 = vector.broadcast %mul3A_454 : i32 to vector<16xi32>
      %add3A_456 = arith.addi %add3A_455, %iota3A : vector<16xi32>
      %lt3A_457 = arith.constant 2044 : i32
      %lt3A_458 = vector.broadcast %lt3A_457 : i32 to vector<16xi32>
      %lt3A_459 = arith.cmpi slt, %add3A_456, %lt3A_458 : vector<16xi32>
      %min3A_460 = arith.constant 2043 : i32
      %min3A_461 = vector.broadcast %min3A_460 : i32 to vector<16xi32>
      %min3A_462 = arith.minsi %add3A_456, %min3A_461 : vector<16xi32>
      %mul3A_463 = arith.constant 4105 : i32
      %mul3A_464 = vector.broadcast %mul3A_463 : i32 to vector<16xi32>
      %mul3A_465 = arith.muli %min3A_462, %mul3A_464 : vector<16xi32>
      %shift_right_arithmetic3A_466 = arith.constant 21 : i32
      %shift_right_arithmetic3A_467 = vector.broadcast %shift_right_arithmetic3A_466 : i32 to vector<16xi32>
      %shift_right_arithmetic3A_468 = arith.shrsi %mul3A_465, %shift_right_arithmetic3A_467 : vector<16xi32>
      %mul3A_469 = arith.constant 511 : i32
      %mul3A_470 = vector.broadcast %mul3A_469 : i32 to vector<16xi32>
      %mul3A_471 = arith.muli %shift_right_arithmetic3A_468, %mul3A_470 : vector<16xi32>
      %sub3A_472 = arith.subi %min3A_462, %mul3A_471 : vector<16xi32>
      %mul3A_473 = arith.constant 512 : i32
      %mul3A_474 = vector.broadcast %mul3A_473 : i32 to vector<16xi32>
      %mul3A_475 = arith.muli %shift_right_arithmetic3A_468, %mul3A_474 : vector<16xi32>
      %add3A_476 = arith.addi %mul3A_475, %sub3A_472 : vector<16xi32>
      %mul3A_477 = arith.constant 520 : i32
      %mul3A_478 = vector.broadcast %mul3A_477 : i32 to vector<16xi32>
      %mul3A_479 = arith.muli %shift_right_arithmetic3A_468, %mul3A_478 : vector<16xi32>
      %add3A_480 = arith.addi %mul3A_479, %sub3A_472 : vector<16xi32>
      %gather3A_481 = tpu.vector_load_idx %arg5[%add3A_480] : memref<2080xi32, #tpu.memory_space<vmem>>[vector<16xi32>], vector<16xi32>,
      %convert_element_type3A_482 = arith.sitofp %gather3A_481 : vector<16xi32> to vector<16xf32>
      %add3A_483 = arith.constant 1 : i32
      %add3A_484 = vector.broadcast %add3A_483 : i32 to vector<16xi32>
      %add3A_485 = arith.addi %add3A_480, %add3A_484 : vector<16xi32>
      %gather3A_486 = tpu.vector_load_idx %arg5[%add3A_485] : memref<2080xi32, #tpu.memory_space<vmem>>[vector<16xi32>], vector<16xi32>,
      %convert_element_type3A_487 = arith.sitofp %gather3A_486 : vector<16xi32> to vector<16xf32>
      %mul3A_488 = vector.broadcast %select_n3A_35 : f32 to vector<16xf32>
      %mul3A_489 = arith.mulf %convert_element_type3A_482, %mul3A_488 : vector<16xf32>
      %mul3A_490 = vector.broadcast %select_n3A_35 : f32 to vector<16xf32>
      %mul3A_491 = arith.mulf %convert_element_type3A_487, %mul3A_490 : vector<16xf32>
      %add3A_492 = arith.addf %mul3A_489, %mul3A_491 : vector<16xf32>
      %convert_element_type3A_493 = arith.fptosi %add3A_492 : vector<16xf32> to vector<16xi32>
      %and3A_494 = arith.constant 65535 : i32
      %and3A_495 = vector.broadcast %and3A_494 : i32 to vector<16xi32>
      %and3A_496 = arith.andi %convert_element_type3A_493, %and3A_495 : vector<16xi32>
      %jit3A_497 = arith.constant 65536 : i32
      %broadcast_in_dim3A_498 = vector.broadcast %jit3A_497 : i32 to vector<16xi32>
      %select_n3A_499 = arith.select %lt3A_459, %and3A_496, %broadcast_in_dim3A_498 : vector<16xi1>, vector<16xi32>
      %mul3A_500 = arith.constant 16 : i32
      %mul3A_501 = arith.muli %scan3A_452, %mul3A_500 : i32
      %add3A_502 = arith.constant 0 : i32
      %add3A_503 = arith.addi %add3A_502, %mul3A_501 : i32
      %swap3A_504 = arith.index_cast %add3A_503 : i32 to index
      %swap3A_505 = tpu.vector_load %arg6[%swap3A_504] {strides = array<i32>} : memref<4096xi32, #tpu.memory_space<vmem>>, vector<16xi32>,
      tpu.vector_store %arg6[%swap3A_504], %select_n3A_499 {strides = array<i32>} : memref<4096xi32, #tpu.memory_space<vmem>>, vector<16xi32>,
      %mul3A_506 = arith.constant 16 : i32
      %mul3A_507 = arith.muli %scan3A_452, %mul3A_506 : i32
      %add3A_508 = arith.constant 0 : i32
      %add3A_509 = arith.addi %add3A_508, %mul3A_507 : i32
      %swap3A_510 = arith.index_cast %add3A_509 : i32 to index
      %swap3A_511 = tpu.vector_load %arg7[%swap3A_510] {strides = array<i32>} : memref<4096xi32, #tpu.memory_space<vmem>>, vector<16xi32>,
      tpu.vector_store %arg7[%swap3A_510], %add3A_476 {strides = array<i32>} : memref<4096xi32, #tpu.memory_space<vmem>>, vector<16xi32>,
      %scan3A_512 = arith.constant 2 : i32
      %scan3A_513 = arith.addi %scan3A_396, %scan3A_512 : i32
      %mul3A_514 = arith.constant 16 : i32
      %mul3A_515 = arith.muli %scan3A_513, %mul3A_514 : i32
      %add3A_516 = vector.broadcast %mul3A_515 : i32 to vector<16xi32>
      %add3A_517 = arith.addi %add3A_516, %iota3A : vector<16xi32>
      %lt3A_518 = arith.constant 2044 : i32
      %lt3A_519 = vector.broadcast %lt3A_518 : i32 to vector<16xi32>
      %lt3A_520 = arith.cmpi slt, %add3A_517, %lt3A_519 : vector<16xi32>
      %min3A_521 = arith.constant 2043 : i32
      %min3A_522 = vector.broadcast %min3A_521 : i32 to vector<16xi32>
      %min3A_523 = arith.minsi %add3A_517, %min3A_522 : vector<16xi32>
      %mul3A_524 = arith.constant 4105 : i32
      %mul3A_525 = vector.broadcast %mul3A_524 : i32 to vector<16xi32>
      %mul3A_526 = arith.muli %min3A_523, %mul3A_525 : vector<16xi32>
      %shift_right_arithmetic3A_527 = arith.constant 21 : i32
      %shift_right_arithmetic3A_528 = vector.broadcast %shift_right_arithmetic3A_527 : i32 to vector<16xi32>
      %shift_right_arithmetic3A_529 = arith.shrsi %mul3A_526, %shift_right_arithmetic3A_528 : vector<16xi32>
      %mul3A_530 = arith.constant 511 : i32
      %mul3A_531 = vector.broadcast %mul3A_530 : i32 to vector<16xi32>
      %mul3A_532 = arith.muli %shift_right_arithmetic3A_529, %mul3A_531 : vector<16xi32>
      %sub3A_533 = arith.subi %min3A_523, %mul3A_532 : vector<16xi32>
      %mul3A_534 = arith.constant 512 : i32
      %mul3A_535 = vector.broadcast %mul3A_534 : i32 to vector<16xi32>
      %mul3A_536 = arith.muli %shift_right_arithmetic3A_529, %mul3A_535 : vector<16xi32>
      %add3A_537 = arith.addi %mul3A_536, %sub3A_533 : vector<16xi32>
      %mul3A_538 = arith.constant 520 : i32
      %mul3A_539 = vector.broadcast %mul3A_538 : i32 to vector<16xi32>
      %mul3A_540 = arith.muli %shift_right_arithmetic3A_529, %mul3A_539 : vector<16xi32>
      %add3A_541 = arith.addi %mul3A_540, %sub3A_533 : vector<16xi32>
      %gather3A_542 = tpu.vector_load_idx %arg5[%add3A_541] : memref<2080xi32, #tpu.memory_space<vmem>>[vector<16xi32>], vector<16xi32>,
      %convert_element_type3A_543 = arith.sitofp %gather3A_542 : vector<16xi32> to vector<16xf32>
      %add3A_544 = arith.constant 1 : i32
      %add3A_545 = vector.broadcast %add3A_544 : i32 to vector<16xi32>
      %add3A_546 = arith.addi %add3A_541, %add3A_545 : vector<16xi32>
      %gather3A_547 = tpu.vector_load_idx %arg5[%add3A_546] : memref<2080xi32, #tpu.memory_space<vmem>>[vector<16xi32>], vector<16xi32>,
      %convert_element_type3A_548 = arith.sitofp %gather3A_547 : vector<16xi32> to vector<16xf32>
      %mul3A_549 = vector.broadcast %select_n3A_35 : f32 to vector<16xf32>
      %mul3A_550 = arith.mulf %convert_element_type3A_543, %mul3A_549 : vector<16xf32>
      %mul3A_551 = vector.broadcast %select_n3A_35 : f32 to vector<16xf32>
      %mul3A_552 = arith.mulf %convert_element_type3A_548, %mul3A_551 : vector<16xf32>
      %add3A_553 = arith.addf %mul3A_550, %mul3A_552 : vector<16xf32>
      %convert_element_type3A_554 = arith.fptosi %add3A_553 : vector<16xf32> to vector<16xi32>
      %and3A_555 = arith.constant 65535 : i32
      %and3A_556 = vector.broadcast %and3A_555 : i32 to vector<16xi32>
      %and3A_557 = arith.andi %convert_element_type3A_554, %and3A_556 : vector<16xi32>
      %jit3A_558 = arith.constant 65536 : i32
      %broadcast_in_dim3A_559 = vector.broadcast %jit3A_558 : i32 to vector<16xi32>
      %select_n3A_560 = arith.select %lt3A_520, %and3A_557, %broadcast_in_dim3A_559 : vector<16xi1>, vector<16xi32>
      %mul3A_561 = arith.constant 16 : i32
      %mul3A_562 = arith.muli %scan3A_513, %mul3A_561 : i32
      %add3A_563 = arith.constant 0 : i32
      %add3A_564 = arith.addi %add3A_563, %mul3A_562 : i32
      %swap3A_565 = arith.index_cast %add3A_564 : i32 to index
      %swap3A_566 = tpu.vector_load %arg6[%swap3A_565] {strides = array<i32>} : memref<4096xi32, #tpu.memory_space<vmem>>, vector<16xi32>,
      tpu.vector_store %arg6[%swap3A_565], %select_n3A_560 {strides = array<i32>} : memref<4096xi32, #tpu.memory_space<vmem>>, vector<16xi32>,
      %mul3A_567 = arith.constant 16 : i32
      %mul3A_568 = arith.muli %scan3A_513, %mul3A_567 : i32
      %add3A_569 = arith.constant 0 : i32
      %add3A_570 = arith.addi %add3A_569, %mul3A_568 : i32
      %swap3A_571 = arith.index_cast %add3A_570 : i32 to index
      %swap3A_572 = tpu.vector_load %arg7[%swap3A_571] {strides = array<i32>} : memref<4096xi32, #tpu.memory_space<vmem>>, vector<16xi32>,
      tpu.vector_store %arg7[%swap3A_571], %add3A_537 {strides = array<i32>} : memref<4096xi32, #tpu.memory_space<vmem>>, vector<16xi32>,
      %scan3A_573 = arith.constant 3 : i32
      %scan3A_574 = arith.addi %scan3A_396, %scan3A_573 : i32
      %mul3A_575 = arith.constant 16 : i32
      %mul3A_576 = arith.muli %scan3A_574, %mul3A_575 : i32
      %add3A_577 = vector.broadcast %mul3A_576 : i32 to vector<16xi32>
      %add3A_578 = arith.addi %add3A_577, %iota3A : vector<16xi32>
      %lt3A_579 = arith.constant 2044 : i32
      %lt3A_580 = vector.broadcast %lt3A_579 : i32 to vector<16xi32>
      %lt3A_581 = arith.cmpi slt, %add3A_578, %lt3A_580 : vector<16xi32>
      %min3A_582 = arith.constant 2043 : i32
      %min3A_583 = vector.broadcast %min3A_582 : i32 to vector<16xi32>
      %min3A_584 = arith.minsi %add3A_578, %min3A_583 : vector<16xi32>
      %mul3A_585 = arith.constant 4105 : i32
      %mul3A_586 = vector.broadcast %mul3A_585 : i32 to vector<16xi32>
      %mul3A_587 = arith.muli %min3A_584, %mul3A_586 : vector<16xi32>
      %shift_right_arithmetic3A_588 = arith.constant 21 : i32
      %shift_right_arithmetic3A_589 = vector.broadcast %shift_right_arithmetic3A_588 : i32 to vector<16xi32>
      %shift_right_arithmetic3A_590 = arith.shrsi %mul3A_587, %shift_right_arithmetic3A_589 : vector<16xi32>
      %mul3A_591 = arith.constant 511 : i32
      %mul3A_592 = vector.broadcast %mul3A_591 : i32 to vector<16xi32>
      %mul3A_593 = arith.muli %shift_right_arithmetic3A_590, %mul3A_592 : vector<16xi32>
      %sub3A_594 = arith.subi %min3A_584, %mul3A_593 : vector<16xi32>
      %mul3A_595 = arith.constant 512 : i32
      %mul3A_596 = vector.broadcast %mul3A_595 : i32 to vector<16xi32>
      %mul3A_597 = arith.muli %shift_right_arithmetic3A_590, %mul3A_596 : vector<16xi32>
      %add3A_598 = arith.addi %mul3A_597, %sub3A_594 : vector<16xi32>
      %mul3A_599 = arith.constant 520 : i32
      %mul3A_600 = vector.broadcast %mul3A_599 : i32 to vector<16xi32>
      %mul3A_601 = arith.muli %shift_right_arithmetic3A_590, %mul3A_600 : vector<16xi32>
      %add3A_602 = arith.addi %mul3A_601, %sub3A_594 : vector<16xi32>
      %gather3A_603 = tpu.vector_load_idx %arg5[%add3A_602] : memref<2080xi32, #tpu.memory_space<vmem>>[vector<16xi32>], vector<16xi32>,
      %convert_element_type3A_604 = arith.sitofp %gather3A_603 : vector<16xi32> to vector<16xf32>
      %add3A_605 = arith.constant 1 : i32
      %add3A_606 = vector.broadcast %add3A_605 : i32 to vector<16xi32>
      %add3A_607 = arith.addi %add3A_602, %add3A_606 : vector<16xi32>
      %gather3A_608 = tpu.vector_load_idx %arg5[%add3A_607] : memref<2080xi32, #tpu.memory_space<vmem>>[vector<16xi32>], vector<16xi32>,
      %convert_element_type3A_609 = arith.sitofp %gather3A_608 : vector<16xi32> to vector<16xf32>
      %mul3A_610 = vector.broadcast %select_n3A_35 : f32 to vector<16xf32>
      %mul3A_611 = arith.mulf %convert_element_type3A_604, %mul3A_610 : vector<16xf32>
      %mul3A_612 = vector.broadcast %select_n3A_35 : f32 to vector<16xf32>
      %mul3A_613 = arith.mulf %convert_element_type3A_609, %mul3A_612 : vector<16xf32>
      %add3A_614 = arith.addf %mul3A_611, %mul3A_613 : vector<16xf32>
      %convert_element_type3A_615 = arith.fptosi %add3A_614 : vector<16xf32> to vector<16xi32>
      %and3A_616 = arith.constant 65535 : i32
      %and3A_617 = vector.broadcast %and3A_616 : i32 to vector<16xi32>
      %and3A_618 = arith.andi %convert_element_type3A_615, %and3A_617 : vector<16xi32>
      %jit3A_619 = arith.constant 65536 : i32
      %broadcast_in_dim3A_620 = vector.broadcast %jit3A_619 : i32 to vector<16xi32>
      %select_n3A_621 = arith.select %lt3A_581, %and3A_618, %broadcast_in_dim3A_620 : vector<16xi1>, vector<16xi32>
      %mul3A_622 = arith.constant 16 : i32
      %mul3A_623 = arith.muli %scan3A_574, %mul3A_622 : i32
      %add3A_624 = arith.constant 0 : i32
      %add3A_625 = arith.addi %add3A_624, %mul3A_623 : i32
      %swap3A_626 = arith.index_cast %add3A_625 : i32 to index
      %swap3A_627 = tpu.vector_load %arg6[%swap3A_626] {strides = array<i32>} : memref<4096xi32, #tpu.memory_space<vmem>>, vector<16xi32>,
      tpu.vector_store %arg6[%swap3A_626], %select_n3A_621 {strides = array<i32>} : memref<4096xi32, #tpu.memory_space<vmem>>, vector<16xi32>,
      %mul3A_628 = arith.constant 16 : i32
      %mul3A_629 = arith.muli %scan3A_574, %mul3A_628 : i32
      %add3A_630 = arith.constant 0 : i32
      %add3A_631 = arith.addi %add3A_630, %mul3A_629 : i32
      %swap3A_632 = arith.index_cast %add3A_631 : i32 to index
      %swap3A_633 = tpu.vector_load %arg7[%swap3A_632] {strides = array<i32>} : memref<4096xi32, #tpu.memory_space<vmem>>, vector<16xi32>,
      tpu.vector_store %arg7[%swap3A_632], %add3A_598 {strides = array<i32>} : memref<4096xi32, #tpu.memory_space<vmem>>, vector<16xi32>,
    }
    %scan3A_54 = arith.constant 128 : i32
    %scan3A_55 = arith.constant 0 : i32
    %scan3A_56 = arith.constant 0 : i32
    %scan3A_57 = arith.constant 128 : i32
    %scan3A_58 = arith.addi %scan3A_56, %scan3A_57 : i32
    %scan3A_59 = arith.constant 4 : i32
    scf.for %scan3A_396 = %scan3A_56 to %scan3A_58 step %scan3A_59  : i32 {
      %mul3A_397 = arith.constant 16 : i32
      %mul3A_398 = arith.muli %scan3A_396, %mul3A_397 : i32
      %add3A_399 = vector.broadcast %mul3A_398 : i32 to vector<16xi32>
      %add3A_400 = arith.addi %add3A_399, %iota3A : vector<16xi32>
      %lt3A = arith.constant 2040 : i32
      %lt3A_401 = vector.broadcast %lt3A : i32 to vector<16xi32>
      %lt3A_402 = arith.cmpi slt, %add3A_400, %lt3A_401 : vector<16xi32>
      %min3A = arith.constant 2039 : i32
      %min3A_403 = vector.broadcast %min3A : i32 to vector<16xi32>
      %min3A_404 = arith.minsi %add3A_400, %min3A_403 : vector<16xi32>
      %mul3A_405 = arith.constant 4113 : i32
      %mul3A_406 = vector.broadcast %mul3A_405 : i32 to vector<16xi32>
      %mul3A_407 = arith.muli %min3A_404, %mul3A_406 : vector<16xi32>
      %shift_right_arithmetic3A_408 = arith.constant 21 : i32
      %shift_right_arithmetic3A_409 = vector.broadcast %shift_right_arithmetic3A_408 : i32 to vector<16xi32>
      %shift_right_arithmetic3A_410 = arith.shrsi %mul3A_407, %shift_right_arithmetic3A_409 : vector<16xi32>
      %mul3A_411 = arith.constant 510 : i32
      %mul3A_412 = vector.broadcast %mul3A_411 : i32 to vector<16xi32>
      %mul3A_413 = arith.muli %shift_right_arithmetic3A_410, %mul3A_412 : vector<16xi32>
      %sub3A_414 = arith.subi %min3A_404, %mul3A_413 : vector<16xi32>
      %mul3A_415 = arith.constant 512 : i32
      %mul3A_416 = vector.broadcast %mul3A_415 : i32 to vector<16xi32>
      %mul3A_417 = arith.muli %shift_right_arithmetic3A_410, %mul3A_416 : vector<16xi32>
      %add3A_418 = arith.addi %mul3A_417, %sub3A_414 : vector<16xi32>
      %mul3A_419 = arith.constant 520 : i32
      %mul3A_420 = vector.broadcast %mul3A_419 : i32 to vector<16xi32>
      %mul3A_421 = arith.muli %shift_right_arithmetic3A_410, %mul3A_420 : vector<16xi32>
      %add3A_422 = arith.addi %mul3A_421, %sub3A_414 : vector<16xi32>
      %gather3A = tpu.vector_load_idx %arg5[%add3A_422] : memref<2080xi32, #tpu.memory_space<vmem>>[vector<16xi32>], vector<16xi32>,
      %convert_element_type3A = arith.sitofp %gather3A : vector<16xi32> to vector<16xf32>
      %add3A_423 = arith.constant 1 : i32
      %add3A_424 = vector.broadcast %add3A_423 : i32 to vector<16xi32>
      %add3A_425 = arith.addi %add3A_422, %add3A_424 : vector<16xi32>
      %gather3A_426 = tpu.vector_load_idx %arg5[%add3A_425] : memref<2080xi32, #tpu.memory_space<vmem>>[vector<16xi32>], vector<16xi32>,
      %convert_element_type3A_427 = arith.sitofp %gather3A_426 : vector<16xi32> to vector<16xf32>
      %mul3A_428 = vector.broadcast %select_n3A_35 : f32 to vector<16xf32>
      %mul3A_429 = arith.mulf %convert_element_type3A, %mul3A_428 : vector<16xf32>
      %mul3A_430 = vector.broadcast %select_n3A_35 : f32 to vector<16xf32>
      %mul3A_431 = arith.mulf %convert_element_type3A_427, %mul3A_430 : vector<16xf32>
      %add3A_432 = arith.addf %mul3A_429, %mul3A_431 : vector<16xf32>
      %add3A_433 = arith.constant 2 : i32
      %add3A_434 = vector.broadcast %add3A_433 : i32 to vector<16xi32>
      %add3A_435 = arith.addi %add3A_422, %add3A_434 : vector<16xi32>
      %gather3A_436 = tpu.vector_load_idx %arg5[%add3A_435] : memref<2080xi32, #tpu.memory_space<vmem>>[vector<16xi32>], vector<16xi32>,
      %convert_element_type3A_437 = arith.sitofp %gather3A_436 : vector<16xi32> to vector<16xf32>
      %mul3A_438 = vector.broadcast %select_n3A_35 : f32 to vector<16xf32>
      %mul3A_439 = arith.mulf %convert_element_type3A_437, %mul3A_438 : vector<16xf32>
      %add3A_440 = arith.addf %add3A_432, %mul3A_439 : vector<16xf32>
      %convert_element_type3A_441 = arith.fptosi %add3A_440 : vector<16xf32> to vector<16xi32>
      %and3A_442 = arith.constant 65535 : i32
      %and3A_443 = vector.broadcast %and3A_442 : i32 to vector<16xi32>
      %and3A_444 = arith.andi %convert_element_type3A_441, %and3A_443 : vector<16xi32>
      %jit3A_445 = arith.constant 65536 : i32
      %broadcast_in_dim3A_446 = vector.broadcast %jit3A_445 : i32 to vector<16xi32>
      %select_n3A_447 = arith.select %lt3A_402, %and3A_444, %broadcast_in_dim3A_446 : vector<16xi1>, vector<16xi32>
      %mul3A_448 = arith.constant 16 : i32
      %mul3A_449 = arith.muli %scan3A_396, %mul3A_448 : i32
      %add3A_450 = arith.constant 2048 : i32
      %add3A_451 = arith.addi %add3A_450, %mul3A_449 : i32
      %swap3A = arith.index_cast %add3A_451 : i32 to index
      %swap3A_452 = tpu.vector_load %arg6[%swap3A] {strides = array<i32>} : memref<4096xi32, #tpu.memory_space<vmem>>, vector<16xi32>,
      tpu.vector_store %arg6[%swap3A], %select_n3A_447 {strides = array<i32>} : memref<4096xi32, #tpu.memory_space<vmem>>, vector<16xi32>,
      %mul3A_453 = arith.constant 16 : i32
      %mul3A_454 = arith.muli %scan3A_396, %mul3A_453 : i32
      %add3A_455 = arith.constant 2048 : i32
      %add3A_456 = arith.addi %add3A_455, %mul3A_454 : i32
      %swap3A_457 = arith.index_cast %add3A_456 : i32 to index
      %swap3A_458 = tpu.vector_load %arg7[%swap3A_457] {strides = array<i32>} : memref<4096xi32, #tpu.memory_space<vmem>>, vector<16xi32>,
      tpu.vector_store %arg7[%swap3A_457], %add3A_418 {strides = array<i32>} : memref<4096xi32, #tpu.memory_space<vmem>>, vector<16xi32>,
      %scan3A_459 = arith.constant 1 : i32
      %scan3A_460 = arith.addi %scan3A_396, %scan3A_459 : i32
      %mul3A_461 = arith.constant 16 : i32
      %mul3A_462 = arith.muli %scan3A_460, %mul3A_461 : i32
      %add3A_463 = vector.broadcast %mul3A_462 : i32 to vector<16xi32>
      %add3A_464 = arith.addi %add3A_463, %iota3A : vector<16xi32>
      %lt3A_465 = arith.constant 2040 : i32
      %lt3A_466 = vector.broadcast %lt3A_465 : i32 to vector<16xi32>
      %lt3A_467 = arith.cmpi slt, %add3A_464, %lt3A_466 : vector<16xi32>
      %min3A_468 = arith.constant 2039 : i32
      %min3A_469 = vector.broadcast %min3A_468 : i32 to vector<16xi32>
      %min3A_470 = arith.minsi %add3A_464, %min3A_469 : vector<16xi32>
      %mul3A_471 = arith.constant 4113 : i32
      %mul3A_472 = vector.broadcast %mul3A_471 : i32 to vector<16xi32>
      %mul3A_473 = arith.muli %min3A_470, %mul3A_472 : vector<16xi32>
      %shift_right_arithmetic3A_474 = arith.constant 21 : i32
      %shift_right_arithmetic3A_475 = vector.broadcast %shift_right_arithmetic3A_474 : i32 to vector<16xi32>
      %shift_right_arithmetic3A_476 = arith.shrsi %mul3A_473, %shift_right_arithmetic3A_475 : vector<16xi32>
      %mul3A_477 = arith.constant 510 : i32
      %mul3A_478 = vector.broadcast %mul3A_477 : i32 to vector<16xi32>
      %mul3A_479 = arith.muli %shift_right_arithmetic3A_476, %mul3A_478 : vector<16xi32>
      %sub3A_480 = arith.subi %min3A_470, %mul3A_479 : vector<16xi32>
      %mul3A_481 = arith.constant 512 : i32
      %mul3A_482 = vector.broadcast %mul3A_481 : i32 to vector<16xi32>
      %mul3A_483 = arith.muli %shift_right_arithmetic3A_476, %mul3A_482 : vector<16xi32>
      %add3A_484 = arith.addi %mul3A_483, %sub3A_480 : vector<16xi32>
      %mul3A_485 = arith.constant 520 : i32
      %mul3A_486 = vector.broadcast %mul3A_485 : i32 to vector<16xi32>
      %mul3A_487 = arith.muli %shift_right_arithmetic3A_476, %mul3A_486 : vector<16xi32>
      %add3A_488 = arith.addi %mul3A_487, %sub3A_480 : vector<16xi32>
      %gather3A_489 = tpu.vector_load_idx %arg5[%add3A_488] : memref<2080xi32, #tpu.memory_space<vmem>>[vector<16xi32>], vector<16xi32>,
      %convert_element_type3A_490 = arith.sitofp %gather3A_489 : vector<16xi32> to vector<16xf32>
      %add3A_491 = arith.constant 1 : i32
      %add3A_492 = vector.broadcast %add3A_491 : i32 to vector<16xi32>
      %add3A_493 = arith.addi %add3A_488, %add3A_492 : vector<16xi32>
      %gather3A_494 = tpu.vector_load_idx %arg5[%add3A_493] : memref<2080xi32, #tpu.memory_space<vmem>>[vector<16xi32>], vector<16xi32>,
      %convert_element_type3A_495 = arith.sitofp %gather3A_494 : vector<16xi32> to vector<16xf32>
      %mul3A_496 = vector.broadcast %select_n3A_35 : f32 to vector<16xf32>
      %mul3A_497 = arith.mulf %convert_element_type3A_490, %mul3A_496 : vector<16xf32>
      %mul3A_498 = vector.broadcast %select_n3A_35 : f32 to vector<16xf32>
      %mul3A_499 = arith.mulf %convert_element_type3A_495, %mul3A_498 : vector<16xf32>
      %add3A_500 = arith.addf %mul3A_497, %mul3A_499 : vector<16xf32>
      %add3A_501 = arith.constant 2 : i32
      %add3A_502 = vector.broadcast %add3A_501 : i32 to vector<16xi32>
      %add3A_503 = arith.addi %add3A_488, %add3A_502 : vector<16xi32>
      %gather3A_504 = tpu.vector_load_idx %arg5[%add3A_503] : memref<2080xi32, #tpu.memory_space<vmem>>[vector<16xi32>], vector<16xi32>,
      %convert_element_type3A_505 = arith.sitofp %gather3A_504 : vector<16xi32> to vector<16xf32>
      %mul3A_506 = vector.broadcast %select_n3A_35 : f32 to vector<16xf32>
      %mul3A_507 = arith.mulf %convert_element_type3A_505, %mul3A_506 : vector<16xf32>
      %add3A_508 = arith.addf %add3A_500, %mul3A_507 : vector<16xf32>
      %convert_element_type3A_509 = arith.fptosi %add3A_508 : vector<16xf32> to vector<16xi32>
      %and3A_510 = arith.constant 65535 : i32
      %and3A_511 = vector.broadcast %and3A_510 : i32 to vector<16xi32>
      %and3A_512 = arith.andi %convert_element_type3A_509, %and3A_511 : vector<16xi32>
      %jit3A_513 = arith.constant 65536 : i32
      %broadcast_in_dim3A_514 = vector.broadcast %jit3A_513 : i32 to vector<16xi32>
      %select_n3A_515 = arith.select %lt3A_467, %and3A_512, %broadcast_in_dim3A_514 : vector<16xi1>, vector<16xi32>
      %mul3A_516 = arith.constant 16 : i32
      %mul3A_517 = arith.muli %scan3A_460, %mul3A_516 : i32
      %add3A_518 = arith.constant 2048 : i32
      %add3A_519 = arith.addi %add3A_518, %mul3A_517 : i32
      %swap3A_520 = arith.index_cast %add3A_519 : i32 to index
      %swap3A_521 = tpu.vector_load %arg6[%swap3A_520] {strides = array<i32>} : memref<4096xi32, #tpu.memory_space<vmem>>, vector<16xi32>,
      tpu.vector_store %arg6[%swap3A_520], %select_n3A_515 {strides = array<i32>} : memref<4096xi32, #tpu.memory_space<vmem>>, vector<16xi32>,
      %mul3A_522 = arith.constant 16 : i32
      %mul3A_523 = arith.muli %scan3A_460, %mul3A_522 : i32
      %add3A_524 = arith.constant 2048 : i32
      %add3A_525 = arith.addi %add3A_524, %mul3A_523 : i32
      %swap3A_526 = arith.index_cast %add3A_525 : i32 to index
      %swap3A_527 = tpu.vector_load %arg7[%swap3A_526] {strides = array<i32>} : memref<4096xi32, #tpu.memory_space<vmem>>, vector<16xi32>,
      tpu.vector_store %arg7[%swap3A_526], %add3A_484 {strides = array<i32>} : memref<4096xi32, #tpu.memory_space<vmem>>, vector<16xi32>,
      %scan3A_528 = arith.constant 2 : i32
      %scan3A_529 = arith.addi %scan3A_396, %scan3A_528 : i32
      %mul3A_530 = arith.constant 16 : i32
      %mul3A_531 = arith.muli %scan3A_529, %mul3A_530 : i32
      %add3A_532 = vector.broadcast %mul3A_531 : i32 to vector<16xi32>
      %add3A_533 = arith.addi %add3A_532, %iota3A : vector<16xi32>
      %lt3A_534 = arith.constant 2040 : i32
      %lt3A_535 = vector.broadcast %lt3A_534 : i32 to vector<16xi32>
      %lt3A_536 = arith.cmpi slt, %add3A_533, %lt3A_535 : vector<16xi32>
      %min3A_537 = arith.constant 2039 : i32
      %min3A_538 = vector.broadcast %min3A_537 : i32 to vector<16xi32>
      %min3A_539 = arith.minsi %add3A_533, %min3A_538 : vector<16xi32>
      %mul3A_540 = arith.constant 4113 : i32
      %mul3A_541 = vector.broadcast %mul3A_540 : i32 to vector<16xi32>
      %mul3A_542 = arith.muli %min3A_539, %mul3A_541 : vector<16xi32>
      %shift_right_arithmetic3A_543 = arith.constant 21 : i32
      %shift_right_arithmetic3A_544 = vector.broadcast %shift_right_arithmetic3A_543 : i32 to vector<16xi32>
      %shift_right_arithmetic3A_545 = arith.shrsi %mul3A_542, %shift_right_arithmetic3A_544 : vector<16xi32>
      %mul3A_546 = arith.constant 510 : i32
      %mul3A_547 = vector.broadcast %mul3A_546 : i32 to vector<16xi32>
      %mul3A_548 = arith.muli %shift_right_arithmetic3A_545, %mul3A_547 : vector<16xi32>
      %sub3A_549 = arith.subi %min3A_539, %mul3A_548 : vector<16xi32>
      %mul3A_550 = arith.constant 512 : i32
      %mul3A_551 = vector.broadcast %mul3A_550 : i32 to vector<16xi32>
      %mul3A_552 = arith.muli %shift_right_arithmetic3A_545, %mul3A_551 : vector<16xi32>
      %add3A_553 = arith.addi %mul3A_552, %sub3A_549 : vector<16xi32>
      %mul3A_554 = arith.constant 520 : i32
      %mul3A_555 = vector.broadcast %mul3A_554 : i32 to vector<16xi32>
      %mul3A_556 = arith.muli %shift_right_arithmetic3A_545, %mul3A_555 : vector<16xi32>
      %add3A_557 = arith.addi %mul3A_556, %sub3A_549 : vector<16xi32>
      %gather3A_558 = tpu.vector_load_idx %arg5[%add3A_557] : memref<2080xi32, #tpu.memory_space<vmem>>[vector<16xi32>], vector<16xi32>,
      %convert_element_type3A_559 = arith.sitofp %gather3A_558 : vector<16xi32> to vector<16xf32>
      %add3A_560 = arith.constant 1 : i32
      %add3A_561 = vector.broadcast %add3A_560 : i32 to vector<16xi32>
      %add3A_562 = arith.addi %add3A_557, %add3A_561 : vector<16xi32>
      %gather3A_563 = tpu.vector_load_idx %arg5[%add3A_562] : memref<2080xi32, #tpu.memory_space<vmem>>[vector<16xi32>], vector<16xi32>,
      %convert_element_type3A_564 = arith.sitofp %gather3A_563 : vector<16xi32> to vector<16xf32>
      %mul3A_565 = vector.broadcast %select_n3A_35 : f32 to vector<16xf32>
      %mul3A_566 = arith.mulf %convert_element_type3A_559, %mul3A_565 : vector<16xf32>
      %mul3A_567 = vector.broadcast %select_n3A_35 : f32 to vector<16xf32>
      %mul3A_568 = arith.mulf %convert_element_type3A_564, %mul3A_567 : vector<16xf32>
      %add3A_569 = arith.addf %mul3A_566, %mul3A_568 : vector<16xf32>
      %add3A_570 = arith.constant 2 : i32
      %add3A_571 = vector.broadcast %add3A_570 : i32 to vector<16xi32>
      %add3A_572 = arith.addi %add3A_557, %add3A_571 : vector<16xi32>
      %gather3A_573 = tpu.vector_load_idx %arg5[%add3A_572] : memref<2080xi32, #tpu.memory_space<vmem>>[vector<16xi32>], vector<16xi32>,
      %convert_element_type3A_574 = arith.sitofp %gather3A_573 : vector<16xi32> to vector<16xf32>
      %mul3A_575 = vector.broadcast %select_n3A_35 : f32 to vector<16xf32>
      %mul3A_576 = arith.mulf %convert_element_type3A_574, %mul3A_575 : vector<16xf32>
      %add3A_577 = arith.addf %add3A_569, %mul3A_576 : vector<16xf32>
      %convert_element_type3A_578 = arith.fptosi %add3A_577 : vector<16xf32> to vector<16xi32>
      %and3A_579 = arith.constant 65535 : i32
      %and3A_580 = vector.broadcast %and3A_579 : i32 to vector<16xi32>
      %and3A_581 = arith.andi %convert_element_type3A_578, %and3A_580 : vector<16xi32>
      %jit3A_582 = arith.constant 65536 : i32
      %broadcast_in_dim3A_583 = vector.broadcast %jit3A_582 : i32 to vector<16xi32>
      %select_n3A_584 = arith.select %lt3A_536, %and3A_581, %broadcast_in_dim3A_583 : vector<16xi1>, vector<16xi32>
      %mul3A_585 = arith.constant 16 : i32
      %mul3A_586 = arith.muli %scan3A_529, %mul3A_585 : i32
      %add3A_587 = arith.constant 2048 : i32
      %add3A_588 = arith.addi %add3A_587, %mul3A_586 : i32
      %swap3A_589 = arith.index_cast %add3A_588 : i32 to index
      %swap3A_590 = tpu.vector_load %arg6[%swap3A_589] {strides = array<i32>} : memref<4096xi32, #tpu.memory_space<vmem>>, vector<16xi32>,
      tpu.vector_store %arg6[%swap3A_589], %select_n3A_584 {strides = array<i32>} : memref<4096xi32, #tpu.memory_space<vmem>>, vector<16xi32>,
      %mul3A_591 = arith.constant 16 : i32
      %mul3A_592 = arith.muli %scan3A_529, %mul3A_591 : i32
      %add3A_593 = arith.constant 2048 : i32
      %add3A_594 = arith.addi %add3A_593, %mul3A_592 : i32
      %swap3A_595 = arith.index_cast %add3A_594 : i32 to index
      %swap3A_596 = tpu.vector_load %arg7[%swap3A_595] {strides = array<i32>} : memref<4096xi32, #tpu.memory_space<vmem>>, vector<16xi32>,
      tpu.vector_store %arg7[%swap3A_595], %add3A_553 {strides = array<i32>} : memref<4096xi32, #tpu.memory_space<vmem>>, vector<16xi32>,
      %scan3A_597 = arith.constant 3 : i32
      %scan3A_598 = arith.addi %scan3A_396, %scan3A_597 : i32
      %mul3A_599 = arith.constant 16 : i32
      %mul3A_600 = arith.muli %scan3A_598, %mul3A_599 : i32
      %add3A_601 = vector.broadcast %mul3A_600 : i32 to vector<16xi32>
      %add3A_602 = arith.addi %add3A_601, %iota3A : vector<16xi32>
      %lt3A_603 = arith.constant 2040 : i32
      %lt3A_604 = vector.broadcast %lt3A_603 : i32 to vector<16xi32>
      %lt3A_605 = arith.cmpi slt, %add3A_602, %lt3A_604 : vector<16xi32>
      %min3A_606 = arith.constant 2039 : i32
      %min3A_607 = vector.broadcast %min3A_606 : i32 to vector<16xi32>
      %min3A_608 = arith.minsi %add3A_602, %min3A_607 : vector<16xi32>
      %mul3A_609 = arith.constant 4113 : i32
      %mul3A_610 = vector.broadcast %mul3A_609 : i32 to vector<16xi32>
      %mul3A_611 = arith.muli %min3A_608, %mul3A_610 : vector<16xi32>
      %shift_right_arithmetic3A_612 = arith.constant 21 : i32
      %shift_right_arithmetic3A_613 = vector.broadcast %shift_right_arithmetic3A_612 : i32 to vector<16xi32>
      %shift_right_arithmetic3A_614 = arith.shrsi %mul3A_611, %shift_right_arithmetic3A_613 : vector<16xi32>
      %mul3A_615 = arith.constant 510 : i32
      %mul3A_616 = vector.broadcast %mul3A_615 : i32 to vector<16xi32>
      %mul3A_617 = arith.muli %shift_right_arithmetic3A_614, %mul3A_616 : vector<16xi32>
      %sub3A_618 = arith.subi %min3A_608, %mul3A_617 : vector<16xi32>
      %mul3A_619 = arith.constant 512 : i32
      %mul3A_620 = vector.broadcast %mul3A_619 : i32 to vector<16xi32>
      %mul3A_621 = arith.muli %shift_right_arithmetic3A_614, %mul3A_620 : vector<16xi32>
      %add3A_622 = arith.addi %mul3A_621, %sub3A_618 : vector<16xi32>
      %mul3A_623 = arith.constant 520 : i32
      %mul3A_624 = vector.broadcast %mul3A_623 : i32 to vector<16xi32>
      %mul3A_625 = arith.muli %shift_right_arithmetic3A_614, %mul3A_624 : vector<16xi32>
      %add3A_626 = arith.addi %mul3A_625, %sub3A_618 : vector<16xi32>
      %gather3A_627 = tpu.vector_load_idx %arg5[%add3A_626] : memref<2080xi32, #tpu.memory_space<vmem>>[vector<16xi32>], vector<16xi32>,
      %convert_element_type3A_628 = arith.sitofp %gather3A_627 : vector<16xi32> to vector<16xf32>
      %add3A_629 = arith.constant 1 : i32
      %add3A_630 = vector.broadcast %add3A_629 : i32 to vector<16xi32>
      %add3A_631 = arith.addi %add3A_626, %add3A_630 : vector<16xi32>
      %gather3A_632 = tpu.vector_load_idx %arg5[%add3A_631] : memref<2080xi32, #tpu.memory_space<vmem>>[vector<16xi32>], vector<16xi32>,
      %convert_element_type3A_633 = arith.sitofp %gather3A_632 : vector<16xi32> to vector<16xf32>
      %mul3A_634 = vector.broadcast %select_n3A_35 : f32 to vector<16xf32>
      %mul3A_635 = arith.mulf %convert_element_type3A_628, %mul3A_634 : vector<16xf32>
      %mul3A_636 = vector.broadcast %select_n3A_35 : f32 to vector<16xf32>
      %mul3A_637 = arith.mulf %convert_element_type3A_633, %mul3A_636 : vector<16xf32>
      %add3A_638 = arith.addf %mul3A_635, %mul3A_637 : vector<16xf32>
      %add3A_639 = arith.constant 2 : i32
      %add3A_640 = vector.broadcast %add3A_639 : i32 to vector<16xi32>
      %add3A_641 = arith.addi %add3A_626, %add3A_640 : vector<16xi32>
      %gather3A_642 = tpu.vector_load_idx %arg5[%add3A_641] : memref<2080xi32, #tpu.memory_space<vmem>>[vector<16xi32>], vector<16xi32>,
      %convert_element_type3A_643 = arith.sitofp %gather3A_642 : vector<16xi32> to vector<16xf32>
      %mul3A_644 = vector.broadcast %select_n3A_35 : f32 to vector<16xf32>
      %mul3A_645 = arith.mulf %convert_element_type3A_643, %mul3A_644 : vector<16xf32>
      %add3A_646 = arith.addf %add3A_638, %mul3A_645 : vector<16xf32>
      %convert_element_type3A_647 = arith.fptosi %add3A_646 : vector<16xf32> to vector<16xi32>
      %and3A_648 = arith.constant 65535 : i32
      %and3A_649 = vector.broadcast %and3A_648 : i32 to vector<16xi32>
      %and3A_650 = arith.andi %convert_element_type3A_647, %and3A_649 : vector<16xi32>
      %jit3A_651 = arith.constant 65536 : i32
      %broadcast_in_dim3A_652 = vector.broadcast %jit3A_651 : i32 to vector<16xi32>
      %select_n3A_653 = arith.select %lt3A_605, %and3A_650, %broadcast_in_dim3A_652 : vector<16xi1>, vector<16xi32>
      %mul3A_654 = arith.constant 16 : i32
      %mul3A_655 = arith.muli %scan3A_598, %mul3A_654 : i32
      %add3A_656 = arith.constant 2048 : i32
      %add3A_657 = arith.addi %add3A_656, %mul3A_655 : i32
      %swap3A_658 = arith.index_cast %add3A_657 : i32 to index
      %swap3A_659 = tpu.vector_load %arg6[%swap3A_658] {strides = array<i32>} : memref<4096xi32, #tpu.memory_space<vmem>>, vector<16xi32>,
      tpu.vector_store %arg6[%swap3A_658], %select_n3A_653 {strides = array<i32>} : memref<4096xi32, #tpu.memory_space<vmem>>, vector<16xi32>,
      %mul3A_660 = arith.constant 16 : i32
      %mul3A_661 = arith.muli %scan3A_598, %mul3A_660 : i32
      %add3A_662 = arith.constant 2048 : i32
      %add3A_663 = arith.addi %add3A_662, %mul3A_661 : i32
      %swap3A_664 = arith.index_cast %add3A_663 : i32 to index
      %swap3A_665 = tpu.vector_load %arg7[%swap3A_664] {strides = array<i32>} : memref<4096xi32, #tpu.memory_space<vmem>>, vector<16xi32>,
      tpu.vector_store %arg7[%swap3A_664], %add3A_622 {strides = array<i32>} : memref<4096xi32, #tpu.memory_space<vmem>>, vector<16xi32>,
    }
    %scan3A_60 = arith.constant 128 : i32
    %mul3A_61 = arith.constant 0 : i32
    %mul3A_62 = vector.broadcast %mul3A_61 : i32 to vector<16xi32>
    %mul3A_63 = arith.muli %iota3A, %mul3A_62 : vector<16xi32>
    %add3A_64 = arith.constant 0 : i32
    %add3A_65 = vector.broadcast %add3A_64 : i32 to vector<16xi32>
    %add3A_66 = arith.addi %mul3A_63, %add3A_65 : vector<16xi32>
    %mul3A_67 = arith.constant 0 : i32
    %mul3A_68 = vector.broadcast %mul3A_67 : i32 to vector<16xi32>
    %mul3A_69 = arith.muli %iota3A, %mul3A_68 : vector<16xi32>
    %add3A_70 = arith.constant 1 : i32
    %add3A_71 = vector.broadcast %add3A_70 : i32 to vector<16xi32>
    %add3A_72 = arith.addi %mul3A_69, %add3A_71 : vector<16xi32>
    %mul3A_73 = arith.constant 0 : i32
    %mul3A_74 = vector.broadcast %mul3A_73 : i32 to vector<16xi32>
    %mul3A_75 = arith.muli %iota3A, %mul3A_74 : vector<16xi32>
    %add3A_76 = arith.constant 2 : i32
    %add3A_77 = vector.broadcast %add3A_76 : i32 to vector<16xi32>
    %add3A_78 = arith.addi %mul3A_75, %add3A_77 : vector<16xi32>
    %mul3A_79 = arith.constant 0 : i32
    %mul3A_80 = vector.broadcast %mul3A_79 : i32 to vector<16xi32>
    %mul3A_81 = arith.muli %iota3A, %mul3A_80 : vector<16xi32>
    %add3A_82 = arith.constant 3 : i32
    %add3A_83 = vector.broadcast %add3A_82 : i32 to vector<16xi32>
    %add3A_84 = arith.addi %mul3A_81, %add3A_83 : vector<16xi32>
    %mul3A_85 = arith.constant 0 : i32
    %mul3A_86 = vector.broadcast %mul3A_85 : i32 to vector<16xi32>
    %mul3A_87 = arith.muli %iota3A, %mul3A_86 : vector<16xi32>
    %add3A_88 = arith.constant 4 : i32
    %add3A_89 = vector.broadcast %add3A_88 : i32 to vector<16xi32>
    %add3A_90 = arith.addi %mul3A_87, %add3A_89 : vector<16xi32>
    %mul3A_91 = arith.constant 0 : i32
    %mul3A_92 = vector.broadcast %mul3A_91 : i32 to vector<16xi32>
    %mul3A_93 = arith.muli %iota3A, %mul3A_92 : vector<16xi32>
    %add3A_94 = arith.constant 5 : i32
    %add3A_95 = vector.broadcast %add3A_94 : i32 to vector<16xi32>
    %add3A_96 = arith.addi %mul3A_93, %add3A_95 : vector<16xi32>
    %mul3A_97 = arith.constant 0 : i32
    %mul3A_98 = vector.broadcast %mul3A_97 : i32 to vector<16xi32>
    %mul3A_99 = arith.muli %iota3A, %mul3A_98 : vector<16xi32>
    %add3A_100 = arith.constant 6 : i32
    %add3A_101 = vector.broadcast %add3A_100 : i32 to vector<16xi32>
    %add3A_102 = arith.addi %mul3A_99, %add3A_101 : vector<16xi32>
    %mul3A_103 = arith.constant 0 : i32
    %mul3A_104 = vector.broadcast %mul3A_103 : i32 to vector<16xi32>
    %mul3A_105 = arith.muli %iota3A, %mul3A_104 : vector<16xi32>
    %add3A_106 = arith.constant 7 : i32
    %add3A_107 = vector.broadcast %add3A_106 : i32 to vector<16xi32>
    %add3A_108 = arith.addi %mul3A_105, %add3A_107 : vector<16xi32>
    %scan3A_109 = arith.constant 0 : i32
    %scan3A_110 = arith.constant 0 : i32
    %scan3A_111 = arith.constant 256 : i32
    %scan3A_112 = arith.addi %scan3A_110, %scan3A_111 : i32
    %scan3A_113 = arith.constant 4 : i32
    %scan3A_114 = scf.for %scan3A_396 = %scan3A_110 to %scan3A_112 step %scan3A_113 iter_args(%scan3A_397 = %scan3A_109) -> (i32)  : i32 {
      %mul3A_398 = arith.constant 16 : i32
      %mul3A_399 = arith.muli %scan3A_396, %mul3A_398 : i32
      %get3A = arith.index_cast %mul3A_399 : i32 to index
      %get3A_400 = tpu.vector_load %arg6[%get3A] {strides = array<i32>} : memref<4096xi32, #tpu.memory_space<vmem>>, vector<16xi32>,
      %mul3A_401 = arith.constant 16 : i32
      %mul3A_402 = arith.muli %scan3A_396, %mul3A_401 : i32
      %get3A_403 = arith.index_cast %mul3A_402 : i32 to index
      %get3A_404 = tpu.vector_load %arg7[%get3A_403] {strides = array<i32>} : memref<4096xi32, #tpu.memory_space<vmem>>, vector<16xi32>,
      %shift_right_arithmetic3A_405 = arith.constant 13 : i32
      %shift_right_arithmetic3A_406 = vector.broadcast %shift_right_arithmetic3A_405 : i32 to vector<16xi32>
      %shift_right_arithmetic3A_407 = arith.shrsi %get3A_400, %shift_right_arithmetic3A_406 : vector<16xi32>
      %eq3A_408 = arith.constant 0 : i32
      %eq3A_409 = vector.broadcast %eq3A_408 : i32 to vector<16xi32>
      %eq3A_410 = arith.cmpi eq, %shift_right_arithmetic3A_407, %eq3A_409 : vector<16xi32>
      %convert_element_type3A = arith.extui %eq3A_410 : vector<16xi1> to vector<16xi32>
      %broadcast_in_dim3A_411 = arith.constant true
      %broadcast_in_dim3A_412 = vector.broadcast %broadcast_in_dim3A_411 : i1 to vector<16xi1>
      %masked_cumsum3A = tpu.scan <sum>, %convert_element_type3A masked %broadcast_in_dim3A_412 : vector<16xi32>, vector<16xi1> -> vector<16xi32>
      %add3A_413 = vector.broadcast %scan3A_397 : i32 to vector<16xi32>
      %add3A_414 = arith.addi %add3A_413, %masked_cumsum3A : vector<16xi32>
      %sub3A_415 = arith.constant 1 : i32
      %sub3A_416 = vector.broadcast %sub3A_415 : i32 to vector<16xi32>
      %sub3A_417 = arith.subi %add3A_414, %sub3A_416 : vector<16xi32>
      %and3A_418 = arith.constant 8191 : i32
      %and3A_419 = vector.broadcast %and3A_418 : i32 to vector<16xi32>
      %and3A_420 = arith.andi %get3A_400, %and3A_419 : vector<16xi32>
      tpu.vector_store_idx %arg8[%sub3A_417], %and3A_420 masked %eq3A_410 : memref<4112xi32, #tpu.memory_space<vmem>>[vector<16xi32>], vector<16xi32>, vector<16xi1>
      tpu.vector_store_idx %arg9[%sub3A_417], %get3A_404 masked %eq3A_410 : memref<4112xi32, #tpu.memory_space<vmem>>[vector<16xi32>], vector<16xi32>, vector<16xi1>
      %slice3A = vector.extract_strided_slice %masked_cumsum3A {offsets = [15], sizes = [1], strides = [1]} : vector<16xi32> to vector<1xi32>
      %squeeze3A = vector.extract %slice3A[0] : i32 from vector<1xi32>
      %add3A_421 = arith.addi %scan3A_397, %squeeze3A : i32
      %scan3A_422 = arith.constant 1 : i32
      %scan3A_423 = arith.addi %scan3A_396, %scan3A_422 : i32
      %mul3A_424 = arith.constant 16 : i32
      %mul3A_425 = arith.muli %scan3A_423, %mul3A_424 : i32
      %get3A_426 = arith.index_cast %mul3A_425 : i32 to index
      %get3A_427 = tpu.vector_load %arg6[%get3A_426] {strides = array<i32>} : memref<4096xi32, #tpu.memory_space<vmem>>, vector<16xi32>,
      %mul3A_428 = arith.constant 16 : i32
      %mul3A_429 = arith.muli %scan3A_423, %mul3A_428 : i32
      %get3A_430 = arith.index_cast %mul3A_429 : i32 to index
      %get3A_431 = tpu.vector_load %arg7[%get3A_430] {strides = array<i32>} : memref<4096xi32, #tpu.memory_space<vmem>>, vector<16xi32>,
      %shift_right_arithmetic3A_432 = arith.constant 13 : i32
      %shift_right_arithmetic3A_433 = vector.broadcast %shift_right_arithmetic3A_432 : i32 to vector<16xi32>
      %shift_right_arithmetic3A_434 = arith.shrsi %get3A_427, %shift_right_arithmetic3A_433 : vector<16xi32>
      %eq3A_435 = arith.constant 0 : i32
      %eq3A_436 = vector.broadcast %eq3A_435 : i32 to vector<16xi32>
      %eq3A_437 = arith.cmpi eq, %shift_right_arithmetic3A_434, %eq3A_436 : vector<16xi32>
      %convert_element_type3A_438 = arith.extui %eq3A_437 : vector<16xi1> to vector<16xi32>
      %broadcast_in_dim3A_439 = arith.constant true
      %broadcast_in_dim3A_440 = vector.broadcast %broadcast_in_dim3A_439 : i1 to vector<16xi1>
      %masked_cumsum3A_441 = tpu.scan <sum>, %convert_element_type3A_438 masked %broadcast_in_dim3A_440 : vector<16xi32>, vector<16xi1> -> vector<16xi32>
      %add3A_442 = vector.broadcast %add3A_421 : i32 to vector<16xi32>
      %add3A_443 = arith.addi %add3A_442, %masked_cumsum3A_441 : vector<16xi32>
      %sub3A_444 = arith.constant 1 : i32
      %sub3A_445 = vector.broadcast %sub3A_444 : i32 to vector<16xi32>
      %sub3A_446 = arith.subi %add3A_443, %sub3A_445 : vector<16xi32>
      %and3A_447 = arith.constant 8191 : i32
      %and3A_448 = vector.broadcast %and3A_447 : i32 to vector<16xi32>
      %and3A_449 = arith.andi %get3A_427, %and3A_448 : vector<16xi32>
      tpu.vector_store_idx %arg8[%sub3A_446], %and3A_449 masked %eq3A_437 : memref<4112xi32, #tpu.memory_space<vmem>>[vector<16xi32>], vector<16xi32>, vector<16xi1>
      tpu.vector_store_idx %arg9[%sub3A_446], %get3A_431 masked %eq3A_437 : memref<4112xi32, #tpu.memory_space<vmem>>[vector<16xi32>], vector<16xi32>, vector<16xi1>
      %slice3A_450 = vector.extract_strided_slice %masked_cumsum3A_441 {offsets = [15], sizes = [1], strides = [1]} : vector<16xi32> to vector<1xi32>
      %squeeze3A_451 = vector.extract %slice3A_450[0] : i32 from vector<1xi32>
      %add3A_452 = arith.addi %add3A_421, %squeeze3A_451 : i32
      %scan3A_453 = arith.constant 2 : i32
      %scan3A_454 = arith.addi %scan3A_396, %scan3A_453 : i32
      %mul3A_455 = arith.constant 16 : i32
      %mul3A_456 = arith.muli %scan3A_454, %mul3A_455 : i32
      %get3A_457 = arith.index_cast %mul3A_456 : i32 to index
      %get3A_458 = tpu.vector_load %arg6[%get3A_457] {strides = array<i32>} : memref<4096xi32, #tpu.memory_space<vmem>>, vector<16xi32>,
      %mul3A_459 = arith.constant 16 : i32
      %mul3A_460 = arith.muli %scan3A_454, %mul3A_459 : i32
      %get3A_461 = arith.index_cast %mul3A_460 : i32 to index
      %get3A_462 = tpu.vector_load %arg7[%get3A_461] {strides = array<i32>} : memref<4096xi32, #tpu.memory_space<vmem>>, vector<16xi32>,
      %shift_right_arithmetic3A_463 = arith.constant 13 : i32
      %shift_right_arithmetic3A_464 = vector.broadcast %shift_right_arithmetic3A_463 : i32 to vector<16xi32>
      %shift_right_arithmetic3A_465 = arith.shrsi %get3A_458, %shift_right_arithmetic3A_464 : vector<16xi32>
      %eq3A_466 = arith.constant 0 : i32
      %eq3A_467 = vector.broadcast %eq3A_466 : i32 to vector<16xi32>
      %eq3A_468 = arith.cmpi eq, %shift_right_arithmetic3A_465, %eq3A_467 : vector<16xi32>
      %convert_element_type3A_469 = arith.extui %eq3A_468 : vector<16xi1> to vector<16xi32>
      %broadcast_in_dim3A_470 = arith.constant true
      %broadcast_in_dim3A_471 = vector.broadcast %broadcast_in_dim3A_470 : i1 to vector<16xi1>
      %masked_cumsum3A_472 = tpu.scan <sum>, %convert_element_type3A_469 masked %broadcast_in_dim3A_471 : vector<16xi32>, vector<16xi1> -> vector<16xi32>
      %add3A_473 = vector.broadcast %add3A_452 : i32 to vector<16xi32>
      %add3A_474 = arith.addi %add3A_473, %masked_cumsum3A_472 : vector<16xi32>
      %sub3A_475 = arith.constant 1 : i32
      %sub3A_476 = vector.broadcast %sub3A_475 : i32 to vector<16xi32>
      %sub3A_477 = arith.subi %add3A_474, %sub3A_476 : vector<16xi32>
      %and3A_478 = arith.constant 8191 : i32
      %and3A_479 = vector.broadcast %and3A_478 : i32 to vector<16xi32>
      %and3A_480 = arith.andi %get3A_458, %and3A_479 : vector<16xi32>
      tpu.vector_store_idx %arg8[%sub3A_477], %and3A_480 masked %eq3A_468 : memref<4112xi32, #tpu.memory_space<vmem>>[vector<16xi32>], vector<16xi32>, vector<16xi1>
      tpu.vector_store_idx %arg9[%sub3A_477], %get3A_462 masked %eq3A_468 : memref<4112xi32, #tpu.memory_space<vmem>>[vector<16xi32>], vector<16xi32>, vector<16xi1>
      %slice3A_481 = vector.extract_strided_slice %masked_cumsum3A_472 {offsets = [15], sizes = [1], strides = [1]} : vector<16xi32> to vector<1xi32>
      %squeeze3A_482 = vector.extract %slice3A_481[0] : i32 from vector<1xi32>
      %add3A_483 = arith.addi %add3A_452, %squeeze3A_482 : i32
      %scan3A_484 = arith.constant 3 : i32
      %scan3A_485 = arith.addi %scan3A_396, %scan3A_484 : i32
      %mul3A_486 = arith.constant 16 : i32
      %mul3A_487 = arith.muli %scan3A_485, %mul3A_486 : i32
      %get3A_488 = arith.index_cast %mul3A_487 : i32 to index
      %get3A_489 = tpu.vector_load %arg6[%get3A_488] {strides = array<i32>} : memref<4096xi32, #tpu.memory_space<vmem>>, vector<16xi32>,
      %mul3A_490 = arith.constant 16 : i32
      %mul3A_491 = arith.muli %scan3A_485, %mul3A_490 : i32
      %get3A_492 = arith.index_cast %mul3A_491 : i32 to index
      %get3A_493 = tpu.vector_load %arg7[%get3A_492] {strides = array<i32>} : memref<4096xi32, #tpu.memory_space<vmem>>, vector<16xi32>,
      %shift_right_arithmetic3A_494 = arith.constant 13 : i32
      %shift_right_arithmetic3A_495 = vector.broadcast %shift_right_arithmetic3A_494 : i32 to vector<16xi32>
      %shift_right_arithmetic3A_496 = arith.shrsi %get3A_489, %shift_right_arithmetic3A_495 : vector<16xi32>
      %eq3A_497 = arith.constant 0 : i32
      %eq3A_498 = vector.broadcast %eq3A_497 : i32 to vector<16xi32>
      %eq3A_499 = arith.cmpi eq, %shift_right_arithmetic3A_496, %eq3A_498 : vector<16xi32>
      %convert_element_type3A_500 = arith.extui %eq3A_499 : vector<16xi1> to vector<16xi32>
      %broadcast_in_dim3A_501 = arith.constant true
      %broadcast_in_dim3A_502 = vector.broadcast %broadcast_in_dim3A_501 : i1 to vector<16xi1>
      %masked_cumsum3A_503 = tpu.scan <sum>, %convert_element_type3A_500 masked %broadcast_in_dim3A_502 : vector<16xi32>, vector<16xi1> -> vector<16xi32>
      %add3A_504 = vector.broadcast %add3A_483 : i32 to vector<16xi32>
      %add3A_505 = arith.addi %add3A_504, %masked_cumsum3A_503 : vector<16xi32>
      %sub3A_506 = arith.constant 1 : i32
      %sub3A_507 = vector.broadcast %sub3A_506 : i32 to vector<16xi32>
      %sub3A_508 = arith.subi %add3A_505, %sub3A_507 : vector<16xi32>
      %and3A_509 = arith.constant 8191 : i32
      %and3A_510 = vector.broadcast %and3A_509 : i32 to vector<16xi32>
      %and3A_511 = arith.andi %get3A_489, %and3A_510 : vector<16xi32>
      tpu.vector_store_idx %arg8[%sub3A_508], %and3A_511 masked %eq3A_499 : memref<4112xi32, #tpu.memory_space<vmem>>[vector<16xi32>], vector<16xi32>, vector<16xi1>
      tpu.vector_store_idx %arg9[%sub3A_508], %get3A_493 masked %eq3A_499 : memref<4112xi32, #tpu.memory_space<vmem>>[vector<16xi32>], vector<16xi32>, vector<16xi1>
      %slice3A_512 = vector.extract_strided_slice %masked_cumsum3A_503 {offsets = [15], sizes = [1], strides = [1]} : vector<16xi32> to vector<1xi32>
      %squeeze3A_513 = vector.extract %slice3A_512[0] : i32 from vector<1xi32>
      %add3A_514 = arith.addi %add3A_483, %squeeze3A_513 : i32
      scf.yield %add3A_514 : i32
    }
    %scan3A_115 = arith.constant 256 : i32
    %dma_wait3A = arith.constant 0 : i32
    %dma_wait3A_116 = tpu.memref_slice %arg3[%select_n3A, %mul3A_37, %dma_wait3A] : memref<4x64x65536xf32, #tpu.memory_space<hbm>> -> memref<1x8x8192xf32, #tpu.memory_space<hbm>>
    %dma_wait3A_117 = tpu.memref_squeeze %dma_wait3A_116 : memref<1x8x8192xf32, #tpu.memory_space<hbm>> -> memref<8x8192xf32, #tpu.memory_space<hbm>>
    %dma_wait3A_118 = arith.constant 0 : i32
    %dma_wait3A_119 = tpu.memref_slice %arg3[%select_n3A, %mul3A_37, %dma_wait3A_118] : memref<4x64x65536xf32, #tpu.memory_space<hbm>> -> memref<1x8x8192xf32, #tpu.memory_space<hbm>>
    %dma_wait3A_120 = tpu.memref_squeeze %dma_wait3A_119 : memref<1x8x8192xf32, #tpu.memory_space<hbm>> -> memref<8x8192xf32, #tpu.memory_space<hbm>>
    tpu.wait_dma2 semaphore(%arg12 : memref<!tpu.dma_semaphore, #tpu.memory_space<semaphore_mem>>) src(%dma_wait3A_120 : memref<8x8192xf32, #tpu.memory_space<hbm>>) dst(%arg10 : memref<8x8192xf32, #tpu.memory_space<vmem>>)
    %add3A_121 = arith.constant 16 : i32
    %add3A_122 = arith.addi %scan3A_114, %add3A_121 : i32
    %sub3A_123 = arith.constant 1 : i32
    %sub3A_124 = arith.subi %add3A_122, %sub3A_123 : i32
    %shift_right_arithmetic3A = arith.constant 4 : i32
    %shift_right_arithmetic3A_125 = arith.shrsi %sub3A_124, %shift_right_arithmetic3A : i32
    %while3A = arith.constant 0 : i32
    %while3A_126 = arith.constant 0 : i32
    %while3A_127 = arith.subi %shift_right_arithmetic3A_125, %while3A_126 : i32
    %while3A_128 = arith.addi %while3A_126, %while3A_127 : i32
    %while3A_129 = arith.constant 1 : i32
    %while3A_130 = arith.divsi %while3A_127, %while3A_129 : i32
    %while3A_131 = arith.muli %while3A_130, %while3A_129 : i32
    %while3A_132 = arith.addi %while3A_126, %while3A_131 : i32
    %while3A_133 = arith.constant 1 : i32
    scf.for %while3A_396 = %while3A_126 to %while3A_132 step %while3A_133  : i32 {
      %mul3A_397 = arith.constant 16 : i32
      %mul3A_398 = arith.muli %while3A_396, %mul3A_397 : i32
      %add3A_399 = vector.broadcast %mul3A_398 : i32 to vector<16xi32>
      %add3A_400 = arith.addi %add3A_399, %iota3A : vector<16xi32>
      %lt3A = vector.broadcast %scan3A_114 : i32 to vector<16xi32>
      %lt3A_401 = arith.cmpi slt, %add3A_400, %lt3A : vector<16xi32>
      %mul3A_402 = arith.constant 16 : i32
      %mul3A_403 = arith.muli %while3A_396, %mul3A_402 : i32
      %get3A = arith.index_cast %mul3A_403 : i32 to index
      %get3A_404 = tpu.vector_load %arg8[%get3A] {strides = array<i32>} : memref<4112xi32, #tpu.memory_space<vmem>>, vector<16xi32>,
      %mul3A_405 = arith.constant 16 : i32
      %mul3A_406 = arith.muli %while3A_396, %mul3A_405 : i32
      %get3A_407 = arith.index_cast %mul3A_406 : i32 to index
      %get3A_408 = tpu.vector_load %arg9[%get3A_407] {strides = array<i32>} : memref<4112xi32, #tpu.memory_space<vmem>>, vector<16xi32>,
      %gather3A = tpu.vector_load_idx %arg10[%add3A_66, %get3A_404] masked %lt3A_401 : memref<8x8192xf32, #tpu.memory_space<vmem>>[vector<16xi32>, vector<16xi32>], vector<16xf32>, vector<16xi1>
      tpu.vector_store_idx %arg11[%add3A_66, %get3A_408], %gather3A masked %lt3A_401 {add = true} : memref<8x2048xf32, #tpu.memory_space<vmem>>[vector<16xi32>, vector<16xi32>], vector<16xf32>, vector<16xi1>
      %gather3A_409 = tpu.vector_load_idx %arg10[%add3A_72, %get3A_404] masked %lt3A_401 : memref<8x8192xf32, #tpu.memory_space<vmem>>[vector<16xi32>, vector<16xi32>], vector<16xf32>, vector<16xi1>
      tpu.vector_store_idx %arg11[%add3A_72, %get3A_408], %gather3A_409 masked %lt3A_401 {add = true} : memref<8x2048xf32, #tpu.memory_space<vmem>>[vector<16xi32>, vector<16xi32>], vector<16xf32>, vector<16xi1>
      %gather3A_410 = tpu.vector_load_idx %arg10[%add3A_78, %get3A_404] masked %lt3A_401 : memref<8x8192xf32, #tpu.memory_space<vmem>>[vector<16xi32>, vector<16xi32>], vector<16xf32>, vector<16xi1>
      tpu.vector_store_idx %arg11[%add3A_78, %get3A_408], %gather3A_410 masked %lt3A_401 {add = true} : memref<8x2048xf32, #tpu.memory_space<vmem>>[vector<16xi32>, vector<16xi32>], vector<16xf32>, vector<16xi1>
      %gather3A_411 = tpu.vector_load_idx %arg10[%add3A_84, %get3A_404] masked %lt3A_401 : memref<8x8192xf32, #tpu.memory_space<vmem>>[vector<16xi32>, vector<16xi32>], vector<16xf32>, vector<16xi1>
      tpu.vector_store_idx %arg11[%add3A_84, %get3A_408], %gather3A_411 masked %lt3A_401 {add = true} : memref<8x2048xf32, #tpu.memory_space<vmem>>[vector<16xi32>, vector<16xi32>], vector<16xf32>, vector<16xi1>
      %gather3A_412 = tpu.vector_load_idx %arg10[%add3A_90, %get3A_404] masked %lt3A_401 : memref<8x8192xf32, #tpu.memory_space<vmem>>[vector<16xi32>, vector<16xi32>], vector<16xf32>, vector<16xi1>
      tpu.vector_store_idx %arg11[%add3A_90, %get3A_408], %gather3A_412 masked %lt3A_401 {add = true} : memref<8x2048xf32, #tpu.memory_space<vmem>>[vector<16xi32>, vector<16xi32>], vector<16xf32>, vector<16xi1>
      %gather3A_413 = tpu.vector_load_idx %arg10[%add3A_96, %get3A_404] masked %lt3A_401 : memref<8x8192xf32, #tpu.memory_space<vmem>>[vector<16xi32>, vector<16xi32>], vector<16xf32>, vector<16xi1>
      tpu.vector_store_idx %arg11[%add3A_96, %get3A_408], %gather3A_413 masked %lt3A_401 {add = true} : memref<8x2048xf32, #tpu.memory_space<vmem>>[vector<16xi32>, vector<16xi32>], vector<16xf32>, vector<16xi1>
      %gather3A_414 = tpu.vector_load_idx %arg10[%add3A_102, %get3A_404] masked %lt3A_401 : memref<8x8192xf32, #tpu.memory_space<vmem>>[vector<16xi32>, vector<16xi32>], vector<16xf32>, vector<16xi1>
      tpu.vector_store_idx %arg11[%add3A_102, %get3A_408], %gather3A_414 masked %lt3A_401 {add = true} : memref<8x2048xf32, #tpu.memory_space<vmem>>[vector<16xi32>, vector<16xi32>], vector<16xf32>, vector<16xi1>
      %gather3A_415 = tpu.vector_load_idx %arg10[%add3A_108, %get3A_404] masked %lt3A_401 : memref<8x8192xf32, #tpu.memory_space<vmem>>[vector<16xi32>, vector<16xi32>], vector<16xf32>, vector<16xi1>
      tpu.vector_store_idx %arg11[%add3A_108, %get3A_408], %gather3A_415 masked %lt3A_401 {add = true} : memref<8x2048xf32, #tpu.memory_space<vmem>>[vector<16xi32>, vector<16xi32>], vector<16xf32>, vector<16xi1>
    }
    %while3A_134 = arith.constant 1 : i32
    scf.for %while3A_396 = %while3A_132 to %while3A_128 step %while3A_134  : i32 {
      %mul3A_397 = arith.constant 16 : i32
      %mul3A_398 = arith.muli %while3A_396, %mul3A_397 : i32
      %add3A_399 = vector.broadcast %mul3A_398 : i32 to vector<16xi32>
      %add3A_400 = arith.addi %add3A_399, %iota3A : vector<16xi32>
      %lt3A = vector.broadcast %scan3A_114 : i32 to vector<16xi32>
      %lt3A_401 = arith.cmpi slt, %add3A_400, %lt3A : vector<16xi32>
      %mul3A_402 = arith.constant 16 : i32
      %mul3A_403 = arith.muli %while3A_396, %mul3A_402 : i32
      %get3A = arith.index_cast %mul3A_403 : i32 to index
      %get3A_404 = tpu.vector_load %arg8[%get3A] {strides = array<i32>} : memref<4112xi32, #tpu.memory_space<vmem>>, vector<16xi32>,
      %mul3A_405 = arith.constant 16 : i32
      %mul3A_406 = arith.muli %while3A_396, %mul3A_405 : i32
      %get3A_407 = arith.index_cast %mul3A_406 : i32 to index
      %get3A_408 = tpu.vector_load %arg9[%get3A_407] {strides = array<i32>} : memref<4112xi32, #tpu.memory_space<vmem>>, vector<16xi32>,
      %gather3A = tpu.vector_load_idx %arg10[%add3A_66, %get3A_404] masked %lt3A_401 : memref<8x8192xf32, #tpu.memory_space<vmem>>[vector<16xi32>, vector<16xi32>], vector<16xf32>, vector<16xi1>
      tpu.vector_store_idx %arg11[%add3A_66, %get3A_408], %gather3A masked %lt3A_401 {add = true} : memref<8x2048xf32, #tpu.memory_space<vmem>>[vector<16xi32>, vector<16xi32>], vector<16xf32>, vector<16xi1>
      %gather3A_409 = tpu.vector_load_idx %arg10[%add3A_72, %get3A_404] masked %lt3A_401 : memref<8x8192xf32, #tpu.memory_space<vmem>>[vector<16xi32>, vector<16xi32>], vector<16xf32>, vector<16xi1>
      tpu.vector_store_idx %arg11[%add3A_72, %get3A_408], %gather3A_409 masked %lt3A_401 {add = true} : memref<8x2048xf32, #tpu.memory_space<vmem>>[vector<16xi32>, vector<16xi32>], vector<16xf32>, vector<16xi1>
      %gather3A_410 = tpu.vector_load_idx %arg10[%add3A_78, %get3A_404] masked %lt3A_401 : memref<8x8192xf32, #tpu.memory_space<vmem>>[vector<16xi32>, vector<16xi32>], vector<16xf32>, vector<16xi1>
      tpu.vector_store_idx %arg11[%add3A_78, %get3A_408], %gather3A_410 masked %lt3A_401 {add = true} : memref<8x2048xf32, #tpu.memory_space<vmem>>[vector<16xi32>, vector<16xi32>], vector<16xf32>, vector<16xi1>
      %gather3A_411 = tpu.vector_load_idx %arg10[%add3A_84, %get3A_404] masked %lt3A_401 : memref<8x8192xf32, #tpu.memory_space<vmem>>[vector<16xi32>, vector<16xi32>], vector<16xf32>, vector<16xi1>
      tpu.vector_store_idx %arg11[%add3A_84, %get3A_408], %gather3A_411 masked %lt3A_401 {add = true} : memref<8x2048xf32, #tpu.memory_space<vmem>>[vector<16xi32>, vector<16xi32>], vector<16xf32>, vector<16xi1>
      %gather3A_412 = tpu.vector_load_idx %arg10[%add3A_90, %get3A_404] masked %lt3A_401 : memref<8x8192xf32, #tpu.memory_space<vmem>>[vector<16xi32>, vector<16xi32>], vector<16xf32>, vector<16xi1>
      tpu.vector_store_idx %arg11[%add3A_90, %get3A_408], %gather3A_412 masked %lt3A_401 {add = true} : memref<8x2048xf32, #tpu.memory_space<vmem>>[vector<16xi32>, vector<16xi32>], vector<16xf32>, vector<16xi1>
      %gather3A_413 = tpu.vector_load_idx %arg10[%add3A_96, %get3A_404] masked %lt3A_401 : memref<8x8192xf32, #tpu.memory_space<vmem>>[vector<16xi32>, vector<16xi32>], vector<16xf32>, vector<16xi1>
      tpu.vector_store_idx %arg11[%add3A_96, %get3A_408], %gather3A_413 masked %lt3A_401 {add = true} : memref<8x2048xf32, #tpu.memory_space<vmem>>[vector<16xi32>, vector<16xi32>], vector<16xf32>, vector<16xi1>
      %gather3A_414 = tpu.vector_load_idx %arg10[%add3A_102, %get3A_404] masked %lt3A_401 : memref<8x8192xf32, #tpu.memory_space<vmem>>[vector<16xi32>, vector<16xi32>], vector<16xf32>, vector<16xi1>
      tpu.vector_store_idx %arg11[%add3A_102, %get3A_408], %gather3A_414 masked %lt3A_401 {add = true} : memref<8x2048xf32, #tpu.memory_space<vmem>>[vector<16xi32>, vector<16xi32>], vector<16xf32>, vector<16xi1>
      %gather3A_415 = tpu.vector_load_idx %arg10[%add3A_108, %get3A_404] masked %lt3A_401 : memref<8x8192xf32, #tpu.memory_space<vmem>>[vector<16xi32>, vector<16xi32>], vector<16xf32>, vector<16xi1>
      tpu.vector_store_idx %arg11[%add3A_108, %get3A_408], %gather3A_415 masked %lt3A_401 {add = true} : memref<8x2048xf32, #tpu.memory_space<vmem>>[vector<16xi32>, vector<16xi32>], vector<16xf32>, vector<16xi1>
    }
    %mul3A_135 = arith.constant 8 : i32
    %mul3A_136 = arith.muli %sub3A_19, %mul3A_135 : i32
    %dma_start3A_137 = arith.constant 8192 : i32
    %dma_start3A_138 = tpu.memref_slice %arg3[%select_n3A, %mul3A_136, %dma_start3A_137] : memref<4x64x65536xf32, #tpu.memory_space<hbm>> -> memref<1x8x8192xf32, #tpu.memory_space<hbm>>
    %dma_start3A_139 = tpu.memref_squeeze %dma_start3A_138 : memref<1x8x8192xf32, #tpu.memory_space<hbm>> -> memref<8x8192xf32, #tpu.memory_space<hbm>>
    %dma_start3A_140 = arith.constant 8192 : i32
    %dma_start3A_141 = tpu.memref_slice %arg3[%select_n3A, %mul3A_136, %dma_start3A_140] : memref<4x64x65536xf32, #tpu.memory_space<hbm>> -> memref<1x8x8192xf32, #tpu.memory_space<hbm>>
    %dma_start3A_142 = tpu.memref_squeeze %dma_start3A_141 : memref<1x8x8192xf32, #tpu.memory_space<hbm>> -> memref<8x8192xf32, #tpu.memory_space<hbm>>
    tpu.enqueue_dma source(%dma_start3A_142 : memref<8x8192xf32, #tpu.memory_space<hbm>>) target(%arg10 : memref<8x8192xf32, #tpu.memory_space<vmem>>) target_semaphore(%arg12 : memref<!tpu.dma_semaphore, #tpu.memory_space<semaphore_mem>>)
    %scan3A_143 = arith.constant 0 : i32
    %scan3A_144 = arith.constant 0 : i32
    %scan3A_145 = arith.constant 256 : i32
    %scan3A_146 = arith.addi %scan3A_144, %scan3A_145 : i32
    %scan3A_147 = arith.constant 4 : i32
    %scan3A_148 = scf.for %scan3A_396 = %scan3A_144 to %scan3A_146 step %scan3A_147 iter_args(%scan3A_397 = %scan3A_143) -> (i32)  : i32 {
      %mul3A_398 = arith.constant 16 : i32
      %mul3A_399 = arith.muli %scan3A_396, %mul3A_398 : i32
      %get3A = arith.index_cast %mul3A_399 : i32 to index
      %get3A_400 = tpu.vector_load %arg6[%get3A] {strides = array<i32>} : memref<4096xi32, #tpu.memory_space<vmem>>, vector<16xi32>,
      %mul3A_401 = arith.constant 16 : i32
      %mul3A_402 = arith.muli %scan3A_396, %mul3A_401 : i32
      %get3A_403 = arith.index_cast %mul3A_402 : i32 to index
      %get3A_404 = tpu.vector_load %arg7[%get3A_403] {strides = array<i32>} : memref<4096xi32, #tpu.memory_space<vmem>>, vector<16xi32>,
      %shift_right_arithmetic3A_405 = arith.constant 13 : i32
      %shift_right_arithmetic3A_406 = vector.broadcast %shift_right_arithmetic3A_405 : i32 to vector<16xi32>
      %shift_right_arithmetic3A_407 = arith.shrsi %get3A_400, %shift_right_arithmetic3A_406 : vector<16xi32>
      %eq3A_408 = arith.constant 1 : i32
      %eq3A_409 = vector.broadcast %eq3A_408 : i32 to vector<16xi32>
      %eq3A_410 = arith.cmpi eq, %shift_right_arithmetic3A_407, %eq3A_409 : vector<16xi32>
      %convert_element_type3A = arith.extui %eq3A_410 : vector<16xi1> to vector<16xi32>
      %broadcast_in_dim3A_411 = arith.constant true
      %broadcast_in_dim3A_412 = vector.broadcast %broadcast_in_dim3A_411 : i1 to vector<16xi1>
      %masked_cumsum3A = tpu.scan <sum>, %convert_element_type3A masked %broadcast_in_dim3A_412 : vector<16xi32>, vector<16xi1> -> vector<16xi32>
      %add3A_413 = vector.broadcast %scan3A_397 : i32 to vector<16xi32>
      %add3A_414 = arith.addi %add3A_413, %masked_cumsum3A : vector<16xi32>
      %sub3A_415 = arith.constant 1 : i32
      %sub3A_416 = vector.broadcast %sub3A_415 : i32 to vector<16xi32>
      %sub3A_417 = arith.subi %add3A_414, %sub3A_416 : vector<16xi32>
      %and3A_418 = arith.constant 8191 : i32
      %and3A_419 = vector.broadcast %and3A_418 : i32 to vector<16xi32>
      %and3A_420 = arith.andi %get3A_400, %and3A_419 : vector<16xi32>
      tpu.vector_store_idx %arg8[%sub3A_417], %and3A_420 masked %eq3A_410 : memref<4112xi32, #tpu.memory_space<vmem>>[vector<16xi32>], vector<16xi32>, vector<16xi1>
      tpu.vector_store_idx %arg9[%sub3A_417], %get3A_404 masked %eq3A_410 : memref<4112xi32, #tpu.memory_space<vmem>>[vector<16xi32>], vector<16xi32>, vector<16xi1>
      %slice3A = vector.extract_strided_slice %masked_cumsum3A {offsets = [15], sizes = [1], strides = [1]} : vector<16xi32> to vector<1xi32>
      %squeeze3A = vector.extract %slice3A[0] : i32 from vector<1xi32>
      %add3A_421 = arith.addi %scan3A_397, %squeeze3A : i32
      %scan3A_422 = arith.constant 1 : i32
      %scan3A_423 = arith.addi %scan3A_396, %scan3A_422 : i32
      %mul3A_424 = arith.constant 16 : i32
      %mul3A_425 = arith.muli %scan3A_423, %mul3A_424 : i32
      %get3A_426 = arith.index_cast %mul3A_425 : i32 to index
      %get3A_427 = tpu.vector_load %arg6[%get3A_426] {strides = array<i32>} : memref<4096xi32, #tpu.memory_space<vmem>>, vector<16xi32>,
      %mul3A_428 = arith.constant 16 : i32
      %mul3A_429 = arith.muli %scan3A_423, %mul3A_428 : i32
      %get3A_430 = arith.index_cast %mul3A_429 : i32 to index
      %get3A_431 = tpu.vector_load %arg7[%get3A_430] {strides = array<i32>} : memref<4096xi32, #tpu.memory_space<vmem>>, vector<16xi32>,
      %shift_right_arithmetic3A_432 = arith.constant 13 : i32
      %shift_right_arithmetic3A_433 = vector.broadcast %shift_right_arithmetic3A_432 : i32 to vector<16xi32>
      %shift_right_arithmetic3A_434 = arith.shrsi %get3A_427, %shift_right_arithmetic3A_433 : vector<16xi32>
      %eq3A_435 = arith.constant 1 : i32
      %eq3A_436 = vector.broadcast %eq3A_435 : i32 to vector<16xi32>
      %eq3A_437 = arith.cmpi eq, %shift_right_arithmetic3A_434, %eq3A_436 : vector<16xi32>
      %convert_element_type3A_438 = arith.extui %eq3A_437 : vector<16xi1> to vector<16xi32>
      %broadcast_in_dim3A_439 = arith.constant true
      %broadcast_in_dim3A_440 = vector.broadcast %broadcast_in_dim3A_439 : i1 to vector<16xi1>
      %masked_cumsum3A_441 = tpu.scan <sum>, %convert_element_type3A_438 masked %broadcast_in_dim3A_440 : vector<16xi32>, vector<16xi1> -> vector<16xi32>
      %add3A_442 = vector.broadcast %add3A_421 : i32 to vector<16xi32>
      %add3A_443 = arith.addi %add3A_442, %masked_cumsum3A_441 : vector<16xi32>
      %sub3A_444 = arith.constant 1 : i32
      %sub3A_445 = vector.broadcast %sub3A_444 : i32 to vector<16xi32>
      %sub3A_446 = arith.subi %add3A_443, %sub3A_445 : vector<16xi32>
      %and3A_447 = arith.constant 8191 : i32
      %and3A_448 = vector.broadcast %and3A_447 : i32 to vector<16xi32>
      %and3A_449 = arith.andi %get3A_427, %and3A_448 : vector<16xi32>
      tpu.vector_store_idx %arg8[%sub3A_446], %and3A_449 masked %eq3A_437 : memref<4112xi32, #tpu.memory_space<vmem>>[vector<16xi32>], vector<16xi32>, vector<16xi1>
      tpu.vector_store_idx %arg9[%sub3A_446], %get3A_431 masked %eq3A_437 : memref<4112xi32, #tpu.memory_space<vmem>>[vector<16xi32>], vector<16xi32>, vector<16xi1>
      %slice3A_450 = vector.extract_strided_slice %masked_cumsum3A_441 {offsets = [15], sizes = [1], strides = [1]} : vector<16xi32> to vector<1xi32>
      %squeeze3A_451 = vector.extract %slice3A_450[0] : i32 from vector<1xi32>
      %add3A_452 = arith.addi %add3A_421, %squeeze3A_451 : i32
      %scan3A_453 = arith.constant 2 : i32
      %scan3A_454 = arith.addi %scan3A_396, %scan3A_453 : i32
      %mul3A_455 = arith.constant 16 : i32
      %mul3A_456 = arith.muli %scan3A_454, %mul3A_455 : i32
      %get3A_457 = arith.index_cast %mul3A_456 : i32 to index
      %get3A_458 = tpu.vector_load %arg6[%get3A_457] {strides = array<i32>} : memref<4096xi32, #tpu.memory_space<vmem>>, vector<16xi32>,
      %mul3A_459 = arith.constant 16 : i32
      %mul3A_460 = arith.muli %scan3A_454, %mul3A_459 : i32
      %get3A_461 = arith.index_cast %mul3A_460 : i32 to index
      %get3A_462 = tpu.vector_load %arg7[%get3A_461] {strides = array<i32>} : memref<4096xi32, #tpu.memory_space<vmem>>, vector<16xi32>,
      %shift_right_arithmetic3A_463 = arith.constant 13 : i32
      %shift_right_arithmetic3A_464 = vector.broadcast %shift_right_arithmetic3A_463 : i32 to vector<16xi32>
      %shift_right_arithmetic3A_465 = arith.shrsi %get3A_458, %shift_right_arithmetic3A_464 : vector<16xi32>
      %eq3A_466 = arith.constant 1 : i32
      %eq3A_467 = vector.broadcast %eq3A_466 : i32 to vector<16xi32>
      %eq3A_468 = arith.cmpi eq, %shift_right_arithmetic3A_465, %eq3A_467 : vector<16xi32>
      %convert_element_type3A_469 = arith.extui %eq3A_468 : vector<16xi1> to vector<16xi32>
      %broadcast_in_dim3A_470 = arith.constant true
      %broadcast_in_dim3A_471 = vector.broadcast %broadcast_in_dim3A_470 : i1 to vector<16xi1>
      %masked_cumsum3A_472 = tpu.scan <sum>, %convert_element_type3A_469 masked %broadcast_in_dim3A_471 : vector<16xi32>, vector<16xi1> -> vector<16xi32>
      %add3A_473 = vector.broadcast %add3A_452 : i32 to vector<16xi32>
      %add3A_474 = arith.addi %add3A_473, %masked_cumsum3A_472 : vector<16xi32>
      %sub3A_475 = arith.constant 1 : i32
      %sub3A_476 = vector.broadcast %sub3A_475 : i32 to vector<16xi32>
      %sub3A_477 = arith.subi %add3A_474, %sub3A_476 : vector<16xi32>
      %and3A_478 = arith.constant 8191 : i32
      %and3A_479 = vector.broadcast %and3A_478 : i32 to vector<16xi32>
      %and3A_480 = arith.andi %get3A_458, %and3A_479 : vector<16xi32>
      tpu.vector_store_idx %arg8[%sub3A_477], %and3A_480 masked %eq3A_468 : memref<4112xi32, #tpu.memory_space<vmem>>[vector<16xi32>], vector<16xi32>, vector<16xi1>
      tpu.vector_store_idx %arg9[%sub3A_477], %get3A_462 masked %eq3A_468 : memref<4112xi32, #tpu.memory_space<vmem>>[vector<16xi32>], vector<16xi32>, vector<16xi1>
      %slice3A_481 = vector.extract_strided_slice %masked_cumsum3A_472 {offsets = [15], sizes = [1], strides = [1]} : vector<16xi32> to vector<1xi32>
      %squeeze3A_482 = vector.extract %slice3A_481[0] : i32 from vector<1xi32>
      %add3A_483 = arith.addi %add3A_452, %squeeze3A_482 : i32
      %scan3A_484 = arith.constant 3 : i32
      %scan3A_485 = arith.addi %scan3A_396, %scan3A_484 : i32
      %mul3A_486 = arith.constant 16 : i32
      %mul3A_487 = arith.muli %scan3A_485, %mul3A_486 : i32
      %get3A_488 = arith.index_cast %mul3A_487 : i32 to index
      %get3A_489 = tpu.vector_load %arg6[%get3A_488] {strides = array<i32>} : memref<4096xi32, #tpu.memory_space<vmem>>, vector<16xi32>,
      %mul3A_490 = arith.constant 16 : i32
      %mul3A_491 = arith.muli %scan3A_485, %mul3A_490 : i32
      %get3A_492 = arith.index_cast %mul3A_491 : i32 to index
      %get3A_493 = tpu.vector_load %arg7[%get3A_492] {strides = array<i32>} : memref<4096xi32, #tpu.memory_space<vmem>>, vector<16xi32>,
      %shift_right_arithmetic3A_494 = arith.constant 13 : i32
      %shift_right_arithmetic3A_495 = vector.broadcast %shift_right_arithmetic3A_494 : i32 to vector<16xi32>
      %shift_right_arithmetic3A_496 = arith.shrsi %get3A_489, %shift_right_arithmetic3A_495 : vector<16xi32>
      %eq3A_497 = arith.constant 1 : i32
      %eq3A_498 = vector.broadcast %eq3A_497 : i32 to vector<16xi32>
      %eq3A_499 = arith.cmpi eq, %shift_right_arithmetic3A_496, %eq3A_498 : vector<16xi32>
      %convert_element_type3A_500 = arith.extui %eq3A_499 : vector<16xi1> to vector<16xi32>
      %broadcast_in_dim3A_501 = arith.constant true
      %broadcast_in_dim3A_502 = vector.broadcast %broadcast_in_dim3A_501 : i1 to vector<16xi1>
      %masked_cumsum3A_503 = tpu.scan <sum>, %convert_element_type3A_500 masked %broadcast_in_dim3A_502 : vector<16xi32>, vector<16xi1> -> vector<16xi32>
      %add3A_504 = vector.broadcast %add3A_483 : i32 to vector<16xi32>
      %add3A_505 = arith.addi %add3A_504, %masked_cumsum3A_503 : vector<16xi32>
      %sub3A_506 = arith.constant 1 : i32
      %sub3A_507 = vector.broadcast %sub3A_506 : i32 to vector<16xi32>
      %sub3A_508 = arith.subi %add3A_505, %sub3A_507 : vector<16xi32>
      %and3A_509 = arith.constant 8191 : i32
      %and3A_510 = vector.broadcast %and3A_509 : i32 to vector<16xi32>
      %and3A_511 = arith.andi %get3A_489, %and3A_510 : vector<16xi32>
      tpu.vector_store_idx %arg8[%sub3A_508], %and3A_511 masked %eq3A_499 : memref<4112xi32, #tpu.memory_space<vmem>>[vector<16xi32>], vector<16xi32>, vector<16xi1>
      tpu.vector_store_idx %arg9[%sub3A_508], %get3A_493 masked %eq3A_499 : memref<4112xi32, #tpu.memory_space<vmem>>[vector<16xi32>], vector<16xi32>, vector<16xi1>
      %slice3A_512 = vector.extract_strided_slice %masked_cumsum3A_503 {offsets = [15], sizes = [1], strides = [1]} : vector<16xi32> to vector<1xi32>
      %squeeze3A_513 = vector.extract %slice3A_512[0] : i32 from vector<1xi32>
      %add3A_514 = arith.addi %add3A_483, %squeeze3A_513 : i32
      scf.yield %add3A_514 : i32
    }
    %scan3A_149 = arith.constant 256 : i32
    %dma_wait3A_150 = arith.constant 8192 : i32
    %dma_wait3A_151 = tpu.memref_slice %arg3[%select_n3A, %mul3A_136, %dma_wait3A_150] : memref<4x64x65536xf32, #tpu.memory_space<hbm>> -> memref<1x8x8192xf32, #tpu.memory_space<hbm>>
    %dma_wait3A_152 = tpu.memref_squeeze %dma_wait3A_151 : memref<1x8x8192xf32, #tpu.memory_space<hbm>> -> memref<8x8192xf32, #tpu.memory_space<hbm>>
    %dma_wait3A_153 = arith.constant 8192 : i32
    %dma_wait3A_154 = tpu.memref_slice %arg3[%select_n3A, %mul3A_136, %dma_wait3A_153] : memref<4x64x65536xf32, #tpu.memory_space<hbm>> -> memref<1x8x8192xf32, #tpu.memory_space<hbm>>
    %dma_wait3A_155 = tpu.memref_squeeze %dma_wait3A_154 : memref<1x8x8192xf32, #tpu.memory_space<hbm>> -> memref<8x8192xf32, #tpu.memory_space<hbm>>
    tpu.wait_dma2 semaphore(%arg12 : memref<!tpu.dma_semaphore, #tpu.memory_space<semaphore_mem>>) src(%dma_wait3A_155 : memref<8x8192xf32, #tpu.memory_space<hbm>>) dst(%arg10 : memref<8x8192xf32, #tpu.memory_space<vmem>>)
    %add3A_156 = arith.constant 16 : i32
    %add3A_157 = arith.addi %scan3A_148, %add3A_156 : i32
    %sub3A_158 = arith.constant 1 : i32
    %sub3A_159 = arith.subi %add3A_157, %sub3A_158 : i32
    %shift_right_arithmetic3A_160 = arith.constant 4 : i32
    %shift_right_arithmetic3A_161 = arith.shrsi %sub3A_159, %shift_right_arithmetic3A_160 : i32
    %while3A_162 = arith.constant 0 : i32
    %while3A_163 = arith.constant 0 : i32
    %while3A_164 = arith.subi %shift_right_arithmetic3A_161, %while3A_163 : i32
    %while3A_165 = arith.addi %while3A_163, %while3A_164 : i32
    %while3A_166 = arith.constant 1 : i32
    %while3A_167 = arith.divsi %while3A_164, %while3A_166 : i32
    %while3A_168 = arith.muli %while3A_167, %while3A_166 : i32
    %while3A_169 = arith.addi %while3A_163, %while3A_168 : i32
    %while3A_170 = arith.constant 1 : i32
    scf.for %while3A_396 = %while3A_163 to %while3A_169 step %while3A_170  : i32 {
      %mul3A_397 = arith.constant 16 : i32
      %mul3A_398 = arith.muli %while3A_396, %mul3A_397 : i32
      %add3A_399 = vector.broadcast %mul3A_398 : i32 to vector<16xi32>
      %add3A_400 = arith.addi %add3A_399, %iota3A : vector<16xi32>
      %lt3A = vector.broadcast %scan3A_148 : i32 to vector<16xi32>
      %lt3A_401 = arith.cmpi slt, %add3A_400, %lt3A : vector<16xi32>
      %mul3A_402 = arith.constant 16 : i32
      %mul3A_403 = arith.muli %while3A_396, %mul3A_402 : i32
      %get3A = arith.index_cast %mul3A_403 : i32 to index
      %get3A_404 = tpu.vector_load %arg8[%get3A] {strides = array<i32>} : memref<4112xi32, #tpu.memory_space<vmem>>, vector<16xi32>,
      %mul3A_405 = arith.constant 16 : i32
      %mul3A_406 = arith.muli %while3A_396, %mul3A_405 : i32
      %get3A_407 = arith.index_cast %mul3A_406 : i32 to index
      %get3A_408 = tpu.vector_load %arg9[%get3A_407] {strides = array<i32>} : memref<4112xi32, #tpu.memory_space<vmem>>, vector<16xi32>,
      %gather3A = tpu.vector_load_idx %arg10[%add3A_66, %get3A_404] masked %lt3A_401 : memref<8x8192xf32, #tpu.memory_space<vmem>>[vector<16xi32>, vector<16xi32>], vector<16xf32>, vector<16xi1>
      tpu.vector_store_idx %arg11[%add3A_66, %get3A_408], %gather3A masked %lt3A_401 {add = true} : memref<8x2048xf32, #tpu.memory_space<vmem>>[vector<16xi32>, vector<16xi32>], vector<16xf32>, vector<16xi1>
      %gather3A_409 = tpu.vector_load_idx %arg10[%add3A_72, %get3A_404] masked %lt3A_401 : memref<8x8192xf32, #tpu.memory_space<vmem>>[vector<16xi32>, vector<16xi32>], vector<16xf32>, vector<16xi1>
      tpu.vector_store_idx %arg11[%add3A_72, %get3A_408], %gather3A_409 masked %lt3A_401 {add = true} : memref<8x2048xf32, #tpu.memory_space<vmem>>[vector<16xi32>, vector<16xi32>], vector<16xf32>, vector<16xi1>
      %gather3A_410 = tpu.vector_load_idx %arg10[%add3A_78, %get3A_404] masked %lt3A_401 : memref<8x8192xf32, #tpu.memory_space<vmem>>[vector<16xi32>, vector<16xi32>], vector<16xf32>, vector<16xi1>
      tpu.vector_store_idx %arg11[%add3A_78, %get3A_408], %gather3A_410 masked %lt3A_401 {add = true} : memref<8x2048xf32, #tpu.memory_space<vmem>>[vector<16xi32>, vector<16xi32>], vector<16xf32>, vector<16xi1>
      %gather3A_411 = tpu.vector_load_idx %arg10[%add3A_84, %get3A_404] masked %lt3A_401 : memref<8x8192xf32, #tpu.memory_space<vmem>>[vector<16xi32>, vector<16xi32>], vector<16xf32>, vector<16xi1>
      tpu.vector_store_idx %arg11[%add3A_84, %get3A_408], %gather3A_411 masked %lt3A_401 {add = true} : memref<8x2048xf32, #tpu.memory_space<vmem>>[vector<16xi32>, vector<16xi32>], vector<16xf32>, vector<16xi1>
      %gather3A_412 = tpu.vector_load_idx %arg10[%add3A_90, %get3A_404] masked %lt3A_401 : memref<8x8192xf32, #tpu.memory_space<vmem>>[vector<16xi32>, vector<16xi32>], vector<16xf32>, vector<16xi1>
      tpu.vector_store_idx %arg11[%add3A_90, %get3A_408], %gather3A_412 masked %lt3A_401 {add = true} : memref<8x2048xf32, #tpu.memory_space<vmem>>[vector<16xi32>, vector<16xi32>], vector<16xf32>, vector<16xi1>
      %gather3A_413 = tpu.vector_load_idx %arg10[%add3A_96, %get3A_404] masked %lt3A_401 : memref<8x8192xf32, #tpu.memory_space<vmem>>[vector<16xi32>, vector<16xi32>], vector<16xf32>, vector<16xi1>
      tpu.vector_store_idx %arg11[%add3A_96, %get3A_408], %gather3A_413 masked %lt3A_401 {add = true} : memref<8x2048xf32, #tpu.memory_space<vmem>>[vector<16xi32>, vector<16xi32>], vector<16xf32>, vector<16xi1>
      %gather3A_414 = tpu.vector_load_idx %arg10[%add3A_102, %get3A_404] masked %lt3A_401 : memref<8x8192xf32, #tpu.memory_space<vmem>>[vector<16xi32>, vector<16xi32>], vector<16xf32>, vector<16xi1>
      tpu.vector_store_idx %arg11[%add3A_102, %get3A_408], %gather3A_414 masked %lt3A_401 {add = true} : memref<8x2048xf32, #tpu.memory_space<vmem>>[vector<16xi32>, vector<16xi32>], vector<16xf32>, vector<16xi1>
      %gather3A_415 = tpu.vector_load_idx %arg10[%add3A_108, %get3A_404] masked %lt3A_401 : memref<8x8192xf32, #tpu.memory_space<vmem>>[vector<16xi32>, vector<16xi32>], vector<16xf32>, vector<16xi1>
      tpu.vector_store_idx %arg11[%add3A_108, %get3A_408], %gather3A_415 masked %lt3A_401 {add = true} : memref<8x2048xf32, #tpu.memory_space<vmem>>[vector<16xi32>, vector<16xi32>], vector<16xf32>, vector<16xi1>
    }
    %while3A_171 = arith.constant 1 : i32
    scf.for %while3A_396 = %while3A_169 to %while3A_165 step %while3A_171  : i32 {
      %mul3A_397 = arith.constant 16 : i32
      %mul3A_398 = arith.muli %while3A_396, %mul3A_397 : i32
      %add3A_399 = vector.broadcast %mul3A_398 : i32 to vector<16xi32>
      %add3A_400 = arith.addi %add3A_399, %iota3A : vector<16xi32>
      %lt3A = vector.broadcast %scan3A_148 : i32 to vector<16xi32>
      %lt3A_401 = arith.cmpi slt, %add3A_400, %lt3A : vector<16xi32>
      %mul3A_402 = arith.constant 16 : i32
      %mul3A_403 = arith.muli %while3A_396, %mul3A_402 : i32
      %get3A = arith.index_cast %mul3A_403 : i32 to index
      %get3A_404 = tpu.vector_load %arg8[%get3A] {strides = array<i32>} : memref<4112xi32, #tpu.memory_space<vmem>>, vector<16xi32>,
      %mul3A_405 = arith.constant 16 : i32
      %mul3A_406 = arith.muli %while3A_396, %mul3A_405 : i32
      %get3A_407 = arith.index_cast %mul3A_406 : i32 to index
      %get3A_408 = tpu.vector_load %arg9[%get3A_407] {strides = array<i32>} : memref<4112xi32, #tpu.memory_space<vmem>>, vector<16xi32>,
      %gather3A = tpu.vector_load_idx %arg10[%add3A_66, %get3A_404] masked %lt3A_401 : memref<8x8192xf32, #tpu.memory_space<vmem>>[vector<16xi32>, vector<16xi32>], vector<16xf32>, vector<16xi1>
      tpu.vector_store_idx %arg11[%add3A_66, %get3A_408], %gather3A masked %lt3A_401 {add = true} : memref<8x2048xf32, #tpu.memory_space<vmem>>[vector<16xi32>, vector<16xi32>], vector<16xf32>, vector<16xi1>
      %gather3A_409 = tpu.vector_load_idx %arg10[%add3A_72, %get3A_404] masked %lt3A_401 : memref<8x8192xf32, #tpu.memory_space<vmem>>[vector<16xi32>, vector<16xi32>], vector<16xf32>, vector<16xi1>
      tpu.vector_store_idx %arg11[%add3A_72, %get3A_408], %gather3A_409 masked %lt3A_401 {add = true} : memref<8x2048xf32, #tpu.memory_space<vmem>>[vector<16xi32>, vector<16xi32>], vector<16xf32>, vector<16xi1>
      %gather3A_410 = tpu.vector_load_idx %arg10[%add3A_78, %get3A_404] masked %lt3A_401 : memref<8x8192xf32, #tpu.memory_space<vmem>>[vector<16xi32>, vector<16xi32>], vector<16xf32>, vector<16xi1>
      tpu.vector_store_idx %arg11[%add3A_78, %get3A_408], %gather3A_410 masked %lt3A_401 {add = true} : memref<8x2048xf32, #tpu.memory_space<vmem>>[vector<16xi32>, vector<16xi32>], vector<16xf32>, vector<16xi1>
      %gather3A_411 = tpu.vector_load_idx %arg10[%add3A_84, %get3A_404] masked %lt3A_401 : memref<8x8192xf32, #tpu.memory_space<vmem>>[vector<16xi32>, vector<16xi32>], vector<16xf32>, vector<16xi1>
      tpu.vector_store_idx %arg11[%add3A_84, %get3A_408], %gather3A_411 masked %lt3A_401 {add = true} : memref<8x2048xf32, #tpu.memory_space<vmem>>[vector<16xi32>, vector<16xi32>], vector<16xf32>, vector<16xi1>
      %gather3A_412 = tpu.vector_load_idx %arg10[%add3A_90, %get3A_404] masked %lt3A_401 : memref<8x8192xf32, #tpu.memory_space<vmem>>[vector<16xi32>, vector<16xi32>], vector<16xf32>, vector<16xi1>
      tpu.vector_store_idx %arg11[%add3A_90, %get3A_408], %gather3A_412 masked %lt3A_401 {add = true} : memref<8x2048xf32, #tpu.memory_space<vmem>>[vector<16xi32>, vector<16xi32>], vector<16xf32>, vector<16xi1>
      %gather3A_413 = tpu.vector_load_idx %arg10[%add3A_96, %get3A_404] masked %lt3A_401 : memref<8x8192xf32, #tpu.memory_space<vmem>>[vector<16xi32>, vector<16xi32>], vector<16xf32>, vector<16xi1>
      tpu.vector_store_idx %arg11[%add3A_96, %get3A_408], %gather3A_413 masked %lt3A_401 {add = true} : memref<8x2048xf32, #tpu.memory_space<vmem>>[vector<16xi32>, vector<16xi32>], vector<16xf32>, vector<16xi1>
      %gather3A_414 = tpu.vector_load_idx %arg10[%add3A_102, %get3A_404] masked %lt3A_401 : memref<8x8192xf32, #tpu.memory_space<vmem>>[vector<16xi32>, vector<16xi32>], vector<16xf32>, vector<16xi1>
      tpu.vector_store_idx %arg11[%add3A_102, %get3A_408], %gather3A_414 masked %lt3A_401 {add = true} : memref<8x2048xf32, #tpu.memory_space<vmem>>[vector<16xi32>, vector<16xi32>], vector<16xf32>, vector<16xi1>
      %gather3A_415 = tpu.vector_load_idx %arg10[%add3A_108, %get3A_404] masked %lt3A_401 : memref<8x8192xf32, #tpu.memory_space<vmem>>[vector<16xi32>, vector<16xi32>], vector<16xf32>, vector<16xi1>
      tpu.vector_store_idx %arg11[%add3A_108, %get3A_408], %gather3A_415 masked %lt3A_401 {add = true} : memref<8x2048xf32, #tpu.memory_space<vmem>>[vector<16xi32>, vector<16xi32>], vector<16xf32>, vector<16xi1>
    }
    %mul3A_172 = arith.constant 8 : i32
    %mul3A_173 = arith.muli %sub3A_19, %mul3A_172 : i32
    %dma_start3A_174 = arith.constant 16384 : i32
    %dma_start3A_175 = tpu.memref_slice %arg3[%select_n3A, %mul3A_173, %dma_start3A_174] : memref<4x64x65536xf32, #tpu.memory_space<hbm>> -> memref<1x8x8192xf32, #tpu.memory_space<hbm>>
    %dma_start3A_176 = tpu.memref_squeeze %dma_start3A_175 : memref<1x8x8192xf32, #tpu.memory_space<hbm>> -> memref<8x8192xf32, #tpu.memory_space<hbm>>
    %dma_start3A_177 = arith.constant 16384 : i32
    %dma_start3A_178 = tpu.memref_slice %arg3[%select_n3A, %mul3A_173, %dma_start3A_177] : memref<4x64x65536xf32, #tpu.memory_space<hbm>> -> memref<1x8x8192xf32, #tpu.memory_space<hbm>>
    %dma_start3A_179 = tpu.memref_squeeze %dma_start3A_178 : memref<1x8x8192xf32, #tpu.memory_space<hbm>> -> memref<8x8192xf32, #tpu.memory_space<hbm>>
    tpu.enqueue_dma source(%dma_start3A_179 : memref<8x8192xf32, #tpu.memory_space<hbm>>) target(%arg10 : memref<8x8192xf32, #tpu.memory_space<vmem>>) target_semaphore(%arg12 : memref<!tpu.dma_semaphore, #tpu.memory_space<semaphore_mem>>)
    %scan3A_180 = arith.constant 0 : i32
    %scan3A_181 = arith.constant 0 : i32
    %scan3A_182 = arith.constant 256 : i32
    %scan3A_183 = arith.addi %scan3A_181, %scan3A_182 : i32
    %scan3A_184 = arith.constant 4 : i32
    %scan3A_185 = scf.for %scan3A_396 = %scan3A_181 to %scan3A_183 step %scan3A_184 iter_args(%scan3A_397 = %scan3A_180) -> (i32)  : i32 {
      %mul3A_398 = arith.constant 16 : i32
      %mul3A_399 = arith.muli %scan3A_396, %mul3A_398 : i32
      %get3A = arith.index_cast %mul3A_399 : i32 to index
      %get3A_400 = tpu.vector_load %arg6[%get3A] {strides = array<i32>} : memref<4096xi32, #tpu.memory_space<vmem>>, vector<16xi32>,
      %mul3A_401 = arith.constant 16 : i32
      %mul3A_402 = arith.muli %scan3A_396, %mul3A_401 : i32
      %get3A_403 = arith.index_cast %mul3A_402 : i32 to index
      %get3A_404 = tpu.vector_load %arg7[%get3A_403] {strides = array<i32>} : memref<4096xi32, #tpu.memory_space<vmem>>, vector<16xi32>,
      %shift_right_arithmetic3A_405 = arith.constant 13 : i32
      %shift_right_arithmetic3A_406 = vector.broadcast %shift_right_arithmetic3A_405 : i32 to vector<16xi32>
      %shift_right_arithmetic3A_407 = arith.shrsi %get3A_400, %shift_right_arithmetic3A_406 : vector<16xi32>
      %eq3A_408 = arith.constant 2 : i32
      %eq3A_409 = vector.broadcast %eq3A_408 : i32 to vector<16xi32>
      %eq3A_410 = arith.cmpi eq, %shift_right_arithmetic3A_407, %eq3A_409 : vector<16xi32>
      %convert_element_type3A = arith.extui %eq3A_410 : vector<16xi1> to vector<16xi32>
      %broadcast_in_dim3A_411 = arith.constant true
      %broadcast_in_dim3A_412 = vector.broadcast %broadcast_in_dim3A_411 : i1 to vector<16xi1>
      %masked_cumsum3A = tpu.scan <sum>, %convert_element_type3A masked %broadcast_in_dim3A_412 : vector<16xi32>, vector<16xi1> -> vector<16xi32>
      %add3A_413 = vector.broadcast %scan3A_397 : i32 to vector<16xi32>
      %add3A_414 = arith.addi %add3A_413, %masked_cumsum3A : vector<16xi32>
      %sub3A_415 = arith.constant 1 : i32
      %sub3A_416 = vector.broadcast %sub3A_415 : i32 to vector<16xi32>
      %sub3A_417 = arith.subi %add3A_414, %sub3A_416 : vector<16xi32>
      %and3A_418 = arith.constant 8191 : i32
      %and3A_419 = vector.broadcast %and3A_418 : i32 to vector<16xi32>
      %and3A_420 = arith.andi %get3A_400, %and3A_419 : vector<16xi32>
      tpu.vector_store_idx %arg8[%sub3A_417], %and3A_420 masked %eq3A_410 : memref<4112xi32, #tpu.memory_space<vmem>>[vector<16xi32>], vector<16xi32>, vector<16xi1>
      tpu.vector_store_idx %arg9[%sub3A_417], %get3A_404 masked %eq3A_410 : memref<4112xi32, #tpu.memory_space<vmem>>[vector<16xi32>], vector<16xi32>, vector<16xi1>
      %slice3A = vector.extract_strided_slice %masked_cumsum3A {offsets = [15], sizes = [1], strides = [1]} : vector<16xi32> to vector<1xi32>
      %squeeze3A = vector.extract %slice3A[0] : i32 from vector<1xi32>
      %add3A_421 = arith.addi %scan3A_397, %squeeze3A : i32
      %scan3A_422 = arith.constant 1 : i32
      %scan3A_423 = arith.addi %scan3A_396, %scan3A_422 : i32
      %mul3A_424 = arith.constant 16 : i32
      %mul3A_425 = arith.muli %scan3A_423, %mul3A_424 : i32
      %get3A_426 = arith.index_cast %mul3A_425 : i32 to index
      %get3A_427 = tpu.vector_load %arg6[%get3A_426] {strides = array<i32>} : memref<4096xi32, #tpu.memory_space<vmem>>, vector<16xi32>,
      %mul3A_428 = arith.constant 16 : i32
      %mul3A_429 = arith.muli %scan3A_423, %mul3A_428 : i32
      %get3A_430 = arith.index_cast %mul3A_429 : i32 to index
      %get3A_431 = tpu.vector_load %arg7[%get3A_430] {strides = array<i32>} : memref<4096xi32, #tpu.memory_space<vmem>>, vector<16xi32>,
      %shift_right_arithmetic3A_432 = arith.constant 13 : i32
      %shift_right_arithmetic3A_433 = vector.broadcast %shift_right_arithmetic3A_432 : i32 to vector<16xi32>
      %shift_right_arithmetic3A_434 = arith.shrsi %get3A_427, %shift_right_arithmetic3A_433 : vector<16xi32>
      %eq3A_435 = arith.constant 2 : i32
      %eq3A_436 = vector.broadcast %eq3A_435 : i32 to vector<16xi32>
      %eq3A_437 = arith.cmpi eq, %shift_right_arithmetic3A_434, %eq3A_436 : vector<16xi32>
      %convert_element_type3A_438 = arith.extui %eq3A_437 : vector<16xi1> to vector<16xi32>
      %broadcast_in_dim3A_439 = arith.constant true
      %broadcast_in_dim3A_440 = vector.broadcast %broadcast_in_dim3A_439 : i1 to vector<16xi1>
      %masked_cumsum3A_441 = tpu.scan <sum>, %convert_element_type3A_438 masked %broadcast_in_dim3A_440 : vector<16xi32>, vector<16xi1> -> vector<16xi32>
      %add3A_442 = vector.broadcast %add3A_421 : i32 to vector<16xi32>
      %add3A_443 = arith.addi %add3A_442, %masked_cumsum3A_441 : vector<16xi32>
      %sub3A_444 = arith.constant 1 : i32
      %sub3A_445 = vector.broadcast %sub3A_444 : i32 to vector<16xi32>
      %sub3A_446 = arith.subi %add3A_443, %sub3A_445 : vector<16xi32>
      %and3A_447 = arith.constant 8191 : i32
      %and3A_448 = vector.broadcast %and3A_447 : i32 to vector<16xi32>
      %and3A_449 = arith.andi %get3A_427, %and3A_448 : vector<16xi32>
      tpu.vector_store_idx %arg8[%sub3A_446], %and3A_449 masked %eq3A_437 : memref<4112xi32, #tpu.memory_space<vmem>>[vector<16xi32>], vector<16xi32>, vector<16xi1>
      tpu.vector_store_idx %arg9[%sub3A_446], %get3A_431 masked %eq3A_437 : memref<4112xi32, #tpu.memory_space<vmem>>[vector<16xi32>], vector<16xi32>, vector<16xi1>
      %slice3A_450 = vector.extract_strided_slice %masked_cumsum3A_441 {offsets = [15], sizes = [1], strides = [1]} : vector<16xi32> to vector<1xi32>
      %squeeze3A_451 = vector.extract %slice3A_450[0] : i32 from vector<1xi32>
      %add3A_452 = arith.addi %add3A_421, %squeeze3A_451 : i32
      %scan3A_453 = arith.constant 2 : i32
      %scan3A_454 = arith.addi %scan3A_396, %scan3A_453 : i32
      %mul3A_455 = arith.constant 16 : i32
      %mul3A_456 = arith.muli %scan3A_454, %mul3A_455 : i32
      %get3A_457 = arith.index_cast %mul3A_456 : i32 to index
      %get3A_458 = tpu.vector_load %arg6[%get3A_457] {strides = array<i32>} : memref<4096xi32, #tpu.memory_space<vmem>>, vector<16xi32>,
      %mul3A_459 = arith.constant 16 : i32
      %mul3A_460 = arith.muli %scan3A_454, %mul3A_459 : i32
      %get3A_461 = arith.index_cast %mul3A_460 : i32 to index
      %get3A_462 = tpu.vector_load %arg7[%get3A_461] {strides = array<i32>} : memref<4096xi32, #tpu.memory_space<vmem>>, vector<16xi32>,
      %shift_right_arithmetic3A_463 = arith.constant 13 : i32
      %shift_right_arithmetic3A_464 = vector.broadcast %shift_right_arithmetic3A_463 : i32 to vector<16xi32>
      %shift_right_arithmetic3A_465 = arith.shrsi %get3A_458, %shift_right_arithmetic3A_464 : vector<16xi32>
      %eq3A_466 = arith.constant 2 : i32
      %eq3A_467 = vector.broadcast %eq3A_466 : i32 to vector<16xi32>
      %eq3A_468 = arith.cmpi eq, %shift_right_arithmetic3A_465, %eq3A_467 : vector<16xi32>
      %convert_element_type3A_469 = arith.extui %eq3A_468 : vector<16xi1> to vector<16xi32>
      %broadcast_in_dim3A_470 = arith.constant true
      %broadcast_in_dim3A_471 = vector.broadcast %broadcast_in_dim3A_470 : i1 to vector<16xi1>
      %masked_cumsum3A_472 = tpu.scan <sum>, %convert_element_type3A_469 masked %broadcast_in_dim3A_471 : vector<16xi32>, vector<16xi1> -> vector<16xi32>
      %add3A_473 = vector.broadcast %add3A_452 : i32 to vector<16xi32>
      %add3A_474 = arith.addi %add3A_473, %masked_cumsum3A_472 : vector<16xi32>
      %sub3A_475 = arith.constant 1 : i32
      %sub3A_476 = vector.broadcast %sub3A_475 : i32 to vector<16xi32>
      %sub3A_477 = arith.subi %add3A_474, %sub3A_476 : vector<16xi32>
      %and3A_478 = arith.constant 8191 : i32
      %and3A_479 = vector.broadcast %and3A_478 : i32 to vector<16xi32>
      %and3A_480 = arith.andi %get3A_458, %and3A_479 : vector<16xi32>
      tpu.vector_store_idx %arg8[%sub3A_477], %and3A_480 masked %eq3A_468 : memref<4112xi32, #tpu.memory_space<vmem>>[vector<16xi32>], vector<16xi32>, vector<16xi1>
      tpu.vector_store_idx %arg9[%sub3A_477], %get3A_462 masked %eq3A_468 : memref<4112xi32, #tpu.memory_space<vmem>>[vector<16xi32>], vector<16xi32>, vector<16xi1>
      %slice3A_481 = vector.extract_strided_slice %masked_cumsum3A_472 {offsets = [15], sizes = [1], strides = [1]} : vector<16xi32> to vector<1xi32>
      %squeeze3A_482 = vector.extract %slice3A_481[0] : i32 from vector<1xi32>
      %add3A_483 = arith.addi %add3A_452, %squeeze3A_482 : i32
      %scan3A_484 = arith.constant 3 : i32
      %scan3A_485 = arith.addi %scan3A_396, %scan3A_484 : i32
      %mul3A_486 = arith.constant 16 : i32
      %mul3A_487 = arith.muli %scan3A_485, %mul3A_486 : i32
      %get3A_488 = arith.index_cast %mul3A_487 : i32 to index
      %get3A_489 = tpu.vector_load %arg6[%get3A_488] {strides = array<i32>} : memref<4096xi32, #tpu.memory_space<vmem>>, vector<16xi32>,
      %mul3A_490 = arith.constant 16 : i32
      %mul3A_491 = arith.muli %scan3A_485, %mul3A_490 : i32
      %get3A_492 = arith.index_cast %mul3A_491 : i32 to index
      %get3A_493 = tpu.vector_load %arg7[%get3A_492] {strides = array<i32>} : memref<4096xi32, #tpu.memory_space<vmem>>, vector<16xi32>,
      %shift_right_arithmetic3A_494 = arith.constant 13 : i32
      %shift_right_arithmetic3A_495 = vector.broadcast %shift_right_arithmetic3A_494 : i32 to vector<16xi32>
      %shift_right_arithmetic3A_496 = arith.shrsi %get3A_489, %shift_right_arithmetic3A_495 : vector<16xi32>
      %eq3A_497 = arith.constant 2 : i32
      %eq3A_498 = vector.broadcast %eq3A_497 : i32 to vector<16xi32>
      %eq3A_499 = arith.cmpi eq, %shift_right_arithmetic3A_496, %eq3A_498 : vector<16xi32>
      %convert_element_type3A_500 = arith.extui %eq3A_499 : vector<16xi1> to vector<16xi32>
      %broadcast_in_dim3A_501 = arith.constant true
      %broadcast_in_dim3A_502 = vector.broadcast %broadcast_in_dim3A_501 : i1 to vector<16xi1>
      %masked_cumsum3A_503 = tpu.scan <sum>, %convert_element_type3A_500 masked %broadcast_in_dim3A_502 : vector<16xi32>, vector<16xi1> -> vector<16xi32>
      %add3A_504 = vector.broadcast %add3A_483 : i32 to vector<16xi32>
      %add3A_505 = arith.addi %add3A_504, %masked_cumsum3A_503 : vector<16xi32>
      %sub3A_506 = arith.constant 1 : i32
      %sub3A_507 = vector.broadcast %sub3A_506 : i32 to vector<16xi32>
      %sub3A_508 = arith.subi %add3A_505, %sub3A_507 : vector<16xi32>
      %and3A_509 = arith.constant 8191 : i32
      %and3A_510 = vector.broadcast %and3A_509 : i32 to vector<16xi32>
      %and3A_511 = arith.andi %get3A_489, %and3A_510 : vector<16xi32>
      tpu.vector_store_idx %arg8[%sub3A_508], %and3A_511 masked %eq3A_499 : memref<4112xi32, #tpu.memory_space<vmem>>[vector<16xi32>], vector<16xi32>, vector<16xi1>
      tpu.vector_store_idx %arg9[%sub3A_508], %get3A_493 masked %eq3A_499 : memref<4112xi32, #tpu.memory_space<vmem>>[vector<16xi32>], vector<16xi32>, vector<16xi1>
      %slice3A_512 = vector.extract_strided_slice %masked_cumsum3A_503 {offsets = [15], sizes = [1], strides = [1]} : vector<16xi32> to vector<1xi32>
      %squeeze3A_513 = vector.extract %slice3A_512[0] : i32 from vector<1xi32>
      %add3A_514 = arith.addi %add3A_483, %squeeze3A_513 : i32
      scf.yield %add3A_514 : i32
    }
    %scan3A_186 = arith.constant 256 : i32
    %dma_wait3A_187 = arith.constant 16384 : i32
    %dma_wait3A_188 = tpu.memref_slice %arg3[%select_n3A, %mul3A_173, %dma_wait3A_187] : memref<4x64x65536xf32, #tpu.memory_space<hbm>> -> memref<1x8x8192xf32, #tpu.memory_space<hbm>>
    %dma_wait3A_189 = tpu.memref_squeeze %dma_wait3A_188 : memref<1x8x8192xf32, #tpu.memory_space<hbm>> -> memref<8x8192xf32, #tpu.memory_space<hbm>>
    %dma_wait3A_190 = arith.constant 16384 : i32
    %dma_wait3A_191 = tpu.memref_slice %arg3[%select_n3A, %mul3A_173, %dma_wait3A_190] : memref<4x64x65536xf32, #tpu.memory_space<hbm>> -> memref<1x8x8192xf32, #tpu.memory_space<hbm>>
    %dma_wait3A_192 = tpu.memref_squeeze %dma_wait3A_191 : memref<1x8x8192xf32, #tpu.memory_space<hbm>> -> memref<8x8192xf32, #tpu.memory_space<hbm>>
    tpu.wait_dma2 semaphore(%arg12 : memref<!tpu.dma_semaphore, #tpu.memory_space<semaphore_mem>>) src(%dma_wait3A_192 : memref<8x8192xf32, #tpu.memory_space<hbm>>) dst(%arg10 : memref<8x8192xf32, #tpu.memory_space<vmem>>)
    %add3A_193 = arith.constant 16 : i32
    %add3A_194 = arith.addi %scan3A_185, %add3A_193 : i32
    %sub3A_195 = arith.constant 1 : i32
    %sub3A_196 = arith.subi %add3A_194, %sub3A_195 : i32
    %shift_right_arithmetic3A_197 = arith.constant 4 : i32
    %shift_right_arithmetic3A_198 = arith.shrsi %sub3A_196, %shift_right_arithmetic3A_197 : i32
    %while3A_199 = arith.constant 0 : i32
    %while3A_200 = arith.constant 0 : i32
    %while3A_201 = arith.subi %shift_right_arithmetic3A_198, %while3A_200 : i32
    %while3A_202 = arith.addi %while3A_200, %while3A_201 : i32
    %while3A_203 = arith.constant 1 : i32
    %while3A_204 = arith.divsi %while3A_201, %while3A_203 : i32
    %while3A_205 = arith.muli %while3A_204, %while3A_203 : i32
    %while3A_206 = arith.addi %while3A_200, %while3A_205 : i32
    %while3A_207 = arith.constant 1 : i32
    scf.for %while3A_396 = %while3A_200 to %while3A_206 step %while3A_207  : i32 {
      %mul3A_397 = arith.constant 16 : i32
      %mul3A_398 = arith.muli %while3A_396, %mul3A_397 : i32
      %add3A_399 = vector.broadcast %mul3A_398 : i32 to vector<16xi32>
      %add3A_400 = arith.addi %add3A_399, %iota3A : vector<16xi32>
      %lt3A = vector.broadcast %scan3A_185 : i32 to vector<16xi32>
      %lt3A_401 = arith.cmpi slt, %add3A_400, %lt3A : vector<16xi32>
      %mul3A_402 = arith.constant 16 : i32
      %mul3A_403 = arith.muli %while3A_396, %mul3A_402 : i32
      %get3A = arith.index_cast %mul3A_403 : i32 to index
      %get3A_404 = tpu.vector_load %arg8[%get3A] {strides = array<i32>} : memref<4112xi32, #tpu.memory_space<vmem>>, vector<16xi32>,
      %mul3A_405 = arith.constant 16 : i32
      %mul3A_406 = arith.muli %while3A_396, %mul3A_405 : i32
      %get3A_407 = arith.index_cast %mul3A_406 : i32 to index
      %get3A_408 = tpu.vector_load %arg9[%get3A_407] {strides = array<i32>} : memref<4112xi32, #tpu.memory_space<vmem>>, vector<16xi32>,
      %gather3A = tpu.vector_load_idx %arg10[%add3A_66, %get3A_404] masked %lt3A_401 : memref<8x8192xf32, #tpu.memory_space<vmem>>[vector<16xi32>, vector<16xi32>], vector<16xf32>, vector<16xi1>
      tpu.vector_store_idx %arg11[%add3A_66, %get3A_408], %gather3A masked %lt3A_401 {add = true} : memref<8x2048xf32, #tpu.memory_space<vmem>>[vector<16xi32>, vector<16xi32>], vector<16xf32>, vector<16xi1>
      %gather3A_409 = tpu.vector_load_idx %arg10[%add3A_72, %get3A_404] masked %lt3A_401 : memref<8x8192xf32, #tpu.memory_space<vmem>>[vector<16xi32>, vector<16xi32>], vector<16xf32>, vector<16xi1>
      tpu.vector_store_idx %arg11[%add3A_72, %get3A_408], %gather3A_409 masked %lt3A_401 {add = true} : memref<8x2048xf32, #tpu.memory_space<vmem>>[vector<16xi32>, vector<16xi32>], vector<16xf32>, vector<16xi1>
      %gather3A_410 = tpu.vector_load_idx %arg10[%add3A_78, %get3A_404] masked %lt3A_401 : memref<8x8192xf32, #tpu.memory_space<vmem>>[vector<16xi32>, vector<16xi32>], vector<16xf32>, vector<16xi1>
      tpu.vector_store_idx %arg11[%add3A_78, %get3A_408], %gather3A_410 masked %lt3A_401 {add = true} : memref<8x2048xf32, #tpu.memory_space<vmem>>[vector<16xi32>, vector<16xi32>], vector<16xf32>, vector<16xi1>
      %gather3A_411 = tpu.vector_load_idx %arg10[%add3A_84, %get3A_404] masked %lt3A_401 : memref<8x8192xf32, #tpu.memory_space<vmem>>[vector<16xi32>, vector<16xi32>], vector<16xf32>, vector<16xi1>
      tpu.vector_store_idx %arg11[%add3A_84, %get3A_408], %gather3A_411 masked %lt3A_401 {add = true} : memref<8x2048xf32, #tpu.memory_space<vmem>>[vector<16xi32>, vector<16xi32>], vector<16xf32>, vector<16xi1>
      %gather3A_412 = tpu.vector_load_idx %arg10[%add3A_90, %get3A_404] masked %lt3A_401 : memref<8x8192xf32, #tpu.memory_space<vmem>>[vector<16xi32>, vector<16xi32>], vector<16xf32>, vector<16xi1>
      tpu.vector_store_idx %arg11[%add3A_90, %get3A_408], %gather3A_412 masked %lt3A_401 {add = true} : memref<8x2048xf32, #tpu.memory_space<vmem>>[vector<16xi32>, vector<16xi32>], vector<16xf32>, vector<16xi1>
      %gather3A_413 = tpu.vector_load_idx %arg10[%add3A_96, %get3A_404] masked %lt3A_401 : memref<8x8192xf32, #tpu.memory_space<vmem>>[vector<16xi32>, vector<16xi32>], vector<16xf32>, vector<16xi1>
      tpu.vector_store_idx %arg11[%add3A_96, %get3A_408], %gather3A_413 masked %lt3A_401 {add = true} : memref<8x2048xf32, #tpu.memory_space<vmem>>[vector<16xi32>, vector<16xi32>], vector<16xf32>, vector<16xi1>
      %gather3A_414 = tpu.vector_load_idx %arg10[%add3A_102, %get3A_404] masked %lt3A_401 : memref<8x8192xf32, #tpu.memory_space<vmem>>[vector<16xi32>, vector<16xi32>], vector<16xf32>, vector<16xi1>
      tpu.vector_store_idx %arg11[%add3A_102, %get3A_408], %gather3A_414 masked %lt3A_401 {add = true} : memref<8x2048xf32, #tpu.memory_space<vmem>>[vector<16xi32>, vector<16xi32>], vector<16xf32>, vector<16xi1>
      %gather3A_415 = tpu.vector_load_idx %arg10[%add3A_108, %get3A_404] masked %lt3A_401 : memref<8x8192xf32, #tpu.memory_space<vmem>>[vector<16xi32>, vector<16xi32>], vector<16xf32>, vector<16xi1>
      tpu.vector_store_idx %arg11[%add3A_108, %get3A_408], %gather3A_415 masked %lt3A_401 {add = true} : memref<8x2048xf32, #tpu.memory_space<vmem>>[vector<16xi32>, vector<16xi32>], vector<16xf32>, vector<16xi1>
    }
    %while3A_208 = arith.constant 1 : i32
    scf.for %while3A_396 = %while3A_206 to %while3A_202 step %while3A_208  : i32 {
      %mul3A_397 = arith.constant 16 : i32
      %mul3A_398 = arith.muli %while3A_396, %mul3A_397 : i32
      %add3A_399 = vector.broadcast %mul3A_398 : i32 to vector<16xi32>
      %add3A_400 = arith.addi %add3A_399, %iota3A : vector<16xi32>
      %lt3A = vector.broadcast %scan3A_185 : i32 to vector<16xi32>
      %lt3A_401 = arith.cmpi slt, %add3A_400, %lt3A : vector<16xi32>
      %mul3A_402 = arith.constant 16 : i32
      %mul3A_403 = arith.muli %while3A_396, %mul3A_402 : i32
      %get3A = arith.index_cast %mul3A_403 : i32 to index
      %get3A_404 = tpu.vector_load %arg8[%get3A] {strides = array<i32>} : memref<4112xi32, #tpu.memory_space<vmem>>, vector<16xi32>,
      %mul3A_405 = arith.constant 16 : i32
      %mul3A_406 = arith.muli %while3A_396, %mul3A_405 : i32
      %get3A_407 = arith.index_cast %mul3A_406 : i32 to index
      %get3A_408 = tpu.vector_load %arg9[%get3A_407] {strides = array<i32>} : memref<4112xi32, #tpu.memory_space<vmem>>, vector<16xi32>,
      %gather3A = tpu.vector_load_idx %arg10[%add3A_66, %get3A_404] masked %lt3A_401 : memref<8x8192xf32, #tpu.memory_space<vmem>>[vector<16xi32>, vector<16xi32>], vector<16xf32>, vector<16xi1>
      tpu.vector_store_idx %arg11[%add3A_66, %get3A_408], %gather3A masked %lt3A_401 {add = true} : memref<8x2048xf32, #tpu.memory_space<vmem>>[vector<16xi32>, vector<16xi32>], vector<16xf32>, vector<16xi1>
      %gather3A_409 = tpu.vector_load_idx %arg10[%add3A_72, %get3A_404] masked %lt3A_401 : memref<8x8192xf32, #tpu.memory_space<vmem>>[vector<16xi32>, vector<16xi32>], vector<16xf32>, vector<16xi1>
      tpu.vector_store_idx %arg11[%add3A_72, %get3A_408], %gather3A_409 masked %lt3A_401 {add = true} : memref<8x2048xf32, #tpu.memory_space<vmem>>[vector<16xi32>, vector<16xi32>], vector<16xf32>, vector<16xi1>
      %gather3A_410 = tpu.vector_load_idx %arg10[%add3A_78, %get3A_404] masked %lt3A_401 : memref<8x8192xf32, #tpu.memory_space<vmem>>[vector<16xi32>, vector<16xi32>], vector<16xf32>, vector<16xi1>
      tpu.vector_store_idx %arg11[%add3A_78, %get3A_408], %gather3A_410 masked %lt3A_401 {add = true} : memref<8x2048xf32, #tpu.memory_space<vmem>>[vector<16xi32>, vector<16xi32>], vector<16xf32>, vector<16xi1>
      %gather3A_411 = tpu.vector_load_idx %arg10[%add3A_84, %get3A_404] masked %lt3A_401 : memref<8x8192xf32, #tpu.memory_space<vmem>>[vector<16xi32>, vector<16xi32>], vector<16xf32>, vector<16xi1>
      tpu.vector_store_idx %arg11[%add3A_84, %get3A_408], %gather3A_411 masked %lt3A_401 {add = true} : memref<8x2048xf32, #tpu.memory_space<vmem>>[vector<16xi32>, vector<16xi32>], vector<16xf32>, vector<16xi1>
      %gather3A_412 = tpu.vector_load_idx %arg10[%add3A_90, %get3A_404] masked %lt3A_401 : memref<8x8192xf32, #tpu.memory_space<vmem>>[vector<16xi32>, vector<16xi32>], vector<16xf32>, vector<16xi1>
      tpu.vector_store_idx %arg11[%add3A_90, %get3A_408], %gather3A_412 masked %lt3A_401 {add = true} : memref<8x2048xf32, #tpu.memory_space<vmem>>[vector<16xi32>, vector<16xi32>], vector<16xf32>, vector<16xi1>
      %gather3A_413 = tpu.vector_load_idx %arg10[%add3A_96, %get3A_404] masked %lt3A_401 : memref<8x8192xf32, #tpu.memory_space<vmem>>[vector<16xi32>, vector<16xi32>], vector<16xf32>, vector<16xi1>
      tpu.vector_store_idx %arg11[%add3A_96, %get3A_408], %gather3A_413 masked %lt3A_401 {add = true} : memref<8x2048xf32, #tpu.memory_space<vmem>>[vector<16xi32>, vector<16xi32>], vector<16xf32>, vector<16xi1>
      %gather3A_414 = tpu.vector_load_idx %arg10[%add3A_102, %get3A_404] masked %lt3A_401 : memref<8x8192xf32, #tpu.memory_space<vmem>>[vector<16xi32>, vector<16xi32>], vector<16xf32>, vector<16xi1>
      tpu.vector_store_idx %arg11[%add3A_102, %get3A_408], %gather3A_414 masked %lt3A_401 {add = true} : memref<8x2048xf32, #tpu.memory_space<vmem>>[vector<16xi32>, vector<16xi32>], vector<16xf32>, vector<16xi1>
      %gather3A_415 = tpu.vector_load_idx %arg10[%add3A_108, %get3A_404] masked %lt3A_401 : memref<8x8192xf32, #tpu.memory_space<vmem>>[vector<16xi32>, vector<16xi32>], vector<16xf32>, vector<16xi1>
      tpu.vector_store_idx %arg11[%add3A_108, %get3A_408], %gather3A_415 masked %lt3A_401 {add = true} : memref<8x2048xf32, #tpu.memory_space<vmem>>[vector<16xi32>, vector<16xi32>], vector<16xf32>, vector<16xi1>
    }
    %mul3A_209 = arith.constant 8 : i32
    %mul3A_210 = arith.muli %sub3A_19, %mul3A_209 : i32
    %dma_start3A_211 = arith.constant 24576 : i32
    %dma_start3A_212 = tpu.memref_slice %arg3[%select_n3A, %mul3A_210, %dma_start3A_211] : memref<4x64x65536xf32, #tpu.memory_space<hbm>> -> memref<1x8x8192xf32, #tpu.memory_space<hbm>>
    %dma_start3A_213 = tpu.memref_squeeze %dma_start3A_212 : memref<1x8x8192xf32, #tpu.memory_space<hbm>> -> memref<8x8192xf32, #tpu.memory_space<hbm>>
    %dma_start3A_214 = arith.constant 24576 : i32
    %dma_start3A_215 = tpu.memref_slice %arg3[%select_n3A, %mul3A_210, %dma_start3A_214] : memref<4x64x65536xf32, #tpu.memory_space<hbm>> -> memref<1x8x8192xf32, #tpu.memory_space<hbm>>
    %dma_start3A_216 = tpu.memref_squeeze %dma_start3A_215 : memref<1x8x8192xf32, #tpu.memory_space<hbm>> -> memref<8x8192xf32, #tpu.memory_space<hbm>>
    tpu.enqueue_dma source(%dma_start3A_216 : memref<8x8192xf32, #tpu.memory_space<hbm>>) target(%arg10 : memref<8x8192xf32, #tpu.memory_space<vmem>>) target_semaphore(%arg12 : memref<!tpu.dma_semaphore, #tpu.memory_space<semaphore_mem>>)
    %scan3A_217 = arith.constant 0 : i32
    %scan3A_218 = arith.constant 0 : i32
    %scan3A_219 = arith.constant 256 : i32
    %scan3A_220 = arith.addi %scan3A_218, %scan3A_219 : i32
    %scan3A_221 = arith.constant 4 : i32
    %scan3A_222 = scf.for %scan3A_396 = %scan3A_218 to %scan3A_220 step %scan3A_221 iter_args(%scan3A_397 = %scan3A_217) -> (i32)  : i32 {
      %mul3A_398 = arith.constant 16 : i32
      %mul3A_399 = arith.muli %scan3A_396, %mul3A_398 : i32
      %get3A = arith.index_cast %mul3A_399 : i32 to index
      %get3A_400 = tpu.vector_load %arg6[%get3A] {strides = array<i32>} : memref<4096xi32, #tpu.memory_space<vmem>>, vector<16xi32>,
      %mul3A_401 = arith.constant 16 : i32
      %mul3A_402 = arith.muli %scan3A_396, %mul3A_401 : i32
      %get3A_403 = arith.index_cast %mul3A_402 : i32 to index
      %get3A_404 = tpu.vector_load %arg7[%get3A_403] {strides = array<i32>} : memref<4096xi32, #tpu.memory_space<vmem>>, vector<16xi32>,
      %shift_right_arithmetic3A_405 = arith.constant 13 : i32
      %shift_right_arithmetic3A_406 = vector.broadcast %shift_right_arithmetic3A_405 : i32 to vector<16xi32>
      %shift_right_arithmetic3A_407 = arith.shrsi %get3A_400, %shift_right_arithmetic3A_406 : vector<16xi32>
      %eq3A_408 = arith.constant 3 : i32
      %eq3A_409 = vector.broadcast %eq3A_408 : i32 to vector<16xi32>
      %eq3A_410 = arith.cmpi eq, %shift_right_arithmetic3A_407, %eq3A_409 : vector<16xi32>
      %convert_element_type3A = arith.extui %eq3A_410 : vector<16xi1> to vector<16xi32>
      %broadcast_in_dim3A_411 = arith.constant true
      %broadcast_in_dim3A_412 = vector.broadcast %broadcast_in_dim3A_411 : i1 to vector<16xi1>
      %masked_cumsum3A = tpu.scan <sum>, %convert_element_type3A masked %broadcast_in_dim3A_412 : vector<16xi32>, vector<16xi1> -> vector<16xi32>
      %add3A_413 = vector.broadcast %scan3A_397 : i32 to vector<16xi32>
      %add3A_414 = arith.addi %add3A_413, %masked_cumsum3A : vector<16xi32>
      %sub3A_415 = arith.constant 1 : i32
      %sub3A_416 = vector.broadcast %sub3A_415 : i32 to vector<16xi32>
      %sub3A_417 = arith.subi %add3A_414, %sub3A_416 : vector<16xi32>
      %and3A_418 = arith.constant 8191 : i32
      %and3A_419 = vector.broadcast %and3A_418 : i32 to vector<16xi32>
      %and3A_420 = arith.andi %get3A_400, %and3A_419 : vector<16xi32>
      tpu.vector_store_idx %arg8[%sub3A_417], %and3A_420 masked %eq3A_410 : memref<4112xi32, #tpu.memory_space<vmem>>[vector<16xi32>], vector<16xi32>, vector<16xi1>
      tpu.vector_store_idx %arg9[%sub3A_417], %get3A_404 masked %eq3A_410 : memref<4112xi32, #tpu.memory_space<vmem>>[vector<16xi32>], vector<16xi32>, vector<16xi1>
      %slice3A = vector.extract_strided_slice %masked_cumsum3A {offsets = [15], sizes = [1], strides = [1]} : vector<16xi32> to vector<1xi32>
      %squeeze3A = vector.extract %slice3A[0] : i32 from vector<1xi32>
      %add3A_421 = arith.addi %scan3A_397, %squeeze3A : i32
      %scan3A_422 = arith.constant 1 : i32
      %scan3A_423 = arith.addi %scan3A_396, %scan3A_422 : i32
      %mul3A_424 = arith.constant 16 : i32
      %mul3A_425 = arith.muli %scan3A_423, %mul3A_424 : i32
      %get3A_426 = arith.index_cast %mul3A_425 : i32 to index
      %get3A_427 = tpu.vector_load %arg6[%get3A_426] {strides = array<i32>} : memref<4096xi32, #tpu.memory_space<vmem>>, vector<16xi32>,
      %mul3A_428 = arith.constant 16 : i32
      %mul3A_429 = arith.muli %scan3A_423, %mul3A_428 : i32
      %get3A_430 = arith.index_cast %mul3A_429 : i32 to index
      %get3A_431 = tpu.vector_load %arg7[%get3A_430] {strides = array<i32>} : memref<4096xi32, #tpu.memory_space<vmem>>, vector<16xi32>,
      %shift_right_arithmetic3A_432 = arith.constant 13 : i32
      %shift_right_arithmetic3A_433 = vector.broadcast %shift_right_arithmetic3A_432 : i32 to vector<16xi32>
      %shift_right_arithmetic3A_434 = arith.shrsi %get3A_427, %shift_right_arithmetic3A_433 : vector<16xi32>
      %eq3A_435 = arith.constant 3 : i32
      %eq3A_436 = vector.broadcast %eq3A_435 : i32 to vector<16xi32>
      %eq3A_437 = arith.cmpi eq, %shift_right_arithmetic3A_434, %eq3A_436 : vector<16xi32>
      %convert_element_type3A_438 = arith.extui %eq3A_437 : vector<16xi1> to vector<16xi32>
      %broadcast_in_dim3A_439 = arith.constant true
      %broadcast_in_dim3A_440 = vector.broadcast %broadcast_in_dim3A_439 : i1 to vector<16xi1>
      %masked_cumsum3A_441 = tpu.scan <sum>, %convert_element_type3A_438 masked %broadcast_in_dim3A_440 : vector<16xi32>, vector<16xi1> -> vector<16xi32>
      %add3A_442 = vector.broadcast %add3A_421 : i32 to vector<16xi32>
      %add3A_443 = arith.addi %add3A_442, %masked_cumsum3A_441 : vector<16xi32>
      %sub3A_444 = arith.constant 1 : i32
      %sub3A_445 = vector.broadcast %sub3A_444 : i32 to vector<16xi32>
      %sub3A_446 = arith.subi %add3A_443, %sub3A_445 : vector<16xi32>
      %and3A_447 = arith.constant 8191 : i32
      %and3A_448 = vector.broadcast %and3A_447 : i32 to vector<16xi32>
      %and3A_449 = arith.andi %get3A_427, %and3A_448 : vector<16xi32>
      tpu.vector_store_idx %arg8[%sub3A_446], %and3A_449 masked %eq3A_437 : memref<4112xi32, #tpu.memory_space<vmem>>[vector<16xi32>], vector<16xi32>, vector<16xi1>
      tpu.vector_store_idx %arg9[%sub3A_446], %get3A_431 masked %eq3A_437 : memref<4112xi32, #tpu.memory_space<vmem>>[vector<16xi32>], vector<16xi32>, vector<16xi1>
      %slice3A_450 = vector.extract_strided_slice %masked_cumsum3A_441 {offsets = [15], sizes = [1], strides = [1]} : vector<16xi32> to vector<1xi32>
      %squeeze3A_451 = vector.extract %slice3A_450[0] : i32 from vector<1xi32>
      %add3A_452 = arith.addi %add3A_421, %squeeze3A_451 : i32
      %scan3A_453 = arith.constant 2 : i32
      %scan3A_454 = arith.addi %scan3A_396, %scan3A_453 : i32
      %mul3A_455 = arith.constant 16 : i32
      %mul3A_456 = arith.muli %scan3A_454, %mul3A_455 : i32
      %get3A_457 = arith.index_cast %mul3A_456 : i32 to index
      %get3A_458 = tpu.vector_load %arg6[%get3A_457] {strides = array<i32>} : memref<4096xi32, #tpu.memory_space<vmem>>, vector<16xi32>,
      %mul3A_459 = arith.constant 16 : i32
      %mul3A_460 = arith.muli %scan3A_454, %mul3A_459 : i32
      %get3A_461 = arith.index_cast %mul3A_460 : i32 to index
      %get3A_462 = tpu.vector_load %arg7[%get3A_461] {strides = array<i32>} : memref<4096xi32, #tpu.memory_space<vmem>>, vector<16xi32>,
      %shift_right_arithmetic3A_463 = arith.constant 13 : i32
      %shift_right_arithmetic3A_464 = vector.broadcast %shift_right_arithmetic3A_463 : i32 to vector<16xi32>
      %shift_right_arithmetic3A_465 = arith.shrsi %get3A_458, %shift_right_arithmetic3A_464 : vector<16xi32>
      %eq3A_466 = arith.constant 3 : i32
      %eq3A_467 = vector.broadcast %eq3A_466 : i32 to vector<16xi32>
      %eq3A_468 = arith.cmpi eq, %shift_right_arithmetic3A_465, %eq3A_467 : vector<16xi32>
      %convert_element_type3A_469 = arith.extui %eq3A_468 : vector<16xi1> to vector<16xi32>
      %broadcast_in_dim3A_470 = arith.constant true
      %broadcast_in_dim3A_471 = vector.broadcast %broadcast_in_dim3A_470 : i1 to vector<16xi1>
      %masked_cumsum3A_472 = tpu.scan <sum>, %convert_element_type3A_469 masked %broadcast_in_dim3A_471 : vector<16xi32>, vector<16xi1> -> vector<16xi32>
      %add3A_473 = vector.broadcast %add3A_452 : i32 to vector<16xi32>
      %add3A_474 = arith.addi %add3A_473, %masked_cumsum3A_472 : vector<16xi32>
      %sub3A_475 = arith.constant 1 : i32
      %sub3A_476 = vector.broadcast %sub3A_475 : i32 to vector<16xi32>
      %sub3A_477 = arith.subi %add3A_474, %sub3A_476 : vector<16xi32>
      %and3A_478 = arith.constant 8191 : i32
      %and3A_479 = vector.broadcast %and3A_478 : i32 to vector<16xi32>
      %and3A_480 = arith.andi %get3A_458, %and3A_479 : vector<16xi32>
      tpu.vector_store_idx %arg8[%sub3A_477], %and3A_480 masked %eq3A_468 : memref<4112xi32, #tpu.memory_space<vmem>>[vector<16xi32>], vector<16xi32>, vector<16xi1>
      tpu.vector_store_idx %arg9[%sub3A_477], %get3A_462 masked %eq3A_468 : memref<4112xi32, #tpu.memory_space<vmem>>[vector<16xi32>], vector<16xi32>, vector<16xi1>
      %slice3A_481 = vector.extract_strided_slice %masked_cumsum3A_472 {offsets = [15], sizes = [1], strides = [1]} : vector<16xi32> to vector<1xi32>
      %squeeze3A_482 = vector.extract %slice3A_481[0] : i32 from vector<1xi32>
      %add3A_483 = arith.addi %add3A_452, %squeeze3A_482 : i32
      %scan3A_484 = arith.constant 3 : i32
      %scan3A_485 = arith.addi %scan3A_396, %scan3A_484 : i32
      %mul3A_486 = arith.constant 16 : i32
      %mul3A_487 = arith.muli %scan3A_485, %mul3A_486 : i32
      %get3A_488 = arith.index_cast %mul3A_487 : i32 to index
      %get3A_489 = tpu.vector_load %arg6[%get3A_488] {strides = array<i32>} : memref<4096xi32, #tpu.memory_space<vmem>>, vector<16xi32>,
      %mul3A_490 = arith.constant 16 : i32
      %mul3A_491 = arith.muli %scan3A_485, %mul3A_490 : i32
      %get3A_492 = arith.index_cast %mul3A_491 : i32 to index
      %get3A_493 = tpu.vector_load %arg7[%get3A_492] {strides = array<i32>} : memref<4096xi32, #tpu.memory_space<vmem>>, vector<16xi32>,
      %shift_right_arithmetic3A_494 = arith.constant 13 : i32
      %shift_right_arithmetic3A_495 = vector.broadcast %shift_right_arithmetic3A_494 : i32 to vector<16xi32>
      %shift_right_arithmetic3A_496 = arith.shrsi %get3A_489, %shift_right_arithmetic3A_495 : vector<16xi32>
      %eq3A_497 = arith.constant 3 : i32
      %eq3A_498 = vector.broadcast %eq3A_497 : i32 to vector<16xi32>
      %eq3A_499 = arith.cmpi eq, %shift_right_arithmetic3A_496, %eq3A_498 : vector<16xi32>
      %convert_element_type3A_500 = arith.extui %eq3A_499 : vector<16xi1> to vector<16xi32>
      %broadcast_in_dim3A_501 = arith.constant true
      %broadcast_in_dim3A_502 = vector.broadcast %broadcast_in_dim3A_501 : i1 to vector<16xi1>
      %masked_cumsum3A_503 = tpu.scan <sum>, %convert_element_type3A_500 masked %broadcast_in_dim3A_502 : vector<16xi32>, vector<16xi1> -> vector<16xi32>
      %add3A_504 = vector.broadcast %add3A_483 : i32 to vector<16xi32>
      %add3A_505 = arith.addi %add3A_504, %masked_cumsum3A_503 : vector<16xi32>
      %sub3A_506 = arith.constant 1 : i32
      %sub3A_507 = vector.broadcast %sub3A_506 : i32 to vector<16xi32>
      %sub3A_508 = arith.subi %add3A_505, %sub3A_507 : vector<16xi32>
      %and3A_509 = arith.constant 8191 : i32
      %and3A_510 = vector.broadcast %and3A_509 : i32 to vector<16xi32>
      %and3A_511 = arith.andi %get3A_489, %and3A_510 : vector<16xi32>
      tpu.vector_store_idx %arg8[%sub3A_508], %and3A_511 masked %eq3A_499 : memref<4112xi32, #tpu.memory_space<vmem>>[vector<16xi32>], vector<16xi32>, vector<16xi1>
      tpu.vector_store_idx %arg9[%sub3A_508], %get3A_493 masked %eq3A_499 : memref<4112xi32, #tpu.memory_space<vmem>>[vector<16xi32>], vector<16xi32>, vector<16xi1>
      %slice3A_512 = vector.extract_strided_slice %masked_cumsum3A_503 {offsets = [15], sizes = [1], strides = [1]} : vector<16xi32> to vector<1xi32>
      %squeeze3A_513 = vector.extract %slice3A_512[0] : i32 from vector<1xi32>
      %add3A_514 = arith.addi %add3A_483, %squeeze3A_513 : i32
      scf.yield %add3A_514 : i32
    }
    %scan3A_223 = arith.constant 256 : i32
    %dma_wait3A_224 = arith.constant 24576 : i32
    %dma_wait3A_225 = tpu.memref_slice %arg3[%select_n3A, %mul3A_210, %dma_wait3A_224] : memref<4x64x65536xf32, #tpu.memory_space<hbm>> -> memref<1x8x8192xf32, #tpu.memory_space<hbm>>
    %dma_wait3A_226 = tpu.memref_squeeze %dma_wait3A_225 : memref<1x8x8192xf32, #tpu.memory_space<hbm>> -> memref<8x8192xf32, #tpu.memory_space<hbm>>
    %dma_wait3A_227 = arith.constant 24576 : i32
    %dma_wait3A_228 = tpu.memref_slice %arg3[%select_n3A, %mul3A_210, %dma_wait3A_227] : memref<4x64x65536xf32, #tpu.memory_space<hbm>> -> memref<1x8x8192xf32, #tpu.memory_space<hbm>>
    %dma_wait3A_229 = tpu.memref_squeeze %dma_wait3A_228 : memref<1x8x8192xf32, #tpu.memory_space<hbm>> -> memref<8x8192xf32, #tpu.memory_space<hbm>>
    tpu.wait_dma2 semaphore(%arg12 : memref<!tpu.dma_semaphore, #tpu.memory_space<semaphore_mem>>) src(%dma_wait3A_229 : memref<8x8192xf32, #tpu.memory_space<hbm>>) dst(%arg10 : memref<8x8192xf32, #tpu.memory_space<vmem>>)
    %add3A_230 = arith.constant 16 : i32
    %add3A_231 = arith.addi %scan3A_222, %add3A_230 : i32
    %sub3A_232 = arith.constant 1 : i32
    %sub3A_233 = arith.subi %add3A_231, %sub3A_232 : i32
    %shift_right_arithmetic3A_234 = arith.constant 4 : i32
    %shift_right_arithmetic3A_235 = arith.shrsi %sub3A_233, %shift_right_arithmetic3A_234 : i32
    %while3A_236 = arith.constant 0 : i32
    %while3A_237 = arith.constant 0 : i32
    %while3A_238 = arith.subi %shift_right_arithmetic3A_235, %while3A_237 : i32
    %while3A_239 = arith.addi %while3A_237, %while3A_238 : i32
    %while3A_240 = arith.constant 1 : i32
    %while3A_241 = arith.divsi %while3A_238, %while3A_240 : i32
    %while3A_242 = arith.muli %while3A_241, %while3A_240 : i32
    %while3A_243 = arith.addi %while3A_237, %while3A_242 : i32
    %while3A_244 = arith.constant 1 : i32
    scf.for %while3A_396 = %while3A_237 to %while3A_243 step %while3A_244  : i32 {
      %mul3A_397 = arith.constant 16 : i32
      %mul3A_398 = arith.muli %while3A_396, %mul3A_397 : i32
      %add3A_399 = vector.broadcast %mul3A_398 : i32 to vector<16xi32>
      %add3A_400 = arith.addi %add3A_399, %iota3A : vector<16xi32>
      %lt3A = vector.broadcast %scan3A_222 : i32 to vector<16xi32>
      %lt3A_401 = arith.cmpi slt, %add3A_400, %lt3A : vector<16xi32>
      %mul3A_402 = arith.constant 16 : i32
      %mul3A_403 = arith.muli %while3A_396, %mul3A_402 : i32
      %get3A = arith.index_cast %mul3A_403 : i32 to index
      %get3A_404 = tpu.vector_load %arg8[%get3A] {strides = array<i32>} : memref<4112xi32, #tpu.memory_space<vmem>>, vector<16xi32>,
      %mul3A_405 = arith.constant 16 : i32
      %mul3A_406 = arith.muli %while3A_396, %mul3A_405 : i32
      %get3A_407 = arith.index_cast %mul3A_406 : i32 to index
      %get3A_408 = tpu.vector_load %arg9[%get3A_407] {strides = array<i32>} : memref<4112xi32, #tpu.memory_space<vmem>>, vector<16xi32>,
      %gather3A = tpu.vector_load_idx %arg10[%add3A_66, %get3A_404] masked %lt3A_401 : memref<8x8192xf32, #tpu.memory_space<vmem>>[vector<16xi32>, vector<16xi32>], vector<16xf32>, vector<16xi1>
      tpu.vector_store_idx %arg11[%add3A_66, %get3A_408], %gather3A masked %lt3A_401 {add = true} : memref<8x2048xf32, #tpu.memory_space<vmem>>[vector<16xi32>, vector<16xi32>], vector<16xf32>, vector<16xi1>
      %gather3A_409 = tpu.vector_load_idx %arg10[%add3A_72, %get3A_404] masked %lt3A_401 : memref<8x8192xf32, #tpu.memory_space<vmem>>[vector<16xi32>, vector<16xi32>], vector<16xf32>, vector<16xi1>
      tpu.vector_store_idx %arg11[%add3A_72, %get3A_408], %gather3A_409 masked %lt3A_401 {add = true} : memref<8x2048xf32, #tpu.memory_space<vmem>>[vector<16xi32>, vector<16xi32>], vector<16xf32>, vector<16xi1>
      %gather3A_410 = tpu.vector_load_idx %arg10[%add3A_78, %get3A_404] masked %lt3A_401 : memref<8x8192xf32, #tpu.memory_space<vmem>>[vector<16xi32>, vector<16xi32>], vector<16xf32>, vector<16xi1>
      tpu.vector_store_idx %arg11[%add3A_78, %get3A_408], %gather3A_410 masked %lt3A_401 {add = true} : memref<8x2048xf32, #tpu.memory_space<vmem>>[vector<16xi32>, vector<16xi32>], vector<16xf32>, vector<16xi1>
      %gather3A_411 = tpu.vector_load_idx %arg10[%add3A_84, %get3A_404] masked %lt3A_401 : memref<8x8192xf32, #tpu.memory_space<vmem>>[vector<16xi32>, vector<16xi32>], vector<16xf32>, vector<16xi1>
      tpu.vector_store_idx %arg11[%add3A_84, %get3A_408], %gather3A_411 masked %lt3A_401 {add = true} : memref<8x2048xf32, #tpu.memory_space<vmem>>[vector<16xi32>, vector<16xi32>], vector<16xf32>, vector<16xi1>
      %gather3A_412 = tpu.vector_load_idx %arg10[%add3A_90, %get3A_404] masked %lt3A_401 : memref<8x8192xf32, #tpu.memory_space<vmem>>[vector<16xi32>, vector<16xi32>], vector<16xf32>, vector<16xi1>
      tpu.vector_store_idx %arg11[%add3A_90, %get3A_408], %gather3A_412 masked %lt3A_401 {add = true} : memref<8x2048xf32, #tpu.memory_space<vmem>>[vector<16xi32>, vector<16xi32>], vector<16xf32>, vector<16xi1>
      %gather3A_413 = tpu.vector_load_idx %arg10[%add3A_96, %get3A_404] masked %lt3A_401 : memref<8x8192xf32, #tpu.memory_space<vmem>>[vector<16xi32>, vector<16xi32>], vector<16xf32>, vector<16xi1>
      tpu.vector_store_idx %arg11[%add3A_96, %get3A_408], %gather3A_413 masked %lt3A_401 {add = true} : memref<8x2048xf32, #tpu.memory_space<vmem>>[vector<16xi32>, vector<16xi32>], vector<16xf32>, vector<16xi1>
      %gather3A_414 = tpu.vector_load_idx %arg10[%add3A_102, %get3A_404] masked %lt3A_401 : memref<8x8192xf32, #tpu.memory_space<vmem>>[vector<16xi32>, vector<16xi32>], vector<16xf32>, vector<16xi1>
      tpu.vector_store_idx %arg11[%add3A_102, %get3A_408], %gather3A_414 masked %lt3A_401 {add = true} : memref<8x2048xf32, #tpu.memory_space<vmem>>[vector<16xi32>, vector<16xi32>], vector<16xf32>, vector<16xi1>
      %gather3A_415 = tpu.vector_load_idx %arg10[%add3A_108, %get3A_404] masked %lt3A_401 : memref<8x8192xf32, #tpu.memory_space<vmem>>[vector<16xi32>, vector<16xi32>], vector<16xf32>, vector<16xi1>
      tpu.vector_store_idx %arg11[%add3A_108, %get3A_408], %gather3A_415 masked %lt3A_401 {add = true} : memref<8x2048xf32, #tpu.memory_space<vmem>>[vector<16xi32>, vector<16xi32>], vector<16xf32>, vector<16xi1>
    }
    %while3A_245 = arith.constant 1 : i32
    scf.for %while3A_396 = %while3A_243 to %while3A_239 step %while3A_245  : i32 {
      %mul3A_397 = arith.constant 16 : i32
      %mul3A_398 = arith.muli %while3A_396, %mul3A_397 : i32
      %add3A_399 = vector.broadcast %mul3A_398 : i32 to vector<16xi32>
      %add3A_400 = arith.addi %add3A_399, %iota3A : vector<16xi32>
      %lt3A = vector.broadcast %scan3A_222 : i32 to vector<16xi32>
      %lt3A_401 = arith.cmpi slt, %add3A_400, %lt3A : vector<16xi32>
      %mul3A_402 = arith.constant 16 : i32
      %mul3A_403 = arith.muli %while3A_396, %mul3A_402 : i32
      %get3A = arith.index_cast %mul3A_403 : i32 to index
      %get3A_404 = tpu.vector_load %arg8[%get3A] {strides = array<i32>} : memref<4112xi32, #tpu.memory_space<vmem>>, vector<16xi32>,
      %mul3A_405 = arith.constant 16 : i32
      %mul3A_406 = arith.muli %while3A_396, %mul3A_405 : i32
      %get3A_407 = arith.index_cast %mul3A_406 : i32 to index
      %get3A_408 = tpu.vector_load %arg9[%get3A_407] {strides = array<i32>} : memref<4112xi32, #tpu.memory_space<vmem>>, vector<16xi32>,
      %gather3A = tpu.vector_load_idx %arg10[%add3A_66, %get3A_404] masked %lt3A_401 : memref<8x8192xf32, #tpu.memory_space<vmem>>[vector<16xi32>, vector<16xi32>], vector<16xf32>, vector<16xi1>
      tpu.vector_store_idx %arg11[%add3A_66, %get3A_408], %gather3A masked %lt3A_401 {add = true} : memref<8x2048xf32, #tpu.memory_space<vmem>>[vector<16xi32>, vector<16xi32>], vector<16xf32>, vector<16xi1>
      %gather3A_409 = tpu.vector_load_idx %arg10[%add3A_72, %get3A_404] masked %lt3A_401 : memref<8x8192xf32, #tpu.memory_space<vmem>>[vector<16xi32>, vector<16xi32>], vector<16xf32>, vector<16xi1>
      tpu.vector_store_idx %arg11[%add3A_72, %get3A_408], %gather3A_409 masked %lt3A_401 {add = true} : memref<8x2048xf32, #tpu.memory_space<vmem>>[vector<16xi32>, vector<16xi32>], vector<16xf32>, vector<16xi1>
      %gather3A_410 = tpu.vector_load_idx %arg10[%add3A_78, %get3A_404] masked %lt3A_401 : memref<8x8192xf32, #tpu.memory_space<vmem>>[vector<16xi32>, vector<16xi32>], vector<16xf32>, vector<16xi1>
      tpu.vector_store_idx %arg11[%add3A_78, %get3A_408], %gather3A_410 masked %lt3A_401 {add = true} : memref<8x2048xf32, #tpu.memory_space<vmem>>[vector<16xi32>, vector<16xi32>], vector<16xf32>, vector<16xi1>
      %gather3A_411 = tpu.vector_load_idx %arg10[%add3A_84, %get3A_404] masked %lt3A_401 : memref<8x8192xf32, #tpu.memory_space<vmem>>[vector<16xi32>, vector<16xi32>], vector<16xf32>, vector<16xi1>
      tpu.vector_store_idx %arg11[%add3A_84, %get3A_408], %gather3A_411 masked %lt3A_401 {add = true} : memref<8x2048xf32, #tpu.memory_space<vmem>>[vector<16xi32>, vector<16xi32>], vector<16xf32>, vector<16xi1>
      %gather3A_412 = tpu.vector_load_idx %arg10[%add3A_90, %get3A_404] masked %lt3A_401 : memref<8x8192xf32, #tpu.memory_space<vmem>>[vector<16xi32>, vector<16xi32>], vector<16xf32>, vector<16xi1>
      tpu.vector_store_idx %arg11[%add3A_90, %get3A_408], %gather3A_412 masked %lt3A_401 {add = true} : memref<8x2048xf32, #tpu.memory_space<vmem>>[vector<16xi32>, vector<16xi32>], vector<16xf32>, vector<16xi1>
      %gather3A_413 = tpu.vector_load_idx %arg10[%add3A_96, %get3A_404] masked %lt3A_401 : memref<8x8192xf32, #tpu.memory_space<vmem>>[vector<16xi32>, vector<16xi32>], vector<16xf32>, vector<16xi1>
      tpu.vector_store_idx %arg11[%add3A_96, %get3A_408], %gather3A_413 masked %lt3A_401 {add = true} : memref<8x2048xf32, #tpu.memory_space<vmem>>[vector<16xi32>, vector<16xi32>], vector<16xf32>, vector<16xi1>
      %gather3A_414 = tpu.vector_load_idx %arg10[%add3A_102, %get3A_404] masked %lt3A_401 : memref<8x8192xf32, #tpu.memory_space<vmem>>[vector<16xi32>, vector<16xi32>], vector<16xf32>, vector<16xi1>
      tpu.vector_store_idx %arg11[%add3A_102, %get3A_408], %gather3A_414 masked %lt3A_401 {add = true} : memref<8x2048xf32, #tpu.memory_space<vmem>>[vector<16xi32>, vector<16xi32>], vector<16xf32>, vector<16xi1>
      %gather3A_415 = tpu.vector_load_idx %arg10[%add3A_108, %get3A_404] masked %lt3A_401 : memref<8x8192xf32, #tpu.memory_space<vmem>>[vector<16xi32>, vector<16xi32>], vector<16xf32>, vector<16xi1>
      tpu.vector_store_idx %arg11[%add3A_108, %get3A_408], %gather3A_415 masked %lt3A_401 {add = true} : memref<8x2048xf32, #tpu.memory_space<vmem>>[vector<16xi32>, vector<16xi32>], vector<16xf32>, vector<16xi1>
    }
    %mul3A_246 = arith.constant 8 : i32
    %mul3A_247 = arith.muli %sub3A_19, %mul3A_246 : i32
    %dma_start3A_248 = arith.constant 32768 : i32
    %dma_start3A_249 = tpu.memref_slice %arg3[%select_n3A, %mul3A_247, %dma_start3A_248] : memref<4x64x65536xf32, #tpu.memory_space<hbm>> -> memref<1x8x8192xf32, #tpu.memory_space<hbm>>
    %dma_start3A_250 = tpu.memref_squeeze %dma_start3A_249 : memref<1x8x8192xf32, #tpu.memory_space<hbm>> -> memref<8x8192xf32, #tpu.memory_space<hbm>>
    %dma_start3A_251 = arith.constant 32768 : i32
    %dma_start3A_252 = tpu.memref_slice %arg3[%select_n3A, %mul3A_247, %dma_start3A_251] : memref<4x64x65536xf32, #tpu.memory_space<hbm>> -> memref<1x8x8192xf32, #tpu.memory_space<hbm>>
    %dma_start3A_253 = tpu.memref_squeeze %dma_start3A_252 : memref<1x8x8192xf32, #tpu.memory_space<hbm>> -> memref<8x8192xf32, #tpu.memory_space<hbm>>
    tpu.enqueue_dma source(%dma_start3A_253 : memref<8x8192xf32, #tpu.memory_space<hbm>>) target(%arg10 : memref<8x8192xf32, #tpu.memory_space<vmem>>) target_semaphore(%arg12 : memref<!tpu.dma_semaphore, #tpu.memory_space<semaphore_mem>>)
    %scan3A_254 = arith.constant 0 : i32
    %scan3A_255 = arith.constant 0 : i32
    %scan3A_256 = arith.constant 256 : i32
    %scan3A_257 = arith.addi %scan3A_255, %scan3A_256 : i32
    %scan3A_258 = arith.constant 4 : i32
    %scan3A_259 = scf.for %scan3A_396 = %scan3A_255 to %scan3A_257 step %scan3A_258 iter_args(%scan3A_397 = %scan3A_254) -> (i32)  : i32 {
      %mul3A_398 = arith.constant 16 : i32
      %mul3A_399 = arith.muli %scan3A_396, %mul3A_398 : i32
      %get3A = arith.index_cast %mul3A_399 : i32 to index
      %get3A_400 = tpu.vector_load %arg6[%get3A] {strides = array<i32>} : memref<4096xi32, #tpu.memory_space<vmem>>, vector<16xi32>,
      %mul3A_401 = arith.constant 16 : i32
      %mul3A_402 = arith.muli %scan3A_396, %mul3A_401 : i32
      %get3A_403 = arith.index_cast %mul3A_402 : i32 to index
      %get3A_404 = tpu.vector_load %arg7[%get3A_403] {strides = array<i32>} : memref<4096xi32, #tpu.memory_space<vmem>>, vector<16xi32>,
      %shift_right_arithmetic3A_405 = arith.constant 13 : i32
      %shift_right_arithmetic3A_406 = vector.broadcast %shift_right_arithmetic3A_405 : i32 to vector<16xi32>
      %shift_right_arithmetic3A_407 = arith.shrsi %get3A_400, %shift_right_arithmetic3A_406 : vector<16xi32>
      %eq3A_408 = arith.constant 4 : i32
      %eq3A_409 = vector.broadcast %eq3A_408 : i32 to vector<16xi32>
      %eq3A_410 = arith.cmpi eq, %shift_right_arithmetic3A_407, %eq3A_409 : vector<16xi32>
      %convert_element_type3A = arith.extui %eq3A_410 : vector<16xi1> to vector<16xi32>
      %broadcast_in_dim3A_411 = arith.constant true
      %broadcast_in_dim3A_412 = vector.broadcast %broadcast_in_dim3A_411 : i1 to vector<16xi1>
      %masked_cumsum3A = tpu.scan <sum>, %convert_element_type3A masked %broadcast_in_dim3A_412 : vector<16xi32>, vector<16xi1> -> vector<16xi32>
      %add3A_413 = vector.broadcast %scan3A_397 : i32 to vector<16xi32>
      %add3A_414 = arith.addi %add3A_413, %masked_cumsum3A : vector<16xi32>
      %sub3A_415 = arith.constant 1 : i32
      %sub3A_416 = vector.broadcast %sub3A_415 : i32 to vector<16xi32>
      %sub3A_417 = arith.subi %add3A_414, %sub3A_416 : vector<16xi32>
      %and3A_418 = arith.constant 8191 : i32
      %and3A_419 = vector.broadcast %and3A_418 : i32 to vector<16xi32>
      %and3A_420 = arith.andi %get3A_400, %and3A_419 : vector<16xi32>
      tpu.vector_store_idx %arg8[%sub3A_417], %and3A_420 masked %eq3A_410 : memref<4112xi32, #tpu.memory_space<vmem>>[vector<16xi32>], vector<16xi32>, vector<16xi1>
      tpu.vector_store_idx %arg9[%sub3A_417], %get3A_404 masked %eq3A_410 : memref<4112xi32, #tpu.memory_space<vmem>>[vector<16xi32>], vector<16xi32>, vector<16xi1>
      %slice3A = vector.extract_strided_slice %masked_cumsum3A {offsets = [15], sizes = [1], strides = [1]} : vector<16xi32> to vector<1xi32>
      %squeeze3A = vector.extract %slice3A[0] : i32 from vector<1xi32>
      %add3A_421 = arith.addi %scan3A_397, %squeeze3A : i32
      %scan3A_422 = arith.constant 1 : i32
      %scan3A_423 = arith.addi %scan3A_396, %scan3A_422 : i32
      %mul3A_424 = arith.constant 16 : i32
      %mul3A_425 = arith.muli %scan3A_423, %mul3A_424 : i32
      %get3A_426 = arith.index_cast %mul3A_425 : i32 to index
      %get3A_427 = tpu.vector_load %arg6[%get3A_426] {strides = array<i32>} : memref<4096xi32, #tpu.memory_space<vmem>>, vector<16xi32>,
      %mul3A_428 = arith.constant 16 : i32
      %mul3A_429 = arith.muli %scan3A_423, %mul3A_428 : i32
      %get3A_430 = arith.index_cast %mul3A_429 : i32 to index
      %get3A_431 = tpu.vector_load %arg7[%get3A_430] {strides = array<i32>} : memref<4096xi32, #tpu.memory_space<vmem>>, vector<16xi32>,
      %shift_right_arithmetic3A_432 = arith.constant 13 : i32
      %shift_right_arithmetic3A_433 = vector.broadcast %shift_right_arithmetic3A_432 : i32 to vector<16xi32>
      %shift_right_arithmetic3A_434 = arith.shrsi %get3A_427, %shift_right_arithmetic3A_433 : vector<16xi32>
      %eq3A_435 = arith.constant 4 : i32
      %eq3A_436 = vector.broadcast %eq3A_435 : i32 to vector<16xi32>
      %eq3A_437 = arith.cmpi eq, %shift_right_arithmetic3A_434, %eq3A_436 : vector<16xi32>
      %convert_element_type3A_438 = arith.extui %eq3A_437 : vector<16xi1> to vector<16xi32>
      %broadcast_in_dim3A_439 = arith.constant true
      %broadcast_in_dim3A_440 = vector.broadcast %broadcast_in_dim3A_439 : i1 to vector<16xi1>
      %masked_cumsum3A_441 = tpu.scan <sum>, %convert_element_type3A_438 masked %broadcast_in_dim3A_440 : vector<16xi32>, vector<16xi1> -> vector<16xi32>
      %add3A_442 = vector.broadcast %add3A_421 : i32 to vector<16xi32>
      %add3A_443 = arith.addi %add3A_442, %masked_cumsum3A_441 : vector<16xi32>
      %sub3A_444 = arith.constant 1 : i32
      %sub3A_445 = vector.broadcast %sub3A_444 : i32 to vector<16xi32>
      %sub3A_446 = arith.subi %add3A_443, %sub3A_445 : vector<16xi32>
      %and3A_447 = arith.constant 8191 : i32
      %and3A_448 = vector.broadcast %and3A_447 : i32 to vector<16xi32>
      %and3A_449 = arith.andi %get3A_427, %and3A_448 : vector<16xi32>
      tpu.vector_store_idx %arg8[%sub3A_446], %and3A_449 masked %eq3A_437 : memref<4112xi32, #tpu.memory_space<vmem>>[vector<16xi32>], vector<16xi32>, vector<16xi1>
      tpu.vector_store_idx %arg9[%sub3A_446], %get3A_431 masked %eq3A_437 : memref<4112xi32, #tpu.memory_space<vmem>>[vector<16xi32>], vector<16xi32>, vector<16xi1>
      %slice3A_450 = vector.extract_strided_slice %masked_cumsum3A_441 {offsets = [15], sizes = [1], strides = [1]} : vector<16xi32> to vector<1xi32>
      %squeeze3A_451 = vector.extract %slice3A_450[0] : i32 from vector<1xi32>
      %add3A_452 = arith.addi %add3A_421, %squeeze3A_451 : i32
      %scan3A_453 = arith.constant 2 : i32
      %scan3A_454 = arith.addi %scan3A_396, %scan3A_453 : i32
      %mul3A_455 = arith.constant 16 : i32
      %mul3A_456 = arith.muli %scan3A_454, %mul3A_455 : i32
      %get3A_457 = arith.index_cast %mul3A_456 : i32 to index
      %get3A_458 = tpu.vector_load %arg6[%get3A_457] {strides = array<i32>} : memref<4096xi32, #tpu.memory_space<vmem>>, vector<16xi32>,
      %mul3A_459 = arith.constant 16 : i32
      %mul3A_460 = arith.muli %scan3A_454, %mul3A_459 : i32
      %get3A_461 = arith.index_cast %mul3A_460 : i32 to index
      %get3A_462 = tpu.vector_load %arg7[%get3A_461] {strides = array<i32>} : memref<4096xi32, #tpu.memory_space<vmem>>, vector<16xi32>,
      %shift_right_arithmetic3A_463 = arith.constant 13 : i32
      %shift_right_arithmetic3A_464 = vector.broadcast %shift_right_arithmetic3A_463 : i32 to vector<16xi32>
      %shift_right_arithmetic3A_465 = arith.shrsi %get3A_458, %shift_right_arithmetic3A_464 : vector<16xi32>
      %eq3A_466 = arith.constant 4 : i32
      %eq3A_467 = vector.broadcast %eq3A_466 : i32 to vector<16xi32>
      %eq3A_468 = arith.cmpi eq, %shift_right_arithmetic3A_465, %eq3A_467 : vector<16xi32>
      %convert_element_type3A_469 = arith.extui %eq3A_468 : vector<16xi1> to vector<16xi32>
      %broadcast_in_dim3A_470 = arith.constant true
      %broadcast_in_dim3A_471 = vector.broadcast %broadcast_in_dim3A_470 : i1 to vector<16xi1>
      %masked_cumsum3A_472 = tpu.scan <sum>, %convert_element_type3A_469 masked %broadcast_in_dim3A_471 : vector<16xi32>, vector<16xi1> -> vector<16xi32>
      %add3A_473 = vector.broadcast %add3A_452 : i32 to vector<16xi32>
      %add3A_474 = arith.addi %add3A_473, %masked_cumsum3A_472 : vector<16xi32>
      %sub3A_475 = arith.constant 1 : i32
      %sub3A_476 = vector.broadcast %sub3A_475 : i32 to vector<16xi32>
      %sub3A_477 = arith.subi %add3A_474, %sub3A_476 : vector<16xi32>
      %and3A_478 = arith.constant 8191 : i32
      %and3A_479 = vector.broadcast %and3A_478 : i32 to vector<16xi32>
      %and3A_480 = arith.andi %get3A_458, %and3A_479 : vector<16xi32>
      tpu.vector_store_idx %arg8[%sub3A_477], %and3A_480 masked %eq3A_468 : memref<4112xi32, #tpu.memory_space<vmem>>[vector<16xi32>], vector<16xi32>, vector<16xi1>
      tpu.vector_store_idx %arg9[%sub3A_477], %get3A_462 masked %eq3A_468 : memref<4112xi32, #tpu.memory_space<vmem>>[vector<16xi32>], vector<16xi32>, vector<16xi1>
      %slice3A_481 = vector.extract_strided_slice %masked_cumsum3A_472 {offsets = [15], sizes = [1], strides = [1]} : vector<16xi32> to vector<1xi32>
      %squeeze3A_482 = vector.extract %slice3A_481[0] : i32 from vector<1xi32>
      %add3A_483 = arith.addi %add3A_452, %squeeze3A_482 : i32
      %scan3A_484 = arith.constant 3 : i32
      %scan3A_485 = arith.addi %scan3A_396, %scan3A_484 : i32
      %mul3A_486 = arith.constant 16 : i32
      %mul3A_487 = arith.muli %scan3A_485, %mul3A_486 : i32
      %get3A_488 = arith.index_cast %mul3A_487 : i32 to index
      %get3A_489 = tpu.vector_load %arg6[%get3A_488] {strides = array<i32>} : memref<4096xi32, #tpu.memory_space<vmem>>, vector<16xi32>,
      %mul3A_490 = arith.constant 16 : i32
      %mul3A_491 = arith.muli %scan3A_485, %mul3A_490 : i32
      %get3A_492 = arith.index_cast %mul3A_491 : i32 to index
      %get3A_493 = tpu.vector_load %arg7[%get3A_492] {strides = array<i32>} : memref<4096xi32, #tpu.memory_space<vmem>>, vector<16xi32>,
      %shift_right_arithmetic3A_494 = arith.constant 13 : i32
      %shift_right_arithmetic3A_495 = vector.broadcast %shift_right_arithmetic3A_494 : i32 to vector<16xi32>
      %shift_right_arithmetic3A_496 = arith.shrsi %get3A_489, %shift_right_arithmetic3A_495 : vector<16xi32>
      %eq3A_497 = arith.constant 4 : i32
      %eq3A_498 = vector.broadcast %eq3A_497 : i32 to vector<16xi32>
      %eq3A_499 = arith.cmpi eq, %shift_right_arithmetic3A_496, %eq3A_498 : vector<16xi32>
      %convert_element_type3A_500 = arith.extui %eq3A_499 : vector<16xi1> to vector<16xi32>
      %broadcast_in_dim3A_501 = arith.constant true
      %broadcast_in_dim3A_502 = vector.broadcast %broadcast_in_dim3A_501 : i1 to vector<16xi1>
      %masked_cumsum3A_503 = tpu.scan <sum>, %convert_element_type3A_500 masked %broadcast_in_dim3A_502 : vector<16xi32>, vector<16xi1> -> vector<16xi32>
      %add3A_504 = vector.broadcast %add3A_483 : i32 to vector<16xi32>
      %add3A_505 = arith.addi %add3A_504, %masked_cumsum3A_503 : vector<16xi32>
      %sub3A_506 = arith.constant 1 : i32
      %sub3A_507 = vector.broadcast %sub3A_506 : i32 to vector<16xi32>
      %sub3A_508 = arith.subi %add3A_505, %sub3A_507 : vector<16xi32>
      %and3A_509 = arith.constant 8191 : i32
      %and3A_510 = vector.broadcast %and3A_509 : i32 to vector<16xi32>
      %and3A_511 = arith.andi %get3A_489, %and3A_510 : vector<16xi32>
      tpu.vector_store_idx %arg8[%sub3A_508], %and3A_511 masked %eq3A_499 : memref<4112xi32, #tpu.memory_space<vmem>>[vector<16xi32>], vector<16xi32>, vector<16xi1>
      tpu.vector_store_idx %arg9[%sub3A_508], %get3A_493 masked %eq3A_499 : memref<4112xi32, #tpu.memory_space<vmem>>[vector<16xi32>], vector<16xi32>, vector<16xi1>
      %slice3A_512 = vector.extract_strided_slice %masked_cumsum3A_503 {offsets = [15], sizes = [1], strides = [1]} : vector<16xi32> to vector<1xi32>
      %squeeze3A_513 = vector.extract %slice3A_512[0] : i32 from vector<1xi32>
      %add3A_514 = arith.addi %add3A_483, %squeeze3A_513 : i32
      scf.yield %add3A_514 : i32
    }
    %scan3A_260 = arith.constant 256 : i32
    %dma_wait3A_261 = arith.constant 32768 : i32
    %dma_wait3A_262 = tpu.memref_slice %arg3[%select_n3A, %mul3A_247, %dma_wait3A_261] : memref<4x64x65536xf32, #tpu.memory_space<hbm>> -> memref<1x8x8192xf32, #tpu.memory_space<hbm>>
    %dma_wait3A_263 = tpu.memref_squeeze %dma_wait3A_262 : memref<1x8x8192xf32, #tpu.memory_space<hbm>> -> memref<8x8192xf32, #tpu.memory_space<hbm>>
    %dma_wait3A_264 = arith.constant 32768 : i32
    %dma_wait3A_265 = tpu.memref_slice %arg3[%select_n3A, %mul3A_247, %dma_wait3A_264] : memref<4x64x65536xf32, #tpu.memory_space<hbm>> -> memref<1x8x8192xf32, #tpu.memory_space<hbm>>
    %dma_wait3A_266 = tpu.memref_squeeze %dma_wait3A_265 : memref<1x8x8192xf32, #tpu.memory_space<hbm>> -> memref<8x8192xf32, #tpu.memory_space<hbm>>
    tpu.wait_dma2 semaphore(%arg12 : memref<!tpu.dma_semaphore, #tpu.memory_space<semaphore_mem>>) src(%dma_wait3A_266 : memref<8x8192xf32, #tpu.memory_space<hbm>>) dst(%arg10 : memref<8x8192xf32, #tpu.memory_space<vmem>>)
    %add3A_267 = arith.constant 16 : i32
    %add3A_268 = arith.addi %scan3A_259, %add3A_267 : i32
    %sub3A_269 = arith.constant 1 : i32
    %sub3A_270 = arith.subi %add3A_268, %sub3A_269 : i32
    %shift_right_arithmetic3A_271 = arith.constant 4 : i32
    %shift_right_arithmetic3A_272 = arith.shrsi %sub3A_270, %shift_right_arithmetic3A_271 : i32
    %while3A_273 = arith.constant 0 : i32
    %while3A_274 = arith.constant 0 : i32
    %while3A_275 = arith.subi %shift_right_arithmetic3A_272, %while3A_274 : i32
    %while3A_276 = arith.addi %while3A_274, %while3A_275 : i32
    %while3A_277 = arith.constant 1 : i32
    %while3A_278 = arith.divsi %while3A_275, %while3A_277 : i32
    %while3A_279 = arith.muli %while3A_278, %while3A_277 : i32
    %while3A_280 = arith.addi %while3A_274, %while3A_279 : i32
    %while3A_281 = arith.constant 1 : i32
    scf.for %while3A_396 = %while3A_274 to %while3A_280 step %while3A_281  : i32 {
      %mul3A_397 = arith.constant 16 : i32
      %mul3A_398 = arith.muli %while3A_396, %mul3A_397 : i32
      %add3A_399 = vector.broadcast %mul3A_398 : i32 to vector<16xi32>
      %add3A_400 = arith.addi %add3A_399, %iota3A : vector<16xi32>
      %lt3A = vector.broadcast %scan3A_259 : i32 to vector<16xi32>
      %lt3A_401 = arith.cmpi slt, %add3A_400, %lt3A : vector<16xi32>
      %mul3A_402 = arith.constant 16 : i32
      %mul3A_403 = arith.muli %while3A_396, %mul3A_402 : i32
      %get3A = arith.index_cast %mul3A_403 : i32 to index
      %get3A_404 = tpu.vector_load %arg8[%get3A] {strides = array<i32>} : memref<4112xi32, #tpu.memory_space<vmem>>, vector<16xi32>,
      %mul3A_405 = arith.constant 16 : i32
      %mul3A_406 = arith.muli %while3A_396, %mul3A_405 : i32
      %get3A_407 = arith.index_cast %mul3A_406 : i32 to index
      %get3A_408 = tpu.vector_load %arg9[%get3A_407] {strides = array<i32>} : memref<4112xi32, #tpu.memory_space<vmem>>, vector<16xi32>,
      %gather3A = tpu.vector_load_idx %arg10[%add3A_66, %get3A_404] masked %lt3A_401 : memref<8x8192xf32, #tpu.memory_space<vmem>>[vector<16xi32>, vector<16xi32>], vector<16xf32>, vector<16xi1>
      tpu.vector_store_idx %arg11[%add3A_66, %get3A_408], %gather3A masked %lt3A_401 {add = true} : memref<8x2048xf32, #tpu.memory_space<vmem>>[vector<16xi32>, vector<16xi32>], vector<16xf32>, vector<16xi1>
      %gather3A_409 = tpu.vector_load_idx %arg10[%add3A_72, %get3A_404] masked %lt3A_401 : memref<8x8192xf32, #tpu.memory_space<vmem>>[vector<16xi32>, vector<16xi32>], vector<16xf32>, vector<16xi1>
      tpu.vector_store_idx %arg11[%add3A_72, %get3A_408], %gather3A_409 masked %lt3A_401 {add = true} : memref<8x2048xf32, #tpu.memory_space<vmem>>[vector<16xi32>, vector<16xi32>], vector<16xf32>, vector<16xi1>
      %gather3A_410 = tpu.vector_load_idx %arg10[%add3A_78, %get3A_404] masked %lt3A_401 : memref<8x8192xf32, #tpu.memory_space<vmem>>[vector<16xi32>, vector<16xi32>], vector<16xf32>, vector<16xi1>
      tpu.vector_store_idx %arg11[%add3A_78, %get3A_408], %gather3A_410 masked %lt3A_401 {add = true} : memref<8x2048xf32, #tpu.memory_space<vmem>>[vector<16xi32>, vector<16xi32>], vector<16xf32>, vector<16xi1>
      %gather3A_411 = tpu.vector_load_idx %arg10[%add3A_84, %get3A_404] masked %lt3A_401 : memref<8x8192xf32, #tpu.memory_space<vmem>>[vector<16xi32>, vector<16xi32>], vector<16xf32>, vector<16xi1>
      tpu.vector_store_idx %arg11[%add3A_84, %get3A_408], %gather3A_411 masked %lt3A_401 {add = true} : memref<8x2048xf32, #tpu.memory_space<vmem>>[vector<16xi32>, vector<16xi32>], vector<16xf32>, vector<16xi1>
      %gather3A_412 = tpu.vector_load_idx %arg10[%add3A_90, %get3A_404] masked %lt3A_401 : memref<8x8192xf32, #tpu.memory_space<vmem>>[vector<16xi32>, vector<16xi32>], vector<16xf32>, vector<16xi1>
      tpu.vector_store_idx %arg11[%add3A_90, %get3A_408], %gather3A_412 masked %lt3A_401 {add = true} : memref<8x2048xf32, #tpu.memory_space<vmem>>[vector<16xi32>, vector<16xi32>], vector<16xf32>, vector<16xi1>
      %gather3A_413 = tpu.vector_load_idx %arg10[%add3A_96, %get3A_404] masked %lt3A_401 : memref<8x8192xf32, #tpu.memory_space<vmem>>[vector<16xi32>, vector<16xi32>], vector<16xf32>, vector<16xi1>
      tpu.vector_store_idx %arg11[%add3A_96, %get3A_408], %gather3A_413 masked %lt3A_401 {add = true} : memref<8x2048xf32, #tpu.memory_space<vmem>>[vector<16xi32>, vector<16xi32>], vector<16xf32>, vector<16xi1>
      %gather3A_414 = tpu.vector_load_idx %arg10[%add3A_102, %get3A_404] masked %lt3A_401 : memref<8x8192xf32, #tpu.memory_space<vmem>>[vector<16xi32>, vector<16xi32>], vector<16xf32>, vector<16xi1>
      tpu.vector_store_idx %arg11[%add3A_102, %get3A_408], %gather3A_414 masked %lt3A_401 {add = true} : memref<8x2048xf32, #tpu.memory_space<vmem>>[vector<16xi32>, vector<16xi32>], vector<16xf32>, vector<16xi1>
      %gather3A_415 = tpu.vector_load_idx %arg10[%add3A_108, %get3A_404] masked %lt3A_401 : memref<8x8192xf32, #tpu.memory_space<vmem>>[vector<16xi32>, vector<16xi32>], vector<16xf32>, vector<16xi1>
      tpu.vector_store_idx %arg11[%add3A_108, %get3A_408], %gather3A_415 masked %lt3A_401 {add = true} : memref<8x2048xf32, #tpu.memory_space<vmem>>[vector<16xi32>, vector<16xi32>], vector<16xf32>, vector<16xi1>
    }
    %while3A_282 = arith.constant 1 : i32
    scf.for %while3A_396 = %while3A_280 to %while3A_276 step %while3A_282  : i32 {
      %mul3A_397 = arith.constant 16 : i32
      %mul3A_398 = arith.muli %while3A_396, %mul3A_397 : i32
      %add3A_399 = vector.broadcast %mul3A_398 : i32 to vector<16xi32>
      %add3A_400 = arith.addi %add3A_399, %iota3A : vector<16xi32>
      %lt3A = vector.broadcast %scan3A_259 : i32 to vector<16xi32>
      %lt3A_401 = arith.cmpi slt, %add3A_400, %lt3A : vector<16xi32>
      %mul3A_402 = arith.constant 16 : i32
      %mul3A_403 = arith.muli %while3A_396, %mul3A_402 : i32
      %get3A = arith.index_cast %mul3A_403 : i32 to index
      %get3A_404 = tpu.vector_load %arg8[%get3A] {strides = array<i32>} : memref<4112xi32, #tpu.memory_space<vmem>>, vector<16xi32>,
      %mul3A_405 = arith.constant 16 : i32
      %mul3A_406 = arith.muli %while3A_396, %mul3A_405 : i32
      %get3A_407 = arith.index_cast %mul3A_406 : i32 to index
      %get3A_408 = tpu.vector_load %arg9[%get3A_407] {strides = array<i32>} : memref<4112xi32, #tpu.memory_space<vmem>>, vector<16xi32>,
      %gather3A = tpu.vector_load_idx %arg10[%add3A_66, %get3A_404] masked %lt3A_401 : memref<8x8192xf32, #tpu.memory_space<vmem>>[vector<16xi32>, vector<16xi32>], vector<16xf32>, vector<16xi1>
      tpu.vector_store_idx %arg11[%add3A_66, %get3A_408], %gather3A masked %lt3A_401 {add = true} : memref<8x2048xf32, #tpu.memory_space<vmem>>[vector<16xi32>, vector<16xi32>], vector<16xf32>, vector<16xi1>
      %gather3A_409 = tpu.vector_load_idx %arg10[%add3A_72, %get3A_404] masked %lt3A_401 : memref<8x8192xf32, #tpu.memory_space<vmem>>[vector<16xi32>, vector<16xi32>], vector<16xf32>, vector<16xi1>
      tpu.vector_store_idx %arg11[%add3A_72, %get3A_408], %gather3A_409 masked %lt3A_401 {add = true} : memref<8x2048xf32, #tpu.memory_space<vmem>>[vector<16xi32>, vector<16xi32>], vector<16xf32>, vector<16xi1>
      %gather3A_410 = tpu.vector_load_idx %arg10[%add3A_78, %get3A_404] masked %lt3A_401 : memref<8x8192xf32, #tpu.memory_space<vmem>>[vector<16xi32>, vector<16xi32>], vector<16xf32>, vector<16xi1>
      tpu.vector_store_idx %arg11[%add3A_78, %get3A_408], %gather3A_410 masked %lt3A_401 {add = true} : memref<8x2048xf32, #tpu.memory_space<vmem>>[vector<16xi32>, vector<16xi32>], vector<16xf32>, vector<16xi1>
      %gather3A_411 = tpu.vector_load_idx %arg10[%add3A_84, %get3A_404] masked %lt3A_401 : memref<8x8192xf32, #tpu.memory_space<vmem>>[vector<16xi32>, vector<16xi32>], vector<16xf32>, vector<16xi1>
      tpu.vector_store_idx %arg11[%add3A_84, %get3A_408], %gather3A_411 masked %lt3A_401 {add = true} : memref<8x2048xf32, #tpu.memory_space<vmem>>[vector<16xi32>, vector<16xi32>], vector<16xf32>, vector<16xi1>
      %gather3A_412 = tpu.vector_load_idx %arg10[%add3A_90, %get3A_404] masked %lt3A_401 : memref<8x8192xf32, #tpu.memory_space<vmem>>[vector<16xi32>, vector<16xi32>], vector<16xf32>, vector<16xi1>
      tpu.vector_store_idx %arg11[%add3A_90, %get3A_408], %gather3A_412 masked %lt3A_401 {add = true} : memref<8x2048xf32, #tpu.memory_space<vmem>>[vector<16xi32>, vector<16xi32>], vector<16xf32>, vector<16xi1>
      %gather3A_413 = tpu.vector_load_idx %arg10[%add3A_96, %get3A_404] masked %lt3A_401 : memref<8x8192xf32, #tpu.memory_space<vmem>>[vector<16xi32>, vector<16xi32>], vector<16xf32>, vector<16xi1>
      tpu.vector_store_idx %arg11[%add3A_96, %get3A_408], %gather3A_413 masked %lt3A_401 {add = true} : memref<8x2048xf32, #tpu.memory_space<vmem>>[vector<16xi32>, vector<16xi32>], vector<16xf32>, vector<16xi1>
      %gather3A_414 = tpu.vector_load_idx %arg10[%add3A_102, %get3A_404] masked %lt3A_401 : memref<8x8192xf32, #tpu.memory_space<vmem>>[vector<16xi32>, vector<16xi32>], vector<16xf32>, vector<16xi1>
      tpu.vector_store_idx %arg11[%add3A_102, %get3A_408], %gather3A_414 masked %lt3A_401 {add = true} : memref<8x2048xf32, #tpu.memory_space<vmem>>[vector<16xi32>, vector<16xi32>], vector<16xf32>, vector<16xi1>
      %gather3A_415 = tpu.vector_load_idx %arg10[%add3A_108, %get3A_404] masked %lt3A_401 : memref<8x8192xf32, #tpu.memory_space<vmem>>[vector<16xi32>, vector<16xi32>], vector<16xf32>, vector<16xi1>
      tpu.vector_store_idx %arg11[%add3A_108, %get3A_408], %gather3A_415 masked %lt3A_401 {add = true} : memref<8x2048xf32, #tpu.memory_space<vmem>>[vector<16xi32>, vector<16xi32>], vector<16xf32>, vector<16xi1>
    }
    %mul3A_283 = arith.constant 8 : i32
    %mul3A_284 = arith.muli %sub3A_19, %mul3A_283 : i32
    %dma_start3A_285 = arith.constant 40960 : i32
    %dma_start3A_286 = tpu.memref_slice %arg3[%select_n3A, %mul3A_284, %dma_start3A_285] : memref<4x64x65536xf32, #tpu.memory_space<hbm>> -> memref<1x8x8192xf32, #tpu.memory_space<hbm>>
    %dma_start3A_287 = tpu.memref_squeeze %dma_start3A_286 : memref<1x8x8192xf32, #tpu.memory_space<hbm>> -> memref<8x8192xf32, #tpu.memory_space<hbm>>
    %dma_start3A_288 = arith.constant 40960 : i32
    %dma_start3A_289 = tpu.memref_slice %arg3[%select_n3A, %mul3A_284, %dma_start3A_288] : memref<4x64x65536xf32, #tpu.memory_space<hbm>> -> memref<1x8x8192xf32, #tpu.memory_space<hbm>>
    %dma_start3A_290 = tpu.memref_squeeze %dma_start3A_289 : memref<1x8x8192xf32, #tpu.memory_space<hbm>> -> memref<8x8192xf32, #tpu.memory_space<hbm>>
    tpu.enqueue_dma source(%dma_start3A_290 : memref<8x8192xf32, #tpu.memory_space<hbm>>) target(%arg10 : memref<8x8192xf32, #tpu.memory_space<vmem>>) target_semaphore(%arg12 : memref<!tpu.dma_semaphore, #tpu.memory_space<semaphore_mem>>)
    %scan3A_291 = arith.constant 0 : i32
    %scan3A_292 = arith.constant 0 : i32
    %scan3A_293 = arith.constant 256 : i32
    %scan3A_294 = arith.addi %scan3A_292, %scan3A_293 : i32
    %scan3A_295 = arith.constant 4 : i32
    %scan3A_296 = scf.for %scan3A_396 = %scan3A_292 to %scan3A_294 step %scan3A_295 iter_args(%scan3A_397 = %scan3A_291) -> (i32)  : i32 {
      %mul3A_398 = arith.constant 16 : i32
      %mul3A_399 = arith.muli %scan3A_396, %mul3A_398 : i32
      %get3A = arith.index_cast %mul3A_399 : i32 to index
      %get3A_400 = tpu.vector_load %arg6[%get3A] {strides = array<i32>} : memref<4096xi32, #tpu.memory_space<vmem>>, vector<16xi32>,
      %mul3A_401 = arith.constant 16 : i32
      %mul3A_402 = arith.muli %scan3A_396, %mul3A_401 : i32
      %get3A_403 = arith.index_cast %mul3A_402 : i32 to index
      %get3A_404 = tpu.vector_load %arg7[%get3A_403] {strides = array<i32>} : memref<4096xi32, #tpu.memory_space<vmem>>, vector<16xi32>,
      %shift_right_arithmetic3A_405 = arith.constant 13 : i32
      %shift_right_arithmetic3A_406 = vector.broadcast %shift_right_arithmetic3A_405 : i32 to vector<16xi32>
      %shift_right_arithmetic3A_407 = arith.shrsi %get3A_400, %shift_right_arithmetic3A_406 : vector<16xi32>
      %eq3A_408 = arith.constant 5 : i32
      %eq3A_409 = vector.broadcast %eq3A_408 : i32 to vector<16xi32>
      %eq3A_410 = arith.cmpi eq, %shift_right_arithmetic3A_407, %eq3A_409 : vector<16xi32>
      %convert_element_type3A = arith.extui %eq3A_410 : vector<16xi1> to vector<16xi32>
      %broadcast_in_dim3A_411 = arith.constant true
      %broadcast_in_dim3A_412 = vector.broadcast %broadcast_in_dim3A_411 : i1 to vector<16xi1>
      %masked_cumsum3A = tpu.scan <sum>, %convert_element_type3A masked %broadcast_in_dim3A_412 : vector<16xi32>, vector<16xi1> -> vector<16xi32>
      %add3A_413 = vector.broadcast %scan3A_397 : i32 to vector<16xi32>
      %add3A_414 = arith.addi %add3A_413, %masked_cumsum3A : vector<16xi32>
      %sub3A_415 = arith.constant 1 : i32
      %sub3A_416 = vector.broadcast %sub3A_415 : i32 to vector<16xi32>
      %sub3A_417 = arith.subi %add3A_414, %sub3A_416 : vector<16xi32>
      %and3A_418 = arith.constant 8191 : i32
      %and3A_419 = vector.broadcast %and3A_418 : i32 to vector<16xi32>
      %and3A_420 = arith.andi %get3A_400, %and3A_419 : vector<16xi32>
      tpu.vector_store_idx %arg8[%sub3A_417], %and3A_420 masked %eq3A_410 : memref<4112xi32, #tpu.memory_space<vmem>>[vector<16xi32>], vector<16xi32>, vector<16xi1>
      tpu.vector_store_idx %arg9[%sub3A_417], %get3A_404 masked %eq3A_410 : memref<4112xi32, #tpu.memory_space<vmem>>[vector<16xi32>], vector<16xi32>, vector<16xi1>
      %slice3A = vector.extract_strided_slice %masked_cumsum3A {offsets = [15], sizes = [1], strides = [1]} : vector<16xi32> to vector<1xi32>
      %squeeze3A = vector.extract %slice3A[0] : i32 from vector<1xi32>
      %add3A_421 = arith.addi %scan3A_397, %squeeze3A : i32
      %scan3A_422 = arith.constant 1 : i32
      %scan3A_423 = arith.addi %scan3A_396, %scan3A_422 : i32
      %mul3A_424 = arith.constant 16 : i32
      %mul3A_425 = arith.muli %scan3A_423, %mul3A_424 : i32
      %get3A_426 = arith.index_cast %mul3A_425 : i32 to index
      %get3A_427 = tpu.vector_load %arg6[%get3A_426] {strides = array<i32>} : memref<4096xi32, #tpu.memory_space<vmem>>, vector<16xi32>,
      %mul3A_428 = arith.constant 16 : i32
      %mul3A_429 = arith.muli %scan3A_423, %mul3A_428 : i32
      %get3A_430 = arith.index_cast %mul3A_429 : i32 to index
      %get3A_431 = tpu.vector_load %arg7[%get3A_430] {strides = array<i32>} : memref<4096xi32, #tpu.memory_space<vmem>>, vector<16xi32>,
      %shift_right_arithmetic3A_432 = arith.constant 13 : i32
      %shift_right_arithmetic3A_433 = vector.broadcast %shift_right_arithmetic3A_432 : i32 to vector<16xi32>
      %shift_right_arithmetic3A_434 = arith.shrsi %get3A_427, %shift_right_arithmetic3A_433 : vector<16xi32>
      %eq3A_435 = arith.constant 5 : i32
      %eq3A_436 = vector.broadcast %eq3A_435 : i32 to vector<16xi32>
      %eq3A_437 = arith.cmpi eq, %shift_right_arithmetic3A_434, %eq3A_436 : vector<16xi32>
      %convert_element_type3A_438 = arith.extui %eq3A_437 : vector<16xi1> to vector<16xi32>
      %broadcast_in_dim3A_439 = arith.constant true
      %broadcast_in_dim3A_440 = vector.broadcast %broadcast_in_dim3A_439 : i1 to vector<16xi1>
      %masked_cumsum3A_441 = tpu.scan <sum>, %convert_element_type3A_438 masked %broadcast_in_dim3A_440 : vector<16xi32>, vector<16xi1> -> vector<16xi32>
      %add3A_442 = vector.broadcast %add3A_421 : i32 to vector<16xi32>
      %add3A_443 = arith.addi %add3A_442, %masked_cumsum3A_441 : vector<16xi32>
      %sub3A_444 = arith.constant 1 : i32
      %sub3A_445 = vector.broadcast %sub3A_444 : i32 to vector<16xi32>
      %sub3A_446 = arith.subi %add3A_443, %sub3A_445 : vector<16xi32>
      %and3A_447 = arith.constant 8191 : i32
      %and3A_448 = vector.broadcast %and3A_447 : i32 to vector<16xi32>
      %and3A_449 = arith.andi %get3A_427, %and3A_448 : vector<16xi32>
      tpu.vector_store_idx %arg8[%sub3A_446], %and3A_449 masked %eq3A_437 : memref<4112xi32, #tpu.memory_space<vmem>>[vector<16xi32>], vector<16xi32>, vector<16xi1>
      tpu.vector_store_idx %arg9[%sub3A_446], %get3A_431 masked %eq3A_437 : memref<4112xi32, #tpu.memory_space<vmem>>[vector<16xi32>], vector<16xi32>, vector<16xi1>
      %slice3A_450 = vector.extract_strided_slice %masked_cumsum3A_441 {offsets = [15], sizes = [1], strides = [1]} : vector<16xi32> to vector<1xi32>
      %squeeze3A_451 = vector.extract %slice3A_450[0] : i32 from vector<1xi32>
      %add3A_452 = arith.addi %add3A_421, %squeeze3A_451 : i32
      %scan3A_453 = arith.constant 2 : i32
      %scan3A_454 = arith.addi %scan3A_396, %scan3A_453 : i32
      %mul3A_455 = arith.constant 16 : i32
      %mul3A_456 = arith.muli %scan3A_454, %mul3A_455 : i32
      %get3A_457 = arith.index_cast %mul3A_456 : i32 to index
      %get3A_458 = tpu.vector_load %arg6[%get3A_457] {strides = array<i32>} : memref<4096xi32, #tpu.memory_space<vmem>>, vector<16xi32>,
      %mul3A_459 = arith.constant 16 : i32
      %mul3A_460 = arith.muli %scan3A_454, %mul3A_459 : i32
      %get3A_461 = arith.index_cast %mul3A_460 : i32 to index
      %get3A_462 = tpu.vector_load %arg7[%get3A_461] {strides = array<i32>} : memref<4096xi32, #tpu.memory_space<vmem>>, vector<16xi32>,
      %shift_right_arithmetic3A_463 = arith.constant 13 : i32
      %shift_right_arithmetic3A_464 = vector.broadcast %shift_right_arithmetic3A_463 : i32 to vector<16xi32>
      %shift_right_arithmetic3A_465 = arith.shrsi %get3A_458, %shift_right_arithmetic3A_464 : vector<16xi32>
      %eq3A_466 = arith.constant 5 : i32
      %eq3A_467 = vector.broadcast %eq3A_466 : i32 to vector<16xi32>
      %eq3A_468 = arith.cmpi eq, %shift_right_arithmetic3A_465, %eq3A_467 : vector<16xi32>
      %convert_element_type3A_469 = arith.extui %eq3A_468 : vector<16xi1> to vector<16xi32>
      %broadcast_in_dim3A_470 = arith.constant true
      %broadcast_in_dim3A_471 = vector.broadcast %broadcast_in_dim3A_470 : i1 to vector<16xi1>
      %masked_cumsum3A_472 = tpu.scan <sum>, %convert_element_type3A_469 masked %broadcast_in_dim3A_471 : vector<16xi32>, vector<16xi1> -> vector<16xi32>
      %add3A_473 = vector.broadcast %add3A_452 : i32 to vector<16xi32>
      %add3A_474 = arith.addi %add3A_473, %masked_cumsum3A_472 : vector<16xi32>
      %sub3A_475 = arith.constant 1 : i32
      %sub3A_476 = vector.broadcast %sub3A_475 : i32 to vector<16xi32>
      %sub3A_477 = arith.subi %add3A_474, %sub3A_476 : vector<16xi32>
      %and3A_478 = arith.constant 8191 : i32
      %and3A_479 = vector.broadcast %and3A_478 : i32 to vector<16xi32>
      %and3A_480 = arith.andi %get3A_458, %and3A_479 : vector<16xi32>
      tpu.vector_store_idx %arg8[%sub3A_477], %and3A_480 masked %eq3A_468 : memref<4112xi32, #tpu.memory_space<vmem>>[vector<16xi32>], vector<16xi32>, vector<16xi1>
      tpu.vector_store_idx %arg9[%sub3A_477], %get3A_462 masked %eq3A_468 : memref<4112xi32, #tpu.memory_space<vmem>>[vector<16xi32>], vector<16xi32>, vector<16xi1>
      %slice3A_481 = vector.extract_strided_slice %masked_cumsum3A_472 {offsets = [15], sizes = [1], strides = [1]} : vector<16xi32> to vector<1xi32>
      %squeeze3A_482 = vector.extract %slice3A_481[0] : i32 from vector<1xi32>
      %add3A_483 = arith.addi %add3A_452, %squeeze3A_482 : i32
      %scan3A_484 = arith.constant 3 : i32
      %scan3A_485 = arith.addi %scan3A_396, %scan3A_484 : i32
      %mul3A_486 = arith.constant 16 : i32
      %mul3A_487 = arith.muli %scan3A_485, %mul3A_486 : i32
      %get3A_488 = arith.index_cast %mul3A_487 : i32 to index
      %get3A_489 = tpu.vector_load %arg6[%get3A_488] {strides = array<i32>} : memref<4096xi32, #tpu.memory_space<vmem>>, vector<16xi32>,
      %mul3A_490 = arith.constant 16 : i32
      %mul3A_491 = arith.muli %scan3A_485, %mul3A_490 : i32
      %get3A_492 = arith.index_cast %mul3A_491 : i32 to index
      %get3A_493 = tpu.vector_load %arg7[%get3A_492] {strides = array<i32>} : memref<4096xi32, #tpu.memory_space<vmem>>, vector<16xi32>,
      %shift_right_arithmetic3A_494 = arith.constant 13 : i32
      %shift_right_arithmetic3A_495 = vector.broadcast %shift_right_arithmetic3A_494 : i32 to vector<16xi32>
      %shift_right_arithmetic3A_496 = arith.shrsi %get3A_489, %shift_right_arithmetic3A_495 : vector<16xi32>
      %eq3A_497 = arith.constant 5 : i32
      %eq3A_498 = vector.broadcast %eq3A_497 : i32 to vector<16xi32>
      %eq3A_499 = arith.cmpi eq, %shift_right_arithmetic3A_496, %eq3A_498 : vector<16xi32>
      %convert_element_type3A_500 = arith.extui %eq3A_499 : vector<16xi1> to vector<16xi32>
      %broadcast_in_dim3A_501 = arith.constant true
      %broadcast_in_dim3A_502 = vector.broadcast %broadcast_in_dim3A_501 : i1 to vector<16xi1>
      %masked_cumsum3A_503 = tpu.scan <sum>, %convert_element_type3A_500 masked %broadcast_in_dim3A_502 : vector<16xi32>, vector<16xi1> -> vector<16xi32>
      %add3A_504 = vector.broadcast %add3A_483 : i32 to vector<16xi32>
      %add3A_505 = arith.addi %add3A_504, %masked_cumsum3A_503 : vector<16xi32>
      %sub3A_506 = arith.constant 1 : i32
      %sub3A_507 = vector.broadcast %sub3A_506 : i32 to vector<16xi32>
      %sub3A_508 = arith.subi %add3A_505, %sub3A_507 : vector<16xi32>
      %and3A_509 = arith.constant 8191 : i32
      %and3A_510 = vector.broadcast %and3A_509 : i32 to vector<16xi32>
      %and3A_511 = arith.andi %get3A_489, %and3A_510 : vector<16xi32>
      tpu.vector_store_idx %arg8[%sub3A_508], %and3A_511 masked %eq3A_499 : memref<4112xi32, #tpu.memory_space<vmem>>[vector<16xi32>], vector<16xi32>, vector<16xi1>
      tpu.vector_store_idx %arg9[%sub3A_508], %get3A_493 masked %eq3A_499 : memref<4112xi32, #tpu.memory_space<vmem>>[vector<16xi32>], vector<16xi32>, vector<16xi1>
      %slice3A_512 = vector.extract_strided_slice %masked_cumsum3A_503 {offsets = [15], sizes = [1], strides = [1]} : vector<16xi32> to vector<1xi32>
      %squeeze3A_513 = vector.extract %slice3A_512[0] : i32 from vector<1xi32>
      %add3A_514 = arith.addi %add3A_483, %squeeze3A_513 : i32
      scf.yield %add3A_514 : i32
    }
    %scan3A_297 = arith.constant 256 : i32
    %dma_wait3A_298 = arith.constant 40960 : i32
    %dma_wait3A_299 = tpu.memref_slice %arg3[%select_n3A, %mul3A_284, %dma_wait3A_298] : memref<4x64x65536xf32, #tpu.memory_space<hbm>> -> memref<1x8x8192xf32, #tpu.memory_space<hbm>>
    %dma_wait3A_300 = tpu.memref_squeeze %dma_wait3A_299 : memref<1x8x8192xf32, #tpu.memory_space<hbm>> -> memref<8x8192xf32, #tpu.memory_space<hbm>>
    %dma_wait3A_301 = arith.constant 40960 : i32
    %dma_wait3A_302 = tpu.memref_slice %arg3[%select_n3A, %mul3A_284, %dma_wait3A_301] : memref<4x64x65536xf32, #tpu.memory_space<hbm>> -> memref<1x8x8192xf32, #tpu.memory_space<hbm>>
    %dma_wait3A_303 = tpu.memref_squeeze %dma_wait3A_302 : memref<1x8x8192xf32, #tpu.memory_space<hbm>> -> memref<8x8192xf32, #tpu.memory_space<hbm>>
    tpu.wait_dma2 semaphore(%arg12 : memref<!tpu.dma_semaphore, #tpu.memory_space<semaphore_mem>>) src(%dma_wait3A_303 : memref<8x8192xf32, #tpu.memory_space<hbm>>) dst(%arg10 : memref<8x8192xf32, #tpu.memory_space<vmem>>)
    %add3A_304 = arith.constant 16 : i32
    %add3A_305 = arith.addi %scan3A_296, %add3A_304 : i32
    %sub3A_306 = arith.constant 1 : i32
    %sub3A_307 = arith.subi %add3A_305, %sub3A_306 : i32
    %shift_right_arithmetic3A_308 = arith.constant 4 : i32
    %shift_right_arithmetic3A_309 = arith.shrsi %sub3A_307, %shift_right_arithmetic3A_308 : i32
    %while3A_310 = arith.constant 0 : i32
    %while3A_311 = arith.constant 0 : i32
    %while3A_312 = arith.subi %shift_right_arithmetic3A_309, %while3A_311 : i32
    %while3A_313 = arith.addi %while3A_311, %while3A_312 : i32
    %while3A_314 = arith.constant 1 : i32
    %while3A_315 = arith.divsi %while3A_312, %while3A_314 : i32
    %while3A_316 = arith.muli %while3A_315, %while3A_314 : i32
    %while3A_317 = arith.addi %while3A_311, %while3A_316 : i32
    %while3A_318 = arith.constant 1 : i32
    scf.for %while3A_396 = %while3A_311 to %while3A_317 step %while3A_318  : i32 {
      %mul3A_397 = arith.constant 16 : i32
      %mul3A_398 = arith.muli %while3A_396, %mul3A_397 : i32
      %add3A_399 = vector.broadcast %mul3A_398 : i32 to vector<16xi32>
      %add3A_400 = arith.addi %add3A_399, %iota3A : vector<16xi32>
      %lt3A = vector.broadcast %scan3A_296 : i32 to vector<16xi32>
      %lt3A_401 = arith.cmpi slt, %add3A_400, %lt3A : vector<16xi32>
      %mul3A_402 = arith.constant 16 : i32
      %mul3A_403 = arith.muli %while3A_396, %mul3A_402 : i32
      %get3A = arith.index_cast %mul3A_403 : i32 to index
      %get3A_404 = tpu.vector_load %arg8[%get3A] {strides = array<i32>} : memref<4112xi32, #tpu.memory_space<vmem>>, vector<16xi32>,
      %mul3A_405 = arith.constant 16 : i32
      %mul3A_406 = arith.muli %while3A_396, %mul3A_405 : i32
      %get3A_407 = arith.index_cast %mul3A_406 : i32 to index
      %get3A_408 = tpu.vector_load %arg9[%get3A_407] {strides = array<i32>} : memref<4112xi32, #tpu.memory_space<vmem>>, vector<16xi32>,
      %gather3A = tpu.vector_load_idx %arg10[%add3A_66, %get3A_404] masked %lt3A_401 : memref<8x8192xf32, #tpu.memory_space<vmem>>[vector<16xi32>, vector<16xi32>], vector<16xf32>, vector<16xi1>
      tpu.vector_store_idx %arg11[%add3A_66, %get3A_408], %gather3A masked %lt3A_401 {add = true} : memref<8x2048xf32, #tpu.memory_space<vmem>>[vector<16xi32>, vector<16xi32>], vector<16xf32>, vector<16xi1>
      %gather3A_409 = tpu.vector_load_idx %arg10[%add3A_72, %get3A_404] masked %lt3A_401 : memref<8x8192xf32, #tpu.memory_space<vmem>>[vector<16xi32>, vector<16xi32>], vector<16xf32>, vector<16xi1>
      tpu.vector_store_idx %arg11[%add3A_72, %get3A_408], %gather3A_409 masked %lt3A_401 {add = true} : memref<8x2048xf32, #tpu.memory_space<vmem>>[vector<16xi32>, vector<16xi32>], vector<16xf32>, vector<16xi1>
      %gather3A_410 = tpu.vector_load_idx %arg10[%add3A_78, %get3A_404] masked %lt3A_401 : memref<8x8192xf32, #tpu.memory_space<vmem>>[vector<16xi32>, vector<16xi32>], vector<16xf32>, vector<16xi1>
      tpu.vector_store_idx %arg11[%add3A_78, %get3A_408], %gather3A_410 masked %lt3A_401 {add = true} : memref<8x2048xf32, #tpu.memory_space<vmem>>[vector<16xi32>, vector<16xi32>], vector<16xf32>, vector<16xi1>
      %gather3A_411 = tpu.vector_load_idx %arg10[%add3A_84, %get3A_404] masked %lt3A_401 : memref<8x8192xf32, #tpu.memory_space<vmem>>[vector<16xi32>, vector<16xi32>], vector<16xf32>, vector<16xi1>
      tpu.vector_store_idx %arg11[%add3A_84, %get3A_408], %gather3A_411 masked %lt3A_401 {add = true} : memref<8x2048xf32, #tpu.memory_space<vmem>>[vector<16xi32>, vector<16xi32>], vector<16xf32>, vector<16xi1>
      %gather3A_412 = tpu.vector_load_idx %arg10[%add3A_90, %get3A_404] masked %lt3A_401 : memref<8x8192xf32, #tpu.memory_space<vmem>>[vector<16xi32>, vector<16xi32>], vector<16xf32>, vector<16xi1>
      tpu.vector_store_idx %arg11[%add3A_90, %get3A_408], %gather3A_412 masked %lt3A_401 {add = true} : memref<8x2048xf32, #tpu.memory_space<vmem>>[vector<16xi32>, vector<16xi32>], vector<16xf32>, vector<16xi1>
      %gather3A_413 = tpu.vector_load_idx %arg10[%add3A_96, %get3A_404] masked %lt3A_401 : memref<8x8192xf32, #tpu.memory_space<vmem>>[vector<16xi32>, vector<16xi32>], vector<16xf32>, vector<16xi1>
      tpu.vector_store_idx %arg11[%add3A_96, %get3A_408], %gather3A_413 masked %lt3A_401 {add = true} : memref<8x2048xf32, #tpu.memory_space<vmem>>[vector<16xi32>, vector<16xi32>], vector<16xf32>, vector<16xi1>
      %gather3A_414 = tpu.vector_load_idx %arg10[%add3A_102, %get3A_404] masked %lt3A_401 : memref<8x8192xf32, #tpu.memory_space<vmem>>[vector<16xi32>, vector<16xi32>], vector<16xf32>, vector<16xi1>
      tpu.vector_store_idx %arg11[%add3A_102, %get3A_408], %gather3A_414 masked %lt3A_401 {add = true} : memref<8x2048xf32, #tpu.memory_space<vmem>>[vector<16xi32>, vector<16xi32>], vector<16xf32>, vector<16xi1>
      %gather3A_415 = tpu.vector_load_idx %arg10[%add3A_108, %get3A_404] masked %lt3A_401 : memref<8x8192xf32, #tpu.memory_space<vmem>>[vector<16xi32>, vector<16xi32>], vector<16xf32>, vector<16xi1>
      tpu.vector_store_idx %arg11[%add3A_108, %get3A_408], %gather3A_415 masked %lt3A_401 {add = true} : memref<8x2048xf32, #tpu.memory_space<vmem>>[vector<16xi32>, vector<16xi32>], vector<16xf32>, vector<16xi1>
    }
    %while3A_319 = arith.constant 1 : i32
    scf.for %while3A_396 = %while3A_317 to %while3A_313 step %while3A_319  : i32 {
      %mul3A_397 = arith.constant 16 : i32
      %mul3A_398 = arith.muli %while3A_396, %mul3A_397 : i32
      %add3A_399 = vector.broadcast %mul3A_398 : i32 to vector<16xi32>
      %add3A_400 = arith.addi %add3A_399, %iota3A : vector<16xi32>
      %lt3A = vector.broadcast %scan3A_296 : i32 to vector<16xi32>
      %lt3A_401 = arith.cmpi slt, %add3A_400, %lt3A : vector<16xi32>
      %mul3A_402 = arith.constant 16 : i32
      %mul3A_403 = arith.muli %while3A_396, %mul3A_402 : i32
      %get3A = arith.index_cast %mul3A_403 : i32 to index
      %get3A_404 = tpu.vector_load %arg8[%get3A] {strides = array<i32>} : memref<4112xi32, #tpu.memory_space<vmem>>, vector<16xi32>,
      %mul3A_405 = arith.constant 16 : i32
      %mul3A_406 = arith.muli %while3A_396, %mul3A_405 : i32
      %get3A_407 = arith.index_cast %mul3A_406 : i32 to index
      %get3A_408 = tpu.vector_load %arg9[%get3A_407] {strides = array<i32>} : memref<4112xi32, #tpu.memory_space<vmem>>, vector<16xi32>,
      %gather3A = tpu.vector_load_idx %arg10[%add3A_66, %get3A_404] masked %lt3A_401 : memref<8x8192xf32, #tpu.memory_space<vmem>>[vector<16xi32>, vector<16xi32>], vector<16xf32>, vector<16xi1>
      tpu.vector_store_idx %arg11[%add3A_66, %get3A_408], %gather3A masked %lt3A_401 {add = true} : memref<8x2048xf32, #tpu.memory_space<vmem>>[vector<16xi32>, vector<16xi32>], vector<16xf32>, vector<16xi1>
      %gather3A_409 = tpu.vector_load_idx %arg10[%add3A_72, %get3A_404] masked %lt3A_401 : memref<8x8192xf32, #tpu.memory_space<vmem>>[vector<16xi32>, vector<16xi32>], vector<16xf32>, vector<16xi1>
      tpu.vector_store_idx %arg11[%add3A_72, %get3A_408], %gather3A_409 masked %lt3A_401 {add = true} : memref<8x2048xf32, #tpu.memory_space<vmem>>[vector<16xi32>, vector<16xi32>], vector<16xf32>, vector<16xi1>
      %gather3A_410 = tpu.vector_load_idx %arg10[%add3A_78, %get3A_404] masked %lt3A_401 : memref<8x8192xf32, #tpu.memory_space<vmem>>[vector<16xi32>, vector<16xi32>], vector<16xf32>, vector<16xi1>
      tpu.vector_store_idx %arg11[%add3A_78, %get3A_408], %gather3A_410 masked %lt3A_401 {add = true} : memref<8x2048xf32, #tpu.memory_space<vmem>>[vector<16xi32>, vector<16xi32>], vector<16xf32>, vector<16xi1>
      %gather3A_411 = tpu.vector_load_idx %arg10[%add3A_84, %get3A_404] masked %lt3A_401 : memref<8x8192xf32, #tpu.memory_space<vmem>>[vector<16xi32>, vector<16xi32>], vector<16xf32>, vector<16xi1>
      tpu.vector_store_idx %arg11[%add3A_84, %get3A_408], %gather3A_411 masked %lt3A_401 {add = true} : memref<8x2048xf32, #tpu.memory_space<vmem>>[vector<16xi32>, vector<16xi32>], vector<16xf32>, vector<16xi1>
      %gather3A_412 = tpu.vector_load_idx %arg10[%add3A_90, %get3A_404] masked %lt3A_401 : memref<8x8192xf32, #tpu.memory_space<vmem>>[vector<16xi32>, vector<16xi32>], vector<16xf32>, vector<16xi1>
      tpu.vector_store_idx %arg11[%add3A_90, %get3A_408], %gather3A_412 masked %lt3A_401 {add = true} : memref<8x2048xf32, #tpu.memory_space<vmem>>[vector<16xi32>, vector<16xi32>], vector<16xf32>, vector<16xi1>
      %gather3A_413 = tpu.vector_load_idx %arg10[%add3A_96, %get3A_404] masked %lt3A_401 : memref<8x8192xf32, #tpu.memory_space<vmem>>[vector<16xi32>, vector<16xi32>], vector<16xf32>, vector<16xi1>
      tpu.vector_store_idx %arg11[%add3A_96, %get3A_408], %gather3A_413 masked %lt3A_401 {add = true} : memref<8x2048xf32, #tpu.memory_space<vmem>>[vector<16xi32>, vector<16xi32>], vector<16xf32>, vector<16xi1>
      %gather3A_414 = tpu.vector_load_idx %arg10[%add3A_102, %get3A_404] masked %lt3A_401 : memref<8x8192xf32, #tpu.memory_space<vmem>>[vector<16xi32>, vector<16xi32>], vector<16xf32>, vector<16xi1>
      tpu.vector_store_idx %arg11[%add3A_102, %get3A_408], %gather3A_414 masked %lt3A_401 {add = true} : memref<8x2048xf32, #tpu.memory_space<vmem>>[vector<16xi32>, vector<16xi32>], vector<16xf32>, vector<16xi1>
      %gather3A_415 = tpu.vector_load_idx %arg10[%add3A_108, %get3A_404] masked %lt3A_401 : memref<8x8192xf32, #tpu.memory_space<vmem>>[vector<16xi32>, vector<16xi32>], vector<16xf32>, vector<16xi1>
      tpu.vector_store_idx %arg11[%add3A_108, %get3A_408], %gather3A_415 masked %lt3A_401 {add = true} : memref<8x2048xf32, #tpu.memory_space<vmem>>[vector<16xi32>, vector<16xi32>], vector<16xf32>, vector<16xi1>
    }
    %mul3A_320 = arith.constant 8 : i32
    %mul3A_321 = arith.muli %sub3A_19, %mul3A_320 : i32
    %dma_start3A_322 = arith.constant 49152 : i32
    %dma_start3A_323 = tpu.memref_slice %arg3[%select_n3A, %mul3A_321, %dma_start3A_322] : memref<4x64x65536xf32, #tpu.memory_space<hbm>> -> memref<1x8x8192xf32, #tpu.memory_space<hbm>>
    %dma_start3A_324 = tpu.memref_squeeze %dma_start3A_323 : memref<1x8x8192xf32, #tpu.memory_space<hbm>> -> memref<8x8192xf32, #tpu.memory_space<hbm>>
    %dma_start3A_325 = arith.constant 49152 : i32
    %dma_start3A_326 = tpu.memref_slice %arg3[%select_n3A, %mul3A_321, %dma_start3A_325] : memref<4x64x65536xf32, #tpu.memory_space<hbm>> -> memref<1x8x8192xf32, #tpu.memory_space<hbm>>
    %dma_start3A_327 = tpu.memref_squeeze %dma_start3A_326 : memref<1x8x8192xf32, #tpu.memory_space<hbm>> -> memref<8x8192xf32, #tpu.memory_space<hbm>>
    tpu.enqueue_dma source(%dma_start3A_327 : memref<8x8192xf32, #tpu.memory_space<hbm>>) target(%arg10 : memref<8x8192xf32, #tpu.memory_space<vmem>>) target_semaphore(%arg12 : memref<!tpu.dma_semaphore, #tpu.memory_space<semaphore_mem>>)
    %scan3A_328 = arith.constant 0 : i32
    %scan3A_329 = arith.constant 0 : i32
    %scan3A_330 = arith.constant 256 : i32
    %scan3A_331 = arith.addi %scan3A_329, %scan3A_330 : i32
    %scan3A_332 = arith.constant 4 : i32
    %scan3A_333 = scf.for %scan3A_396 = %scan3A_329 to %scan3A_331 step %scan3A_332 iter_args(%scan3A_397 = %scan3A_328) -> (i32)  : i32 {
      %mul3A_398 = arith.constant 16 : i32
      %mul3A_399 = arith.muli %scan3A_396, %mul3A_398 : i32
      %get3A = arith.index_cast %mul3A_399 : i32 to index
      %get3A_400 = tpu.vector_load %arg6[%get3A] {strides = array<i32>} : memref<4096xi32, #tpu.memory_space<vmem>>, vector<16xi32>,
      %mul3A_401 = arith.constant 16 : i32
      %mul3A_402 = arith.muli %scan3A_396, %mul3A_401 : i32
      %get3A_403 = arith.index_cast %mul3A_402 : i32 to index
      %get3A_404 = tpu.vector_load %arg7[%get3A_403] {strides = array<i32>} : memref<4096xi32, #tpu.memory_space<vmem>>, vector<16xi32>,
      %shift_right_arithmetic3A_405 = arith.constant 13 : i32
      %shift_right_arithmetic3A_406 = vector.broadcast %shift_right_arithmetic3A_405 : i32 to vector<16xi32>
      %shift_right_arithmetic3A_407 = arith.shrsi %get3A_400, %shift_right_arithmetic3A_406 : vector<16xi32>
      %eq3A_408 = arith.constant 6 : i32
      %eq3A_409 = vector.broadcast %eq3A_408 : i32 to vector<16xi32>
      %eq3A_410 = arith.cmpi eq, %shift_right_arithmetic3A_407, %eq3A_409 : vector<16xi32>
      %convert_element_type3A = arith.extui %eq3A_410 : vector<16xi1> to vector<16xi32>
      %broadcast_in_dim3A_411 = arith.constant true
      %broadcast_in_dim3A_412 = vector.broadcast %broadcast_in_dim3A_411 : i1 to vector<16xi1>
      %masked_cumsum3A = tpu.scan <sum>, %convert_element_type3A masked %broadcast_in_dim3A_412 : vector<16xi32>, vector<16xi1> -> vector<16xi32>
      %add3A_413 = vector.broadcast %scan3A_397 : i32 to vector<16xi32>
      %add3A_414 = arith.addi %add3A_413, %masked_cumsum3A : vector<16xi32>
      %sub3A_415 = arith.constant 1 : i32
      %sub3A_416 = vector.broadcast %sub3A_415 : i32 to vector<16xi32>
      %sub3A_417 = arith.subi %add3A_414, %sub3A_416 : vector<16xi32>
      %and3A_418 = arith.constant 8191 : i32
      %and3A_419 = vector.broadcast %and3A_418 : i32 to vector<16xi32>
      %and3A_420 = arith.andi %get3A_400, %and3A_419 : vector<16xi32>
      tpu.vector_store_idx %arg8[%sub3A_417], %and3A_420 masked %eq3A_410 : memref<4112xi32, #tpu.memory_space<vmem>>[vector<16xi32>], vector<16xi32>, vector<16xi1>
      tpu.vector_store_idx %arg9[%sub3A_417], %get3A_404 masked %eq3A_410 : memref<4112xi32, #tpu.memory_space<vmem>>[vector<16xi32>], vector<16xi32>, vector<16xi1>
      %slice3A = vector.extract_strided_slice %masked_cumsum3A {offsets = [15], sizes = [1], strides = [1]} : vector<16xi32> to vector<1xi32>
      %squeeze3A = vector.extract %slice3A[0] : i32 from vector<1xi32>
      %add3A_421 = arith.addi %scan3A_397, %squeeze3A : i32
      %scan3A_422 = arith.constant 1 : i32
      %scan3A_423 = arith.addi %scan3A_396, %scan3A_422 : i32
      %mul3A_424 = arith.constant 16 : i32
      %mul3A_425 = arith.muli %scan3A_423, %mul3A_424 : i32
      %get3A_426 = arith.index_cast %mul3A_425 : i32 to index
      %get3A_427 = tpu.vector_load %arg6[%get3A_426] {strides = array<i32>} : memref<4096xi32, #tpu.memory_space<vmem>>, vector<16xi32>,
      %mul3A_428 = arith.constant 16 : i32
      %mul3A_429 = arith.muli %scan3A_423, %mul3A_428 : i32
      %get3A_430 = arith.index_cast %mul3A_429 : i32 to index
      %get3A_431 = tpu.vector_load %arg7[%get3A_430] {strides = array<i32>} : memref<4096xi32, #tpu.memory_space<vmem>>, vector<16xi32>,
      %shift_right_arithmetic3A_432 = arith.constant 13 : i32
      %shift_right_arithmetic3A_433 = vector.broadcast %shift_right_arithmetic3A_432 : i32 to vector<16xi32>
      %shift_right_arithmetic3A_434 = arith.shrsi %get3A_427, %shift_right_arithmetic3A_433 : vector<16xi32>
      %eq3A_435 = arith.constant 6 : i32
      %eq3A_436 = vector.broadcast %eq3A_435 : i32 to vector<16xi32>
      %eq3A_437 = arith.cmpi eq, %shift_right_arithmetic3A_434, %eq3A_436 : vector<16xi32>
      %convert_element_type3A_438 = arith.extui %eq3A_437 : vector<16xi1> to vector<16xi32>
      %broadcast_in_dim3A_439 = arith.constant true
      %broadcast_in_dim3A_440 = vector.broadcast %broadcast_in_dim3A_439 : i1 to vector<16xi1>
      %masked_cumsum3A_441 = tpu.scan <sum>, %convert_element_type3A_438 masked %broadcast_in_dim3A_440 : vector<16xi32>, vector<16xi1> -> vector<16xi32>
      %add3A_442 = vector.broadcast %add3A_421 : i32 to vector<16xi32>
      %add3A_443 = arith.addi %add3A_442, %masked_cumsum3A_441 : vector<16xi32>
      %sub3A_444 = arith.constant 1 : i32
      %sub3A_445 = vector.broadcast %sub3A_444 : i32 to vector<16xi32>
      %sub3A_446 = arith.subi %add3A_443, %sub3A_445 : vector<16xi32>
      %and3A_447 = arith.constant 8191 : i32
      %and3A_448 = vector.broadcast %and3A_447 : i32 to vector<16xi32>
      %and3A_449 = arith.andi %get3A_427, %and3A_448 : vector<16xi32>
      tpu.vector_store_idx %arg8[%sub3A_446], %and3A_449 masked %eq3A_437 : memref<4112xi32, #tpu.memory_space<vmem>>[vector<16xi32>], vector<16xi32>, vector<16xi1>
      tpu.vector_store_idx %arg9[%sub3A_446], %get3A_431 masked %eq3A_437 : memref<4112xi32, #tpu.memory_space<vmem>>[vector<16xi32>], vector<16xi32>, vector<16xi1>
      %slice3A_450 = vector.extract_strided_slice %masked_cumsum3A_441 {offsets = [15], sizes = [1], strides = [1]} : vector<16xi32> to vector<1xi32>
      %squeeze3A_451 = vector.extract %slice3A_450[0] : i32 from vector<1xi32>
      %add3A_452 = arith.addi %add3A_421, %squeeze3A_451 : i32
      %scan3A_453 = arith.constant 2 : i32
      %scan3A_454 = arith.addi %scan3A_396, %scan3A_453 : i32
      %mul3A_455 = arith.constant 16 : i32
      %mul3A_456 = arith.muli %scan3A_454, %mul3A_455 : i32
      %get3A_457 = arith.index_cast %mul3A_456 : i32 to index
      %get3A_458 = tpu.vector_load %arg6[%get3A_457] {strides = array<i32>} : memref<4096xi32, #tpu.memory_space<vmem>>, vector<16xi32>,
      %mul3A_459 = arith.constant 16 : i32
      %mul3A_460 = arith.muli %scan3A_454, %mul3A_459 : i32
      %get3A_461 = arith.index_cast %mul3A_460 : i32 to index
      %get3A_462 = tpu.vector_load %arg7[%get3A_461] {strides = array<i32>} : memref<4096xi32, #tpu.memory_space<vmem>>, vector<16xi32>,
      %shift_right_arithmetic3A_463 = arith.constant 13 : i32
      %shift_right_arithmetic3A_464 = vector.broadcast %shift_right_arithmetic3A_463 : i32 to vector<16xi32>
      %shift_right_arithmetic3A_465 = arith.shrsi %get3A_458, %shift_right_arithmetic3A_464 : vector<16xi32>
      %eq3A_466 = arith.constant 6 : i32
      %eq3A_467 = vector.broadcast %eq3A_466 : i32 to vector<16xi32>
      %eq3A_468 = arith.cmpi eq, %shift_right_arithmetic3A_465, %eq3A_467 : vector<16xi32>
      %convert_element_type3A_469 = arith.extui %eq3A_468 : vector<16xi1> to vector<16xi32>
      %broadcast_in_dim3A_470 = arith.constant true
      %broadcast_in_dim3A_471 = vector.broadcast %broadcast_in_dim3A_470 : i1 to vector<16xi1>
      %masked_cumsum3A_472 = tpu.scan <sum>, %convert_element_type3A_469 masked %broadcast_in_dim3A_471 : vector<16xi32>, vector<16xi1> -> vector<16xi32>
      %add3A_473 = vector.broadcast %add3A_452 : i32 to vector<16xi32>
      %add3A_474 = arith.addi %add3A_473, %masked_cumsum3A_472 : vector<16xi32>
      %sub3A_475 = arith.constant 1 : i32
      %sub3A_476 = vector.broadcast %sub3A_475 : i32 to vector<16xi32>
      %sub3A_477 = arith.subi %add3A_474, %sub3A_476 : vector<16xi32>
      %and3A_478 = arith.constant 8191 : i32
      %and3A_479 = vector.broadcast %and3A_478 : i32 to vector<16xi32>
      %and3A_480 = arith.andi %get3A_458, %and3A_479 : vector<16xi32>
      tpu.vector_store_idx %arg8[%sub3A_477], %and3A_480 masked %eq3A_468 : memref<4112xi32, #tpu.memory_space<vmem>>[vector<16xi32>], vector<16xi32>, vector<16xi1>
      tpu.vector_store_idx %arg9[%sub3A_477], %get3A_462 masked %eq3A_468 : memref<4112xi32, #tpu.memory_space<vmem>>[vector<16xi32>], vector<16xi32>, vector<16xi1>
      %slice3A_481 = vector.extract_strided_slice %masked_cumsum3A_472 {offsets = [15], sizes = [1], strides = [1]} : vector<16xi32> to vector<1xi32>
      %squeeze3A_482 = vector.extract %slice3A_481[0] : i32 from vector<1xi32>
      %add3A_483 = arith.addi %add3A_452, %squeeze3A_482 : i32
      %scan3A_484 = arith.constant 3 : i32
      %scan3A_485 = arith.addi %scan3A_396, %scan3A_484 : i32
      %mul3A_486 = arith.constant 16 : i32
      %mul3A_487 = arith.muli %scan3A_485, %mul3A_486 : i32
      %get3A_488 = arith.index_cast %mul3A_487 : i32 to index
      %get3A_489 = tpu.vector_load %arg6[%get3A_488] {strides = array<i32>} : memref<4096xi32, #tpu.memory_space<vmem>>, vector<16xi32>,
      %mul3A_490 = arith.constant 16 : i32
      %mul3A_491 = arith.muli %scan3A_485, %mul3A_490 : i32
      %get3A_492 = arith.index_cast %mul3A_491 : i32 to index
      %get3A_493 = tpu.vector_load %arg7[%get3A_492] {strides = array<i32>} : memref<4096xi32, #tpu.memory_space<vmem>>, vector<16xi32>,
      %shift_right_arithmetic3A_494 = arith.constant 13 : i32
      %shift_right_arithmetic3A_495 = vector.broadcast %shift_right_arithmetic3A_494 : i32 to vector<16xi32>
      %shift_right_arithmetic3A_496 = arith.shrsi %get3A_489, %shift_right_arithmetic3A_495 : vector<16xi32>
      %eq3A_497 = arith.constant 6 : i32
      %eq3A_498 = vector.broadcast %eq3A_497 : i32 to vector<16xi32>
      %eq3A_499 = arith.cmpi eq, %shift_right_arithmetic3A_496, %eq3A_498 : vector<16xi32>
      %convert_element_type3A_500 = arith.extui %eq3A_499 : vector<16xi1> to vector<16xi32>
      %broadcast_in_dim3A_501 = arith.constant true
      %broadcast_in_dim3A_502 = vector.broadcast %broadcast_in_dim3A_501 : i1 to vector<16xi1>
      %masked_cumsum3A_503 = tpu.scan <sum>, %convert_element_type3A_500 masked %broadcast_in_dim3A_502 : vector<16xi32>, vector<16xi1> -> vector<16xi32>
      %add3A_504 = vector.broadcast %add3A_483 : i32 to vector<16xi32>
      %add3A_505 = arith.addi %add3A_504, %masked_cumsum3A_503 : vector<16xi32>
      %sub3A_506 = arith.constant 1 : i32
      %sub3A_507 = vector.broadcast %sub3A_506 : i32 to vector<16xi32>
      %sub3A_508 = arith.subi %add3A_505, %sub3A_507 : vector<16xi32>
      %and3A_509 = arith.constant 8191 : i32
      %and3A_510 = vector.broadcast %and3A_509 : i32 to vector<16xi32>
      %and3A_511 = arith.andi %get3A_489, %and3A_510 : vector<16xi32>
      tpu.vector_store_idx %arg8[%sub3A_508], %and3A_511 masked %eq3A_499 : memref<4112xi32, #tpu.memory_space<vmem>>[vector<16xi32>], vector<16xi32>, vector<16xi1>
      tpu.vector_store_idx %arg9[%sub3A_508], %get3A_493 masked %eq3A_499 : memref<4112xi32, #tpu.memory_space<vmem>>[vector<16xi32>], vector<16xi32>, vector<16xi1>
      %slice3A_512 = vector.extract_strided_slice %masked_cumsum3A_503 {offsets = [15], sizes = [1], strides = [1]} : vector<16xi32> to vector<1xi32>
      %squeeze3A_513 = vector.extract %slice3A_512[0] : i32 from vector<1xi32>
      %add3A_514 = arith.addi %add3A_483, %squeeze3A_513 : i32
      scf.yield %add3A_514 : i32
    }
    %scan3A_334 = arith.constant 256 : i32
    %dma_wait3A_335 = arith.constant 49152 : i32
    %dma_wait3A_336 = tpu.memref_slice %arg3[%select_n3A, %mul3A_321, %dma_wait3A_335] : memref<4x64x65536xf32, #tpu.memory_space<hbm>> -> memref<1x8x8192xf32, #tpu.memory_space<hbm>>
    %dma_wait3A_337 = tpu.memref_squeeze %dma_wait3A_336 : memref<1x8x8192xf32, #tpu.memory_space<hbm>> -> memref<8x8192xf32, #tpu.memory_space<hbm>>
    %dma_wait3A_338 = arith.constant 49152 : i32
    %dma_wait3A_339 = tpu.memref_slice %arg3[%select_n3A, %mul3A_321, %dma_wait3A_338] : memref<4x64x65536xf32, #tpu.memory_space<hbm>> -> memref<1x8x8192xf32, #tpu.memory_space<hbm>>
    %dma_wait3A_340 = tpu.memref_squeeze %dma_wait3A_339 : memref<1x8x8192xf32, #tpu.memory_space<hbm>> -> memref<8x8192xf32, #tpu.memory_space<hbm>>
    tpu.wait_dma2 semaphore(%arg12 : memref<!tpu.dma_semaphore, #tpu.memory_space<semaphore_mem>>) src(%dma_wait3A_340 : memref<8x8192xf32, #tpu.memory_space<hbm>>) dst(%arg10 : memref<8x8192xf32, #tpu.memory_space<vmem>>)
    %add3A_341 = arith.constant 16 : i32
    %add3A_342 = arith.addi %scan3A_333, %add3A_341 : i32
    %sub3A_343 = arith.constant 1 : i32
    %sub3A_344 = arith.subi %add3A_342, %sub3A_343 : i32
    %shift_right_arithmetic3A_345 = arith.constant 4 : i32
    %shift_right_arithmetic3A_346 = arith.shrsi %sub3A_344, %shift_right_arithmetic3A_345 : i32
    %while3A_347 = arith.constant 0 : i32
    %while3A_348 = arith.constant 0 : i32
    %while3A_349 = arith.subi %shift_right_arithmetic3A_346, %while3A_348 : i32
    %while3A_350 = arith.addi %while3A_348, %while3A_349 : i32
    %while3A_351 = arith.constant 1 : i32
    %while3A_352 = arith.divsi %while3A_349, %while3A_351 : i32
    %while3A_353 = arith.muli %while3A_352, %while3A_351 : i32
    %while3A_354 = arith.addi %while3A_348, %while3A_353 : i32
    %while3A_355 = arith.constant 1 : i32
    scf.for %while3A_396 = %while3A_348 to %while3A_354 step %while3A_355  : i32 {
      %mul3A_397 = arith.constant 16 : i32
      %mul3A_398 = arith.muli %while3A_396, %mul3A_397 : i32
      %add3A_399 = vector.broadcast %mul3A_398 : i32 to vector<16xi32>
      %add3A_400 = arith.addi %add3A_399, %iota3A : vector<16xi32>
      %lt3A = vector.broadcast %scan3A_333 : i32 to vector<16xi32>
      %lt3A_401 = arith.cmpi slt, %add3A_400, %lt3A : vector<16xi32>
      %mul3A_402 = arith.constant 16 : i32
      %mul3A_403 = arith.muli %while3A_396, %mul3A_402 : i32
      %get3A = arith.index_cast %mul3A_403 : i32 to index
      %get3A_404 = tpu.vector_load %arg8[%get3A] {strides = array<i32>} : memref<4112xi32, #tpu.memory_space<vmem>>, vector<16xi32>,
      %mul3A_405 = arith.constant 16 : i32
      %mul3A_406 = arith.muli %while3A_396, %mul3A_405 : i32
      %get3A_407 = arith.index_cast %mul3A_406 : i32 to index
      %get3A_408 = tpu.vector_load %arg9[%get3A_407] {strides = array<i32>} : memref<4112xi32, #tpu.memory_space<vmem>>, vector<16xi32>,
      %gather3A = tpu.vector_load_idx %arg10[%add3A_66, %get3A_404] masked %lt3A_401 : memref<8x8192xf32, #tpu.memory_space<vmem>>[vector<16xi32>, vector<16xi32>], vector<16xf32>, vector<16xi1>
      tpu.vector_store_idx %arg11[%add3A_66, %get3A_408], %gather3A masked %lt3A_401 {add = true} : memref<8x2048xf32, #tpu.memory_space<vmem>>[vector<16xi32>, vector<16xi32>], vector<16xf32>, vector<16xi1>
      %gather3A_409 = tpu.vector_load_idx %arg10[%add3A_72, %get3A_404] masked %lt3A_401 : memref<8x8192xf32, #tpu.memory_space<vmem>>[vector<16xi32>, vector<16xi32>], vector<16xf32>, vector<16xi1>
      tpu.vector_store_idx %arg11[%add3A_72, %get3A_408], %gather3A_409 masked %lt3A_401 {add = true} : memref<8x2048xf32, #tpu.memory_space<vmem>>[vector<16xi32>, vector<16xi32>], vector<16xf32>, vector<16xi1>
      %gather3A_410 = tpu.vector_load_idx %arg10[%add3A_78, %get3A_404] masked %lt3A_401 : memref<8x8192xf32, #tpu.memory_space<vmem>>[vector<16xi32>, vector<16xi32>], vector<16xf32>, vector<16xi1>
      tpu.vector_store_idx %arg11[%add3A_78, %get3A_408], %gather3A_410 masked %lt3A_401 {add = true} : memref<8x2048xf32, #tpu.memory_space<vmem>>[vector<16xi32>, vector<16xi32>], vector<16xf32>, vector<16xi1>
      %gather3A_411 = tpu.vector_load_idx %arg10[%add3A_84, %get3A_404] masked %lt3A_401 : memref<8x8192xf32, #tpu.memory_space<vmem>>[vector<16xi32>, vector<16xi32>], vector<16xf32>, vector<16xi1>
      tpu.vector_store_idx %arg11[%add3A_84, %get3A_408], %gather3A_411 masked %lt3A_401 {add = true} : memref<8x2048xf32, #tpu.memory_space<vmem>>[vector<16xi32>, vector<16xi32>], vector<16xf32>, vector<16xi1>
      %gather3A_412 = tpu.vector_load_idx %arg10[%add3A_90, %get3A_404] masked %lt3A_401 : memref<8x8192xf32, #tpu.memory_space<vmem>>[vector<16xi32>, vector<16xi32>], vector<16xf32>, vector<16xi1>
      tpu.vector_store_idx %arg11[%add3A_90, %get3A_408], %gather3A_412 masked %lt3A_401 {add = true} : memref<8x2048xf32, #tpu.memory_space<vmem>>[vector<16xi32>, vector<16xi32>], vector<16xf32>, vector<16xi1>
      %gather3A_413 = tpu.vector_load_idx %arg10[%add3A_96, %get3A_404] masked %lt3A_401 : memref<8x8192xf32, #tpu.memory_space<vmem>>[vector<16xi32>, vector<16xi32>], vector<16xf32>, vector<16xi1>
      tpu.vector_store_idx %arg11[%add3A_96, %get3A_408], %gather3A_413 masked %lt3A_401 {add = true} : memref<8x2048xf32, #tpu.memory_space<vmem>>[vector<16xi32>, vector<16xi32>], vector<16xf32>, vector<16xi1>
      %gather3A_414 = tpu.vector_load_idx %arg10[%add3A_102, %get3A_404] masked %lt3A_401 : memref<8x8192xf32, #tpu.memory_space<vmem>>[vector<16xi32>, vector<16xi32>], vector<16xf32>, vector<16xi1>
      tpu.vector_store_idx %arg11[%add3A_102, %get3A_408], %gather3A_414 masked %lt3A_401 {add = true} : memref<8x2048xf32, #tpu.memory_space<vmem>>[vector<16xi32>, vector<16xi32>], vector<16xf32>, vector<16xi1>
      %gather3A_415 = tpu.vector_load_idx %arg10[%add3A_108, %get3A_404] masked %lt3A_401 : memref<8x8192xf32, #tpu.memory_space<vmem>>[vector<16xi32>, vector<16xi32>], vector<16xf32>, vector<16xi1>
      tpu.vector_store_idx %arg11[%add3A_108, %get3A_408], %gather3A_415 masked %lt3A_401 {add = true} : memref<8x2048xf32, #tpu.memory_space<vmem>>[vector<16xi32>, vector<16xi32>], vector<16xf32>, vector<16xi1>
    }
    %while3A_356 = arith.constant 1 : i32
    scf.for %while3A_396 = %while3A_354 to %while3A_350 step %while3A_356  : i32 {
      %mul3A_397 = arith.constant 16 : i32
      %mul3A_398 = arith.muli %while3A_396, %mul3A_397 : i32
      %add3A_399 = vector.broadcast %mul3A_398 : i32 to vector<16xi32>
      %add3A_400 = arith.addi %add3A_399, %iota3A : vector<16xi32>
      %lt3A = vector.broadcast %scan3A_333 : i32 to vector<16xi32>
      %lt3A_401 = arith.cmpi slt, %add3A_400, %lt3A : vector<16xi32>
      %mul3A_402 = arith.constant 16 : i32
      %mul3A_403 = arith.muli %while3A_396, %mul3A_402 : i32
      %get3A = arith.index_cast %mul3A_403 : i32 to index
      %get3A_404 = tpu.vector_load %arg8[%get3A] {strides = array<i32>} : memref<4112xi32, #tpu.memory_space<vmem>>, vector<16xi32>,
      %mul3A_405 = arith.constant 16 : i32
      %mul3A_406 = arith.muli %while3A_396, %mul3A_405 : i32
      %get3A_407 = arith.index_cast %mul3A_406 : i32 to index
      %get3A_408 = tpu.vector_load %arg9[%get3A_407] {strides = array<i32>} : memref<4112xi32, #tpu.memory_space<vmem>>, vector<16xi32>,
      %gather3A = tpu.vector_load_idx %arg10[%add3A_66, %get3A_404] masked %lt3A_401 : memref<8x8192xf32, #tpu.memory_space<vmem>>[vector<16xi32>, vector<16xi32>], vector<16xf32>, vector<16xi1>
      tpu.vector_store_idx %arg11[%add3A_66, %get3A_408], %gather3A masked %lt3A_401 {add = true} : memref<8x2048xf32, #tpu.memory_space<vmem>>[vector<16xi32>, vector<16xi32>], vector<16xf32>, vector<16xi1>
      %gather3A_409 = tpu.vector_load_idx %arg10[%add3A_72, %get3A_404] masked %lt3A_401 : memref<8x8192xf32, #tpu.memory_space<vmem>>[vector<16xi32>, vector<16xi32>], vector<16xf32>, vector<16xi1>
      tpu.vector_store_idx %arg11[%add3A_72, %get3A_408], %gather3A_409 masked %lt3A_401 {add = true} : memref<8x2048xf32, #tpu.memory_space<vmem>>[vector<16xi32>, vector<16xi32>], vector<16xf32>, vector<16xi1>
      %gather3A_410 = tpu.vector_load_idx %arg10[%add3A_78, %get3A_404] masked %lt3A_401 : memref<8x8192xf32, #tpu.memory_space<vmem>>[vector<16xi32>, vector<16xi32>], vector<16xf32>, vector<16xi1>
      tpu.vector_store_idx %arg11[%add3A_78, %get3A_408], %gather3A_410 masked %lt3A_401 {add = true} : memref<8x2048xf32, #tpu.memory_space<vmem>>[vector<16xi32>, vector<16xi32>], vector<16xf32>, vector<16xi1>
      %gather3A_411 = tpu.vector_load_idx %arg10[%add3A_84, %get3A_404] masked %lt3A_401 : memref<8x8192xf32, #tpu.memory_space<vmem>>[vector<16xi32>, vector<16xi32>], vector<16xf32>, vector<16xi1>
      tpu.vector_store_idx %arg11[%add3A_84, %get3A_408], %gather3A_411 masked %lt3A_401 {add = true} : memref<8x2048xf32, #tpu.memory_space<vmem>>[vector<16xi32>, vector<16xi32>], vector<16xf32>, vector<16xi1>
      %gather3A_412 = tpu.vector_load_idx %arg10[%add3A_90, %get3A_404] masked %lt3A_401 : memref<8x8192xf32, #tpu.memory_space<vmem>>[vector<16xi32>, vector<16xi32>], vector<16xf32>, vector<16xi1>
      tpu.vector_store_idx %arg11[%add3A_90, %get3A_408], %gather3A_412 masked %lt3A_401 {add = true} : memref<8x2048xf32, #tpu.memory_space<vmem>>[vector<16xi32>, vector<16xi32>], vector<16xf32>, vector<16xi1>
      %gather3A_413 = tpu.vector_load_idx %arg10[%add3A_96, %get3A_404] masked %lt3A_401 : memref<8x8192xf32, #tpu.memory_space<vmem>>[vector<16xi32>, vector<16xi32>], vector<16xf32>, vector<16xi1>
      tpu.vector_store_idx %arg11[%add3A_96, %get3A_408], %gather3A_413 masked %lt3A_401 {add = true} : memref<8x2048xf32, #tpu.memory_space<vmem>>[vector<16xi32>, vector<16xi32>], vector<16xf32>, vector<16xi1>
      %gather3A_414 = tpu.vector_load_idx %arg10[%add3A_102, %get3A_404] masked %lt3A_401 : memref<8x8192xf32, #tpu.memory_space<vmem>>[vector<16xi32>, vector<16xi32>], vector<16xf32>, vector<16xi1>
      tpu.vector_store_idx %arg11[%add3A_102, %get3A_408], %gather3A_414 masked %lt3A_401 {add = true} : memref<8x2048xf32, #tpu.memory_space<vmem>>[vector<16xi32>, vector<16xi32>], vector<16xf32>, vector<16xi1>
      %gather3A_415 = tpu.vector_load_idx %arg10[%add3A_108, %get3A_404] masked %lt3A_401 : memref<8x8192xf32, #tpu.memory_space<vmem>>[vector<16xi32>, vector<16xi32>], vector<16xf32>, vector<16xi1>
      tpu.vector_store_idx %arg11[%add3A_108, %get3A_408], %gather3A_415 masked %lt3A_401 {add = true} : memref<8x2048xf32, #tpu.memory_space<vmem>>[vector<16xi32>, vector<16xi32>], vector<16xf32>, vector<16xi1>
    }
    %mul3A_357 = arith.constant 8 : i32
    %mul3A_358 = arith.muli %sub3A_19, %mul3A_357 : i32
    %dma_start3A_359 = arith.constant 57344 : i32
    %dma_start3A_360 = tpu.memref_slice %arg3[%select_n3A, %mul3A_358, %dma_start3A_359] : memref<4x64x65536xf32, #tpu.memory_space<hbm>> -> memref<1x8x8192xf32, #tpu.memory_space<hbm>>
    %dma_start3A_361 = tpu.memref_squeeze %dma_start3A_360 : memref<1x8x8192xf32, #tpu.memory_space<hbm>> -> memref<8x8192xf32, #tpu.memory_space<hbm>>
    %dma_start3A_362 = arith.constant 57344 : i32
    %dma_start3A_363 = tpu.memref_slice %arg3[%select_n3A, %mul3A_358, %dma_start3A_362] : memref<4x64x65536xf32, #tpu.memory_space<hbm>> -> memref<1x8x8192xf32, #tpu.memory_space<hbm>>
    %dma_start3A_364 = tpu.memref_squeeze %dma_start3A_363 : memref<1x8x8192xf32, #tpu.memory_space<hbm>> -> memref<8x8192xf32, #tpu.memory_space<hbm>>
    tpu.enqueue_dma source(%dma_start3A_364 : memref<8x8192xf32, #tpu.memory_space<hbm>>) target(%arg10 : memref<8x8192xf32, #tpu.memory_space<vmem>>) target_semaphore(%arg12 : memref<!tpu.dma_semaphore, #tpu.memory_space<semaphore_mem>>)
    %scan3A_365 = arith.constant 0 : i32
    %scan3A_366 = arith.constant 0 : i32
    %scan3A_367 = arith.constant 256 : i32
    %scan3A_368 = arith.addi %scan3A_366, %scan3A_367 : i32
    %scan3A_369 = arith.constant 4 : i32
    %scan3A_370 = scf.for %scan3A_396 = %scan3A_366 to %scan3A_368 step %scan3A_369 iter_args(%scan3A_397 = %scan3A_365) -> (i32)  : i32 {
      %mul3A_398 = arith.constant 16 : i32
      %mul3A_399 = arith.muli %scan3A_396, %mul3A_398 : i32
      %get3A = arith.index_cast %mul3A_399 : i32 to index
      %get3A_400 = tpu.vector_load %arg6[%get3A] {strides = array<i32>} : memref<4096xi32, #tpu.memory_space<vmem>>, vector<16xi32>,
      %mul3A_401 = arith.constant 16 : i32
      %mul3A_402 = arith.muli %scan3A_396, %mul3A_401 : i32
      %get3A_403 = arith.index_cast %mul3A_402 : i32 to index
      %get3A_404 = tpu.vector_load %arg7[%get3A_403] {strides = array<i32>} : memref<4096xi32, #tpu.memory_space<vmem>>, vector<16xi32>,
      %shift_right_arithmetic3A_405 = arith.constant 13 : i32
      %shift_right_arithmetic3A_406 = vector.broadcast %shift_right_arithmetic3A_405 : i32 to vector<16xi32>
      %shift_right_arithmetic3A_407 = arith.shrsi %get3A_400, %shift_right_arithmetic3A_406 : vector<16xi32>
      %eq3A_408 = arith.constant 7 : i32
      %eq3A_409 = vector.broadcast %eq3A_408 : i32 to vector<16xi32>
      %eq3A_410 = arith.cmpi eq, %shift_right_arithmetic3A_407, %eq3A_409 : vector<16xi32>
      %convert_element_type3A = arith.extui %eq3A_410 : vector<16xi1> to vector<16xi32>
      %broadcast_in_dim3A_411 = arith.constant true
      %broadcast_in_dim3A_412 = vector.broadcast %broadcast_in_dim3A_411 : i1 to vector<16xi1>
      %masked_cumsum3A = tpu.scan <sum>, %convert_element_type3A masked %broadcast_in_dim3A_412 : vector<16xi32>, vector<16xi1> -> vector<16xi32>
      %add3A_413 = vector.broadcast %scan3A_397 : i32 to vector<16xi32>
      %add3A_414 = arith.addi %add3A_413, %masked_cumsum3A : vector<16xi32>
      %sub3A_415 = arith.constant 1 : i32
      %sub3A_416 = vector.broadcast %sub3A_415 : i32 to vector<16xi32>
      %sub3A_417 = arith.subi %add3A_414, %sub3A_416 : vector<16xi32>
      %and3A_418 = arith.constant 8191 : i32
      %and3A_419 = vector.broadcast %and3A_418 : i32 to vector<16xi32>
      %and3A_420 = arith.andi %get3A_400, %and3A_419 : vector<16xi32>
      tpu.vector_store_idx %arg8[%sub3A_417], %and3A_420 masked %eq3A_410 : memref<4112xi32, #tpu.memory_space<vmem>>[vector<16xi32>], vector<16xi32>, vector<16xi1>
      tpu.vector_store_idx %arg9[%sub3A_417], %get3A_404 masked %eq3A_410 : memref<4112xi32, #tpu.memory_space<vmem>>[vector<16xi32>], vector<16xi32>, vector<16xi1>
      %slice3A = vector.extract_strided_slice %masked_cumsum3A {offsets = [15], sizes = [1], strides = [1]} : vector<16xi32> to vector<1xi32>
      %squeeze3A = vector.extract %slice3A[0] : i32 from vector<1xi32>
      %add3A_421 = arith.addi %scan3A_397, %squeeze3A : i32
      %scan3A_422 = arith.constant 1 : i32
      %scan3A_423 = arith.addi %scan3A_396, %scan3A_422 : i32
      %mul3A_424 = arith.constant 16 : i32
      %mul3A_425 = arith.muli %scan3A_423, %mul3A_424 : i32
      %get3A_426 = arith.index_cast %mul3A_425 : i32 to index
      %get3A_427 = tpu.vector_load %arg6[%get3A_426] {strides = array<i32>} : memref<4096xi32, #tpu.memory_space<vmem>>, vector<16xi32>,
      %mul3A_428 = arith.constant 16 : i32
      %mul3A_429 = arith.muli %scan3A_423, %mul3A_428 : i32
      %get3A_430 = arith.index_cast %mul3A_429 : i32 to index
      %get3A_431 = tpu.vector_load %arg7[%get3A_430] {strides = array<i32>} : memref<4096xi32, #tpu.memory_space<vmem>>, vector<16xi32>,
      %shift_right_arithmetic3A_432 = arith.constant 13 : i32
      %shift_right_arithmetic3A_433 = vector.broadcast %shift_right_arithmetic3A_432 : i32 to vector<16xi32>
      %shift_right_arithmetic3A_434 = arith.shrsi %get3A_427, %shift_right_arithmetic3A_433 : vector<16xi32>
      %eq3A_435 = arith.constant 7 : i32
      %eq3A_436 = vector.broadcast %eq3A_435 : i32 to vector<16xi32>
      %eq3A_437 = arith.cmpi eq, %shift_right_arithmetic3A_434, %eq3A_436 : vector<16xi32>
      %convert_element_type3A_438 = arith.extui %eq3A_437 : vector<16xi1> to vector<16xi32>
      %broadcast_in_dim3A_439 = arith.constant true
      %broadcast_in_dim3A_440 = vector.broadcast %broadcast_in_dim3A_439 : i1 to vector<16xi1>
      %masked_cumsum3A_441 = tpu.scan <sum>, %convert_element_type3A_438 masked %broadcast_in_dim3A_440 : vector<16xi32>, vector<16xi1> -> vector<16xi32>
      %add3A_442 = vector.broadcast %add3A_421 : i32 to vector<16xi32>
      %add3A_443 = arith.addi %add3A_442, %masked_cumsum3A_441 : vector<16xi32>
      %sub3A_444 = arith.constant 1 : i32
      %sub3A_445 = vector.broadcast %sub3A_444 : i32 to vector<16xi32>
      %sub3A_446 = arith.subi %add3A_443, %sub3A_445 : vector<16xi32>
      %and3A_447 = arith.constant 8191 : i32
      %and3A_448 = vector.broadcast %and3A_447 : i32 to vector<16xi32>
      %and3A_449 = arith.andi %get3A_427, %and3A_448 : vector<16xi32>
      tpu.vector_store_idx %arg8[%sub3A_446], %and3A_449 masked %eq3A_437 : memref<4112xi32, #tpu.memory_space<vmem>>[vector<16xi32>], vector<16xi32>, vector<16xi1>
      tpu.vector_store_idx %arg9[%sub3A_446], %get3A_431 masked %eq3A_437 : memref<4112xi32, #tpu.memory_space<vmem>>[vector<16xi32>], vector<16xi32>, vector<16xi1>
      %slice3A_450 = vector.extract_strided_slice %masked_cumsum3A_441 {offsets = [15], sizes = [1], strides = [1]} : vector<16xi32> to vector<1xi32>
      %squeeze3A_451 = vector.extract %slice3A_450[0] : i32 from vector<1xi32>
      %add3A_452 = arith.addi %add3A_421, %squeeze3A_451 : i32
      %scan3A_453 = arith.constant 2 : i32
      %scan3A_454 = arith.addi %scan3A_396, %scan3A_453 : i32
      %mul3A_455 = arith.constant 16 : i32
      %mul3A_456 = arith.muli %scan3A_454, %mul3A_455 : i32
      %get3A_457 = arith.index_cast %mul3A_456 : i32 to index
      %get3A_458 = tpu.vector_load %arg6[%get3A_457] {strides = array<i32>} : memref<4096xi32, #tpu.memory_space<vmem>>, vector<16xi32>,
      %mul3A_459 = arith.constant 16 : i32
      %mul3A_460 = arith.muli %scan3A_454, %mul3A_459 : i32
      %get3A_461 = arith.index_cast %mul3A_460 : i32 to index
      %get3A_462 = tpu.vector_load %arg7[%get3A_461] {strides = array<i32>} : memref<4096xi32, #tpu.memory_space<vmem>>, vector<16xi32>,
      %shift_right_arithmetic3A_463 = arith.constant 13 : i32
      %shift_right_arithmetic3A_464 = vector.broadcast %shift_right_arithmetic3A_463 : i32 to vector<16xi32>
      %shift_right_arithmetic3A_465 = arith.shrsi %get3A_458, %shift_right_arithmetic3A_464 : vector<16xi32>
      %eq3A_466 = arith.constant 7 : i32
      %eq3A_467 = vector.broadcast %eq3A_466 : i32 to vector<16xi32>
      %eq3A_468 = arith.cmpi eq, %shift_right_arithmetic3A_465, %eq3A_467 : vector<16xi32>
      %convert_element_type3A_469 = arith.extui %eq3A_468 : vector<16xi1> to vector<16xi32>
      %broadcast_in_dim3A_470 = arith.constant true
      %broadcast_in_dim3A_471 = vector.broadcast %broadcast_in_dim3A_470 : i1 to vector<16xi1>
      %masked_cumsum3A_472 = tpu.scan <sum>, %convert_element_type3A_469 masked %broadcast_in_dim3A_471 : vector<16xi32>, vector<16xi1> -> vector<16xi32>
      %add3A_473 = vector.broadcast %add3A_452 : i32 to vector<16xi32>
      %add3A_474 = arith.addi %add3A_473, %masked_cumsum3A_472 : vector<16xi32>
      %sub3A_475 = arith.constant 1 : i32
      %sub3A_476 = vector.broadcast %sub3A_475 : i32 to vector<16xi32>
      %sub3A_477 = arith.subi %add3A_474, %sub3A_476 : vector<16xi32>
      %and3A_478 = arith.constant 8191 : i32
      %and3A_479 = vector.broadcast %and3A_478 : i32 to vector<16xi32>
      %and3A_480 = arith.andi %get3A_458, %and3A_479 : vector<16xi32>
      tpu.vector_store_idx %arg8[%sub3A_477], %and3A_480 masked %eq3A_468 : memref<4112xi32, #tpu.memory_space<vmem>>[vector<16xi32>], vector<16xi32>, vector<16xi1>
      tpu.vector_store_idx %arg9[%sub3A_477], %get3A_462 masked %eq3A_468 : memref<4112xi32, #tpu.memory_space<vmem>>[vector<16xi32>], vector<16xi32>, vector<16xi1>
      %slice3A_481 = vector.extract_strided_slice %masked_cumsum3A_472 {offsets = [15], sizes = [1], strides = [1]} : vector<16xi32> to vector<1xi32>
      %squeeze3A_482 = vector.extract %slice3A_481[0] : i32 from vector<1xi32>
      %add3A_483 = arith.addi %add3A_452, %squeeze3A_482 : i32
      %scan3A_484 = arith.constant 3 : i32
      %scan3A_485 = arith.addi %scan3A_396, %scan3A_484 : i32
      %mul3A_486 = arith.constant 16 : i32
      %mul3A_487 = arith.muli %scan3A_485, %mul3A_486 : i32
      %get3A_488 = arith.index_cast %mul3A_487 : i32 to index
      %get3A_489 = tpu.vector_load %arg6[%get3A_488] {strides = array<i32>} : memref<4096xi32, #tpu.memory_space<vmem>>, vector<16xi32>,
      %mul3A_490 = arith.constant 16 : i32
      %mul3A_491 = arith.muli %scan3A_485, %mul3A_490 : i32
      %get3A_492 = arith.index_cast %mul3A_491 : i32 to index
      %get3A_493 = tpu.vector_load %arg7[%get3A_492] {strides = array<i32>} : memref<4096xi32, #tpu.memory_space<vmem>>, vector<16xi32>,
      %shift_right_arithmetic3A_494 = arith.constant 13 : i32
      %shift_right_arithmetic3A_495 = vector.broadcast %shift_right_arithmetic3A_494 : i32 to vector<16xi32>
      %shift_right_arithmetic3A_496 = arith.shrsi %get3A_489, %shift_right_arithmetic3A_495 : vector<16xi32>
      %eq3A_497 = arith.constant 7 : i32
      %eq3A_498 = vector.broadcast %eq3A_497 : i32 to vector<16xi32>
      %eq3A_499 = arith.cmpi eq, %shift_right_arithmetic3A_496, %eq3A_498 : vector<16xi32>
      %convert_element_type3A_500 = arith.extui %eq3A_499 : vector<16xi1> to vector<16xi32>
      %broadcast_in_dim3A_501 = arith.constant true
      %broadcast_in_dim3A_502 = vector.broadcast %broadcast_in_dim3A_501 : i1 to vector<16xi1>
      %masked_cumsum3A_503 = tpu.scan <sum>, %convert_element_type3A_500 masked %broadcast_in_dim3A_502 : vector<16xi32>, vector<16xi1> -> vector<16xi32>
      %add3A_504 = vector.broadcast %add3A_483 : i32 to vector<16xi32>
      %add3A_505 = arith.addi %add3A_504, %masked_cumsum3A_503 : vector<16xi32>
      %sub3A_506 = arith.constant 1 : i32
      %sub3A_507 = vector.broadcast %sub3A_506 : i32 to vector<16xi32>
      %sub3A_508 = arith.subi %add3A_505, %sub3A_507 : vector<16xi32>
      %and3A_509 = arith.constant 8191 : i32
      %and3A_510 = vector.broadcast %and3A_509 : i32 to vector<16xi32>
      %and3A_511 = arith.andi %get3A_489, %and3A_510 : vector<16xi32>
      tpu.vector_store_idx %arg8[%sub3A_508], %and3A_511 masked %eq3A_499 : memref<4112xi32, #tpu.memory_space<vmem>>[vector<16xi32>], vector<16xi32>, vector<16xi1>
      tpu.vector_store_idx %arg9[%sub3A_508], %get3A_493 masked %eq3A_499 : memref<4112xi32, #tpu.memory_space<vmem>>[vector<16xi32>], vector<16xi32>, vector<16xi1>
      %slice3A_512 = vector.extract_strided_slice %masked_cumsum3A_503 {offsets = [15], sizes = [1], strides = [1]} : vector<16xi32> to vector<1xi32>
      %squeeze3A_513 = vector.extract %slice3A_512[0] : i32 from vector<1xi32>
      %add3A_514 = arith.addi %add3A_483, %squeeze3A_513 : i32
      scf.yield %add3A_514 : i32
    }
    %scan3A_371 = arith.constant 256 : i32
    %dma_wait3A_372 = arith.constant 57344 : i32
    %dma_wait3A_373 = tpu.memref_slice %arg3[%select_n3A, %mul3A_358, %dma_wait3A_372] : memref<4x64x65536xf32, #tpu.memory_space<hbm>> -> memref<1x8x8192xf32, #tpu.memory_space<hbm>>
    %dma_wait3A_374 = tpu.memref_squeeze %dma_wait3A_373 : memref<1x8x8192xf32, #tpu.memory_space<hbm>> -> memref<8x8192xf32, #tpu.memory_space<hbm>>
    %dma_wait3A_375 = arith.constant 57344 : i32
    %dma_wait3A_376 = tpu.memref_slice %arg3[%select_n3A, %mul3A_358, %dma_wait3A_375] : memref<4x64x65536xf32, #tpu.memory_space<hbm>> -> memref<1x8x8192xf32, #tpu.memory_space<hbm>>
    %dma_wait3A_377 = tpu.memref_squeeze %dma_wait3A_376 : memref<1x8x8192xf32, #tpu.memory_space<hbm>> -> memref<8x8192xf32, #tpu.memory_space<hbm>>
    tpu.wait_dma2 semaphore(%arg12 : memref<!tpu.dma_semaphore, #tpu.memory_space<semaphore_mem>>) src(%dma_wait3A_377 : memref<8x8192xf32, #tpu.memory_space<hbm>>) dst(%arg10 : memref<8x8192xf32, #tpu.memory_space<vmem>>)
    %add3A_378 = arith.constant 16 : i32
    %add3A_379 = arith.addi %scan3A_370, %add3A_378 : i32
    %sub3A_380 = arith.constant 1 : i32
    %sub3A_381 = arith.subi %add3A_379, %sub3A_380 : i32
    %shift_right_arithmetic3A_382 = arith.constant 4 : i32
    %shift_right_arithmetic3A_383 = arith.shrsi %sub3A_381, %shift_right_arithmetic3A_382 : i32
    %while3A_384 = arith.constant 0 : i32
    %while3A_385 = arith.constant 0 : i32
    %while3A_386 = arith.subi %shift_right_arithmetic3A_383, %while3A_385 : i32
    %while3A_387 = arith.addi %while3A_385, %while3A_386 : i32
    %while3A_388 = arith.constant 1 : i32
    %while3A_389 = arith.divsi %while3A_386, %while3A_388 : i32
    %while3A_390 = arith.muli %while3A_389, %while3A_388 : i32
    %while3A_391 = arith.addi %while3A_385, %while3A_390 : i32
    %while3A_392 = arith.constant 1 : i32
    scf.for %while3A_396 = %while3A_385 to %while3A_391 step %while3A_392  : i32 {
      %mul3A_397 = arith.constant 16 : i32
      %mul3A_398 = arith.muli %while3A_396, %mul3A_397 : i32
      %add3A_399 = vector.broadcast %mul3A_398 : i32 to vector<16xi32>
      %add3A_400 = arith.addi %add3A_399, %iota3A : vector<16xi32>
      %lt3A = vector.broadcast %scan3A_370 : i32 to vector<16xi32>
      %lt3A_401 = arith.cmpi slt, %add3A_400, %lt3A : vector<16xi32>
      %mul3A_402 = arith.constant 16 : i32
      %mul3A_403 = arith.muli %while3A_396, %mul3A_402 : i32
      %get3A = arith.index_cast %mul3A_403 : i32 to index
      %get3A_404 = tpu.vector_load %arg8[%get3A] {strides = array<i32>} : memref<4112xi32, #tpu.memory_space<vmem>>, vector<16xi32>,
      %mul3A_405 = arith.constant 16 : i32
      %mul3A_406 = arith.muli %while3A_396, %mul3A_405 : i32
      %get3A_407 = arith.index_cast %mul3A_406 : i32 to index
      %get3A_408 = tpu.vector_load %arg9[%get3A_407] {strides = array<i32>} : memref<4112xi32, #tpu.memory_space<vmem>>, vector<16xi32>,
      %gather3A = tpu.vector_load_idx %arg10[%add3A_66, %get3A_404] masked %lt3A_401 : memref<8x8192xf32, #tpu.memory_space<vmem>>[vector<16xi32>, vector<16xi32>], vector<16xf32>, vector<16xi1>
      tpu.vector_store_idx %arg11[%add3A_66, %get3A_408], %gather3A masked %lt3A_401 {add = true} : memref<8x2048xf32, #tpu.memory_space<vmem>>[vector<16xi32>, vector<16xi32>], vector<16xf32>, vector<16xi1>
      %gather3A_409 = tpu.vector_load_idx %arg10[%add3A_72, %get3A_404] masked %lt3A_401 : memref<8x8192xf32, #tpu.memory_space<vmem>>[vector<16xi32>, vector<16xi32>], vector<16xf32>, vector<16xi1>
      tpu.vector_store_idx %arg11[%add3A_72, %get3A_408], %gather3A_409 masked %lt3A_401 {add = true} : memref<8x2048xf32, #tpu.memory_space<vmem>>[vector<16xi32>, vector<16xi32>], vector<16xf32>, vector<16xi1>
      %gather3A_410 = tpu.vector_load_idx %arg10[%add3A_78, %get3A_404] masked %lt3A_401 : memref<8x8192xf32, #tpu.memory_space<vmem>>[vector<16xi32>, vector<16xi32>], vector<16xf32>, vector<16xi1>
      tpu.vector_store_idx %arg11[%add3A_78, %get3A_408], %gather3A_410 masked %lt3A_401 {add = true} : memref<8x2048xf32, #tpu.memory_space<vmem>>[vector<16xi32>, vector<16xi32>], vector<16xf32>, vector<16xi1>
      %gather3A_411 = tpu.vector_load_idx %arg10[%add3A_84, %get3A_404] masked %lt3A_401 : memref<8x8192xf32, #tpu.memory_space<vmem>>[vector<16xi32>, vector<16xi32>], vector<16xf32>, vector<16xi1>
      tpu.vector_store_idx %arg11[%add3A_84, %get3A_408], %gather3A_411 masked %lt3A_401 {add = true} : memref<8x2048xf32, #tpu.memory_space<vmem>>[vector<16xi32>, vector<16xi32>], vector<16xf32>, vector<16xi1>
      %gather3A_412 = tpu.vector_load_idx %arg10[%add3A_90, %get3A_404] masked %lt3A_401 : memref<8x8192xf32, #tpu.memory_space<vmem>>[vector<16xi32>, vector<16xi32>], vector<16xf32>, vector<16xi1>
      tpu.vector_store_idx %arg11[%add3A_90, %get3A_408], %gather3A_412 masked %lt3A_401 {add = true} : memref<8x2048xf32, #tpu.memory_space<vmem>>[vector<16xi32>, vector<16xi32>], vector<16xf32>, vector<16xi1>
      %gather3A_413 = tpu.vector_load_idx %arg10[%add3A_96, %get3A_404] masked %lt3A_401 : memref<8x8192xf32, #tpu.memory_space<vmem>>[vector<16xi32>, vector<16xi32>], vector<16xf32>, vector<16xi1>
      tpu.vector_store_idx %arg11[%add3A_96, %get3A_408], %gather3A_413 masked %lt3A_401 {add = true} : memref<8x2048xf32, #tpu.memory_space<vmem>>[vector<16xi32>, vector<16xi32>], vector<16xf32>, vector<16xi1>
      %gather3A_414 = tpu.vector_load_idx %arg10[%add3A_102, %get3A_404] masked %lt3A_401 : memref<8x8192xf32, #tpu.memory_space<vmem>>[vector<16xi32>, vector<16xi32>], vector<16xf32>, vector<16xi1>
      tpu.vector_store_idx %arg11[%add3A_102, %get3A_408], %gather3A_414 masked %lt3A_401 {add = true} : memref<8x2048xf32, #tpu.memory_space<vmem>>[vector<16xi32>, vector<16xi32>], vector<16xf32>, vector<16xi1>
      %gather3A_415 = tpu.vector_load_idx %arg10[%add3A_108, %get3A_404] masked %lt3A_401 : memref<8x8192xf32, #tpu.memory_space<vmem>>[vector<16xi32>, vector<16xi32>], vector<16xf32>, vector<16xi1>
      tpu.vector_store_idx %arg11[%add3A_108, %get3A_408], %gather3A_415 masked %lt3A_401 {add = true} : memref<8x2048xf32, #tpu.memory_space<vmem>>[vector<16xi32>, vector<16xi32>], vector<16xf32>, vector<16xi1>
    }
    %while3A_393 = arith.constant 1 : i32
    scf.for %while3A_396 = %while3A_391 to %while3A_387 step %while3A_393  : i32 {
      %mul3A_397 = arith.constant 16 : i32
      %mul3A_398 = arith.muli %while3A_396, %mul3A_397 : i32
      %add3A_399 = vector.broadcast %mul3A_398 : i32 to vector<16xi32>
      %add3A_400 = arith.addi %add3A_399, %iota3A : vector<16xi32>
      %lt3A = vector.broadcast %scan3A_370 : i32 to vector<16xi32>
      %lt3A_401 = arith.cmpi slt, %add3A_400, %lt3A : vector<16xi32>
      %mul3A_402 = arith.constant 16 : i32
      %mul3A_403 = arith.muli %while3A_396, %mul3A_402 : i32
      %get3A = arith.index_cast %mul3A_403 : i32 to index
      %get3A_404 = tpu.vector_load %arg8[%get3A] {strides = array<i32>} : memref<4112xi32, #tpu.memory_space<vmem>>, vector<16xi32>,
      %mul3A_405 = arith.constant 16 : i32
      %mul3A_406 = arith.muli %while3A_396, %mul3A_405 : i32
      %get3A_407 = arith.index_cast %mul3A_406 : i32 to index
      %get3A_408 = tpu.vector_load %arg9[%get3A_407] {strides = array<i32>} : memref<4112xi32, #tpu.memory_space<vmem>>, vector<16xi32>,
      %gather3A = tpu.vector_load_idx %arg10[%add3A_66, %get3A_404] masked %lt3A_401 : memref<8x8192xf32, #tpu.memory_space<vmem>>[vector<16xi32>, vector<16xi32>], vector<16xf32>, vector<16xi1>
      tpu.vector_store_idx %arg11[%add3A_66, %get3A_408], %gather3A masked %lt3A_401 {add = true} : memref<8x2048xf32, #tpu.memory_space<vmem>>[vector<16xi32>, vector<16xi32>], vector<16xf32>, vector<16xi1>
      %gather3A_409 = tpu.vector_load_idx %arg10[%add3A_72, %get3A_404] masked %lt3A_401 : memref<8x8192xf32, #tpu.memory_space<vmem>>[vector<16xi32>, vector<16xi32>], vector<16xf32>, vector<16xi1>
      tpu.vector_store_idx %arg11[%add3A_72, %get3A_408], %gather3A_409 masked %lt3A_401 {add = true} : memref<8x2048xf32, #tpu.memory_space<vmem>>[vector<16xi32>, vector<16xi32>], vector<16xf32>, vector<16xi1>
      %gather3A_410 = tpu.vector_load_idx %arg10[%add3A_78, %get3A_404] masked %lt3A_401 : memref<8x8192xf32, #tpu.memory_space<vmem>>[vector<16xi32>, vector<16xi32>], vector<16xf32>, vector<16xi1>
      tpu.vector_store_idx %arg11[%add3A_78, %get3A_408], %gather3A_410 masked %lt3A_401 {add = true} : memref<8x2048xf32, #tpu.memory_space<vmem>>[vector<16xi32>, vector<16xi32>], vector<16xf32>, vector<16xi1>
      %gather3A_411 = tpu.vector_load_idx %arg10[%add3A_84, %get3A_404] masked %lt3A_401 : memref<8x8192xf32, #tpu.memory_space<vmem>>[vector<16xi32>, vector<16xi32>], vector<16xf32>, vector<16xi1>
      tpu.vector_store_idx %arg11[%add3A_84, %get3A_408], %gather3A_411 masked %lt3A_401 {add = true} : memref<8x2048xf32, #tpu.memory_space<vmem>>[vector<16xi32>, vector<16xi32>], vector<16xf32>, vector<16xi1>
      %gather3A_412 = tpu.vector_load_idx %arg10[%add3A_90, %get3A_404] masked %lt3A_401 : memref<8x8192xf32, #tpu.memory_space<vmem>>[vector<16xi32>, vector<16xi32>], vector<16xf32>, vector<16xi1>
      tpu.vector_store_idx %arg11[%add3A_90, %get3A_408], %gather3A_412 masked %lt3A_401 {add = true} : memref<8x2048xf32, #tpu.memory_space<vmem>>[vector<16xi32>, vector<16xi32>], vector<16xf32>, vector<16xi1>
      %gather3A_413 = tpu.vector_load_idx %arg10[%add3A_96, %get3A_404] masked %lt3A_401 : memref<8x8192xf32, #tpu.memory_space<vmem>>[vector<16xi32>, vector<16xi32>], vector<16xf32>, vector<16xi1>
      tpu.vector_store_idx %arg11[%add3A_96, %get3A_408], %gather3A_413 masked %lt3A_401 {add = true} : memref<8x2048xf32, #tpu.memory_space<vmem>>[vector<16xi32>, vector<16xi32>], vector<16xf32>, vector<16xi1>
      %gather3A_414 = tpu.vector_load_idx %arg10[%add3A_102, %get3A_404] masked %lt3A_401 : memref<8x8192xf32, #tpu.memory_space<vmem>>[vector<16xi32>, vector<16xi32>], vector<16xf32>, vector<16xi1>
      tpu.vector_store_idx %arg11[%add3A_102, %get3A_408], %gather3A_414 masked %lt3A_401 {add = true} : memref<8x2048xf32, #tpu.memory_space<vmem>>[vector<16xi32>, vector<16xi32>], vector<16xf32>, vector<16xi1>
      %gather3A_415 = tpu.vector_load_idx %arg10[%add3A_108, %get3A_404] masked %lt3A_401 : memref<8x8192xf32, #tpu.memory_space<vmem>>[vector<16xi32>, vector<16xi32>], vector<16xf32>, vector<16xi1>
      tpu.vector_store_idx %arg11[%add3A_108, %get3A_408], %gather3A_415 masked %lt3A_401 {add = true} : memref<8x2048xf32, #tpu.memory_space<vmem>>[vector<16xi32>, vector<16xi32>], vector<16xf32>, vector<16xi1>
    }
    %mul3A_394 = arith.constant 8 : i32
    %mul3A_395 = arith.muli %add3A, %mul3A_394 : i32
    "tpu.region"() ({
      %run_scoped3A = tpu.sem_alloc : memref<!tpu.dma_semaphore, #tpu.memory_space<semaphore_mem>>
      %dma_start3A_396 = arith.constant 0 : i32
      %dma_start3A_397 = tpu.memref_slice %arg4[%mul3A_395, %dma_start3A_396] : memref<256x2048xf32, #tpu.memory_space<hbm>> -> memref<8x2048xf32, #tpu.memory_space<hbm>>
      %dma_start3A_398 = arith.constant 0 : i32
      %dma_start3A_399 = tpu.memref_slice %arg4[%mul3A_395, %dma_start3A_398] : memref<256x2048xf32, #tpu.memory_space<hbm>> -> memref<8x2048xf32, #tpu.memory_space<hbm>>
      tpu.enqueue_dma source(%arg11 : memref<8x2048xf32, #tpu.memory_space<vmem>>) target(%dma_start3A_399 : memref<8x2048xf32, #tpu.memory_space<hbm>>) target_semaphore(%run_scoped3A : memref<!tpu.dma_semaphore, #tpu.memory_space<semaphore_mem>>)
      %dma_wait3A_400 = arith.constant 0 : i32
      %dma_wait3A_401 = tpu.memref_slice %arg4[%mul3A_395, %dma_wait3A_400] : memref<256x2048xf32, #tpu.memory_space<hbm>> -> memref<8x2048xf32, #tpu.memory_space<hbm>>
      %dma_wait3A_402 = arith.constant 0 : i32
      %dma_wait3A_403 = tpu.memref_slice %arg4[%mul3A_395, %dma_wait3A_402] : memref<256x2048xf32, #tpu.memory_space<hbm>> -> memref<8x2048xf32, #tpu.memory_space<hbm>>
      tpu.wait_dma2 semaphore(%run_scoped3A : memref<!tpu.dma_semaphore, #tpu.memory_space<semaphore_mem>>) src(%arg11 : memref<8x2048xf32, #tpu.memory_space<vmem>>) dst(%dma_wait3A_403 : memref<8x2048xf32, #tpu.memory_space<hbm>>)
      tpu.yield
    }) : () -> ()
    return
  }
}

module attributes {stable_mosaic.version = 14 : i64} {
  func.func @_dense_body(%arg0: memref<256x2048xf32, #tpu.memory_space<vmem>>, %arg1: memref<2048x256xf32, #tpu.memory_space<vmem>>, %arg2: memref<256x64xf32, #tpu.memory_space<vmem>>, %arg3: memref<1x256xf32, #tpu.memory_space<vmem>>, %arg4: memref<128x256xf32, #tpu.memory_space<vmem>>, %arg5: memref<1x128xf32, #tpu.memory_space<vmem>>, %arg6: memref<1x128xf32, #tpu.memory_space<vmem>>, %arg7: memref<1x1xf32, #tpu.memory_space<vmem>>, %arg8: memref<2048x256xf32, #tpu.memory_space<vmem>>) attributes {dimension_semantics = [], scalar_prefetch = 0 : i64, scratch_operands = 0 : i64, tpu.core_type = #tpu.core_type<tc>} {
    %get3A = arith.constant 0 : index
    %get3A_0 = arith.constant 0 : index
    %get3A_1 = vector.load %arg0[%get3A, %get3A_0] : memref<256x2048xf32, #tpu.memory_space<vmem>>, vector<256x2048xf32>
    %slice3A = vector.extract_strided_slice %get3A_1 {offsets = [0, 0], sizes = [64, 2048], strides = [1, 1]} : vector<256x2048xf32> to vector<64x2048xf32>
    %slice3A_2 = vector.extract_strided_slice %get3A_1 {offsets = [64, 0], sizes = [64, 2048], strides = [1, 1]} : vector<256x2048xf32> to vector<64x2048xf32>
    %add3A = arith.addf %slice3A, %slice3A_2 : vector<64x2048xf32>
    %slice3A_3 = vector.extract_strided_slice %get3A_1 {offsets = [128, 0], sizes = [64, 2048], strides = [1, 1]} : vector<256x2048xf32> to vector<64x2048xf32>
    %add3A_4 = arith.addf %add3A, %slice3A_3 : vector<64x2048xf32>
    %slice3A_5 = vector.extract_strided_slice %get3A_1 {offsets = [192, 0], sizes = [64, 2048], strides = [1, 1]} : vector<256x2048xf32> to vector<64x2048xf32>
    %add3A_6 = arith.addf %add3A_4, %slice3A_5 : vector<64x2048xf32>
    %transpose3A = tpu.transpose %add3A_6, [1, 0] : vector<64x2048xf32> -> vector<2048x64xf32>
    %mul3A = arith.constant 2.500000e-01 : f32
    %mul3A_7 = vector.broadcast %mul3A : f32 to vector<2048x64xf32>
    %mul3A_8 = arith.mulf %transpose3A, %mul3A_7 : vector<2048x64xf32>
    %get3A_9 = arith.constant 0 : index
    %get3A_10 = arith.constant 0 : index
    %get3A_11 = vector.load %arg1[%get3A_9, %get3A_10] : memref<2048x256xf32, #tpu.memory_space<vmem>>, vector<2048x256xf32>
    %get3A_12 = arith.constant 0 : index
    %get3A_13 = arith.constant 0 : index
    %get3A_14 = vector.load %arg2[%get3A_12, %get3A_13] : memref<256x64xf32, #tpu.memory_space<vmem>>, vector<256x64xf32>
    %dot_general3A = arith.constant dense<0.000000e+00> : vector<2048x256xf32>
    %dot_general3A_15 = tpu.matmul %mul3A_8, %get3A_14, %dot_general3A {dimension_numbers = #tpu.dot_dimension_numbers<[1], [1], [0], [0], [0, 0, 1, 0], [], []>, transpose_lhs_hint = false} : vector<2048x64xf32>, vector<256x64xf32>, vector<2048x256xf32> -> vector<2048x256xf32>
    %get3A_16 = arith.constant 0 : index
    %get3A_17 = arith.constant 0 : index
    %get3A_18 = vector.load %arg3[%get3A_16, %get3A_17] : memref<1x256xf32, #tpu.memory_space<vmem>>, vector<1x256xf32>
    %add3A_19 = vector.broadcast %get3A_18 : vector<1x256xf32> to vector<2048x256xf32>
    %add3A_20 = arith.addf %dot_general3A_15, %add3A_19 : vector<2048x256xf32>
    %add3A_21 = arith.addf %get3A_11, %add3A_20 : vector<2048x256xf32>
    %get3A_22 = arith.constant 0 : index
    %get3A_23 = arith.constant 0 : index
    %get3A_24 = vector.load %arg4[%get3A_22, %get3A_23] : memref<128x256xf32, #tpu.memory_space<vmem>>, vector<128x256xf32>
    %dot_general3A_25 = arith.constant dense<0.000000e+00> : vector<2048x128xf32>
    %dot_general3A_26 = tpu.matmul %add3A_21, %get3A_24, %dot_general3A_25 {dimension_numbers = #tpu.dot_dimension_numbers<[1], [1], [0], [0], [0, 0, 1, 0], [], []>, transpose_lhs_hint = false} : vector<2048x256xf32>, vector<128x256xf32>, vector<2048x128xf32> -> vector<2048x128xf32>
    %get3A_27 = arith.constant 0 : index
    %get3A_28 = arith.constant 0 : index
    %get3A_29 = vector.load %arg5[%get3A_27, %get3A_28] : memref<1x128xf32, #tpu.memory_space<vmem>>, vector<1x128xf32>
    %add3A_30 = vector.broadcast %get3A_29 : vector<1x128xf32> to vector<2048x128xf32>
    %add3A_31 = arith.addf %dot_general3A_26, %add3A_30 : vector<2048x128xf32>
    %mul3A_32 = arith.constant 5.000000e-01 : f32
    %mul3A_33 = vector.broadcast %mul3A_32 : f32 to vector<2048x128xf32>
    %mul3A_34 = arith.mulf %mul3A_33, %add3A_31 : vector<2048x128xf32>
    %mul3A_35 = arith.constant 0.707106769 : f32
    %mul3A_36 = vector.broadcast %mul3A_35 : f32 to vector<2048x128xf32>
    %mul3A_37 = arith.mulf %add3A_31, %mul3A_36 : vector<2048x128xf32>
    %erf3A = math.erf %mul3A_37 : vector<2048x128xf32>
    %add3A_38 = arith.constant 1.000000e+00 : f32
    %add3A_39 = vector.broadcast %add3A_38 : f32 to vector<2048x128xf32>
    %add3A_40 = arith.addf %add3A_39, %erf3A : vector<2048x128xf32>
    %mul3A_41 = arith.mulf %mul3A_34, %add3A_40 : vector<2048x128xf32>
    %get3A_42 = arith.constant 0 : index
    %get3A_43 = arith.constant 0 : index
    %get3A_44 = vector.load %arg6[%get3A_42, %get3A_43] : memref<1x128xf32, #tpu.memory_space<vmem>>, vector<1x128xf32>
    %mul3A_45 = vector.broadcast %get3A_44 : vector<1x128xf32> to vector<2048x128xf32>
    %mul3A_46 = arith.mulf %mul3A_41, %mul3A_45 : vector<2048x128xf32>
    %reduce_sum3A = arith.constant dense<0.000000e+00> : vector<2048xf32>
    %reduce_sum3A_47 = vector.multi_reduction <add>, %mul3A_46, %reduce_sum3A [1] : vector<2048x128xf32> to vector<2048xf32>
    %broadcast_in_dim3A = vector.shape_cast %reduce_sum3A_47 : vector<2048xf32> to vector<2048x1xf32>
    %get3A_48 = arith.constant 0 : index
    %get3A_49 = arith.constant 0 : index
    %get3A_50 = vector.load %arg7[%get3A_48, %get3A_49] : memref<1x1xf32, #tpu.memory_space<vmem>>, vector<1x1xf32>
    %add3A_51 = vector.broadcast %get3A_50 : vector<1x1xf32> to vector<2048x1xf32>
    %add3A_52 = arith.addf %broadcast_in_dim3A, %add3A_51 : vector<2048x1xf32>
    %logistic3A = arith.negf %add3A_52 : vector<2048x1xf32>
    %logistic3A_53 = math.exp %logistic3A : vector<2048x1xf32>
    %logistic3A_54 = arith.constant 1.000000e+00 : f32
    %logistic3A_55 = vector.broadcast %logistic3A_54 : f32 to vector<2048x1xf32>
    %logistic3A_56 = arith.addf %logistic3A_55, %logistic3A_53 : vector<2048x1xf32>
    %logistic3A_57 = arith.divf %logistic3A_55, %logistic3A_56 : vector<2048x1xf32>
    %mul3A_58 = vector.broadcast %logistic3A_57 : vector<2048x1xf32> to vector<2048x256xf32>
    %mul3A_59 = arith.mulf %mul3A_58, %add3A_20 : vector<2048x256xf32>
    %add3A_60 = arith.addf %get3A_11, %mul3A_59 : vector<2048x256xf32>
    %swap3A = arith.constant 0 : index
    %swap3A_61 = arith.constant 0 : index
    %swap3A_62 = vector.load %arg8[%swap3A, %swap3A_61] : memref<2048x256xf32, #tpu.memory_space<vmem>>, vector<2048x256xf32>
    tpu.vector_store %arg8[%swap3A, %swap3A_61], %add3A_60 {strides = array<i32>} : memref<2048x256xf32, #tpu.memory_space<vmem>>, vector<2048x256xf32>,
    return
  }
}

</mosaic_0001>

<sc_bundles>
// kernel: kernel.4.cloned.1.call-start
scs
__scs_entry_jumppad:
0x0: {  	(pc) =	sbr.rel $0x88, $3  }
0x1: {  	(tag) =	ssettag $0x0;
	lr =	simm.s32 $0x1  }
0x2: {  	[smem:$0x3F98] =	sst lr;
	_ =	strace $0xD0000000  }
0x3: {  	_ = 	snop  }
0x4: {  	_ = 	snop  }
0x5: {  	_ = 	snop  }
0x6: {  	_ = 	snop  }
0x7: {  	_ = 	snop  }
__scs_overlays_trampoline_lowered:
0x8: {  	[smem:$0x3FA7] =	sst s0  }
0x9: {  	[smem:$0x3FA8] =	sst s1  }
0xa: {  	[smem:$0x3FA9] =	sst s2  }
0xb: {  	[smem:$0x3FAA] =	sst s3  }
0xc: {  	[smem:$0x3FAB] =	sst s4  }
0xd: {  	[smem:$0x3FAC] =	sst s5  }
0xe: {  	[smem:$0x3FAD] =	sst s6  }
0xf: {  	[smem:$0x3FAE] =	sst s7  }
0x10: {  	[smem:$0x3FAF] =	sst s8  }
0x11: {  	[smem:$0x3FB0] =	sst s9;
	s0 =	simm.s32 @!p0 $0x0  }
0x12: {  	s1 =	sld [smem:$0x3F96];
	s0 =	simm.s32 @p0 $0x1  }
0x13: {  	[smem:$0x3FB1] =	sst s0;
	s0 =	simm.s32 @!p1 $0x0  }
0x14: {  	s2 =	sld [smem:$0x3F95];
	s0 =	simm.s32 @p1 $0x1  }
0x15: {  	[smem:$0x3FB2] =	sst s0;
	s0 =	simm.s32 @!p2 $0x0  }
0x16: {  	s3 =	sld [smem:$0x3FDB];
	s0 =	simm.s32 @p2 $0x1  }
0x17: {  	s4 =	simm.s32 $0x1BF5;
	[smem:$0x3FB4] =	sst s0  }
0x18: {  	s0 =	sld [smem:$0x3F97];
	_ =	swait.ge [sflag:s4], $0x0  }
0x19: {  	s7 =	sld [smem:$0x3F98]  }
0x1a: {  	s8 =	sadd.s32 $0xFFFFE003, lr  }
0x1b: {  	s9 =	sadd.s32 $0xFFFFFEF7, lr;
	s5 =	simm.s32 $0xFFFFFFFF;
	p2 =	slt.u32 s8, $0xFFFFF086  }
0x1c: {  	p1 =	slt.u32 s9, $0xF7A;
	s5 =	simm.s32 @!p2 $0x0  }
0x1d: {  	s5 =	simm.s32 @p1 $0x1;
	p0 =	seq.s32 s7, s2  }
0x1e: {  	s7 =	smul.u32 @!p0 $0xF7A, s2;
	p2 =	seq.s32 @!p0 s5, $0x0  }
0x1f: {  	s9 =	smul.u32 $0xF7A, s1;
	s8 =	simm.s32 @!p0 $0x1BF5;
	p2 =	por !p2, p0  }
0x20: {  	[sflag:s8] =	ssyncset.s32 @!p0 $0xFFFFF086;
	s6 =	sadd.s32 @!p0 s3, s7;
	s7 =	simm.s32 @!p0 $0x108  }
0x21: {  	s3 =	sadd.s32 s3, s9;
	s6 =	sadd.s32 @!p0 $0x88, s6;
	s7 =	simm.s32 @p2 $0x1082  }
0x22: {  	[simem:s7], [sflag:s8] =	dma.local @!p0 [hbm:s6], $0xF7A  }
0x23: {  	s9 =	sor.u32 $0xD0000000, s2;
	s6 =	simm.s32 $0x108;
	_ =	swait.ge @!p0 [sflag:s8], $0x0  }
0x24: {  	s3 =	sadd.s32 $0x88, s3;
	s6 =	simm.s32 @!p1 $0x1082;
	[sflag:s4] =	ssyncset.s32 $0xFFFFF086  }
0x25: {  	[simem:s6], [sflag:s4] =	dma.local [hbm:s3], $0xF7A  }
0x26: {  	[smem:$0x3F98] =	sst s1;
	(tag) =	ssettag s2;
	_ =	strace s9  }
0x27: {  	s1 =	sld [smem:$0x3FA8]  }
0x28: {  	s2 =	sld [smem:$0x3FA9]  }
0x29: {  	s4 =	sld [smem:$0x3FAB]  }
0x2a: {  	p0 =	seq.s32 s5, $0x0;
	s5 =	sld [smem:$0x3FAC]  }
0x2b: {  	s6 =	sld [smem:$0x3FAD]  }
0x2c: {  	s7 =	sld [smem:$0x3FAE]  }
0x2d: {  	s3 =	simm.s32 $0x108;
	s8 =	sld [smem:$0x3FAF]  }
0x2e: {  	s3 =	simm.s32 @!p0 $0x1082;
	s9 =	sld [smem:$0x3FB0]  }
0x2f: {  	lr =	sadd.s32 s0, s3;
	s0 =	sld [smem:$0x3FA7]  }
0x30: {  	s3 =	sld [smem:$0x3FAA]  }
0x31: {  	[smem:$0x3FB3] =	sst s10  }
0x32: {  	s10 =	sld [smem:$0x3FB1];
	_ =	sdelay $0x3  }
0x33: {  	p0 =	seq.s32 s10, $0x1;
	s10 =	sld [smem:$0x3FB3];
	_ =	sdelay $0x3  }
0x34: {  	[smem:$0x3FB3] =	sst s10  }
0x35: {  	s10 =	sld [smem:$0x3FB2];
	_ =	sdelay $0x3  }
0x36: {  	p1 =	seq.s32 s10, $0x1;
	s10 =	sld [smem:$0x3FB3];
	_ =	sdelay $0x3  }
0x37: {  	[smem:$0x3FB3] =	sst s10  }
0x38: {  	s10 =	sld [smem:$0x3FB4]  }
0x39: {  	_ = 	snop;
	(pc) =	sbr.ind lr, $3  }
0x3a: {  	_ = 	snop  }
0x3b: {  	_ = 	snop  }
0x3c: {  	p2 =	seq.s32 s10, $0x1;
	s10 =	sld [smem:$0x3FB3]  }
0x3d: {  	_ =	shalt  }
0x3e: {  	_ =	shalt  }
0x3f: {  	_ =	shalt  }
0x40: {  	_ =	shalt  }
0x41: {  	_ =	shalt  }
0x42: {  	_ =	shalt  }
0x43: {  	_ =	shalt  }
0x44: {  	_ =	shalt  }
0x45: {  	_ =	shalt  }
0x46: {  	_ =	shalt  }
0x47: {  	_ =	shalt  }
0x48: {  	_ =	shalt  }
0x49: {  	_ =	shalt  }
0x4a: {  	_ =	shalt  }
0x4b: {  	_ =	shalt  }
0x4c: {  	_ =	shalt  }
0x4d: {  	_ =	shalt  }
0x4e: {  	_ =	shalt  }
0x4f: {  	_ =	shalt  }
0x50: {  	_ =	shalt  }
0x51: {  	_ =	shalt  }
0x52: {  	_ =	shalt  }
0x53: {  	_ =	shalt  }
0x54: {  	_ =	shalt  }
0x55: {  	_ =	shalt  }
0x56: {  	_ =	shalt  }
0x57: {  	_ =	shalt  }
0x58: {  	_ =	shalt  }
0x59: {  	_ =	shalt  }
0x5a: {  	_ =	shalt  }
0x5b: {  	_ =	shalt  }
0x5c: {  	_ =	shalt  }
0x5d: {  	_ =	shalt  }
0x5e: {  	_ =	shalt  }
0x5f: {  	_ =	shalt  }
0x60: {  	_ =	shalt  }
0x61: {  	_ =	shalt  }
0x62: {  	_ =	shalt  }
0x63: {  	_ =	shalt  }
0x64: {  	_ =	shalt  }
0x65: {  	_ =	shalt  }
0x66: {  	_ =	shalt  }
0x67: {  	_ =	shalt  }
0x68: {  	_ =	shalt  }
0x69: {  	_ =	shalt  }
0x6a: {  	_ =	shalt  }
0x6b: {  	_ =	shalt  }
0x6c: {  	_ =	shalt  }
0x6d: {  	_ =	shalt  }
0x6e: {  	_ =	shalt  }
0x6f: {  	_ =	shalt  }
0x70: {  	_ =	shalt  }
0x71: {  	_ =	shalt  }
0x72: {  	_ =	shalt  }
0x73: {  	_ =	shalt  }
0x74: {  	_ =	shalt  }
0x75: {  	_ =	shalt  }
0x76: {  	_ =	shalt  }
0x77: {  	_ =	shalt  }
0x78: {  	_ =	shalt  }
0x79: {  	_ =	shalt  }
0x7a: {  	_ =	shalt  }
0x7b: {  	_ =	shalt  }
0x7c: {  	_ =	shalt  }
0x7d: {  	_ =	shalt  }
0x7e: {  	_ =	shalt  }
0x7f: {  	_ =	shalt  }
0x80: {  	_ =	shalt  }
0x81: {  	_ =	shalt  }
0x82: {  	_ =	shalt  }
0x83: {  	_ =	shalt  }
0x84: {  	_ =	shalt  }
0x85: {  	_ =	shalt  }
0x86: {  	_ =	shalt  }
0x87: {  	_ =	shalt  }
.Lfunc_end0:
.L_simem_size_0:
called_computation_lowered:
.L_overlay_start_0:
0x88: {  	s2 =	sld [smem:$0x3FD9]  }
0x89: {  	s3 =	sld [smem:$0x3FFE];
	_ =	sdelay $0x1  }
0x8a: {  	s1 =	srdreg.scid  }
0x8b: {  	s0 =	sand.u32 $0x1, s1  }
0x8c: {  	s17 =	sshll.u32 s0, $0xA;
	s2 =	sadd.s32 s3, s2  }
0x8d: {  	s2 =	sadd.s32 s2, s17  }
0x8e: {  	[smem:$0x3FBF] =	sst s2  }
0x8f: {  	_ = 	snop  }
0x90: {  	s2 =	sld [smem:$0x3FC7]  }
0x91: {  	s18 =	sld [smem:$0x3FD0];
	(tm) =	ssettm $0x1  }
0x92: {  	s4 =	sld [smem:$0x3FFB];
	_ =	sdelay $0x3  }
0x93: {  	_ =	strace s4  }
0x94: {  	s4 =	sld [smem:$0x3FFC];
	_ =	sdelay $0x3  }
0x95: {  	_ =	strace s4  }
0x96: {  	s4 =	sld [smem:$0x3FFD];
	_ =	sdelay $0x3  }
0x97: {  	_ =	strace s4  }
0x98: {  	_ =	strace $0x8FFFFFFF  }
0x99: {  	s19 =	sld [smem:$0x3FDB];
	_ =	sdelay $0x1  }
0x9a: {  	s5 =	simm.s32 $_scs_section_size  }
0x9b: {  	s6 =	simm.s32 $_size__tile_overlayer_lowered;
	s7 =	simm.s32 $_tile_overlayer_lowered  }
0x9c: {  	s22 =	simm.s32 $0x1BFF;
	s21 =	sshll.u32 s7, $0x1;
	s4 =	sadd.s32 s5, s19  }
0x9d: {  	s8 =	simm.s32 $0x0;
	s20 =	sshll.u32 s6, $0x1;
	s6 =	sadd.s32 s21, s4  }
0x9e: {  	[timem:s8], [sflag:s22] =	dma.local [hbm:s6], s20  }
0x9f: {  	_ =	swait.ge [sflag:s22], s20  }
0xa0: {  	s5 =	ssub.s32 $0x0, s20;
	[sflag:s22] =	ssyncset.done $0x0  }
0xa1: {  	[sflag:s22] =	ssyncadd.s32 s5;
	_ =	sdelay $0x1  }
0xa2: {  	s23 =	simm.s32 $0x1B8B  }
0xa3: {  	_ =	swait.ge [sflag:s23], $0x1  }
0xa4: {  	[sflag:s23] =	ssyncset.done $0x0  }
0xa5: {  	s25 =	simm.s32 $0x1B8E;
	s24 =	sld [smem:$0x3FFE];
	[sflag:s23] =	ssyncadd.s32 $0xFFFFFFFF  }
0xa6: {  	s26 =	simm.s32 $execute0_lowered;
	[smem:$0x3FD2] =	sst s25  }
0xa7: {  	s6 =	sshll.u32 s26, $0x1;
	_ =	strace $0x80000046;
	[dreg:$0x1] =	wrdreg $0xFFFFFFFF  }
0xa8: {  	s28 =	simm.s32 $_size_execute0_lowered;
	s4 =	sadd.s32 s4, s6;
	[dreg:$0x0] =	wrdreg $0x0  }
0xa9: {  	s6 =	sshll.u32 s28, $0x1;
	[dreg:$0x2] =	wrdreg s4  }
0xaa: {  	[dreg:$0x3] =	wrdreg s6  }
0xab: {  	[dreg:$0x4] =	wrdreg $0xC0  }
0xac: {  	_ =	task [dreg:s8], $0x5FFFF  }
0xad: {  	[dreg:$0x1] =	wrdreg $0xFFFFFFFF  }
0xae: {  	[dreg:$0x0] =	wrdreg $0x60  }
0xaf: {  	[dreg:$0x2] =	wrdreg s24  }
0xb0: {  	[dreg:$0x3] =	wrdreg s2  }
0xb1: {  	[dreg:$0x4] =	wrdreg s18  }
0xb2: {  	[dreg:$0x5] =	wrdreg $0x9  }
0xb3: {  	_ =	task.clear_ibuf [dreg:s8], $0x6FFFF;
	_ =	strace $0x90000046  }
0xb4: {  	s29 =	simm.s32 $0x9;
	_ =	strace $0x80000048  }
0xb5: {  	_ =	swait.ge [sflag:s29], $0x1  }
0xb6: {  	[sflag:s29] =	ssyncadd.s32 $0xFFFFFFFF  }
0xb7: {  	_ =	strace $0x90000048  }
0xb8: {  	_ =	sfence  }
0xb9: {  	s30 =	sld [smem:$0x0];
	_ =	sdelay $0x2  }
0xba: {  	s31 =	sshll.u32 s1, $0xD;
	s1 =	sshrl.u32 s1, $0x2  }
0xbb: {  	s3 =	sand.u32 $0x4000, s31;
	s1 =	sadd.s32 s1, s30  }
0xbc: {  	s0 =	sor.u32 s3, s0;
	s1 =	sshll.u32 s1, $0x11  }
0xbd: {  	s0 =	sor.u32 s1, s0  }
0xbe: {  	s0 =	sadd.s32 $0x8F2B, s0  }
0xbf: {  	[sflag:s0] =	ssyncadd.remote.s32 $0x1  }
0xc0: {  	_ =	sfence.sel $0xFFFF  }
0xc1: {  	[dreg:$0x0] =	wrdreg $0xFFFFFFFF;
	(pc) =	sbr.abs _section_cstart, $3  }
0xc2: {  	[dreg:$0x1] =	wrdreg $0xFFFFFFFF  }
0xc3: {  	_ =	task.clear_ibuf [dreg:s8], $0x2FFFF;
	_ =	strace $0x9FFFFFFF  }
0xc4: {  	(tm) =	ssettm $0x7FFFFFFF  }
0xc5: {  	_ =	shalt  }
tec
execute0_lowered:
.L_overlay_start_1:
0x0: {  	(tag) =	ssettag $0x1  }
0x1: {  	s3 =	rddreg [dreg:$0x0]  }
0x2: {  	s4 =	rddreg [dreg:$0x1]  }
0x3: {  	s12 =	rddreg [dreg:$0x2];
	s2 =	srdreg.scid  }
0x4: {  	s0 =	rddreg [dreg:$0x3];
	s1 =	simm.s32 $0x0;
	s15 =	simm.f32 $1.609000000e+03  }
0x5: {  	s16 =	simm.s32 $0x2880;
	s17 =	simm.s32 $0x3900;
	s18 =	simm.s32 $0x1  }
0x6: {  	s19 =	simm.s32 $0x14980;
	s20 =	simm.s32 $0x0;
	s5 =	sand.u32 $0x1, s2  }
0x7: {  	[smem:$0x7FF] =	sst s1;
	s2 =	stileid.u32;
	s3 =	sadd.s32 $0x1200, s3  }
0x8: {  	s6 =	ssub.s32 $0x2, s5;
	_ =	strace $0x80000047;
	s30 =	sshrl.u32 s2, $0x2  }
0x9: {  	s31 =	sshll.u32 s2, $0x1;
	s7 =	sshrl.u32 s6, $0x1;
	p0 =	seq.s32 s30, $0x0  }
0xa: {  	s14 =	sor.u32 s5, s31;
	s13 =	ssub.s32 s6, s7;
	s15 =	simm.s32 @!p0 $0x0  }
0xb: {  	p0 =	seq.s32 s30, $0x1;
	s5 =	sshll.u32 s14, $0x10;
	s14 =	sshll.u32 s14, $0xB  }
0xc: {  	s15 =	simm.s32 @p0 $0x45A11000;
	p0 =	seq.s32 s30, $0x2;
	s4 =	sadd.s32 s4, s5  }
.Ltmp0:
0xd: {  	s12 =	sadd.s32 s12, s14;
	s13 =	smax.u32 s13, $0x1;
	(pc) =	sbr.rel .LBB2_1-.Ltmp0, $4  }
0xe: {  	s14 =	simm.s32 $0x4980;
	s15 =	simm.s32 @p0 $0x45CBF800;
	p0 =	seq.s32 s30, $0x3  }
0xf: {  	s5 =	sadd.s32 $0x2000, s4;
	s6 =	sadd.s32 $0x4000, s4;
	s7 =	sadd.s32 $0x6000, s4  }
0x10: {  	v1 =	vimm.f32 $0.0e+00;
	s8 =	sadd.s32 $0x8000, s4;
	s9 =	sadd.s32 $0xA000, s4;
	s15 =	simm.s32 @p0 $0x4517A000  }
0x11: {  	v2 =	vlaneseq.u32;
	v3 =	vimm.s32 $0x0;
	s10 =	sadd.s32 $0xC000, s4;
	s11 =	sadd.s32 $0xE000, s4;
	v0 =	vmov s15;
	s15 =	simm.s32 $0x2  }
.LBB2_57:
0x12: {  	_ =	sdelay $0x4  }
0x13: {  	[tilespmem:v6+s19+$0x0] =	vst.idx.add.f32.msk vm0, v5  }
.LBB2_58:
0x14: {  	s20 =	sadd.s32 $0x1, s20  }
0x15: {  	p0 =	sne.s32 s20, s13  }
.Ltmp1:
0x16: {  	_ = 	snop;
	(pc) =	sbr.rel @!p0 .LBB2_59-.Ltmp1, $4  }
0x17: {  	[hbm4b:s12+s1] =	stream.linear.scatter [tilespmem:s19], [sflag:$0x2], $0x4000, $0x38;
	[tilespmem:$0x18980] =	vst v63  }
0x18: {  	_ =	swait.ge [sflag:s15], $0x4000  }
0x19: {  	[sflag:s15] =	ssyncset.done $0x0  }
0x1a: {  	[sflag:s15] =	ssyncadd.s32 $0xFFFFC000  }
.LBB2_1:
0x1b: {  	[tilespmem:s14], [sflag:$0x1] =	stream.linear.gather [hbm4b:s4+s1], $0x10000, $0x38;
	[tilespmem:$0x18980] =	vst v63  }
0x1c: {  	_ = 	snop  }
0x1d: {  	[tilespmem:s1], [sflag:$0x2] =	stream.linear.gather [hbm4b:s3+s1], $0x880, $0x38;
	[tilespmem:$0x18980] =	vst v63  }
0x1e: {  	s21 =	sand.u32 $0x70, s1;
	s22 =	sand.u32 $0x3C00, s1;
	_ =	swait.ge [sflag:s15], $0x880  }
0x1f: {  	s21 =	sor.u32 s21, s22;
	[sflag:s15] =	ssyncset.done $0x0  }
0x20: {  	s22 =	sadd.s32 $0x14980, s21;
	[sflag:s15] =	ssyncadd.s32 $0xFFFFF780  }
0x21: {  	[tilespmem:s22+$0x80] =	vst v1  }
0x22: {  	[tilespmem:s22+$0x100] =	vst v1  }
0x23: {  	s28 =	sand.u32 $0x7, s1;
	s24 =	simm.s32 $0x10;
	[tilespmem:s22+$0x180] =	vst v1  }
0x24: {  	s25 =	simm.s32 $0x0;
	s23 =	simm.s32 $0x0;
	s26 =	simm.s32 $0x0;
	[tilespmem:s22+$0x200] =	vst v1  }
.LBB2_2:
0x25: {  	p0 =	sne.s32 s24, $0x7F0;
	s28 =	sshll.u32 s28, $0x4;
	[tilespmem:s22+$0x280] =	vst v1;
	s25 =	sadd.s32 $0x80, s25  }
0x26: {  	s29 =	sand.u32 $0x70, s24;
	s30 =	sand.u32 $0x3C00, s25;
	s23 =	sadd.s32 s28, s23;
	[tilespmem:s22+$0x300] =	vst v1  }
0x27: {  	[tilespmem:s21+$0x14980] =	vst v1;
	s21 =	sor.u32 s29, s30;
	s28 =	sor.u32 $0x380, s23;
	s23 =	smov.u32 s25  }
.Ltmp2:
0x28: {  	s22 =	sadd.s32 $0x14980, s21;
	[tilespmem:s28+$0x14980] =	vst v1;
	(pc) =	sbr.rel @p0 .LBB2_2-.Ltmp2, $4  }
0x29: {  	[tilespmem:s22+$0x80] =	vst v1  }
0x2a: {  	[tilespmem:s22+$0x100] =	vst v1  }
0x2b: {  	s26 =	sadd.s32 $0x1, s26;
	[tilespmem:s22+$0x180] =	vst v1  }
0x2c: {  	s24 =	sadd.s32 $0x10, s24;
	s28 =	sand.u32 $0x7, s26;
	[tilespmem:s22+$0x200] =	vst v1  }
0x2d: {  	s24 =	simm.s32 $0x0  }
0x2e: {  	v4 =	vor.u32 s24, v2  }
0x2f: {  	v5 =	vmul.u32 $0x1009, v4;
	_ =	sdelay $0x1  }
0x30: {  	v5 =	vshrl.u32 v5, $0x15  }
0x31: {  	v6 =	vmul.u32 $0xFFFFFE01, v5  }
0x32: {  	v7 =	vmul.u32 $0x208, v5  }
0x33: {  	v6 =	vadd.s32 v4, v6  }
0x34: {  	v7 =	vadd.s32 v7, v6  }
0x35: {  	s26 =	sshll.u32 s28, $0x4;
	[tilespmem:s22+$0x280] =	vst v1;
	v8 =	vadd.s32 $0x1, v7  }
0x36: {  	[tilespmem:s22+$0x300] =	vst v1;
	s23 =	sadd.s32 s26, s23  }
0x37: {  	[tilespmem:s21+$0x14980] =	vst v1;
	s28 =	sor.u32 $0x380, s23  }
0x38: {  	[tilespmem:s28+$0x14980] =	vst v1  }
0x39: {  	v7 =	vld.idx.msk [tilespmem:v7+s1+$0x0], $0xffff  }
0x3a: {  	v8 =	vld.idx.msk [tilespmem:v8+s1+$0x0], $0xffff;
	_ =	sdelay $0x4  }
0x3b: {  	s29 =	simm.s32 $0x10;
	v7 =	vcvt.s32.f32 v7;
	v8 =	vcvt.s32.f32 v8  }
0x3c: {  	v9 =	vor.u32 s29, v2  }
0x3d: {  	v10 =	vmul.u32 $0x1009, v9;
	v7 =	vmul.f32 v7, v0;
	v8 =	vmul.f32 v8, v0;
	_ =	sdelay $0x1  }
0x3e: {  	v10 =	vshrl.u32 v10, $0x15;
	v7 =	vadd.f32 v8, v7  }
0x3f: {  	v8 =	vmul.u32 $0xFFFFFE01, v10  }
0x40: {  	v11 =	vmul.u32 $0x208, v10;
	v7 =	vtrunc.f32 v7  }
0x41: {  	v8 =	vadd.s32 v9, v8;
	v7 =	vcvt.f32.s32 v7  }
0x42: {  	v11 =	vadd.s32 v11, v8  }
0x43: {  	vm0 =	vlt.u32 v4, $0x7FC;
	v12 =	vadd.s32 $0x1, v11;
	v4 =	vand.u32 $0xFFFF, v7  }
0x44: {  	s21 =	simm.s32 $0x8A0;
	v5 =	vshll.u32 v5, $0x9;
	v4 =	vnsel vm0, $0x10000, v4  }
0x45: {  	s22 =	simm.s32 $0x18A0;
	v5 =	vadd.s32 v5, v6;
	[tilespmem:s21+$0xFFFFFFE0] =	vst v4  }
0x46: {  	[tilespmem:s22+$0xFFFFFFE0] =	vst v5  }
0x47: {  	v4 =	vld.idx.msk [tilespmem:v11+s1+$0x0], $0xffff  }
0x48: {  	v5 =	vld.idx.msk [tilespmem:v12+s1+$0x0], $0xffff;
	_ =	sdelay $0x4  }
0x49: {  	s30 =	simm.s32 $0x20;
	v4 =	vcvt.s32.f32 v4;
	v5 =	vcvt.s32.f32 v5  }
0x4a: {  	v6 =	vor.u32 s30, v2  }
0x4b: {  	v7 =	vmul.u32 $0x1009, v6;
	v4 =	vmul.f32 v4, v0;
	v5 =	vmul.f32 v5, v0;
	_ =	sdelay $0x1  }
0x4c: {  	v7 =	vshrl.u32 v7, $0x15;
	v4 =	vadd.f32 v5, v4  }
0x4d: {  	v5 =	vmul.u32 $0xFFFFFE01, v7  }
0x4e: {  	v11 =	vmul.u32 $0x208, v7;
	v4 =	vtrunc.f32 v4  }
0x4f: {  	v5 =	vadd.s32 v6, v5;
	v4 =	vcvt.f32.s32 v4  }
0x50: {  	v11 =	vadd.s32 v11, v5  }
0x51: {  	vm0 =	vlt.u32 v9, $0x7FC;
	v9 =	vadd.s32 $0x1, v11;
	v4 =	vand.u32 $0xFFFF, v4  }
0x52: {  	v10 =	vshll.u32 v10, $0x9;
	v4 =	vnsel vm0, $0x10000, v4  }
0x53: {  	v8 =	vadd.s32 v10, v8;
	[tilespmem:s21+$0xFFFFFFF0] =	vst v4  }
0x54: {  	[tilespmem:s22+$0xFFFFFFF0] =	vst v8  }
0x55: {  	v4 =	vld.idx.msk [tilespmem:v11+s1+$0x0], $0xffff  }
0x56: {  	v8 =	vld.idx.msk [tilespmem:v9+s1+$0x0], $0xffff;
	_ =	sdelay $0x2  }
0x57: {  	s31 =	simm.s32 $0x30  }
0x58: {  	v9 =	vor.u32 s31, v2  }
0x59: {  	vm0 =	vlt.s32 v9, $0x7FB;
	v4 =	vcvt.s32.f32 v4;
	v8 =	vcvt.s32.f32 v8  }
0x5a: {  	v10 =	vnsel vm0, $0x7FB, v9  }
0x5b: {  	v11 =	vmul.u32 $0x1009, v10;
	v4 =	vmul.f32 v4, v0;
	v8 =	vmul.f32 v8, v0;
	_ =	sdelay $0x1  }
0x5c: {  	v11 =	vshrl.u32 v11, $0x15;
	v4 =	vadd.f32 v8, v4  }
0x5d: {  	v8 =	vmul.u32 $0xFFFFFE01, v11  }
0x5e: {  	v63 =	vmul.u32 $0x208, v11;
	v4 =	vtrunc.f32 v4  }
0x5f: {  	v8 =	vadd.s32 v10, v8;
	v4 =	vcvt.f32.s32 v4  }
0x60: {  	v10 =	vadd.s32 v63, v8  }
0x61: {  	vm0 =	vlt.u32 v6, $0x7FC;
	v6 =	vadd.s32 $0x1, v10;
	v4 =	vand.u32 $0xFFFF, v4  }
0x62: {  	v7 =	vshll.u32 v7, $0x9;
	v4 =	vnsel vm0, $0x10000, v4  }
0x63: {  	v5 =	vadd.s32 v7, v5;
	[tilespmem:s21+$0x0] =	vst v4  }
0x64: {  	[tilespmem:s22+$0x0] =	vst v5  }
0x65: {  	v4 =	vld.idx.msk [tilespmem:v10+s1+$0x0], $0xffff  }
0x66: {  	v5 =	vld.idx.msk [tilespmem:v6+s1+$0x0], $0xffff;
	_ =	sdelay $0x4  }
0x67: {  	s23 =	simm.s32 $0x40;
	v6 =	vcvt.s32.f32 v4;
	v5 =	vcvt.s32.f32 v5  }
0x68: {  	v4 =	vor.u32 s23, v2  }
0x69: {  	v7 =	vmul.u32 $0x1009, v4;
	v6 =	vmul.f32 v6, v0;
	v10 =	vmul.f32 v5, v0;
	_ =	sdelay $0x1  }
0x6a: {  	v5 =	vshrl.u32 v7, $0x15;
	v6 =	vadd.f32 v10, v6  }
0x6b: {  	v7 =	vmul.u32 $0xFFFFFE01, v5  }
0x6c: {  	vm0 =	vlt.u32 v9, $0x7FC;
	v10 =	vmul.u32 $0x208, v5;
	v9 =	vtrunc.f32 v6  }
0x6d: {  	v11 =	vshll.u32 v11, $0x9;
	v6 =	vadd.s32 v4, v7;
	v9 =	vcvt.f32.s32 v9  }
0x6e: {  	s25 =	simm.s32 $0x8A0;
	s24 =	simm.s32 $0x4;
	s26 =	simm.s32 $0x18A0;
	v8 =	vadd.s32 v11, v8;
	v7 =	vadd.s32 v10, v6  }
.LBB2_4:
0x6f: {  	s24 =	sadd.s32 $0x4, s24;
	v10 =	vadd.s32 $0x1, v7;
	v9 =	vand.u32 $0xFFFF, v9;
	s21 =	sadd.s32 $0x40, s21;
	s22 =	sadd.s32 $0x40, s22  }
0x70: {  	p0 =	slt.u32 s24, $0x7C;
	v9 =	vnsel vm0, $0x10000, v9  }
0x71: {  	[tilespmem:s25+$0x10] =	vst v9;
	s25 =	smov.u32 s21  }
0x72: {  	[tilespmem:s26+$0x10] =	vst v8;
	s26 =	smov.u32 s22  }
0x73: {  	v7 =	vld.idx.msk [tilespmem:v7+s1+$0x0], $0xffff  }
0x74: {  	v8 =	vld.idx.msk [tilespmem:v10+s1+$0x0], $0xffff;
	_ =	sdelay $0x4  }
0x75: {  	s28 =	sadd.s32 $0x10, s23;
	v7 =	vcvt.s32.f32 v7  }
0x76: {  	v9 =	vor.u32 s28, v2;
	v8 =	vcvt.s32.f32 v8  }
0x77: {  	v10 =	vmul.u32 $0x1009, v9  }
0x78: {  	v7 =	vmul.f32 v7, v0;
	v8 =	vmul.f32 v8, v0  }
0x79: {  	v10 =	vshrl.u32 v10, $0x15  }
0x7a: {  	v7 =	vadd.f32 v8, v7;
	v8 =	vmul.u32 $0xFFFFFE01, v10  }
0x7b: {  	v11 =	vmul.u32 $0x208, v10  }
0x7c: {  	v7 =	vtrunc.f32 v7;
	v8 =	vadd.s32 v9, v8  }
0x7d: {  	v7 =	vcvt.f32.s32 v7;
	v11 =	vadd.s32 v11, v8  }
0x7e: {  	v12 =	vadd.s32 $0x1, v11  }
0x7f: {  	vm0 =	vlt.u32 v4, $0x7FC;
	v4 =	vand.u32 $0xFFFF, v7  }
0x80: {  	v5 =	vshll.u32 v5, $0x9;
	v4 =	vnsel vm0, $0x10000, v4  }
0x81: {  	v5 =	vadd.s32 v5, v6;
	[tilespmem:s21+$0xFFFFFFE0] =	vst v4  }
0x82: {  	[tilespmem:s22+$0xFFFFFFE0] =	vst v5  }
0x83: {  	v4 =	vld.idx.msk [tilespmem:v11+s1+$0x0], $0xffff  }
0x84: {  	v5 =	vld.idx.msk [tilespmem:v12+s1+$0x0], $0xffff;
	_ =	sdelay $0x4  }
0x85: {  	s28 =	sadd.s32 $0x20, s23;
	v4 =	vcvt.s32.f32 v4  }
0x86: {  	v6 =	vor.u32 s28, v2;
	v5 =	vcvt.s32.f32 v5  }
0x87: {  	v7 =	vmul.u32 $0x1009, v6;
	v4 =	vmul.f32 v4, v0  }
0x88: {  	v5 =	vmul.f32 v5, v0  }
0x89: {  	v7 =	vshrl.u32 v7, $0x15  }
0x8a: {  	v4 =	vadd.f32 v5, v4;
	v5 =	vmul.u32 $0xFFFFFE01, v7  }
0x8b: {  	v11 =	vmul.u32 $0x208, v7  }
0x8c: {  	v4 =	vtrunc.f32 v4;
	v5 =	vadd.s32 v6, v5  }
0x8d: {  	v4 =	vcvt.f32.s32 v4;
	v11 =	vadd.s32 v11, v5  }
0x8e: {  	vm0 =	vlt.u32 v9, $0x7FC;
	v9 =	vadd.s32 $0x1, v11  }
0x8f: {  	v10 =	vshll.u32 v10, $0x9;
	v4 =	vand.u32 $0xFFFF, v4  }
0x90: {  	v8 =	vadd.s32 v10, v8;
	v4 =	vnsel vm0, $0x10000, v4  }
0x91: {  	[tilespmem:s21+$0xFFFFFFF0] =	vst v4  }
0x92: {  	[tilespmem:s22+$0xFFFFFFF0] =	vst v8  }
0x93: {  	v4 =	vld.idx.msk [tilespmem:v11+s1+$0x0], $0xffff  }
0x94: {  	v8 =	vld.idx.msk [tilespmem:v9+s1+$0x0], $0xffff;
	_ =	sdelay $0x2  }
0x95: {  	s28 =	sadd.s32 $0x30, s23  }
0x96: {  	v9 =	vor.u32 s28, v2  }
0x97: {  	vm0 =	vlt.s32 v9, $0x7FB;
	v4 =	vcvt.s32.f32 v4  }
0x98: {  	v10 =	vnsel vm0, $0x7FB, v9;
	v8 =	vcvt.s32.f32 v8  }
0x99: {  	v11 =	vmul.u32 $0x1009, v10;
	v4 =	vmul.f32 v4, v0  }
0x9a: {  	v8 =	vmul.f32 v8, v0  }
0x9b: {  	v11 =	vshrl.u32 v11, $0x15  }
0x9c: {  	v4 =	vadd.f32 v8, v4;
	v8 =	vmul.u32 $0xFFFFFE01, v11  }
0x9d: {  	v12 =	vmul.u32 $0x208, v11  }
0x9e: {  	v4 =	vtrunc.f32 v4;
	v8 =	vadd.s32 v10, v8  }
0x9f: {  	vm0 =	vlt.u32 v6, $0x7FC;
	v4 =	vcvt.f32.s32 v4;
	v6 =	vadd.s32 v12, v8  }
0xa0: {  	v7 =	vshll.u32 v7, $0x9;
	v10 =	vadd.s32 $0x1, v6  }
0xa1: {  	v5 =	vadd.s32 v7, v5;
	v4 =	vand.u32 $0xFFFF, v4  }
0xa2: {  	v4 =	vnsel vm0, $0x10000, v4  }
0xa3: {  	[tilespmem:s21+$0x0] =	vst v4  }
0xa4: {  	[tilespmem:s22+$0x0] =	vst v5  }
0xa5: {  	v4 =	vld.idx.msk [tilespmem:v6+s1+$0x0], $0xffff  }
0xa6: {  	v5 =	vld.idx.msk [tilespmem:v10+s1+$0x0], $0xffff;
	_ =	sdelay $0x4  }
0xa7: {  	v6 =	vcvt.s32.f32 v4  }
0xa8: {  	s23 =	sadd.s32 $0x40, s23;
	v5 =	vcvt.s32.f32 v5  }
0xa9: {  	v4 =	vor.u32 s23, v2;
	v6 =	vmul.f32 v6, v0  }
0xaa: {  	v7 =	vmul.u32 $0x1009, v4;
	v10 =	vmul.f32 v5, v0;
	_ =	sdelay $0x1  }
.Ltmp3:
0xab: {  	v5 =	vshrl.u32 v7, $0x15;
	v6 =	vadd.f32 v10, v6;
	(pc) =	sbr.rel @p0 .LBB2_4-.Ltmp3, $4  }
0xac: {  	v7 =	vmul.u32 $0xFFFFFE01, v5  }
0xad: {  	vm0 =	vlt.u32 v9, $0x7FC;
	v10 =	vmul.u32 $0x208, v5;
	v9 =	vtrunc.f32 v6  }
0xae: {  	v11 =	vshll.u32 v11, $0x9;
	v6 =	vadd.s32 v4, v7;
	v9 =	vcvt.f32.s32 v9  }
0xaf: {  	v8 =	vadd.s32 v11, v8;
	v7 =	vadd.s32 v10, v6  }
0xb0: {  	v10 =	vadd.s32 $0x1, v7;
	v9 =	vand.u32 $0xFFFF, v9  }
0xb1: {  	v9 =	vnsel vm0, $0x10000, v9  }
0xb2: {  	[tilespmem:s25+$0x10] =	vst v9  }
0xb3: {  	[tilespmem:s26+$0x10] =	vst v8  }
0xb4: {  	v7 =	vld.idx.msk [tilespmem:v7+s1+$0x0], $0xffff  }
0xb5: {  	v8 =	vld.idx.msk [tilespmem:v10+s1+$0x0], $0xffff;
	_ =	sdelay $0x4  }
0xb6: {  	s24 =	sadd.s32 $0x10, s23;
	v7 =	vcvt.s32.f32 v7;
	v8 =	vcvt.s32.f32 v8  }
0xb7: {  	v9 =	vor.u32 s24, v2  }
0xb8: {  	v10 =	vmul.u32 $0x1009, v9;
	v7 =	vmul.f32 v7, v0;
	v8 =	vmul.f32 v8, v0;
	_ =	sdelay $0x1  }
0xb9: {  	v10 =	vshrl.u32 v10, $0x15;
	v7 =	vadd.f32 v8, v7  }
0xba: {  	v8 =	vmul.u32 $0xFFFFFE01, v10  }
0xbb: {  	v11 =	vmul.u32 $0x208, v10;
	v7 =	vtrunc.f32 v7  }
0xbc: {  	v8 =	vadd.s32 v9, v8;
	v7 =	vcvt.f32.s32 v7  }
0xbd: {  	v11 =	vadd.s32 v11, v8  }
0xbe: {  	vm7 =	vlt.u32 v4, $0x7FC;
	v12 =	vadd.s32 $0x1, v11;
	v4 =	vand.u32 $0xFFFF, v7  }
0xbf: {  	s21 =	sadd.s32 $0x40, s21;
	v5 =	vshll.u32 v5, $0x9;
	v4 =	vnsel vm7, $0x10000, v4  }
0xc0: {  	s22 =	sadd.s32 $0x40, s22;
	v5 =	vadd.s32 v5, v6;
	[tilespmem:s21+$0xFFFFFFE0] =	vst v4  }
0xc1: {  	[tilespmem:s22+$0xFFFFFFE0] =	vst v5  }
0xc2: {  	v4 =	vld.idx.msk [tilespmem:v11+s1+$0x0], $0xffff  }
0xc3: {  	v5 =	vld.idx.msk [tilespmem:v12+s1+$0x0], $0xffff;
	_ =	sdelay $0x4  }
0xc4: {  	s31 =	sadd.s32 $0x20, s23;
	v4 =	vcvt.s32.f32 v4;
	v5 =	vcvt.s32.f32 v5  }
0xc5: {  	v6 =	vor.u32 s31, v2  }
0xc6: {  	v7 =	vmul.u32 $0x1009, v6;
	v4 =	vmul.f32 v4, v0;
	v5 =	vmul.f32 v5, v0;
	_ =	sdelay $0x1  }
0xc7: {  	v7 =	vshrl.u32 v7, $0x15;
	v4 =	vadd.f32 v5, v4  }
0xc8: {  	v5 =	vmul.u32 $0xFFFFFE01, v7  }
0xc9: {  	v11 =	vmul.u32 $0x208, v7;
	v4 =	vtrunc.f32 v4  }
0xca: {  	v5 =	vadd.s32 v6, v5;
	v4 =	vcvt.f32.s32 v4  }
0xcb: {  	v11 =	vadd.s32 v11, v5  }
0xcc: {  	vm8 =	vlt.u32 v9, $0x7FC;
	v9 =	vadd.s32 $0x1, v11;
	v4 =	vand.u32 $0xFFFF, v4  }
0xcd: {  	v10 =	vshll.u32 v10, $0x9;
	v4 =	vnsel vm8, $0x10000, v4  }
0xce: {  	v8 =	vadd.s32 v10, v8;
	[tilespmem:s21+$0xFFFFFFF0] =	vst v4  }
0xcf: {  	[tilespmem:s22+$0xFFFFFFF0] =	vst v8  }
0xd0: {  	v4 =	vld.idx.msk [tilespmem:v11+s1+$0x0], $0xffff  }
0xd1: {  	v8 =	vld.idx.msk [tilespmem:v9+s1+$0x0], $0xffff;
	_ =	sdelay $0x2  }
0xd2: {  	s24 =	sadd.s32 $0x30, s23  }
0xd3: {  	v9 =	vor.u32 s24, v2  }
0xd4: {  	vm9 =	vlt.s32 v9, $0x7FB;
	v4 =	vcvt.s32.f32 v4;
	v8 =	vcvt.s32.f32 v8  }
0xd5: {  	v10 =	vnsel vm9, $0x7FB, v9  }
0xd6: {  	v11 =	vmul.u32 $0x1009, v10;
	v4 =	vmul.f32 v4, v0;
	v8 =	vmul.f32 v8, v0;
	_ =	sdelay $0x1  }
0xd7: {  	v11 =	vshrl.u32 v11, $0x15;
	v4 =	vadd.f32 v8, v4  }
0xd8: {  	v8 =	vmul.u32 $0xFFFFFE01, v11  }
0xd9: {  	v12 =	vmul.u32 $0x208, v11;
	v4 =	vtrunc.f32 v4  }
0xda: {  	v8 =	vadd.s32 v10, v8;
	v4 =	vcvt.f32.s32 v4  }
0xdb: {  	v10 =	vadd.s32 v12, v8  }
0xdc: {  	vm10 =	vlt.u32 v6, $0x7FC;
	v6 =	vadd.s32 $0x1, v10;
	v4 =	vand.u32 $0xFFFF, v4  }
0xdd: {  	v7 =	vshll.u32 v7, $0x9;
	v4 =	vnsel vm10, $0x10000, v4  }
0xde: {  	v5 =	vadd.s32 v7, v5;
	[tilespmem:s21+$0x0] =	vst v4  }
0xdf: {  	[tilespmem:s22+$0x0] =	vst v5  }
0xe0: {  	v4 =	vld.idx.msk [tilespmem:v10+s1+$0x0], $0xffff  }
0xe1: {  	v5 =	vld.idx.msk [tilespmem:v6+s1+$0x0], $0xffff;
	_ =	sdelay $0x3  }
0xe2: {  	s25 =	simm.s32 $0x0  }
0xe3: {  	v6 =	vor.u32 s25, v2;
	v4 =	vcvt.s32.f32 v4;
	v5 =	vcvt.s32.f32 v5  }
0xe4: {  	v7 =	vmul.u32 $0x1011, v6  }
0xe5: {  	v4 =	vmul.f32 v4, v0;
	v5 =	vmul.f32 v5, v0  }
0xe6: {  	v7 =	vshrl.u32 v7, $0x15  }
0xe7: {  	v4 =	vadd.f32 v5, v4;
	v5 =	vmul.u32 $0xFFFFFE02, v7  }
0xe8: {  	v10 =	vmul.u32 $0x208, v7  }
0xe9: {  	v4 =	vtrunc.f32 v4;
	v5 =	vadd.s32 v6, v5  }
0xea: {  	v4 =	vcvt.f32.s32 v4;
	v10 =	vadd.s32 v10, v5  }
0xeb: {  	v12 =	vadd.s32 $0x1, v10  }
0xec: {  	vm11 =	vlt.u32 v9, $0x7FC;
	v4 =	vand.u32 $0xFFFF, v4  }
0xed: {  	v9 =	vshll.u32 v11, $0x9;
	v11 =	vadd.s32 $0x2, v10;
	v4 =	vnsel vm11, $0x10000, v4  }
0xee: {  	v8 =	vadd.s32 v9, v8;
	[tilespmem:s21+$0x10] =	vst v4  }
0xef: {  	s21 =	simm.s32 $0x0;
	[tilespmem:s22+$0x10] =	vst v8  }
0xf0: {  	v4 =	vld.idx.msk [tilespmem:v12+s21+$0x0], $0xffff  }
0xf1: {  	v8 =	vld.idx.msk [tilespmem:v10+s21+$0x0], $0xffff  }
0xf2: {  	v9 =	vld.idx.msk [tilespmem:v11+s21+$0x0], $0xffff;
	_ =	sdelay $0x3  }
0xf3: {  	v8 =	vcvt.s32.f32 v8;
	v4 =	vcvt.s32.f32 v4  }
0xf4: {  	v9 =	vcvt.s32.f32 v9  }
0xf5: {  	s26 =	simm.s32 $0x10;
	v8 =	vmul.f32 v8, v0;
	v4 =	vmul.f32 v4, v0  }
0xf6: {  	v10 =	vor.u32 s26, v2  }
0xf7: {  	v4 =	vadd.f32 v4, v8;
	v8 =	vmul.f32 v9, v0;
	v9 =	vmul.u32 $0x1011, v10;
	_ =	sdelay $0x1  }
0xf8: {  	v4 =	vadd.f32 v8, v4;
	v8 =	vshrl.u32 v9, $0x15  }
0xf9: {  	v9 =	vmul.u32 $0xFFFFFE02, v8  }
0xfa: {  	v11 =	vmul.u32 $0x208, v8;
	v4 =	vtrunc.f32 v4  }
0xfb: {  	v4 =	vcvt.f32.s32 v4;
	v9 =	vadd.s32 v10, v9  }
0xfc: {  	v11 =	vadd.s32 v11, v9  }
0xfd: {  	vm12 =	vlt.u32 v6, $0x7F8;
	v4 =	vand.u32 $0xFFFF, v4;
	v6 =	vadd.s32 $0x1, v11  }
0xfe: {  	v7 =	vshll.u32 v7, $0x9;
	s22 =	simm.s32 $0x10B0;
	v12 =	vadd.s32 $0x2, v11;
	v4 =	vnsel vm12, $0x10000, v4  }
0xff: {  	s23 =	simm.s32 $0x20B0;
	v5 =	vadd.s32 v7, v5;
	[tilespmem:s22+$0xFFFFFFD0] =	vst v4  }
0x100: {  	[tilespmem:s23+$0xFFFFFFD0] =	vst v5  }
0x101: {  	v4 =	vld.idx.msk [tilespmem:v11+s21+$0x0], $0xffff  }
0x102: {  	v5 =	vld.idx.msk [tilespmem:v6+s21+$0x0], $0xffff  }
0x103: {  	v6 =	vld.idx.msk [tilespmem:v12+s21+$0x0], $0xffff;
	_ =	sdelay $0x3  }
0x104: {  	v4 =	vcvt.s32.f32 v4;
	v5 =	vcvt.s32.f32 v5  }
0x105: {  	v6 =	vcvt.s32.f32 v6  }
0x106: {  	s29 =	simm.s32 $0x20;
	v4 =	vmul.f32 v4, v0;
	v5 =	vmul.f32 v5, v0  }
0x107: {  	v11 =	vor.u32 s29, v2  }
0x108: {  	v4 =	vadd.f32 v5, v4;
	v5 =	vmul.f32 v6, v0;
	v6 =	vmul.u32 $0x1011, v11;
	_ =	sdelay $0x1  }
0x109: {  	v4 =	vadd.f32 v5, v4;
	v5 =	vshrl.u32 v6, $0x15  }
0x10a: {  	v6 =	vmul.u32 $0xFFFFFE02, v5  }
0x10b: {  	v7 =	vmul.u32 $0x208, v5;
	v4 =	vtrunc.f32 v4  }
0x10c: {  	v4 =	vcvt.f32.s32 v4;
	v6 =	vadd.s32 v11, v6  }
0x10d: {  	v7 =	vadd.s32 v7, v6  }
0x10e: {  	vm13 =	vlt.u32 v10, $0x7F8;
	v4 =	vand.u32 $0xFFFF, v4;
	v10 =	vadd.s32 $0x1, v7  }
0x10f: {  	v8 =	vshll.u32 v8, $0x9;
	v4 =	vnsel vm13, $0x10000, v4  }
0x110: {  	v8 =	vadd.s32 v8, v9;
	[tilespmem:s22+$0xFFFFFFE0] =	vst v4;
	v4 =	vadd.s32 $0x2, v7  }
0x111: {  	[tilespmem:s23+$0xFFFFFFE0] =	vst v8  }
0x112: {  	v7 =	vld.idx.msk [tilespmem:v7+s21+$0x0], $0xffff  }
0x113: {  	v8 =	vld.idx.msk [tilespmem:v10+s21+$0x0], $0xffff;
	_ =	sdelay $0x1  }
0x114: {  	v4 =	vld.idx.msk [tilespmem:v4+s21+$0x0], $0xffff;
	_ =	sdelay $0x1  }
0x115: {  	v7 =	vcvt.s32.f32 v7  }
0x116: {  	s30 =	simm.s32 $0x30;
	v8 =	vcvt.s32.f32 v8  }
0x117: {  	v9 =	vmul.f32 v7, v0;
	v7 =	vor.u32 s30, v2  }
0x118: {  	v8 =	vmul.f32 v8, v0;
	v4 =	vcvt.s32.f32 v4;
	vm14 =	vlt.s32 v7, $0x7F7  }
0x119: {  	v10 =	vnsel vm14, $0x7F7, v7  }
0x11a: {  	v8 =	vadd.f32 v8, v9;
	v4 =	vmul.f32 v4, v0;
	v9 =	vmul.u32 $0x1011, v10;
	_ =	sdelay $0x1  }
0x11b: {  	v4 =	vadd.f32 v4, v8;
	v8 =	vshrl.u32 v9, $0x15  }
0x11c: {  	v9 =	vmul.u32 $0xFFFFFE02, v8  }
0x11d: {  	v12 =	vmul.u32 $0x208, v8;
	v4 =	vtrunc.f32 v4  }
0x11e: {  	v13 =	vcvt.f32.s32 v4;
	v9 =	vadd.s32 v10, v9  }
0x11f: {  	vm15 =	vlt.u32 v11, $0x7F8;
	v10 =	vadd.s32 v12, v9  }
0x120: {  	s31 =	simm.s32 $0x40;
	v5 =	vshll.u32 v5, $0x9;
	v11 =	vand.u32 $0xFFFF, v13;
	v12 =	vadd.s32 $0x1, v10  }
0x121: {  	v4 =	vor.u32 s31, v2;
	v14 =	vadd.s32 $0x2, v10;
	v11 =	vnsel vm15, $0x10000, v11  }
0x122: {  	v6 =	vadd.s32 v5, v6;
	v13 =	vmul.u32 $0x1011, v4;
	[tilespmem:s22+$0xFFFFFFF0] =	vst v11  }
0x123: {  	[tilespmem:s23+$0xFFFFFFF0] =	vst v6  }
0x124: {  	v5 =	vshrl.u32 v13, $0x15;
	v11 =	vld.idx.msk [tilespmem:v10+s21+$0x0], $0xffff  }
0x125: {  	v6 =	vmul.u32 $0xFFFFFE02, v5;
	v12 =	vld.idx.msk [tilespmem:v12+s21+$0x0], $0xffff  }
0x126: {  	v10 =	vmul.u32 $0x208, v5;
	v13 =	vld.idx.msk [tilespmem:v14+s21+$0x0], $0xffff  }
0x127: {  	s28 =	simm.s32 $0x4;
	v6 =	vadd.s32 v4, v6  }
0x128: {  	s24 =	simm.s32 $0x70;
	s25 =	simm.s32 $0x20B0;
	s26 =	simm.s32 $0x10B0;
	v10 =	vadd.s32 v10, v6  }
.LBB2_6:
0x129: {  	s28 =	sadd.s32 $0x4, s28;
	v14 =	vadd.s32 $0x1, v10;
	s22 =	sadd.s32 $0x40, s22;
	s23 =	sadd.s32 $0x40, s23  }
0x12a: {  	v11 =	vcvt.s32.f32 v11;
	v12 =	vcvt.s32.f32 v12;
	p0 =	slt.u32 s28, $0x7C  }
0x12b: {  	v13 =	vcvt.s32.f32 v13  }
0x12c: {  	v11 =	vmul.f32 v11, v0;
	v12 =	vmul.f32 v12, v0  }
0x12d: {  	v13 =	vmul.f32 v13, v0  }
0x12e: {  	v11 =	vadd.f32 v12, v11;
	_ =	sdelay $0x1  }
0x12f: {  	v11 =	vadd.f32 v13, v11;
	_ =	sdelay $0x1  }
0x130: {  	v11 =	vtrunc.f32 v11  }
0x131: {  	v11 =	vcvt.f32.s32 v11  }
0x132: {  	vm0 =	vlt.u32 v7, $0x7F8  }
0x133: {  	v7 =	vshll.u32 v8, $0x9;
	v8 =	vand.u32 $0xFFFF, v11  }
0x134: {  	v7 =	vadd.s32 v7, v9;
	v11 =	vadd.s32 $0x2, v10;
	v8 =	vnsel vm0, $0x10000, v8  }
0x135: {  	[tilespmem:s26+$0x0] =	vst v8;
	s26 =	smov.u32 s22  }
0x136: {  	[tilespmem:s25+$0x0] =	vst v7;
	s25 =	smov.u32 s23  }
0x137: {  	v7 =	vld.idx.msk [tilespmem:v14+s21+$0x0], $0xffff  }
0x138: {  	v8 =	vld.idx.msk [tilespmem:v10+s21+$0x0], $0xffff  }
0x139: {  	v9 =	vld.idx.msk [tilespmem:v11+s21+$0x0], $0xffff;
	_ =	sdelay $0x4  }
0x13a: {  	v7 =	vcvt.s32.f32 v7;
	v8 =	vcvt.s32.f32 v8  }
0x13b: {  	v9 =	vcvt.s32.f32 v9  }
0x13c: {  	s29 =	sadd.s32 $0xFFFFFFE0, s24;
	v7 =	vmul.f32 v7, v0;
	v8 =	vmul.f32 v8, v0  }
0x13d: {  	v10 =	vor.u32 s29, v2  }
0x13e: {  	v7 =	vadd.f32 v7, v8;
	v8 =	vmul.f32 v9, v0;
	v9 =	vmul.u32 $0x1011, v10;
	_ =	sdelay $0x1  }
0x13f: {  	v7 =	vadd.f32 v8, v7;
	v8 =	vshrl.u32 v9, $0x15  }
0x140: {  	v9 =	vmul.u32 $0xFFFFFE02, v8;
	v11 =	vshll.u32 v8, $0x9  }
0x141: {  	v8 =	vmul.u32 $0x208, v8;
	v7 =	vtrunc.f32 v7  }
0x142: {  	v7 =	vcvt.f32.s32 v7;
	v9 =	vadd.s32 v10, v9  }
0x143: {  	v11 =	vadd.s32 v11, v9;
	v8 =	vadd.s32 v8, v9  }
0x144: {  	vm0 =	vlt.u32 v4, $0x7F8;
	v4 =	vand.u32 $0xFFFF, v7;
	v7 =	vadd.s32 $0x1, v8  }
0x145: {  	v5 =	vshll.u32 v5, $0x9;
	v9 =	vadd.s32 $0x2, v8;
	v4 =	vnsel vm0, $0x10000, v4  }
0x146: {  	v5 =	vadd.s32 v5, v6;
	[tilespmem:s22+$0xFFFFFFD0] =	vst v4  }
0x147: {  	[tilespmem:s23+$0xFFFFFFD0] =	vst v5  }
0x148: {  	v4 =	vld.idx.msk [tilespmem:v8+s21+$0x0], $0xffff  }
0x149: {  	v5 =	vld.idx.msk [tilespmem:v7+s21+$0x0], $0xffff  }
0x14a: {  	v6 =	vld.idx.msk [tilespmem:v9+s21+$0x0], $0xffff;
	_ =	sdelay $0x3  }
0x14b: {  	v4 =	vcvt.s32.f32 v4  }
0x14c: {  	v5 =	vcvt.s32.f32 v5  }
0x14d: {  	v6 =	vcvt.s32.f32 v6  }
0x14e: {  	s29 =	sadd.s32 $0xFFFFFFF0, s24;
	v4 =	vmul.f32 v4, v0;
	v5 =	vmul.f32 v5, v0  }
0x14f: {  	v12 =	vor.u32 s29, v2  }
0x150: {  	v4 =	vadd.f32 v5, v4;
	v5 =	vmul.f32 v6, v0;
	v6 =	vmul.u32 $0x1011, v12;
	_ =	sdelay $0x1  }
0x151: {  	v4 =	vadd.f32 v5, v4;
	v5 =	vshrl.u32 v6, $0x15  }
0x152: {  	v6 =	vmul.u32 $0xFFFFFE02, v5  }
0x153: {  	v7 =	vmul.u32 $0x208, v5;
	v4 =	vtrunc.f32 v4  }
0x154: {  	v4 =	vcvt.f32.s32 v4;
	v6 =	vadd.s32 v12, v6  }
0x155: {  	v7 =	vadd.s32 v7, v6  }
0x156: {  	vm0 =	vlt.u32 v10, $0x7F8;
	v4 =	vand.u32 $0xFFFF, v4;
	v8 =	vadd.s32 $0x1, v7  }
0x157: {  	v4 =	vnsel vm0, $0x10000, v4  }
0x158: {  	[tilespmem:s22+$0xFFFFFFE0] =	vst v4;
	v4 =	vadd.s32 $0x2, v7  }
0x159: {  	[tilespmem:s23+$0xFFFFFFE0] =	vst v11  }
0x15a: {  	v7 =	vld.idx.msk [tilespmem:v7+s21+$0x0], $0xffff  }
0x15b: {  	v8 =	vld.idx.msk [tilespmem:v8+s21+$0x0], $0xffff;
	_ =	sdelay $0x1  }
0x15c: {  	v4 =	vld.idx.msk [tilespmem:v4+s21+$0x0], $0xffff;
	_ =	sdelay $0x2  }
0x15d: {  	v7 =	vcvt.s32.f32 v7  }
0x15e: {  	v8 =	vcvt.s32.f32 v8  }
0x15f: {  	v9 =	vmul.f32 v7, v0;
	v7 =	vor.u32 s24, v2  }
0x160: {  	v8 =	vmul.f32 v8, v0;
	v4 =	vcvt.s32.f32 v4;
	vm0 =	vlt.s32 v7, $0x7F7  }
0x161: {  	v10 =	vnsel vm0, $0x7F7, v7  }
0x162: {  	v8 =	vadd.f32 v8, v9;
	v4 =	vmul.f32 v4, v0;
	v9 =	vmul.u32 $0x1011, v10;
	_ =	sdelay $0x1  }
0x163: {  	v4 =	vadd.f32 v4, v8;
	v8 =	vshrl.u32 v9, $0x15  }
0x164: {  	v9 =	vmul.u32 $0xFFFFFE02, v8  }
0x165: {  	v11 =	vmul.u32 $0x208, v8;
	v4 =	vtrunc.f32 v4  }
0x166: {  	v4 =	vcvt.f32.s32 v4;
	v9 =	vadd.s32 v10, v9  }
0x167: {  	v10 =	vadd.s32 v11, v9  }
0x168: {  	s24 =	sadd.s32 $0x40, s24;
	vm0 =	vlt.u32 v12, $0x7F8;
	v4 =	vand.u32 $0xFFFF, v4;
	v12 =	vadd.s32 $0x1, v10  }
0x169: {  	v5 =	vshll.u32 v5, $0x9;
	s29 =	sadd.s32 $0xFFFFFFD0, s24;
	v13 =	vadd.s32 $0x2, v10;
	v11 =	vnsel vm0, $0x10000, v4  }
0x16a: {  	v5 =	vadd.s32 v5, v6;
	v4 =	vor.u32 s29, v2;
	[tilespmem:s22+$0xFFFFFFF0] =	vst v11  }
0x16b: {  	v6 =	vmul.u32 $0x1011, v4;
	[tilespmem:s23+$0xFFFFFFF0] =	vst v5  }
0x16c: {  	v11 =	vld.idx.msk [tilespmem:v10+s21+$0x0], $0xffff  }
.Ltmp4:
0x16d: {  	v5 =	vshrl.u32 v6, $0x15;
	v12 =	vld.idx.msk [tilespmem:v12+s21+$0x0], $0xffff;
	(pc) =	sbr.rel @p0 .LBB2_6-.Ltmp4, $4  }
0x16e: {  	v6 =	vmul.u32 $0xFFFFFE02, v5;
	v13 =	vld.idx.msk [tilespmem:v13+s21+$0x0], $0xffff  }
0x16f: {  	v10 =	vmul.u32 $0x208, v5  }
0x170: {  	v6 =	vadd.s32 v4, v6  }
0x171: {  	v10 =	vadd.s32 v10, v6  }
0x172: {  	v11 =	vcvt.s32.f32 v11;
	v12 =	vcvt.s32.f32 v12  }
0x173: {  	v13 =	vcvt.s32.f32 v13  }
0x174: {  	v11 =	vmul.f32 v11, v0;
	v12 =	vmul.f32 v12, v0;
	_ =	sdelay $0x1  }
0x175: {  	v13 =	vmul.f32 v13, v0;
	v11 =	vadd.f32 v12, v11;
	_ =	sdelay $0x1  }
0x176: {  	v11 =	vadd.f32 v13, v11;
	_ =	sdelay $0x1  }
0x177: {  	v11 =	vtrunc.f32 v11  }
0x178: {  	v11 =	vcvt.f32.s32 v11  }
0x179: {  	v47 =	vadd.s32 $0x1, v10  }
0x17a: {  	vm0 =	vlt.u32 v7, $0x7F8;
	v7 =	vand.u32 $0xFFFF, v11  }
0x17b: {  	v8 =	vshll.u32 v8, $0x9;
	v48 =	vadd.s32 $0x2, v10;
	v7 =	vnsel vm0, $0x10000, v7  }
0x17c: {  	v8 =	vadd.s32 v8, v9;
	[tilespmem:s26+$0x0] =	vst v7  }
0x17d: {  	s21 =	simm.s32 $0x0;
	[tilespmem:s25+$0x0] =	vst v8  }
0x17e: {  	v7 =	vld.idx.msk [tilespmem:v47+s21+$0x0], $0xffff  }
0x17f: {  	v8 =	vld.idx.msk [tilespmem:v10+s21+$0x0], $0xffff  }
0x180: {  	v49 =	vld.idx.msk [tilespmem:v48+s21+$0x0], $0xffff;
	_ =	sdelay $0x3  }
0x181: {  	v8 =	vcvt.s32.f32 v8;
	v7 =	vcvt.s32.f32 v7  }
0x182: {  	v9 =	vcvt.s32.f32 v49  }
0x183: {  	s29 =	sadd.s32 $0xFFFFFFE0, s24;
	v8 =	vmul.f32 v8, v0;
	v7 =	vmul.f32 v7, v0  }
0x184: {  	v50 =	vor.u32 s29, v2  }
0x185: {  	v52 =	vmul.u32 $0x1011, v50;
	v51 =	vmul.f32 v9, v0;
	v7 =	vadd.f32 v7, v8;
	_ =	sdelay $0x1  }
0x186: {  	v53 =	vshrl.u32 v52, $0x15;
	v7 =	vadd.f32 v51, v7  }
0x187: {  	v9 =	vmul.u32 $0xFFFFFE02, v53  }
0x188: {  	v54 =	vmul.u32 $0x208, v53;
	v7 =	vtrunc.f32 v7  }
0x189: {  	v9 =	vadd.s32 v50, v9;
	v7 =	vcvt.f32.s32 v7  }
0x18a: {  	v11 =	vadd.s32 v54, v9  }
0x18b: {  	vm0 =	vlt.u32 v4, $0x7F8;
	v4 =	vand.u32 $0xFFFF, v7;
	v7 =	vadd.s32 $0x1, v11  }
0x18c: {  	s22 =	sadd.s32 $0x40, s22;
	v5 =	vshll.u32 v5, $0x9;
	v55 =	vadd.s32 $0x2, v11;
	v4 =	vnsel vm0, $0x10000, v4  }
0x18d: {  	s30 =	sadd.s32 $0x40, s23;
	v5 =	vadd.s32 v5, v6;
	[tilespmem:s22+$0xFFFFFFD0] =	vst v4  }
0x18e: {  	[tilespmem:s30+$0xFFFFFFD0] =	vst v5  }
0x18f: {  	v4 =	vld.idx.msk [tilespmem:v11+s21+$0x0], $0xffff  }
0x190: {  	v5 =	vld.idx.msk [tilespmem:v7+s21+$0x0], $0xffff  }
0x191: {  	v6 =	vld.idx.msk [tilespmem:v55+s21+$0x0], $0xffff;
	_ =	sdelay $0x3  }
0x192: {  	v4 =	vcvt.s32.f32 v4;
	v5 =	vcvt.s32.f32 v5  }
0x193: {  	v6 =	vcvt.s32.f32 v6  }
0x194: {  	s31 =	sadd.s32 $0xFFFFFFF0, s24;
	v4 =	vmul.f32 v4, v0;
	v5 =	vmul.f32 v5, v0  }
0x195: {  	v7 =	vor.u32 s31, v2  }
0x196: {  	v4 =	vadd.f32 v5, v4;
	v5 =	vmul.f32 v6, v0;
	v6 =	vmul.u32 $0x1011, v7;
	_ =	sdelay $0x1  }
0x197: {  	v4 =	vadd.f32 v5, v4;
	v5 =	vshrl.u32 v6, $0x15  }
0x198: {  	v6 =	vmul.u32 $0xFFFFFE02, v5  }
0x199: {  	v56 =	vmul.u32 $0x208, v5;
	v4 =	vtrunc.f32 v4  }
0x19a: {  	v4 =	vcvt.f32.s32 v4;
	v6 =	vadd.s32 v7, v6  }
0x19b: {  	v11 =	vadd.s32 v56, v6  }
0x19c: {  	vm0 =	vlt.u32 v50, $0x7F8;
	v4 =	vand.u32 $0xFFFF, v4;
	v57 =	vadd.s32 $0x1, v11  }
0x19d: {  	v8 =	vshll.u32 v53, $0x9;
	v4 =	vnsel vm0, $0x10000, v4  }
0x19e: {  	v8 =	vadd.s32 v8, v9;
	[tilespmem:s22+$0xFFFFFFE0] =	vst v4;
	v4 =	vadd.s32 $0x2, v11  }
0x19f: {  	[tilespmem:s30+$0xFFFFFFE0] =	vst v8  }
0x1a0: {  	v8 =	vld.idx.msk [tilespmem:v11+s21+$0x0], $0xffff  }
0x1a1: {  	v58 =	vld.idx.msk [tilespmem:v57+s21+$0x0], $0xffff;
	_ =	sdelay $0x1  }
0x1a2: {  	v4 =	vld.idx.msk [tilespmem:v4+s21+$0x0], $0xffff;
	_ =	sdelay $0x1  }
0x1a3: {  	v8 =	vcvt.s32.f32 v8  }
0x1a4: {  	v9 =	vcvt.s32.f32 v58  }
0x1a5: {  	v59 =	vor.u32 s24, v2;
	v8 =	vmul.f32 v8, v0  }
0x1a6: {  	vm0 =	vlt.s32 v59, $0x7F7;
	v9 =	vmul.f32 v9, v0;
	v4 =	vcvt.s32.f32 v4  }
0x1a7: {  	v60 =	vnsel vm0, $0x7F7, v59  }
0x1a8: {  	v61 =	vmul.u32 $0x1011, v60;
	v8 =	vadd.f32 v9, v8;
	v4 =	vmul.f32 v4, v0;
	_ =	sdelay $0x1  }
0x1a9: {  	v62 =	vshrl.u32 v61, $0x15;
	v4 =	vadd.f32 v4, v8  }
0x1aa: {  	v9 =	vmul.u32 $0xFFFFFE02, v62  }
0x1ab: {  	v63 =	vmul.u32 $0x208, v62;
	v4 =	vtrunc.f32 v4  }
0x1ac: {  	v9 =	vadd.s32 v60, v9;
	v4 =	vcvt.f32.s32 v4  }
0x1ad: {  	v11 =	vadd.s32 v63, v9  }
0x1ae: {  	vm0 =	vlt.u32 v7, $0x7F8;
	v7 =	vadd.s32 $0x1, v11;
	v4 =	vand.u32 $0xFFFF, v4  }
0x1af: {  	v5 =	vshll.u32 v5, $0x9;
	v12 =	vadd.s32 $0x2, v11;
	v4 =	vnsel vm0, $0x10000, v4  }
0x1b0: {  	v5 =	vadd.s32 v5, v6;
	[tilespmem:s22+$0xFFFFFFF0] =	vst v4  }
0x1b1: {  	[tilespmem:s30+$0xFFFFFFF0] =	vst v5  }
0x1b2: {  	v4 =	vld.idx.msk [tilespmem:v11+s21+$0x0], $0xffff  }
0x1b3: {  	v5 =	vld.idx.msk [tilespmem:v7+s21+$0x0], $0xffff  }
0x1b4: {  	v6 =	vld.idx.msk [tilespmem:v12+s21+$0x0], $0xffff;
	_ =	sdelay $0x3  }
0x1b5: {  	v4 =	vcvt.s32.f32 v4;
	v5 =	vcvt.s32.f32 v5  }
0x1b6: {  	v6 =	vcvt.s32.f32 v6  }
0x1b7: {  	v4 =	vmul.f32 v4, v0;
	v5 =	vmul.f32 v5, v0;
	_ =	sdelay $0x1  }
0x1b8: {  	v6 =	vmul.f32 v6, v0;
	v4 =	vadd.f32 v5, v4;
	_ =	sdelay $0x1  }
0x1b9: {  	v4 =	vadd.f32 v6, v4;
	_ =	sdelay $0x1  }
0x1ba: {  	v4 =	vtrunc.f32 v4  }
0x1bb: {  	v4 =	vcvt.f32.s32 v4;
	_ =	sdelay $0x1  }
0x1bc: {  	vm0 =	vlt.u32 v59, $0x7F8;
	v4 =	vand.u32 $0xFFFF, v4  }
0x1bd: {  	v5 =	vshll.u32 v62, $0x9;
	v4 =	vnsel vm0, $0x10000, v4  }
0x1be: {  	v5 =	vadd.s32 v5, v9;
	[tilespmem:s22+$0x0] =	vst v4  }
0x1bf: {  	s23 =	simm.s32 $0x8A0;
	[tilespmem:s30+$0x0] =	vst v5  }
0x1c0: {  	v4 =	vld [tilespmem:s23+$0xFFFFFFE0];
	_ =	sdelay $0x1  }
0x1c1: {  	p1 =	por $0x1, $0x1  }
.Ltmp5:
0x1c2: {  	_ = 	snop;
	(pc) =	sbr.rel @!p1 .LBB2_8-.Ltmp5, $4  }
0x1c3: {  	_ = 	snop  }
0x1c4: {  	vm0 =	vlt.u32 v4, $0x2000  }
0x1c5: {  	v5 =	vsel vm0, $0x1, v3  }
0x1c6: {  	p0 =	por $0x0, $0x0;
	s22 =	simm.s32 $0x18A0;
	(xrf0) =	vadd.scan.msk.s32 $0xffff, v5  }
0x1c7: {  	_ =	sdelay $0x1  }
0x1c8: {  	v5 =	vmov s21  }
0x1c9: {  	v5 =	vadd.s32 $0xFFFFFFFF, v5  }
0x1ca: {  	v5 =	vbroadcast v5, $0x0  }
0x1cb: {  	v6, _, _ =	vpop (xrf0)  }
0x1cc: {  	v5 =	vadd.s32 v6, v5;
	(v2sf) =	vpush v6, $0xF  }
0x1cd: {  	v6 =	vld [tilespmem:s22+$0xFFFFFFE0];
	_ =	sdelay $0x2  }
0x1ce: {  	v4 =	vand.u32 $0x1FFF, v4  }
0x1cf: {  	[tilespmem:v5+s16+$0x0] =	vst.idx.msk vm0, v4  }
0x1d0: {  	[tilespmem:v5+s17+$0x0] =	vst.idx.msk vm0, v6  }
0x1d1: {  	v4 =	vld [tilespmem:s23+$0xFFFFFFF0];
	_ =	sdelay $0x4  }
0x1d2: {  	vm0 =	vlt.u32 v4, $0x2000  }
0x1d3: {  	v5 =	vsel vm0, $0x1, v3  }
0x1d4: {  	(xrf0) =	vadd.scan.msk.s32 $0xffff, v5  }
0x1d5: {  	s24 =	spop (v2sf)  }
0x1d6: {  	s24 =	sadd.s32 $0x0, s24  }
0x1d7: {  	v5 =	vmov s24  }
0x1d8: {  	v5 =	vadd.s32 $0xFFFFFFFF, v5  }
0x1d9: {  	v5 =	vbroadcast v5, $0x0  }
0x1da: {  	v6, _, _ =	vpop (xrf0)  }
0x1db: {  	v5 =	vadd.s32 v6, v5;
	(v2sf) =	vpush v6, $0xF  }
0x1dc: {  	v6 =	vld [tilespmem:s22+$0xFFFFFFF0];
	_ =	sdelay $0x2  }
0x1dd: {  	v4 =	vand.u32 $0x1FFF, v4  }
0x1de: {  	[tilespmem:v5+s16+$0x0] =	vst.idx.msk vm0, v4  }
0x1df: {  	[tilespmem:v5+s17+$0x0] =	vst.idx.msk vm0, v6  }
0x1e0: {  	v4 =	vld [tilespmem:s23+$0x0];
	_ =	sdelay $0x4  }
0x1e1: {  	vm0 =	vlt.u32 v4, $0x2000  }
0x1e2: {  	v5 =	vsel vm0, $0x1, v3  }
0x1e3: {  	(xrf0) =	vadd.scan.msk.s32 $0xffff, v5  }
0x1e4: {  	s25 =	spop (v2sf)  }
0x1e5: {  	s24 =	sadd.s32 s24, s25  }
0x1e6: {  	v5 =	vmov s24  }
0x1e7: {  	v5 =	vadd.s32 $0xFFFFFFFF, v5  }
0x1e8: {  	v5 =	vbroadcast v5, $0x0  }
0x1e9: {  	v6, _, _ =	vpop (xrf0)  }
0x1ea: {  	v5 =	vadd.s32 v6, v5;
	(v2sf) =	vpush v6, $0xF  }
0x1eb: {  	v6 =	vld [tilespmem:s22+$0x0];
	_ =	sdelay $0x2  }
0x1ec: {  	v4 =	vand.u32 $0x1FFF, v4  }
0x1ed: {  	[tilespmem:v5+s16+$0x0] =	vst.idx.msk vm0, v4  }
0x1ee: {  	[tilespmem:v5+s17+$0x0] =	vst.idx.msk vm0, v6  }
0x1ef: {  	v4 =	vld [tilespmem:s23+$0x10];
	_ =	sdelay $0x4  }
0x1f0: {  	vm0 =	vlt.u32 v4, $0x2000  }
0x1f1: {  	v5 =	vsel vm0, $0x1, v3  }
0x1f2: {  	(xrf0) =	vadd.scan.msk.s32 $0xffff, v5  }
0x1f3: {  	s31 =	spop (v2sf)  }
0x1f4: {  	s26 =	sadd.s32 s24, s31  }
0x1f5: {  	v5 =	vmov s26  }
0x1f6: {  	v5 =	vadd.s32 $0xFFFFFFFF, v5  }
0x1f7: {  	v5 =	vbroadcast v5, $0x0  }
0x1f8: {  	v6, _, _ =	vpop (xrf0)  }
0x1f9: {  	(v2sf) =	vpush v6, $0xF;
	v5 =	vadd.s32 v6, v5  }
0x1fa: {  	v6 =	vld [tilespmem:s22+$0x10];
	_ =	sdelay $0x2  }
0x1fb: {  	v4 =	vand.u32 $0x1FFF, v4  }
0x1fc: {  	[tilespmem:v5+s16+$0x0] =	vst.idx.msk vm0, v4  }
0x1fd: {  	s23 =	simm.s32 $0x8E0;
	[tilespmem:v5+s17+$0x0] =	vst.idx.msk vm0, v6  }
0x1fe: {  	v4 =	vld [tilespmem:s23+$0xFFFFFFE0];
	_ =	sdelay $0x2  }
0x1ff: {  	p1 =	por $0x1, $0x1  }
.Ltmp6:
0x200: {  	_ = 	snop;
	(pc) =	sbr.rel @!p1 .LBB2_10-.Ltmp6, $4  }
0x201: {  	vm0 =	vlt.u32 v4, $0x2000  }
0x202: {  	v5 =	vsel vm0, $0x1, v3  }
0x203: {  	p0 =	por $0x1, $0x1;
	(xrf0) =	vadd.scan.msk.s32 $0xffff, v5  }
0x204: {  	s25 =	simm.s32 $0x4;
	s24 =	simm.s32 $0x18A0;
	s28 =	spop (v2sf)  }
.LBB2_11:
0x205: {  	s25 =	sadd.s32 $0x4, s25;
	s26 =	sadd.s32 s26, s28;
	s24 =	sadd.s32 $0x40, s24  }
0x206: {  	p1 =	slt.u32 s25, $0xFC;
	v5 =	vmov s26  }
0x207: {  	v5 =	vadd.s32 $0xFFFFFFFF, v5  }
0x208: {  	v5 =	vbroadcast v5, $0x0  }
0x209: {  	v6, _, _ =	vpop (xrf0)  }
0x20a: {  	v5 =	vadd.s32 v6, v5;
	(v2sf) =	vpush v6, $0xF  }
0x20b: {  	v6 =	vld [tilespmem:s24+$0xFFFFFFE0];
	_ =	sdelay $0x2  }
0x20c: {  	v4 =	vand.u32 $0x1FFF, v4  }
0x20d: {  	[tilespmem:v5+s16+$0x0] =	vst.idx.msk vm0, v4  }
0x20e: {  	[tilespmem:v5+s17+$0x0] =	vst.idx.msk vm0, v6  }
0x20f: {  	v4 =	vld [tilespmem:s23+$0xFFFFFFF0];
	_ =	sdelay $0x4  }
0x210: {  	vm0 =	vlt.u32 v4, $0x2000  }
0x211: {  	v5 =	vsel vm0, $0x1, v3  }
0x212: {  	(xrf0) =	vadd.scan.msk.s32 $0xffff, v5  }
0x213: {  	s28 =	spop (v2sf)  }
0x214: {  	s26 =	sadd.s32 s26, s28  }
0x215: {  	v5 =	vmov s26  }
0x216: {  	v5 =	vadd.s32 $0xFFFFFFFF, v5  }
0x217: {  	v5 =	vbroadcast v5, $0x0  }
0x218: {  	v6, _, _ =	vpop (xrf0)  }
0x219: {  	v5 =	vadd.s32 v6, v5;
	(v2sf) =	vpush v6, $0xF  }
0x21a: {  	v6 =	vld [tilespmem:s24+$0xFFFFFFF0];
	_ =	sdelay $0x2  }
0x21b: {  	v4 =	vand.u32 $0x1FFF, v4  }
0x21c: {  	[tilespmem:v5+s16+$0x0] =	vst.idx.msk vm0, v4  }
0x21d: {  	[tilespmem:v5+s17+$0x0] =	vst.idx.msk vm0, v6  }
0x21e: {  	v4 =	vld [tilespmem:s23+$0x0];
	_ =	sdelay $0x4  }
0x21f: {  	vm0 =	vlt.u32 v4, $0x2000  }
0x220: {  	v5 =	vsel vm0, $0x1, v3  }
0x221: {  	(xrf0) =	vadd.scan.msk.s32 $0xffff, v5  }
0x222: {  	s28 =	spop (v2sf)  }
0x223: {  	s26 =	sadd.s32 s26, s28  }
0x224: {  	v5 =	vmov s26  }
0x225: {  	v5 =	vadd.s32 $0xFFFFFFFF, v5  }
0x226: {  	v5 =	vbroadcast v5, $0x0  }
0x227: {  	v6, _, _ =	vpop (xrf0)  }
0x228: {  	v5 =	vadd.s32 v6, v5;
	(v2sf) =	vpush v6, $0xF  }
0x229: {  	v6 =	vld [tilespmem:s24+$0x0];
	_ =	sdelay $0x2  }
0x22a: {  	v4 =	vand.u32 $0x1FFF, v4  }
0x22b: {  	[tilespmem:v5+s16+$0x0] =	vst.idx.msk vm0, v4  }
0x22c: {  	[tilespmem:v5+s17+$0x0] =	vst.idx.msk vm0, v6  }
0x22d: {  	v4 =	vld [tilespmem:s23+$0x10]  }
0x22e: {  	v5 =	vld [tilespmem:s24+$0x10];
	_ =	sdelay $0x3  }
0x22f: {  	vm0 =	vlt.u32 v4, $0x2000  }
0x230: {  	v6 =	vsel vm0, $0x1, v3  }
0x231: {  	(xrf0) =	vadd.scan.msk.s32 $0xffff, v6  }
0x232: {  	s28 =	spop (v2sf)  }
0x233: {  	s26 =	sadd.s32 s26, s28  }
0x234: {  	v6 =	vmov s26  }
0x235: {  	v6 =	vadd.s32 $0xFFFFFFFF, v6  }
0x236: {  	v6 =	vbroadcast v6, $0x0  }
0x237: {  	v7, _, _ =	vpop (xrf0)  }
0x238: {  	v6 =	vadd.s32 v7, v6;
	(v2sf) =	vpush v7, $0xF;
	_ =	sdelay $0x3  }
0x239: {  	v4 =	vand.u32 $0x1FFF, v4  }
0x23a: {  	[tilespmem:v6+s16+$0x0] =	vst.idx.msk vm0, v4  }
0x23b: {  	s23 =	sadd.s32 $0x40, s23;
	[tilespmem:v6+s17+$0x0] =	vst.idx.msk vm0, v5  }
0x23c: {  	v4 =	vld [tilespmem:s23+$0xFFFFFFE0];
	_ =	sdelay $0x3  }
.Ltmp7:
0x23d: {  	(pc) =	sbr.rel @p1 .LBB2_11-.Ltmp7, $4  }
0x23e: {  	vm0 =	vlt.u32 v4, $0x2000  }
0x23f: {  	v5 =	vsel vm0, $0x1, v3  }
0x240: {  	(xrf0) =	vadd.scan.msk.s32 $0xffff, v5  }
0x241: {  	s28 =	spop (v2sf)  }
.LBB2_12:
0x242: {  	s25 =	sadd.s32 @p0 s26, s28  }
0x243: {  	s21 =	smov.u32 @p0 s25  }
0x244: {  	v5 =	vmov s21  }
0x245: {  	v5 =	vadd.s32 $0xFFFFFFFF, v5  }
0x246: {  	v5 =	vbroadcast v5, $0x0  }
0x247: {  	s24 =	sadd.s32 @p0 $0x40, s24;
	v6, _, _ =	vpop (xrf0)  }
0x248: {  	s22 =	smov.u32 @p0 s24;
	(v2sf) =	vpush v6, $0xF;
	v5 =	vadd.s32 v6, v5  }
0x249: {  	v58 =	vld [tilespmem:s22+$0xFFFFFFE0];
	_ =	sdelay $0x2  }
0x24a: {  	v4 =	vand.u32 $0x1FFF, v4  }
0x24b: {  	[tilespmem:v5+s16+$0x0] =	vst.idx.msk vm0, v4  }
0x24c: {  	[tilespmem:v5+s17+$0x0] =	vst.idx.msk vm0, v58  }
0x24d: {  	v4 =	vld [tilespmem:s23+$0xFFFFFFF0];
	_ =	sdelay $0x4  }
0x24e: {  	vm13 =	vlt.u32 v4, $0x2000  }
0x24f: {  	v5 =	vsel vm13, $0x1, v3  }
0x250: {  	(xrf0) =	vadd.scan.msk.s32 $0xffff, v5  }
0x251: {  	s28 =	spop (v2sf)  }
0x252: {  	s21 =	sadd.s32 s21, s28  }
0x253: {  	v5 =	vmov s21  }
0x254: {  	v5 =	vadd.s32 $0xFFFFFFFF, v5  }
0x255: {  	v5 =	vbroadcast v5, $0x0  }
0x256: {  	v59, _, _ =	vpop (xrf0)  }
0x257: {  	v5 =	vadd.s32 v59, v5;
	(v2sf) =	vpush v59, $0xF  }
0x258: {  	v60 =	vld [tilespmem:s22+$0xFFFFFFF0];
	_ =	sdelay $0x2  }
0x259: {  	v4 =	vand.u32 $0x1FFF, v4  }
0x25a: {  	[tilespmem:v5+s16+$0x0] =	vst.idx.msk vm13, v4  }
0x25b: {  	[tilespmem:v5+s17+$0x0] =	vst.idx.msk vm13, v60  }
0x25c: {  	v4 =	vld [tilespmem:s23+$0x0];
	_ =	sdelay $0x4  }
0x25d: {  	vm14 =	vlt.u32 v4, $0x2000  }
0x25e: {  	v5 =	vsel vm14, $0x1, v3  }
0x25f: {  	(xrf0) =	vadd.scan.msk.s32 $0xffff, v5  }
0x260: {  	s29 =	spop (v2sf)  }
0x261: {  	s21 =	sadd.s32 s21, s29  }
0x262: {  	v5 =	vmov s21  }
0x263: {  	v5 =	vadd.s32 $0xFFFFFFFF, v5  }
0x264: {  	v5 =	vbroadcast v5, $0x0  }
0x265: {  	v61, _, _ =	vpop (xrf0)  }
0x266: {  	v5 =	vadd.s32 v61, v5  }
0x267: {  	v7 =	vld [tilespmem:s22+$0x0];
	_ =	sdelay $0x2  }
0x268: {  	v4 =	vand.u32 $0x1FFF, v4  }
0x269: {  	[tilespmem:v5+s16+$0x0] =	vst.idx.msk vm14, v4  }
0x26a: {  	[tilespmem:v5+s17+$0x0] =	vst.idx.msk vm14, v7  }
0x26b: {  	v4 =	vld [tilespmem:s23+$0x10];
	_ =	sdelay $0x4  }
0x26c: {  	vm15 =	vlt.u32 v4, $0x2000  }
0x26d: {  	v5 =	vsel vm15, $0x1, v3  }
0x26e: {  	(xrf0) =	vadd.scan.msk.s32 $0xffff, v5  }
0x26f: {  	(v2sf) =	vpush v61, $0xF;
	_ =	sdelay $0x4  }
0x270: {  	v5, _, _ =	vpop (xrf0)  }
0x271: {  	(v2sf) =	vpush v5, $0xF;
	_ =	sdelay $0x8  }
0x272: {  	s30 =	spop (v2sf)  }
0x273: {  	s21 =	sadd.s32 s21, s30  }
0x274: {  	v62 =	vmov s21  }
0x275: {  	v6 =	vadd.s32 $0xFFFFFFFF, v62  }
0x276: {  	v6 =	vbroadcast v6, $0x0;
	_ =	sdelay $0x1  }
0x277: {  	v5 =	vadd.s32 v5, v6;
	s31 =	spop (v2sf)  }
0x278: {  	v63 =	vld [tilespmem:s22+$0x10];
	s25 =	sadd.s32 s21, s31  }
0x279: {  	s21 =	sadd.s32 $0xF, s25  }
0x27a: {  	s24 =	sshra.s32 s21, $0x4  }
0x27b: {  	v4 =	vand.u32 $0x1FFF, v4;
	p0 =	slt.s32 s24, $0x1  }
.Ltmp8:
0x27c: {  	[tilespmem:v5+s16+$0x0] =	vst.idx.msk vm15, v4;
	(pc) =	sbr.rel @p0 .LBB2_16-.Ltmp8, $4  }
0x27d: {  	[tilespmem:v5+s17+$0x0] =	vst.idx.msk vm15, v63  }
0x27e: {  	_ =	swait.ge [sflag:s18], $0x10000  }
0x27f: {  	[sflag:s18] =	ssyncset.done $0x0  }
0x280: {  	[sflag:s18] =	ssyncadd.s32 $0xFFFF0000  }
0x281: {  	s21 =	simm.s32 $0x2880  }
0x282: {  	v5 =	vld [tilespmem:s21+$0x0];
	_ =	sdelay $0x3  }
0x283: {  	s22 =	simm.s32 $0x3900;
	s23 =	simm.s32 $0x0  }
0x284: {  	v4 =	vmov s25;
	v6 =	vor.u32 s23, v2;
	v8 =	vld [tilespmem:s22+$0x0];
	v7 =	vshll.u32 v5, $0x3  }
0x285: {  	vm0 =	vlt.s32 v6, v4;
	v5 =	vand.u32 $0x7F, v5;
	v6 =	vand.u32 $0xFFFFFC00, v7  }
0x286: {  	v5 =	vor.u32 v5, v6;
	_ =	sdelay $0x2  }
0x287: {  	v6 =	vshll.u32 v8, $0x3  }
0x288: {  	v7 =	vand.u32 $0x7F, v8;
	v6 =	vand.u32 $0xFFFFFC00, v6  }
0x289: {  	v6 =	vor.u32 v7, v6;
	v8 =	vld.idx.msk [tilespmem:v5+s14+$0x0], vm0  }
0x28a: {  	v7 =	vor.u32 $0x80, v5;
	_ =	sdelay $0x3  }
0x28b: {  	[tilespmem:v6+s19+$0x0] =	vst.idx.add.f32.msk vm0, v8  }
0x28c: {  	v8 =	vor.u32 $0x80, v6;
	v7 =	vld.idx.msk [tilespmem:v7+s14+$0x0], vm0  }
0x28d: {  	v9 =	vor.u32 $0x100, v5;
	_ =	sdelay $0x3  }
0x28e: {  	[tilespmem:v8+s19+$0x0] =	vst.idx.add.f32.msk vm0, v7  }
0x28f: {  	v8 =	vor.u32 $0x100, v6;
	v7 =	vld.idx.msk [tilespmem:v9+s14+$0x0], vm0  }
0x290: {  	v60 =	vor.u32 $0x180, v5;
	_ =	sdelay $0x3  }
0x291: {  	[tilespmem:v8+s19+$0x0] =	vst.idx.add.f32.msk vm0, v7  }
0x292: {  	v8 =	vor.u32 $0x180, v6;
	v7 =	vld.idx.msk [tilespmem:v60+s14+$0x0], vm0  }
0x293: {  	v61 =	vor.u32 $0x200, v5;
	_ =	sdelay $0x3  }
0x294: {  	[tilespmem:v8+s19+$0x0] =	vst.idx.add.f32.msk vm0, v7  }
0x295: {  	v8 =	vor.u32 $0x200, v6;
	v7 =	vld.idx.msk [tilespmem:v61+s14+$0x0], vm0  }
0x296: {  	v62 =	vor.u32 $0x280, v5;
	_ =	sdelay $0x3  }
0x297: {  	[tilespmem:v8+s19+$0x0] =	vst.idx.add.f32.msk vm0, v7  }
0x298: {  	v8 =	vor.u32 $0x280, v6;
	v7 =	vld.idx.msk [tilespmem:v62+s14+$0x0], vm0  }
0x299: {  	v63 =	vor.u32 $0x300, v5;
	_ =	sdelay $0x3  }
0x29a: {  	[tilespmem:v8+s19+$0x0] =	vst.idx.add.f32.msk vm0, v7  }
0x29b: {  	v8 =	vor.u32 $0x300, v6;
	v7 =	vld.idx.msk [tilespmem:v63+s14+$0x0], vm0  }
0x29c: {  	p0 =	sne.s32 s24, $0x1;
	v5 =	vor.u32 $0x380, v5  }
.Ltmp9:
0x29d: {  	_ = 	snop;
	(pc) =	sbr.rel @!p0 .LBB2_15-.Ltmp9, $3  }
0x29e: {  	_ =	sdelay $0x1  }
0x29f: {  	[tilespmem:v8+s19+$0x0] =	vst.idx.add.f32.msk vm0, v7  }
0x2a0: {  	s24 =	sadd.s32 $0xFFFFFFFF, s24;
	v6 =	vor.u32 $0x380, v6;
	v5 =	vld.idx.msk [tilespmem:v5+s14+$0x0], vm0  }
.LBB2_14:
0x2a1: {  	_ =	sdelay $0x3  }
0x2a2: {  	s21 =	sadd.s32 $0x10, s21;
	s22 =	sadd.s32 $0x10, s22;
	s23 =	sadd.s32 $0x10, s23;
	[tilespmem:v6+s19+$0x0] =	vst.idx.add.f32.msk vm0, v5  }
0x2a3: {  	p0 =	sne.s32 s24, $0x1;
	s24 =	sadd.s32 $0xFFFFFFFF, s24;
	v5 =	vld [tilespmem:s21+$0x0];
	_ =	sdelay $0x4  }
0x2a4: {  	v6 =	vor.u32 s23, v2;
	v7 =	vshll.u32 v5, $0x3  }
0x2a5: {  	vm0 =	vlt.s32 v6, v4;
	v5 =	vand.u32 $0x7F, v5;
	v6 =	vld [tilespmem:s22+$0x0];
	v7 =	vand.u32 $0xFFFFFC00, v7  }
0x2a6: {  	v5 =	vor.u32 v5, v7;
	_ =	sdelay $0x3  }
0x2a7: {  	v7 =	vshll.u32 v6, $0x3  }
0x2a8: {  	v6 =	vand.u32 $0x7F, v6;
	v8 =	vld.idx.msk [tilespmem:v5+s14+$0x0], vm0;
	v7 =	vand.u32 $0xFFFFFC00, v7  }
0x2a9: {  	v6 =	vor.u32 v6, v7  }
0x2aa: {  	v7 =	vor.u32 $0x80, v5;
	_ =	sdelay $0x3  }
0x2ab: {  	[tilespmem:v6+s19+$0x0] =	vst.idx.add.f32.msk vm0, v8  }
0x2ac: {  	v7 =	vld.idx.msk [tilespmem:v7+s14+$0x0], vm0  }
0x2ad: {  	v8 =	vor.u32 $0x80, v6  }
0x2ae: {  	v9 =	vor.u32 $0x100, v5;
	_ =	sdelay $0x3  }
0x2af: {  	[tilespmem:v8+s19+$0x0] =	vst.idx.add.f32.msk vm0, v7  }
0x2b0: {  	v7 =	vld.idx.msk [tilespmem:v9+s14+$0x0], vm0  }
0x2b1: {  	v8 =	vor.u32 $0x100, v6  }
0x2b2: {  	v9 =	vor.u32 $0x180, v5;
	_ =	sdelay $0x3  }
0x2b3: {  	[tilespmem:v8+s19+$0x0] =	vst.idx.add.f32.msk vm0, v7  }
0x2b4: {  	v7 =	vld.idx.msk [tilespmem:v9+s14+$0x0], vm0  }
0x2b5: {  	v8 =	vor.u32 $0x180, v6  }
0x2b6: {  	v9 =	vor.u32 $0x200, v5;
	_ =	sdelay $0x3  }
0x2b7: {  	[tilespmem:v8+s19+$0x0] =	vst.idx.add.f32.msk vm0, v7  }
0x2b8: {  	v7 =	vld.idx.msk [tilespmem:v9+s14+$0x0], vm0  }
0x2b9: {  	v8 =	vor.u32 $0x200, v6  }
0x2ba: {  	v9 =	vor.u32 $0x280, v5;
	_ =	sdelay $0x3  }
0x2bb: {  	[tilespmem:v8+s19+$0x0] =	vst.idx.add.f32.msk vm0, v7  }
0x2bc: {  	v7 =	vld.idx.msk [tilespmem:v9+s14+$0x0], vm0  }
0x2bd: {  	v8 =	vor.u32 $0x280, v6  }
0x2be: {  	v9 =	vor.u32 $0x300, v5;
	_ =	sdelay $0x3  }
0x2bf: {  	[tilespmem:v8+s19+$0x0] =	vst.idx.add.f32.msk vm0, v7  }
0x2c0: {  	v7 =	vld.idx.msk [tilespmem:v9+s14+$0x0], vm0  }
0x2c1: {  	v8 =	vor.u32 $0x300, v6  }
0x2c2: {  	v5 =	vor.u32 $0x380, v5;
	_ =	sdelay $0x1  }
.Ltmp10:
0x2c3: {  	(pc) =	sbr.rel @p0 .LBB2_14-.Ltmp10, $4  }
0x2c4: {  	_ = 	snop  }
0x2c5: {  	[tilespmem:v8+s19+$0x0] =	vst.idx.add.f32.msk vm0, v7  }
0x2c6: {  	v5 =	vld.idx.msk [tilespmem:v5+s14+$0x0], vm0  }
0x2c7: {  	v6 =	vor.u32 $0x380, v6  }
.LBB2_15:
0x2c8: {  	_ =	sdelay $0x4  }
0x2c9: {  	[tilespmem:v6+s19+$0x0] =	vst.idx.add.f32.msk vm0, v5  }
.LBB2_16:
0x2ca: {  	s21 =	simm.s32 $0x0;
	s22 =	simm.s32 $0x8A0  }
0x2cb: {  	[tilespmem:s14], [sflag:$0x1] =	stream.linear.gather [hbm4b:s5+s21], $0x10000, $0x38;
	[tilespmem:$0x18980] =	vst v63  }
0x2cc: {  	v4 =	vld [tilespmem:s22+$0xFFFFFFE0];
	_ =	sdelay $0x4  }
0x2cd: {  	v5 =	vand.u32 $0xFFFFE000, v4  }
0x2ce: {  	vm0 =	veq.s32 v5, $0x2000  }
0x2cf: {  	v5 =	vsel vm0, $0x1, v3  }
0x2d0: {  	(xrf0) =	vadd.scan.msk.s32 $0xffff, v5;
	_ =	sdelay $0x2  }
0x2d1: {  	v5 =	vmov s21  }
0x2d2: {  	v5 =	vadd.s32 $0xFFFFFFFF, v5  }
0x2d3: {  	v5 =	vbroadcast v5, $0x0  }
0x2d4: {  	v6, _, _ =	vpop (xrf0)  }
0x2d5: {  	s21 =	simm.s32 $0x18A0;
	v5 =	vadd.s32 v6, v5  }
0x2d6: {  	(v2sf) =	vpush v6, $0xF;
	v6 =	vld [tilespmem:s21+$0xFFFFFFE0];
	_ =	sdelay $0x2  }
0x2d7: {  	v4 =	vand.u32 $0x1FFF, v4  }
0x2d8: {  	[tilespmem:v5+s16+$0x0] =	vst.idx.msk vm0, v4  }
0x2d9: {  	[tilespmem:v5+s17+$0x0] =	vst.idx.msk vm0, v6  }
0x2da: {  	v4 =	vld [tilespmem:s22+$0xFFFFFFF0];
	_ =	sdelay $0x4  }
0x2db: {  	v5 =	vand.u32 $0xFFFFE000, v4  }
0x2dc: {  	vm0 =	veq.s32 v5, $0x2000  }
0x2dd: {  	v5 =	vsel vm0, $0x1, v3  }
0x2de: {  	(xrf0) =	vadd.scan.msk.s32 $0xffff, v5  }
0x2df: {  	s23 =	spop (v2sf)  }
0x2e0: {  	s23 =	sadd.s32 $0x0, s23  }
0x2e1: {  	v5 =	vmov s23  }
0x2e2: {  	v5 =	vadd.s32 $0xFFFFFFFF, v5  }
0x2e3: {  	v5 =	vbroadcast v5, $0x0  }
0x2e4: {  	v6, _, _ =	vpop (xrf0)  }
0x2e5: {  	v5 =	vadd.s32 v6, v5  }
0x2e6: {  	(v2sf) =	vpush v6, $0xF;
	v6 =	vld [tilespmem:s21+$0xFFFFFFF0];
	_ =	sdelay $0x2  }
0x2e7: {  	v4 =	vand.u32 $0x1FFF, v4  }
0x2e8: {  	[tilespmem:v5+s16+$0x0] =	vst.idx.msk vm0, v4  }
0x2e9: {  	[tilespmem:v5+s17+$0x0] =	vst.idx.msk vm0, v6  }
0x2ea: {  	v4 =	vld [tilespmem:s22+$0x0];
	_ =	sdelay $0x4  }
0x2eb: {  	v5 =	vand.u32 $0xFFFFE000, v4  }
0x2ec: {  	vm0 =	veq.s32 v5, $0x2000  }
0x2ed: {  	v5 =	vsel vm0, $0x1, v3  }
0x2ee: {  	(xrf0) =	vadd.scan.msk.s32 $0xffff, v5  }
0x2ef: {  	s24 =	spop (v2sf)  }
0x2f0: {  	s23 =	sadd.s32 s23, s24  }
0x2f1: {  	v5 =	vmov s23  }
0x2f2: {  	v5 =	vadd.s32 $0xFFFFFFFF, v5  }
0x2f3: {  	v5 =	vbroadcast v5, $0x0  }
0x2f4: {  	v6, _, _ =	vpop (xrf0)  }
0x2f5: {  	v5 =	vadd.s32 v6, v5  }
0x2f6: {  	(v2sf) =	vpush v6, $0xF;
	v6 =	vld [tilespmem:s21+$0x0];
	_ =	sdelay $0x2  }
0x2f7: {  	v4 =	vand.u32 $0x1FFF, v4  }
0x2f8: {  	[tilespmem:v5+s16+$0x0] =	vst.idx.msk vm0, v4  }
0x2f9: {  	[tilespmem:v5+s17+$0x0] =	vst.idx.msk vm0, v6  }
0x2fa: {  	v4 =	vld [tilespmem:s22+$0x10];
	_ =	sdelay $0x4  }
0x2fb: {  	v5 =	vand.u32 $0xFFFFE000, v4  }
0x2fc: {  	vm0 =	veq.s32 v5, $0x2000  }
0x2fd: {  	v5 =	vsel vm0, $0x1, v3  }
0x2fe: {  	(xrf0) =	vadd.scan.msk.s32 $0xffff, v5  }
0x2ff: {  	s31 =	spop (v2sf)  }
0x300: {  	s24 =	sadd.s32 s23, s31  }
0x301: {  	v5 =	vmov s24  }
0x302: {  	v5 =	vadd.s32 $0xFFFFFFFF, v5  }
0x303: {  	v5 =	vbroadcast v5, $0x0  }
0x304: {  	v6, _, _ =	vpop (xrf0)  }
0x305: {  	v5 =	vadd.s32 v6, v5;
	(v2sf) =	vpush v6, $0xF  }
0x306: {  	v6 =	vld [tilespmem:s21+$0x10];
	_ =	sdelay $0x2  }
0x307: {  	v4 =	vand.u32 $0x1FFF, v4  }
0x308: {  	[tilespmem:v5+s16+$0x0] =	vst.idx.msk vm0, v4  }
0x309: {  	s22 =	simm.s32 $0x8E0;
	[tilespmem:v5+s17+$0x0] =	vst.idx.msk vm0, v6  }
0x30a: {  	v4 =	vld [tilespmem:s22+$0xFFFFFFE0];
	_ =	sdelay $0x4  }
0x30b: {  	v5 =	vand.u32 $0xFFFFE000, v4  }
0x30c: {  	vm0 =	veq.s32 v5, $0x2000  }
0x30d: {  	v5 =	vsel vm0, $0x1, v3  }
0x30e: {  	s23 =	simm.s32 $0x4;
	(xrf0) =	vadd.scan.msk.s32 $0xffff, v5;
	s25 =	spop (v2sf)  }
.LBB2_17:
0x30f: {  	s23 =	sadd.s32 $0x4, s23;
	s24 =	sadd.s32 s24, s25;
	s21 =	sadd.s32 $0x40, s21  }
0x310: {  	p0 =	slt.u32 s23, $0xFC;
	v5 =	vmov s24  }
0x311: {  	v5 =	vadd.s32 $0xFFFFFFFF, v5;
	_ =	sdelay $0x1  }
0x312: {  	v5 =	vbroadcast v5, $0x0  }
0x313: {  	v6, _, _ =	vpop (xrf0)  }
0x314: {  	v5 =	vadd.s32 v6, v5;
	(v2sf) =	vpush v6, $0xF  }
0x315: {  	v6 =	vld [tilespmem:s21+$0xFFFFFFE0];
	_ =	sdelay $0x2  }
0x316: {  	v4 =	vand.u32 $0x1FFF, v4  }
0x317: {  	[tilespmem:v5+s16+$0x0] =	vst.idx.msk vm0, v4  }
0x318: {  	[tilespmem:v5+s17+$0x0] =	vst.idx.msk vm0, v6  }
0x319: {  	v4 =	vld [tilespmem:s22+$0xFFFFFFF0];
	_ =	sdelay $0x4  }
0x31a: {  	v5 =	vand.u32 $0xFFFFE000, v4  }
0x31b: {  	vm0 =	veq.s32 v5, $0x2000  }
0x31c: {  	v5 =	vsel vm0, $0x1, v3  }
0x31d: {  	s25 =	spop (v2sf);
	(xrf0) =	vadd.scan.msk.s32 $0xffff, v5  }
0x31e: {  	s24 =	sadd.s32 s24, s25  }
0x31f: {  	v5 =	vmov s24  }
0x320: {  	v5 =	vadd.s32 $0xFFFFFFFF, v5;
	_ =	sdelay $0x1  }
0x321: {  	v5 =	vbroadcast v5, $0x0  }
0x322: {  	v6, _, _ =	vpop (xrf0)  }
0x323: {  	v5 =	vadd.s32 v6, v5;
	(v2sf) =	vpush v6, $0xF  }
0x324: {  	v6 =	vld [tilespmem:s21+$0xFFFFFFF0];
	_ =	sdelay $0x2  }
0x325: {  	v4 =	vand.u32 $0x1FFF, v4  }
0x326: {  	[tilespmem:v5+s16+$0x0] =	vst.idx.msk vm0, v4  }
0x327: {  	[tilespmem:v5+s17+$0x0] =	vst.idx.msk vm0, v6  }
0x328: {  	v4 =	vld [tilespmem:s22+$0x0];
	_ =	sdelay $0x4  }
0x329: {  	v5 =	vand.u32 $0xFFFFE000, v4  }
0x32a: {  	vm0 =	veq.s32 v5, $0x2000  }
0x32b: {  	v5 =	vsel vm0, $0x1, v3  }
0x32c: {  	s25 =	spop (v2sf);
	(xrf0) =	vadd.scan.msk.s32 $0xffff, v5  }
0x32d: {  	s24 =	sadd.s32 s24, s25  }
0x32e: {  	v5 =	vmov s24  }
0x32f: {  	v5 =	vadd.s32 $0xFFFFFFFF, v5;
	_ =	sdelay $0x1  }
0x330: {  	v5 =	vbroadcast v5, $0x0  }
0x331: {  	v6, _, _ =	vpop (xrf0)  }
0x332: {  	v5 =	vadd.s32 v6, v5;
	(v2sf) =	vpush v6, $0xF  }
0x333: {  	v6 =	vld [tilespmem:s21+$0x0];
	_ =	sdelay $0x2  }
0x334: {  	v4 =	vand.u32 $0x1FFF, v4  }
0x335: {  	[tilespmem:v5+s16+$0x0] =	vst.idx.msk vm0, v4  }
0x336: {  	[tilespmem:v5+s17+$0x0] =	vst.idx.msk vm0, v6  }
0x337: {  	v4 =	vld [tilespmem:s22+$0x10]  }
0x338: {  	v5 =	vld [tilespmem:s21+$0x10];
	_ =	sdelay $0x3  }
0x339: {  	v6 =	vand.u32 $0xFFFFE000, v4  }
0x33a: {  	vm0 =	veq.s32 v6, $0x2000  }
0x33b: {  	v6 =	vsel vm0, $0x1, v3  }
0x33c: {  	s25 =	spop (v2sf);
	(xrf0) =	vadd.scan.msk.s32 $0xffff, v6  }
0x33d: {  	s24 =	sadd.s32 s24, s25  }
0x33e: {  	v6 =	vmov s24  }
0x33f: {  	v6 =	vadd.s32 $0xFFFFFFFF, v6;
	_ =	sdelay $0x1  }
0x340: {  	v6 =	vbroadcast v6, $0x0  }
0x341: {  	v7, _, _ =	vpop (xrf0)  }
0x342: {  	v6 =	vadd.s32 v7, v6;
	(v2sf) =	vpush v7, $0xF;
	_ =	sdelay $0x3  }
0x343: {  	v4 =	vand.u32 $0x1FFF, v4  }
0x344: {  	[tilespmem:v6+s16+$0x0] =	vst.idx.msk vm0, v4  }
0x345: {  	s22 =	sadd.s32 $0x40, s22;
	[tilespmem:v6+s17+$0x0] =	vst.idx.msk vm0, v5  }
0x346: {  	v4 =	vld [tilespmem:s22+$0xFFFFFFE0];
	_ =	sdelay $0x3  }
.Ltmp11:
0x347: {  	(pc) =	sbr.rel @p0 .LBB2_17-.Ltmp11, $4  }
0x348: {  	v5 =	vand.u32 $0xFFFFE000, v4  }
0x349: {  	vm0 =	veq.s32 v5, $0x2000  }
0x34a: {  	v5 =	vsel vm0, $0x1, v3  }
0x34b: {  	(xrf0) =	vadd.scan.msk.s32 $0xffff, v5;
	s25 =	spop (v2sf)  }
0x34c: {  	_ = 	snop  }
0x34d: {  	s23 =	sadd.s32 s24, s25  }
0x34e: {  	v5 =	vmov s23  }
0x34f: {  	v5 =	vadd.s32 $0xFFFFFFFF, v5  }
0x350: {  	v5 =	vbroadcast v5, $0x0  }
0x351: {  	v6, _, _ =	vpop (xrf0)  }
0x352: {  	s21 =	sadd.s32 $0x40, s21;
	v5 =	vadd.s32 v6, v5  }
0x353: {  	v58 =	vld [tilespmem:s21+$0xFFFFFFE0];
	(v2sf) =	vpush v6, $0xF;
	_ =	sdelay $0x2  }
0x354: {  	v4 =	vand.u32 $0x1FFF, v4  }
0x355: {  	[tilespmem:v5+s16+$0x0] =	vst.idx.msk vm0, v4  }
0x356: {  	[tilespmem:v5+s17+$0x0] =	vst.idx.msk vm0, v58  }
0x357: {  	v4 =	vld [tilespmem:s22+$0xFFFFFFF0];
	_ =	sdelay $0x4  }
0x358: {  	v5 =	vand.u32 $0xFFFFE000, v4  }
0x359: {  	vm13 =	veq.s32 v5, $0x2000  }
0x35a: {  	v5 =	vsel vm13, $0x1, v3  }
0x35b: {  	(xrf0) =	vadd.scan.msk.s32 $0xffff, v5  }
0x35c: {  	s28 =	spop (v2sf)  }
0x35d: {  	s23 =	sadd.s32 s23, s28  }
0x35e: {  	v5 =	vmov s23  }
0x35f: {  	v5 =	vadd.s32 $0xFFFFFFFF, v5  }
0x360: {  	v5 =	vbroadcast v5, $0x0  }
0x361: {  	v59, _, _ =	vpop (xrf0)  }
0x362: {  	v5 =	vadd.s32 v59, v5  }
0x363: {  	v60 =	vld [tilespmem:s21+$0xFFFFFFF0];
	(v2sf) =	vpush v59, $0xF;
	_ =	sdelay $0x2  }
0x364: {  	v4 =	vand.u32 $0x1FFF, v4  }
0x365: {  	[tilespmem:v5+s16+$0x0] =	vst.idx.msk vm13, v4  }
0x366: {  	[tilespmem:v5+s17+$0x0] =	vst.idx.msk vm13, v60  }
0x367: {  	v4 =	vld [tilespmem:s22+$0x0];
	_ =	sdelay $0x4  }
0x368: {  	v5 =	vand.u32 $0xFFFFE000, v4  }
0x369: {  	vm14 =	veq.s32 v5, $0x2000  }
0x36a: {  	v5 =	vsel vm14, $0x1, v3  }
0x36b: {  	(xrf0) =	vadd.scan.msk.s32 $0xffff, v5  }
0x36c: {  	s29 =	spop (v2sf)  }
0x36d: {  	s23 =	sadd.s32 s23, s29  }
0x36e: {  	v5 =	vmov s23  }
0x36f: {  	v5 =	vadd.s32 $0xFFFFFFFF, v5  }
0x370: {  	v5 =	vbroadcast v5, $0x0  }
0x371: {  	v61, _, _ =	vpop (xrf0)  }
0x372: {  	v5 =	vadd.s32 v61, v5  }
0x373: {  	v7 =	vld [tilespmem:s21+$0x0];
	_ =	sdelay $0x2  }
0x374: {  	v4 =	vand.u32 $0x1FFF, v4  }
0x375: {  	[tilespmem:v5+s16+$0x0] =	vst.idx.msk vm14, v4  }
0x376: {  	[tilespmem:v5+s17+$0x0] =	vst.idx.msk vm14, v7  }
0x377: {  	v4 =	vld [tilespmem:s22+$0x10];
	_ =	sdelay $0x4  }
0x378: {  	v5 =	vand.u32 $0xFFFFE000, v4  }
0x379: {  	vm15 =	veq.s32 v5, $0x2000  }
0x37a: {  	v5 =	vsel vm15, $0x1, v3  }
0x37b: {  	(xrf0) =	vadd.scan.msk.s32 $0xffff, v5  }
0x37c: {  	(v2sf) =	vpush v61, $0xF;
	_ =	sdelay $0x4  }
0x37d: {  	v5, _, _ =	vpop (xrf0)  }
0x37e: {  	(v2sf) =	vpush v5, $0xF;
	_ =	sdelay $0x8  }
0x37f: {  	s30 =	spop (v2sf)  }
0x380: {  	s22 =	sadd.s32 s23, s30  }
0x381: {  	v62 =	vmov s22  }
0x382: {  	v6 =	vadd.s32 $0xFFFFFFFF, v62  }
0x383: {  	v6 =	vbroadcast v6, $0x0;
	_ =	sdelay $0x1  }
0x384: {  	v5 =	vadd.s32 v5, v6;
	s31 =	spop (v2sf)  }
0x385: {  	v63 =	vld [tilespmem:s21+$0x10];
	s25 =	sadd.s32 s22, s31  }
0x386: {  	s21 =	sadd.s32 $0xF, s25  }
0x387: {  	s24 =	sshra.s32 s21, $0x4  }
0x388: {  	v4 =	vand.u32 $0x1FFF, v4;
	p0 =	slt.s32 s24, $0x1  }
.Ltmp12:
0x389: {  	[tilespmem:v5+s16+$0x0] =	vst.idx.msk vm15, v4;
	(pc) =	sbr.rel @p0 .LBB2_22-.Ltmp12, $4  }
0x38a: {  	[tilespmem:v5+s17+$0x0] =	vst.idx.msk vm15, v63  }
0x38b: {  	_ =	swait.ge [sflag:s18], $0x10000  }
0x38c: {  	[sflag:s18] =	ssyncset.done $0x0  }
0x38d: {  	[sflag:s18] =	ssyncadd.s32 $0xFFFF0000  }
0x38e: {  	s21 =	simm.s32 $0x2880  }
0x38f: {  	v5 =	vld [tilespmem:s21+$0x0];
	_ =	sdelay $0x3  }
0x390: {  	s22 =	simm.s32 $0x3900;
	s23 =	simm.s32 $0x0  }
0x391: {  	v4 =	vmov s25;
	v6 =	vor.u32 s23, v2;
	v8 =	vld [tilespmem:s22+$0x0];
	v7 =	vshll.u32 v5, $0x3  }
0x392: {  	vm0 =	vlt.s32 v6, v4;
	v5 =	vand.u32 $0x7F, v5;
	v6 =	vand.u32 $0xFFFFFC00, v7  }
0x393: {  	v5 =	vor.u32 v5, v6;
	_ =	sdelay $0x2  }
0x394: {  	v6 =	vshll.u32 v8, $0x3  }
0x395: {  	v7 =	vand.u32 $0x7F, v8;
	v6 =	vand.u32 $0xFFFFFC00, v6  }
0x396: {  	v6 =	vor.u32 v7, v6;
	v8 =	vld.idx.msk [tilespmem:v5+s14+$0x0], vm0  }
0x397: {  	v7 =	vor.u32 $0x80, v5;
	_ =	sdelay $0x3  }
0x398: {  	[tilespmem:v6+s19+$0x0] =	vst.idx.add.f32.msk vm0, v8  }
0x399: {  	v8 =	vor.u32 $0x80, v6;
	v7 =	vld.idx.msk [tilespmem:v7+s14+$0x0], vm0  }
0x39a: {  	v9 =	vor.u32 $0x100, v5;
	_ =	sdelay $0x3  }
0x39b: {  	[tilespmem:v8+s19+$0x0] =	vst.idx.add.f32.msk vm0, v7  }
0x39c: {  	v8 =	vor.u32 $0x100, v6;
	v7 =	vld.idx.msk [tilespmem:v9+s14+$0x0], vm0  }
0x39d: {  	v60 =	vor.u32 $0x180, v5;
	_ =	sdelay $0x3  }
0x39e: {  	[tilespmem:v8+s19+$0x0] =	vst.idx.add.f32.msk vm0, v7  }
0x39f: {  	v8 =	vor.u32 $0x180, v6;
	v7 =	vld.idx.msk [tilespmem:v60+s14+$0x0], vm0  }
0x3a0: {  	v61 =	vor.u32 $0x200, v5;
	_ =	sdelay $0x3  }
0x3a1: {  	[tilespmem:v8+s19+$0x0] =	vst.idx.add.f32.msk vm0, v7  }
0x3a2: {  	v8 =	vor.u32 $0x200, v6;
	v7 =	vld.idx.msk [tilespmem:v61+s14+$0x0], vm0  }
0x3a3: {  	v62 =	vor.u32 $0x280, v5;
	_ =	sdelay $0x3  }
0x3a4: {  	[tilespmem:v8+s19+$0x0] =	vst.idx.add.f32.msk vm0, v7  }
0x3a5: {  	v8 =	vor.u32 $0x280, v6;
	v7 =	vld.idx.msk [tilespmem:v62+s14+$0x0], vm0  }
0x3a6: {  	v63 =	vor.u32 $0x300, v5;
	_ =	sdelay $0x3  }
0x3a7: {  	[tilespmem:v8+s19+$0x0] =	vst.idx.add.f32.msk vm0, v7  }
0x3a8: {  	v8 =	vor.u32 $0x300, v6;
	v7 =	vld.idx.msk [tilespmem:v63+s14+$0x0], vm0  }
0x3a9: {  	p0 =	sne.s32 s24, $0x1;
	v5 =	vor.u32 $0x380, v5  }
.Ltmp13:
0x3aa: {  	_ = 	snop;
	(pc) =	sbr.rel @!p0 .LBB2_21-.Ltmp13, $3  }
0x3ab: {  	_ =	sdelay $0x1  }
0x3ac: {  	[tilespmem:v8+s19+$0x0] =	vst.idx.add.f32.msk vm0, v7  }
0x3ad: {  	s24 =	sadd.s32 $0xFFFFFFFF, s24;
	v6 =	vor.u32 $0x380, v6;
	v5 =	vld.idx.msk [tilespmem:v5+s14+$0x0], vm0  }
.LBB2_20:
0x3ae: {  	_ =	sdelay $0x3  }
0x3af: {  	s21 =	sadd.s32 $0x10, s21;
	s22 =	sadd.s32 $0x10, s22;
	s23 =	sadd.s32 $0x10, s23;
	[tilespmem:v6+s19+$0x0] =	vst.idx.add.f32.msk vm0, v5  }
0x3b0: {  	p0 =	sne.s32 s24, $0x1;
	s24 =	sadd.s32 $0xFFFFFFFF, s24;
	v5 =	vld [tilespmem:s21+$0x0];
	_ =	sdelay $0x4  }
0x3b1: {  	v6 =	vor.u32 s23, v2;
	v7 =	vshll.u32 v5, $0x3  }
0x3b2: {  	vm0 =	vlt.s32 v6, v4;
	v5 =	vand.u32 $0x7F, v5;
	v6 =	vld [tilespmem:s22+$0x0];
	v7 =	vand.u32 $0xFFFFFC00, v7  }
0x3b3: {  	v5 =	vor.u32 v5, v7;
	_ =	sdelay $0x3  }
0x3b4: {  	v7 =	vshll.u32 v6, $0x3  }
0x3b5: {  	v6 =	vand.u32 $0x7F, v6;
	v8 =	vld.idx.msk [tilespmem:v5+s14+$0x0], vm0;
	v7 =	vand.u32 $0xFFFFFC00, v7  }
0x3b6: {  	v6 =	vor.u32 v6, v7  }
0x3b7: {  	v7 =	vor.u32 $0x80, v5;
	_ =	sdelay $0x3  }
0x3b8: {  	[tilespmem:v6+s19+$0x0] =	vst.idx.add.f32.msk vm0, v8  }
0x3b9: {  	v7 =	vld.idx.msk [tilespmem:v7+s14+$0x0], vm0  }
0x3ba: {  	v8 =	vor.u32 $0x80, v6  }
0x3bb: {  	v9 =	vor.u32 $0x100, v5;
	_ =	sdelay $0x3  }
0x3bc: {  	[tilespmem:v8+s19+$0x0] =	vst.idx.add.f32.msk vm0, v7  }
0x3bd: {  	v7 =	vld.idx.msk [tilespmem:v9+s14+$0x0], vm0  }
0x3be: {  	v8 =	vor.u32 $0x100, v6  }
0x3bf: {  	v9 =	vor.u32 $0x180, v5;
	_ =	sdelay $0x3  }
0x3c0: {  	[tilespmem:v8+s19+$0x0] =	vst.idx.add.f32.msk vm0, v7  }
0x3c1: {  	v7 =	vld.idx.msk [tilespmem:v9+s14+$0x0], vm0  }
0x3c2: {  	v8 =	vor.u32 $0x180, v6  }
0x3c3: {  	v9 =	vor.u32 $0x200, v5;
	_ =	sdelay $0x3  }
0x3c4: {  	[tilespmem:v8+s19+$0x0] =	vst.idx.add.f32.msk vm0, v7  }
0x3c5: {  	v7 =	vld.idx.msk [tilespmem:v9+s14+$0x0], vm0  }
0x3c6: {  	v8 =	vor.u32 $0x200, v6  }
0x3c7: {  	v9 =	vor.u32 $0x280, v5;
	_ =	sdelay $0x3  }
0x3c8: {  	[tilespmem:v8+s19+$0x0] =	vst.idx.add.f32.msk vm0, v7  }
0x3c9: {  	v7 =	vld.idx.msk [tilespmem:v9+s14+$0x0], vm0  }
0x3ca: {  	v8 =	vor.u32 $0x280, v6  }
0x3cb: {  	v9 =	vor.u32 $0x300, v5;
	_ =	sdelay $0x3  }
0x3cc: {  	[tilespmem:v8+s19+$0x0] =	vst.idx.add.f32.msk vm0, v7  }
0x3cd: {  	v7 =	vld.idx.msk [tilespmem:v9+s14+$0x0], vm0  }
0x3ce: {  	v8 =	vor.u32 $0x300, v6  }
0x3cf: {  	v5 =	vor.u32 $0x380, v5;
	_ =	sdelay $0x1  }
.Ltmp14:
0x3d0: {  	(pc) =	sbr.rel @p0 .LBB2_20-.Ltmp14, $4  }
0x3d1: {  	_ = 	snop  }
0x3d2: {  	[tilespmem:v8+s19+$0x0] =	vst.idx.add.f32.msk vm0, v7  }
0x3d3: {  	v5 =	vld.idx.msk [tilespmem:v5+s14+$0x0], vm0  }
0x3d4: {  	v6 =	vor.u32 $0x380, v6  }
.LBB2_21:
0x3d5: {  	_ =	sdelay $0x4  }
0x3d6: {  	[tilespmem:v6+s19+$0x0] =	vst.idx.add.f32.msk vm0, v5  }
.LBB2_22:
0x3d7: {  	s21 =	simm.s32 $0x0;
	s22 =	simm.s32 $0x8A0  }
0x3d8: {  	[tilespmem:s14], [sflag:$0x1] =	stream.linear.gather [hbm4b:s6+s21], $0x10000, $0x38;
	[tilespmem:$0x18980] =	vst v63  }
0x3d9: {  	v4 =	vld [tilespmem:s22+$0xFFFFFFE0];
	_ =	sdelay $0x4  }
0x3da: {  	v5 =	vand.u32 $0xFFFFE000, v4  }
0x3db: {  	vm0 =	veq.s32 v5, $0x4000  }
0x3dc: {  	v5 =	vsel vm0, $0x1, v3  }
0x3dd: {  	(xrf0) =	vadd.scan.msk.s32 $0xffff, v5;
	_ =	sdelay $0x2  }
0x3de: {  	v5 =	vmov s21  }
0x3df: {  	v5 =	vadd.s32 $0xFFFFFFFF, v5  }
0x3e0: {  	v5 =	vbroadcast v5, $0x0  }
0x3e1: {  	v6, _, _ =	vpop (xrf0)  }
0x3e2: {  	s21 =	simm.s32 $0x18A0;
	v5 =	vadd.s32 v6, v5  }
0x3e3: {  	(v2sf) =	vpush v6, $0xF;
	v6 =	vld [tilespmem:s21+$0xFFFFFFE0];
	_ =	sdelay $0x2  }
0x3e4: {  	v4 =	vand.u32 $0x1FFF, v4  }
0x3e5: {  	[tilespmem:v5+s16+$0x0] =	vst.idx.msk vm0, v4  }
0x3e6: {  	[tilespmem:v5+s17+$0x0] =	vst.idx.msk vm0, v6  }
0x3e7: {  	v4 =	vld [tilespmem:s22+$0xFFFFFFF0];
	_ =	sdelay $0x4  }
0x3e8: {  	v5 =	vand.u32 $0xFFFFE000, v4  }
0x3e9: {  	vm0 =	veq.s32 v5, $0x4000  }
0x3ea: {  	v5 =	vsel vm0, $0x1, v3  }
0x3eb: {  	(xrf0) =	vadd.scan.msk.s32 $0xffff, v5  }
0x3ec: {  	s23 =	spop (v2sf)  }
0x3ed: {  	s23 =	sadd.s32 $0x0, s23  }
0x3ee: {  	v5 =	vmov s23  }
0x3ef: {  	v5 =	vadd.s32 $0xFFFFFFFF, v5  }
0x3f0: {  	v5 =	vbroadcast v5, $0x0  }
0x3f1: {  	v6, _, _ =	vpop (xrf0)  }
0x3f2: {  	v5 =	vadd.s32 v6, v5  }
0x3f3: {  	(v2sf) =	vpush v6, $0xF;
	v6 =	vld [tilespmem:s21+$0xFFFFFFF0];
	_ =	sdelay $0x2  }
0x3f4: {  	v4 =	vand.u32 $0x1FFF, v4  }
0x3f5: {  	[tilespmem:v5+s16+$0x0] =	vst.idx.msk vm0, v4  }
0x3f6: {  	[tilespmem:v5+s17+$0x0] =	vst.idx.msk vm0, v6  }
0x3f7: {  	v4 =	vld [tilespmem:s22+$0x0];
	_ =	sdelay $0x4  }
0x3f8: {  	v5 =	vand.u32 $0xFFFFE000, v4  }
0x3f9: {  	vm0 =	veq.s32 v5, $0x4000  }
0x3fa: {  	v5 =	vsel vm0, $0x1, v3  }
0x3fb: {  	(xrf0) =	vadd.scan.msk.s32 $0xffff, v5  }
0x3fc: {  	s24 =	spop (v2sf)  }
0x3fd: {  	s23 =	sadd.s32 s23, s24  }
0x3fe: {  	v5 =	vmov s23  }
0x3ff: {  	v5 =	vadd.s32 $0xFFFFFFFF, v5  }
0x400: {  	v5 =	vbroadcast v5, $0x0  }
0x401: {  	v6, _, _ =	vpop (xrf0)  }
0x402: {  	v5 =	vadd.s32 v6, v5  }
0x403: {  	(v2sf) =	vpush v6, $0xF;
	v6 =	vld [tilespmem:s21+$0x0];
	_ =	sdelay $0x2  }
0x404: {  	v4 =	vand.u32 $0x1FFF, v4  }
0x405: {  	[tilespmem:v5+s16+$0x0] =	vst.idx.msk vm0, v4  }
0x406: {  	[tilespmem:v5+s17+$0x0] =	vst.idx.msk vm0, v6  }
0x407: {  	v4 =	vld [tilespmem:s22+$0x10];
	_ =	sdelay $0x4  }
0x408: {  	v5 =	vand.u32 $0xFFFFE000, v4  }
0x409: {  	vm0 =	veq.s32 v5, $0x4000  }
0x40a: {  	v5 =	vsel vm0, $0x1, v3  }
0x40b: {  	(xrf0) =	vadd.scan.msk.s32 $0xffff, v5  }
0x40c: {  	s31 =	spop (v2sf)  }
0x40d: {  	s24 =	sadd.s32 s23, s31  }
0x40e: {  	v5 =	vmov s24  }
0x40f: {  	v5 =	vadd.s32 $0xFFFFFFFF, v5  }
0x410: {  	v5 =	vbroadcast v5, $0x0  }
0x411: {  	v6, _, _ =	vpop (xrf0)  }
0x412: {  	v5 =	vadd.s32 v6, v5;
	(v2sf) =	vpush v6, $0xF  }
0x413: {  	v6 =	vld [tilespmem:s21+$0x10];
	_ =	sdelay $0x2  }
0x414: {  	v4 =	vand.u32 $0x1FFF, v4  }
0x415: {  	[tilespmem:v5+s16+$0x0] =	vst.idx.msk vm0, v4  }
0x416: {  	s22 =	simm.s32 $0x8E0;
	[tilespmem:v5+s17+$0x0] =	vst.idx.msk vm0, v6  }
0x417: {  	v4 =	vld [tilespmem:s22+$0xFFFFFFE0];
	_ =	sdelay $0x4  }
0x418: {  	v5 =	vand.u32 $0xFFFFE000, v4  }
0x419: {  	vm0 =	veq.s32 v5, $0x4000  }
0x41a: {  	v5 =	vsel vm0, $0x1, v3  }
0x41b: {  	s23 =	simm.s32 $0x4;
	(xrf0) =	vadd.scan.msk.s32 $0xffff, v5;
	s25 =	spop (v2sf)  }
.LBB2_23:
0x41c: {  	s23 =	sadd.s32 $0x4, s23;
	s24 =	sadd.s32 s24, s25;
	s21 =	sadd.s32 $0x40, s21  }
0x41d: {  	p0 =	slt.u32 s23, $0xFC;
	v5 =	vmov s24  }
0x41e: {  	v5 =	vadd.s32 $0xFFFFFFFF, v5;
	_ =	sdelay $0x1  }
0x41f: {  	v5 =	vbroadcast v5, $0x0  }
0x420: {  	v6, _, _ =	vpop (xrf0)  }
0x421: {  	v5 =	vadd.s32 v6, v5;
	(v2sf) =	vpush v6, $0xF  }
0x422: {  	v6 =	vld [tilespmem:s21+$0xFFFFFFE0];
	_ =	sdelay $0x2  }
0x423: {  	v4 =	vand.u32 $0x1FFF, v4  }
0x424: {  	[tilespmem:v5+s16+$0x0] =	vst.idx.msk vm0, v4  }
0x425: {  	[tilespmem:v5+s17+$0x0] =	vst.idx.msk vm0, v6  }
0x426: {  	v4 =	vld [tilespmem:s22+$0xFFFFFFF0];
	_ =	sdelay $0x4  }
0x427: {  	v5 =	vand.u32 $0xFFFFE000, v4  }
0x428: {  	vm0 =	veq.s32 v5, $0x4000  }
0x429: {  	v5 =	vsel vm0, $0x1, v3  }
0x42a: {  	s25 =	spop (v2sf);
	(xrf0) =	vadd.scan.msk.s32 $0xffff, v5  }
0x42b: {  	s24 =	sadd.s32 s24, s25  }
0x42c: {  	v5 =	vmov s24  }
0x42d: {  	v5 =	vadd.s32 $0xFFFFFFFF, v5;
	_ =	sdelay $0x1  }
0x42e: {  	v5 =	vbroadcast v5, $0x0  }
0x42f: {  	v6, _, _ =	vpop (xrf0)  }
0x430: {  	v5 =	vadd.s32 v6, v5;
	(v2sf) =	vpush v6, $0xF  }
0x431: {  	v6 =	vld [tilespmem:s21+$0xFFFFFFF0];
	_ =	sdelay $0x2  }
0x432: {  	v4 =	vand.u32 $0x1FFF, v4  }
0x433: {  	[tilespmem:v5+s16+$0x0] =	vst.idx.msk vm0, v4  }
0x434: {  	[tilespmem:v5+s17+$0x0] =	vst.idx.msk vm0, v6  }
0x435: {  	v4 =	vld [tilespmem:s22+$0x0];
	_ =	sdelay $0x4  }
0x436: {  	v5 =	vand.u32 $0xFFFFE000, v4  }
0x437: {  	vm0 =	veq.s32 v5, $0x4000  }
0x438: {  	v5 =	vsel vm0, $0x1, v3  }
0x439: {  	s25 =	spop (v2sf);
	(xrf0) =	vadd.scan.msk.s32 $0xffff, v5  }
0x43a: {  	s24 =	sadd.s32 s24, s25  }
0x43b: {  	v5 =	vmov s24  }
0x43c: {  	v5 =	vadd.s32 $0xFFFFFFFF, v5;
	_ =	sdelay $0x1  }
0x43d: {  	v5 =	vbroadcast v5, $0x0  }
0x43e: {  	v6, _, _ =	vpop (xrf0)  }
0x43f: {  	v5 =	vadd.s32 v6, v5;
	(v2sf) =	vpush v6, $0xF  }
0x440: {  	v6 =	vld [tilespmem:s21+$0x0];
	_ =	sdelay $0x2  }
0x441: {  	v4 =	vand.u32 $0x1FFF, v4  }
0x442: {  	[tilespmem:v5+s16+$0x0] =	vst.idx.msk vm0, v4  }
0x443: {  	[tilespmem:v5+s17+$0x0] =	vst.idx.msk vm0, v6  }
0x444: {  	v4 =	vld [tilespmem:s22+$0x10]  }
0x445: {  	v5 =	vld [tilespmem:s21+$0x10];
	_ =	sdelay $0x3  }
0x446: {  	v6 =	vand.u32 $0xFFFFE000, v4  }
0x447: {  	vm0 =	veq.s32 v6, $0x4000  }
0x448: {  	v6 =	vsel vm0, $0x1, v3  }
0x449: {  	s25 =	spop (v2sf);
	(xrf0) =	vadd.scan.msk.s32 $0xffff, v6  }
0x44a: {  	s24 =	sadd.s32 s24, s25  }
0x44b: {  	v6 =	vmov s24  }
0x44c: {  	v6 =	vadd.s32 $0xFFFFFFFF, v6;
	_ =	sdelay $0x1  }
0x44d: {  	v6 =	vbroadcast v6, $0x0  }
0x44e: {  	v7, _, _ =	vpop (xrf0)  }
0x44f: {  	v6 =	vadd.s32 v7, v6;
	(v2sf) =	vpush v7, $0xF;
	_ =	sdelay $0x3  }
0x450: {  	v4 =	vand.u32 $0x1FFF, v4  }
0x451: {  	[tilespmem:v6+s16+$0x0] =	vst.idx.msk vm0, v4  }
0x452: {  	s22 =	sadd.s32 $0x40, s22;
	[tilespmem:v6+s17+$0x0] =	vst.idx.msk vm0, v5  }
0x453: {  	v4 =	vld [tilespmem:s22+$0xFFFFFFE0];
	_ =	sdelay $0x3  }
.Ltmp15:
0x454: {  	(pc) =	sbr.rel @p0 .LBB2_23-.Ltmp15, $4  }
0x455: {  	v5 =	vand.u32 $0xFFFFE000, v4  }
0x456: {  	vm0 =	veq.s32 v5, $0x4000  }
0x457: {  	v5 =	vsel vm0, $0x1, v3  }
0x458: {  	(xrf0) =	vadd.scan.msk.s32 $0xffff, v5;
	s25 =	spop (v2sf)  }
0x459: {  	_ = 	snop  }
0x45a: {  	s23 =	sadd.s32 s24, s25  }
0x45b: {  	v5 =	vmov s23  }
0x45c: {  	v5 =	vadd.s32 $0xFFFFFFFF, v5  }
0x45d: {  	v5 =	vbroadcast v5, $0x0  }
0x45e: {  	v6, _, _ =	vpop (xrf0)  }
0x45f: {  	s21 =	sadd.s32 $0x40, s21;
	v5 =	vadd.s32 v6, v5  }
0x460: {  	v58 =	vld [tilespmem:s21+$0xFFFFFFE0];
	(v2sf) =	vpush v6, $0xF;
	_ =	sdelay $0x2  }
0x461: {  	v4 =	vand.u32 $0x1FFF, v4  }
0x462: {  	[tilespmem:v5+s16+$0x0] =	vst.idx.msk vm0, v4  }
0x463: {  	[tilespmem:v5+s17+$0x0] =	vst.idx.msk vm0, v58  }
0x464: {  	v4 =	vld [tilespmem:s22+$0xFFFFFFF0];
	_ =	sdelay $0x4  }
0x465: {  	v5 =	vand.u32 $0xFFFFE000, v4  }
0x466: {  	vm13 =	veq.s32 v5, $0x4000  }
0x467: {  	v5 =	vsel vm13, $0x1, v3  }
0x468: {  	(xrf0) =	vadd.scan.msk.s32 $0xffff, v5  }
0x469: {  	s28 =	spop (v2sf)  }
0x46a: {  	s23 =	sadd.s32 s23, s28  }
0x46b: {  	v5 =	vmov s23  }
0x46c: {  	v5 =	vadd.s32 $0xFFFFFFFF, v5  }
0x46d: {  	v5 =	vbroadcast v5, $0x0  }
0x46e: {  	v59, _, _ =	vpop (xrf0)  }
0x46f: {  	v5 =	vadd.s32 v59, v5  }
0x470: {  	v60 =	vld [tilespmem:s21+$0xFFFFFFF0];
	(v2sf) =	vpush v59, $0xF;
	_ =	sdelay $0x2  }
0x471: {  	v4 =	vand.u32 $0x1FFF, v4  }
0x472: {  	[tilespmem:v5+s16+$0x0] =	vst.idx.msk vm13, v4  }
0x473: {  	[tilespmem:v5+s17+$0x0] =	vst.idx.msk vm13, v60  }
0x474: {  	v4 =	vld [tilespmem:s22+$0x0];
	_ =	sdelay $0x4  }
0x475: {  	v5 =	vand.u32 $0xFFFFE000, v4  }
0x476: {  	vm14 =	veq.s32 v5, $0x4000  }
0x477: {  	v5 =	vsel vm14, $0x1, v3  }
0x478: {  	(xrf0) =	vadd.scan.msk.s32 $0xffff, v5  }
0x479: {  	s29 =	spop (v2sf)  }
0x47a: {  	s23 =	sadd.s32 s23, s29  }
0x47b: {  	v5 =	vmov s23  }
0x47c: {  	v5 =	vadd.s32 $0xFFFFFFFF, v5  }
0x47d: {  	v5 =	vbroadcast v5, $0x0  }
0x47e: {  	v61, _, _ =	vpop (xrf0)  }
0x47f: {  	v5 =	vadd.s32 v61, v5  }
0x480: {  	v7 =	vld [tilespmem:s21+$0x0];
	_ =	sdelay $0x2  }
0x481: {  	v4 =	vand.u32 $0x1FFF, v4  }
0x482: {  	[tilespmem:v5+s16+$0x0] =	vst.idx.msk vm14, v4  }
0x483: {  	[tilespmem:v5+s17+$0x0] =	vst.idx.msk vm14, v7  }
0x484: {  	v4 =	vld [tilespmem:s22+$0x10];
	_ =	sdelay $0x4  }
0x485: {  	v5 =	vand.u32 $0xFFFFE000, v4  }
0x486: {  	vm15 =	veq.s32 v5, $0x4000  }
0x487: {  	v5 =	vsel vm15, $0x1, v3  }
0x488: {  	(xrf0) =	vadd.scan.msk.s32 $0xffff, v5  }
0x489: {  	(v2sf) =	vpush v61, $0xF;
	_ =	sdelay $0x4  }
0x48a: {  	v5, _, _ =	vpop (xrf0)  }
0x48b: {  	(v2sf) =	vpush v5, $0xF;
	_ =	sdelay $0x8  }
0x48c: {  	s30 =	spop (v2sf)  }
0x48d: {  	s22 =	sadd.s32 s23, s30  }
0x48e: {  	v62 =	vmov s22  }
0x48f: {  	v6 =	vadd.s32 $0xFFFFFFFF, v62  }
0x490: {  	v6 =	vbroadcast v6, $0x0;
	_ =	sdelay $0x1  }
0x491: {  	v5 =	vadd.s32 v5, v6;
	s31 =	spop (v2sf)  }
0x492: {  	v63 =	vld [tilespmem:s21+$0x10];
	s25 =	sadd.s32 s22, s31  }
0x493: {  	s21 =	sadd.s32 $0xF, s25  }
0x494: {  	s24 =	sshra.s32 s21, $0x4  }
0x495: {  	v4 =	vand.u32 $0x1FFF, v4;
	p0 =	slt.s32 s24, $0x1  }
.Ltmp16:
0x496: {  	[tilespmem:v5+s16+$0x0] =	vst.idx.msk vm15, v4;
	(pc) =	sbr.rel @p0 .LBB2_28-.Ltmp16, $4  }
0x497: {  	[tilespmem:v5+s17+$0x0] =	vst.idx.msk vm15, v63  }
0x498: {  	_ =	swait.ge [sflag:s18], $0x10000  }
0x499: {  	[sflag:s18] =	ssyncset.done $0x0  }
0x49a: {  	[sflag:s18] =	ssyncadd.s32 $0xFFFF0000  }
0x49b: {  	s21 =	simm.s32 $0x2880  }
0x49c: {  	v5 =	vld [tilespmem:s21+$0x0];
	_ =	sdelay $0x3  }
0x49d: {  	s22 =	simm.s32 $0x3900;
	s23 =	simm.s32 $0x0  }
0x49e: {  	v4 =	vmov s25;
	v6 =	vor.u32 s23, v2;
	v8 =	vld [tilespmem:s22+$0x0];
	v7 =	vshll.u32 v5, $0x3  }
0x49f: {  	vm0 =	vlt.s32 v6, v4;
	v5 =	vand.u32 $0x7F, v5;
	v6 =	vand.u32 $0xFFFFFC00, v7  }
0x4a0: {  	v5 =	vor.u32 v5, v6;
	_ =	sdelay $0x2  }
0x4a1: {  	v6 =	vshll.u32 v8, $0x3  }
0x4a2: {  	v7 =	vand.u32 $0x7F, v8;
	v6 =	vand.u32 $0xFFFFFC00, v6  }
0x4a3: {  	v6 =	vor.u32 v7, v6;
	v8 =	vld.idx.msk [tilespmem:v5+s14+$0x0], vm0  }
0x4a4: {  	v7 =	vor.u32 $0x80, v5;
	_ =	sdelay $0x3  }
0x4a5: {  	[tilespmem:v6+s19+$0x0] =	vst.idx.add.f32.msk vm0, v8  }
0x4a6: {  	v8 =	vor.u32 $0x80, v6;
	v7 =	vld.idx.msk [tilespmem:v7+s14+$0x0], vm0  }
0x4a7: {  	v9 =	vor.u32 $0x100, v5;
	_ =	sdelay $0x3  }
0x4a8: {  	[tilespmem:v8+s19+$0x0] =	vst.idx.add.f32.msk vm0, v7  }
0x4a9: {  	v8 =	vor.u32 $0x100, v6;
	v7 =	vld.idx.msk [tilespmem:v9+s14+$0x0], vm0  }
0x4aa: {  	v60 =	vor.u32 $0x180, v5;
	_ =	sdelay $0x3  }
0x4ab: {  	[tilespmem:v8+s19+$0x0] =	vst.idx.add.f32.msk vm0, v7  }
0x4ac: {  	v8 =	vor.u32 $0x180, v6;
	v7 =	vld.idx.msk [tilespmem:v60+s14+$0x0], vm0  }
0x4ad: {  	v61 =	vor.u32 $0x200, v5;
	_ =	sdelay $0x3  }
0x4ae: {  	[tilespmem:v8+s19+$0x0] =	vst.idx.add.f32.msk vm0, v7  }
0x4af: {  	v8 =	vor.u32 $0x200, v6;
	v7 =	vld.idx.msk [tilespmem:v61+s14+$0x0], vm0  }
0x4b0: {  	v62 =	vor.u32 $0x280, v5;
	_ =	sdelay $0x3  }
0x4b1: {  	[tilespmem:v8+s19+$0x0] =	vst.idx.add.f32.msk vm0, v7  }
0x4b2: {  	v8 =	vor.u32 $0x280, v6;
	v7 =	vld.idx.msk [tilespmem:v62+s14+$0x0], vm0  }
0x4b3: {  	v63 =	vor.u32 $0x300, v5;
	_ =	sdelay $0x3  }
0x4b4: {  	[tilespmem:v8+s19+$0x0] =	vst.idx.add.f32.msk vm0, v7  }
0x4b5: {  	v8 =	vor.u32 $0x300, v6;
	v7 =	vld.idx.msk [tilespmem:v63+s14+$0x0], vm0  }
0x4b6: {  	p0 =	sne.s32 s24, $0x1;
	v5 =	vor.u32 $0x380, v5  }
.Ltmp17:
0x4b7: {  	_ = 	snop;
	(pc) =	sbr.rel @!p0 .LBB2_27-.Ltmp17, $3  }
0x4b8: {  	_ =	sdelay $0x1  }
0x4b9: {  	[tilespmem:v8+s19+$0x0] =	vst.idx.add.f32.msk vm0, v7  }
0x4ba: {  	s24 =	sadd.s32 $0xFFFFFFFF, s24;
	v6 =	vor.u32 $0x380, v6;
	v5 =	vld.idx.msk [tilespmem:v5+s14+$0x0], vm0  }
.LBB2_26:
0x4bb: {  	_ =	sdelay $0x3  }
0x4bc: {  	s21 =	sadd.s32 $0x10, s21;
	s22 =	sadd.s32 $0x10, s22;
	s23 =	sadd.s32 $0x10, s23;
	[tilespmem:v6+s19+$0x0] =	vst.idx.add.f32.msk vm0, v5  }
0x4bd: {  	p0 =	sne.s32 s24, $0x1;
	s24 =	sadd.s32 $0xFFFFFFFF, s24;
	v5 =	vld [tilespmem:s21+$0x0];
	_ =	sdelay $0x4  }
0x4be: {  	v6 =	vor.u32 s23, v2;
	v7 =	vshll.u32 v5, $0x3  }
0x4bf: {  	vm0 =	vlt.s32 v6, v4;
	v5 =	vand.u32 $0x7F, v5;
	v6 =	vld [tilespmem:s22+$0x0];
	v7 =	vand.u32 $0xFFFFFC00, v7  }
0x4c0: {  	v5 =	vor.u32 v5, v7;
	_ =	sdelay $0x3  }
0x4c1: {  	v7 =	vshll.u32 v6, $0x3  }
0x4c2: {  	v6 =	vand.u32 $0x7F, v6;
	v8 =	vld.idx.msk [tilespmem:v5+s14+$0x0], vm0;
	v7 =	vand.u32 $0xFFFFFC00, v7  }
0x4c3: {  	v6 =	vor.u32 v6, v7  }
0x4c4: {  	v7 =	vor.u32 $0x80, v5;
	_ =	sdelay $0x3  }
0x4c5: {  	[tilespmem:v6+s19+$0x0] =	vst.idx.add.f32.msk vm0, v8  }
0x4c6: {  	v7 =	vld.idx.msk [tilespmem:v7+s14+$0x0], vm0  }
0x4c7: {  	v8 =	vor.u32 $0x80, v6  }
0x4c8: {  	v9 =	vor.u32 $0x100, v5;
	_ =	sdelay $0x3  }
0x4c9: {  	[tilespmem:v8+s19+$0x0] =	vst.idx.add.f32.msk vm0, v7  }
0x4ca: {  	v7 =	vld.idx.msk [tilespmem:v9+s14+$0x0], vm0  }
0x4cb: {  	v8 =	vor.u32 $0x100, v6  }
0x4cc: {  	v9 =	vor.u32 $0x180, v5;
	_ =	sdelay $0x3  }
0x4cd: {  	[tilespmem:v8+s19+$0x0] =	vst.idx.add.f32.msk vm0, v7  }
0x4ce: {  	v7 =	vld.idx.msk [tilespmem:v9+s14+$0x0], vm0  }
0x4cf: {  	v8 =	vor.u32 $0x180, v6  }
0x4d0: {  	v9 =	vor.u32 $0x200, v5;
	_ =	sdelay $0x3  }
0x4d1: {  	[tilespmem:v8+s19+$0x0] =	vst.idx.add.f32.msk vm0, v7  }
0x4d2: {  	v7 =	vld.idx.msk [tilespmem:v9+s14+$0x0], vm0  }
0x4d3: {  	v8 =	vor.u32 $0x200, v6  }
0x4d4: {  	v9 =	vor.u32 $0x280, v5;
	_ =	sdelay $0x3  }
0x4d5: {  	[tilespmem:v8+s19+$0x0] =	vst.idx.add.f32.msk vm0, v7  }
0x4d6: {  	v7 =	vld.idx.msk [tilespmem:v9+s14+$0x0], vm0  }
0x4d7: {  	v8 =	vor.u32 $0x280, v6  }
0x4d8: {  	v9 =	vor.u32 $0x300, v5;
	_ =	sdelay $0x3  }
0x4d9: {  	[tilespmem:v8+s19+$0x0] =	vst.idx.add.f32.msk vm0, v7  }
0x4da: {  	v7 =	vld.idx.msk [tilespmem:v9+s14+$0x0], vm0  }
0x4db: {  	v8 =	vor.u32 $0x300, v6  }
0x4dc: {  	v5 =	vor.u32 $0x380, v5;
	_ =	sdelay $0x1  }
.Ltmp18:
0x4dd: {  	(pc) =	sbr.rel @p0 .LBB2_26-.Ltmp18, $4  }
0x4de: {  	_ = 	snop  }
0x4df: {  	[tilespmem:v8+s19+$0x0] =	vst.idx.add.f32.msk vm0, v7  }
0x4e0: {  	v5 =	vld.idx.msk [tilespmem:v5+s14+$0x0], vm0  }
0x4e1: {  	v6 =	vor.u32 $0x380, v6  }
.LBB2_27:
0x4e2: {  	_ =	sdelay $0x4  }
0x4e3: {  	[tilespmem:v6+s19+$0x0] =	vst.idx.add.f32.msk vm0, v5  }
.LBB2_28:
0x4e4: {  	s21 =	simm.s32 $0x0;
	s22 =	simm.s32 $0x8A0  }
0x4e5: {  	[tilespmem:s14], [sflag:$0x1] =	stream.linear.gather [hbm4b:s7+s21], $0x10000, $0x38;
	[tilespmem:$0x18980] =	vst v63  }
0x4e6: {  	v4 =	vld [tilespmem:s22+$0xFFFFFFE0];
	_ =	sdelay $0x4  }
0x4e7: {  	v5 =	vand.u32 $0xFFFFE000, v4  }
0x4e8: {  	vm0 =	veq.s32 v5, $0x6000  }
0x4e9: {  	v5 =	vsel vm0, $0x1, v3  }
0x4ea: {  	(xrf0) =	vadd.scan.msk.s32 $0xffff, v5;
	_ =	sdelay $0x2  }
0x4eb: {  	v5 =	vmov s21  }
0x4ec: {  	v5 =	vadd.s32 $0xFFFFFFFF, v5  }
0x4ed: {  	v5 =	vbroadcast v5, $0x0  }
0x4ee: {  	v6, _, _ =	vpop (xrf0)  }
0x4ef: {  	s21 =	simm.s32 $0x18A0;
	v5 =	vadd.s32 v6, v5  }
0x4f0: {  	(v2sf) =	vpush v6, $0xF;
	v6 =	vld [tilespmem:s21+$0xFFFFFFE0];
	_ =	sdelay $0x2  }
0x4f1: {  	v4 =	vand.u32 $0x1FFF, v4  }
0x4f2: {  	[tilespmem:v5+s16+$0x0] =	vst.idx.msk vm0, v4  }
0x4f3: {  	[tilespmem:v5+s17+$0x0] =	vst.idx.msk vm0, v6  }
0x4f4: {  	v4 =	vld [tilespmem:s22+$0xFFFFFFF0];
	_ =	sdelay $0x4  }
0x4f5: {  	v5 =	vand.u32 $0xFFFFE000, v4  }
0x4f6: {  	vm0 =	veq.s32 v5, $0x6000  }
0x4f7: {  	v5 =	vsel vm0, $0x1, v3  }
0x4f8: {  	(xrf0) =	vadd.scan.msk.s32 $0xffff, v5  }
0x4f9: {  	s23 =	spop (v2sf)  }
0x4fa: {  	s23 =	sadd.s32 $0x0, s23  }
0x4fb: {  	v5 =	vmov s23  }
0x4fc: {  	v5 =	vadd.s32 $0xFFFFFFFF, v5  }
0x4fd: {  	v5 =	vbroadcast v5, $0x0  }
0x4fe: {  	v6, _, _ =	vpop (xrf0)  }
0x4ff: {  	v5 =	vadd.s32 v6, v5  }
0x500: {  	(v2sf) =	vpush v6, $0xF;
	v6 =	vld [tilespmem:s21+$0xFFFFFFF0];
	_ =	sdelay $0x2  }
0x501: {  	v4 =	vand.u32 $0x1FFF, v4  }
0x502: {  	[tilespmem:v5+s16+$0x0] =	vst.idx.msk vm0, v4  }
0x503: {  	[tilespmem:v5+s17+$0x0] =	vst.idx.msk vm0, v6  }
0x504: {  	v4 =	vld [tilespmem:s22+$0x0];
	_ =	sdelay $0x4  }
0x505: {  	v5 =	vand.u32 $0xFFFFE000, v4  }
0x506: {  	vm0 =	veq.s32 v5, $0x6000  }
0x507: {  	v5 =	vsel vm0, $0x1, v3  }
0x508: {  	(xrf0) =	vadd.scan.msk.s32 $0xffff, v5  }
0x509: {  	s24 =	spop (v2sf)  }
0x50a: {  	s23 =	sadd.s32 s23, s24  }
0x50b: {  	v5 =	vmov s23  }
0x50c: {  	v5 =	vadd.s32 $0xFFFFFFFF, v5  }
0x50d: {  	v5 =	vbroadcast v5, $0x0  }
0x50e: {  	v6, _, _ =	vpop (xrf0)  }
0x50f: {  	v5 =	vadd.s32 v6, v5  }
0x510: {  	(v2sf) =	vpush v6, $0xF;
	v6 =	vld [tilespmem:s21+$0x0];
	_ =	sdelay $0x2  }
0x511: {  	v4 =	vand.u32 $0x1FFF, v4  }
0x512: {  	[tilespmem:v5+s16+$0x0] =	vst.idx.msk vm0, v4  }
0x513: {  	[tilespmem:v5+s17+$0x0] =	vst.idx.msk vm0, v6  }
0x514: {  	v4 =	vld [tilespmem:s22+$0x10];
	_ =	sdelay $0x4  }
0x515: {  	v5 =	vand.u32 $0xFFFFE000, v4  }
0x516: {  	vm0 =	veq.s32 v5, $0x6000  }
0x517: {  	v5 =	vsel vm0, $0x1, v3  }
0x518: {  	(xrf0) =	vadd.scan.msk.s32 $0xffff, v5  }
0x519: {  	s31 =	spop (v2sf)  }
0x51a: {  	s24 =	sadd.s32 s23, s31  }
0x51b: {  	v5 =	vmov s24  }
0x51c: {  	v5 =	vadd.s32 $0xFFFFFFFF, v5  }
0x51d: {  	v5 =	vbroadcast v5, $0x0  }
0x51e: {  	v6, _, _ =	vpop (xrf0)  }
0x51f: {  	v5 =	vadd.s32 v6, v5;
	(v2sf) =	vpush v6, $0xF  }
0x520: {  	v6 =	vld [tilespmem:s21+$0x10];
	_ =	sdelay $0x2  }
0x521: {  	v4 =	vand.u32 $0x1FFF, v4  }
0x522: {  	[tilespmem:v5+s16+$0x0] =	vst.idx.msk vm0, v4  }
0x523: {  	s22 =	simm.s32 $0x8E0;
	[tilespmem:v5+s17+$0x0] =	vst.idx.msk vm0, v6  }
0x524: {  	v4 =	vld [tilespmem:s22+$0xFFFFFFE0];
	_ =	sdelay $0x4  }
0x525: {  	v5 =	vand.u32 $0xFFFFE000, v4  }
0x526: {  	vm0 =	veq.s32 v5, $0x6000  }
0x527: {  	v5 =	vsel vm0, $0x1, v3  }
0x528: {  	s23 =	simm.s32 $0x4;
	(xrf0) =	vadd.scan.msk.s32 $0xffff, v5;
	s25 =	spop (v2sf)  }
.LBB2_29:
0x529: {  	s23 =	sadd.s32 $0x4, s23;
	s24 =	sadd.s32 s24, s25;
	s21 =	sadd.s32 $0x40, s21  }
0x52a: {  	p0 =	slt.u32 s23, $0xFC;
	v5 =	vmov s24  }
0x52b: {  	v5 =	vadd.s32 $0xFFFFFFFF, v5;
	_ =	sdelay $0x1  }
0x52c: {  	v5 =	vbroadcast v5, $0x0  }
0x52d: {  	v6, _, _ =	vpop (xrf0)  }
0x52e: {  	v5 =	vadd.s32 v6, v5;
	(v2sf) =	vpush v6, $0xF  }
0x52f: {  	v6 =	vld [tilespmem:s21+$0xFFFFFFE0];
	_ =	sdelay $0x2  }
0x530: {  	v4 =	vand.u32 $0x1FFF, v4  }
0x531: {  	[tilespmem:v5+s16+$0x0] =	vst.idx.msk vm0, v4  }
0x532: {  	[tilespmem:v5+s17+$0x0] =	vst.idx.msk vm0, v6  }
0x533: {  	v4 =	vld [tilespmem:s22+$0xFFFFFFF0];
	_ =	sdelay $0x4  }
0x534: {  	v5 =	vand.u32 $0xFFFFE000, v4  }
0x535: {  	vm0 =	veq.s32 v5, $0x6000  }
0x536: {  	v5 =	vsel vm0, $0x1, v3  }
0x537: {  	s25 =	spop (v2sf);
	(xrf0) =	vadd.scan.msk.s32 $0xffff, v5  }
0x538: {  	s24 =	sadd.s32 s24, s25  }
0x539: {  	v5 =	vmov s24  }
0x53a: {  	v5 =	vadd.s32 $0xFFFFFFFF, v5;
	_ =	sdelay $0x1  }
0x53b: {  	v5 =	vbroadcast v5, $0x0  }
0x53c: {  	v6, _, _ =	vpop (xrf0)  }
0x53d: {  	v5 =	vadd.s32 v6, v5;
	(v2sf) =	vpush v6, $0xF  }
0x53e: {  	v6 =	vld [tilespmem:s21+$0xFFFFFFF0];
	_ =	sdelay $0x2  }
0x53f: {  	v4 =	vand.u32 $0x1FFF, v4  }
0x540: {  	[tilespmem:v5+s16+$0x0] =	vst.idx.msk vm0, v4  }
0x541: {  	[tilespmem:v5+s17+$0x0] =	vst.idx.msk vm0, v6  }
0x542: {  	v4 =	vld [tilespmem:s22+$0x0];
	_ =	sdelay $0x4  }
0x543: {  	v5 =	vand.u32 $0xFFFFE000, v4  }
0x544: {  	vm0 =	veq.s32 v5, $0x6000  }
0x545: {  	v5 =	vsel vm0, $0x1, v3  }
0x546: {  	s25 =	spop (v2sf);
	(xrf0) =	vadd.scan.msk.s32 $0xffff, v5  }
0x547: {  	s24 =	sadd.s32 s24, s25  }
0x548: {  	v5 =	vmov s24  }
0x549: {  	v5 =	vadd.s32 $0xFFFFFFFF, v5;
	_ =	sdelay $0x1  }
0x54a: {  	v5 =	vbroadcast v5, $0x0  }
0x54b: {  	v6, _, _ =	vpop (xrf0)  }
0x54c: {  	v5 =	vadd.s32 v6, v5;
	(v2sf) =	vpush v6, $0xF  }
0x54d: {  	v6 =	vld [tilespmem:s21+$0x0];
	_ =	sdelay $0x2  }
0x54e: {  	v4 =	vand.u32 $0x1FFF, v4  }
0x54f: {  	[tilespmem:v5+s16+$0x0] =	vst.idx.msk vm0, v4  }
0x550: {  	[tilespmem:v5+s17+$0x0] =	vst.idx.msk vm0, v6  }
0x551: {  	v4 =	vld [tilespmem:s22+$0x10]  }
0x552: {  	v5 =	vld [tilespmem:s21+$0x10];
	_ =	sdelay $0x3  }
0x553: {  	v6 =	vand.u32 $0xFFFFE000, v4  }
0x554: {  	vm0 =	veq.s32 v6, $0x6000  }
0x555: {  	v6 =	vsel vm0, $0x1, v3  }
0x556: {  	s25 =	spop (v2sf);
	(xrf0) =	vadd.scan.msk.s32 $0xffff, v6  }
0x557: {  	s24 =	sadd.s32 s24, s25  }
0x558: {  	v6 =	vmov s24  }
0x559: {  	v6 =	vadd.s32 $0xFFFFFFFF, v6;
	_ =	sdelay $0x1  }
0x55a: {  	v6 =	vbroadcast v6, $0x0  }
0x55b: {  	v7, _, _ =	vpop (xrf0)  }
0x55c: {  	v6 =	vadd.s32 v7, v6;
	(v2sf) =	vpush v7, $0xF;
	_ =	sdelay $0x3  }
0x55d: {  	v4 =	vand.u32 $0x1FFF, v4  }
0x55e: {  	[tilespmem:v6+s16+$0x0] =	vst.idx.msk vm0, v4  }
0x55f: {  	s22 =	sadd.s32 $0x40, s22;
	[tilespmem:v6+s17+$0x0] =	vst.idx.msk vm0, v5  }
0x560: {  	v4 =	vld [tilespmem:s22+$0xFFFFFFE0];
	_ =	sdelay $0x3  }
.Ltmp19:
0x561: {  	(pc) =	sbr.rel @p0 .LBB2_29-.Ltmp19, $4  }
0x562: {  	v5 =	vand.u32 $0xFFFFE000, v4  }
0x563: {  	vm0 =	veq.s32 v5, $0x6000  }
0x564: {  	v5 =	vsel vm0, $0x1, v3  }
0x565: {  	(xrf0) =	vadd.scan.msk.s32 $0xffff, v5;
	s25 =	spop (v2sf)  }
0x566: {  	_ = 	snop  }
0x567: {  	s23 =	sadd.s32 s24, s25  }
0x568: {  	v5 =	vmov s23  }
0x569: {  	v5 =	vadd.s32 $0xFFFFFFFF, v5  }
0x56a: {  	v5 =	vbroadcast v5, $0x0  }
0x56b: {  	v6, _, _ =	vpop (xrf0)  }
0x56c: {  	s21 =	sadd.s32 $0x40, s21;
	v5 =	vadd.s32 v6, v5  }
0x56d: {  	v58 =	vld [tilespmem:s21+$0xFFFFFFE0];
	(v2sf) =	vpush v6, $0xF;
	_ =	sdelay $0x2  }
0x56e: {  	v4 =	vand.u32 $0x1FFF, v4  }
0x56f: {  	[tilespmem:v5+s16+$0x0] =	vst.idx.msk vm0, v4  }
0x570: {  	[tilespmem:v5+s17+$0x0] =	vst.idx.msk vm0, v58  }
0x571: {  	v4 =	vld [tilespmem:s22+$0xFFFFFFF0];
	_ =	sdelay $0x4  }
0x572: {  	v5 =	vand.u32 $0xFFFFE000, v4  }
0x573: {  	vm13 =	veq.s32 v5, $0x6000  }
0x574: {  	v5 =	vsel vm13, $0x1, v3  }
0x575: {  	(xrf0) =	vadd.scan.msk.s32 $0xffff, v5  }
0x576: {  	s28 =	spop (v2sf)  }
0x577: {  	s23 =	sadd.s32 s23, s28  }
0x578: {  	v5 =	vmov s23  }
0x579: {  	v5 =	vadd.s32 $0xFFFFFFFF, v5  }
0x57a: {  	v5 =	vbroadcast v5, $0x0  }
0x57b: {  	v59, _, _ =	vpop (xrf0)  }
0x57c: {  	v5 =	vadd.s32 v59, v5  }
0x57d: {  	v60 =	vld [tilespmem:s21+$0xFFFFFFF0];
	(v2sf) =	vpush v59, $0xF;
	_ =	sdelay $0x2  }
0x57e: {  	v4 =	vand.u32 $0x1FFF, v4  }
0x57f: {  	[tilespmem:v5+s16+$0x0] =	vst.idx.msk vm13, v4  }
0x580: {  	[tilespmem:v5+s17+$0x0] =	vst.idx.msk vm13, v60  }
0x581: {  	v4 =	vld [tilespmem:s22+$0x0];
	_ =	sdelay $0x4  }
0x582: {  	v5 =	vand.u32 $0xFFFFE000, v4  }
0x583: {  	vm14 =	veq.s32 v5, $0x6000  }
0x584: {  	v5 =	vsel vm14, $0x1, v3  }
0x585: {  	(xrf0) =	vadd.scan.msk.s32 $0xffff, v5  }
0x586: {  	s29 =	spop (v2sf)  }
0x587: {  	s23 =	sadd.s32 s23, s29  }
0x588: {  	v5 =	vmov s23  }
0x589: {  	v5 =	vadd.s32 $0xFFFFFFFF, v5  }
0x58a: {  	v5 =	vbroadcast v5, $0x0  }
0x58b: {  	v61, _, _ =	vpop (xrf0)  }
0x58c: {  	v5 =	vadd.s32 v61, v5  }
0x58d: {  	v7 =	vld [tilespmem:s21+$0x0];
	_ =	sdelay $0x2  }
0x58e: {  	v4 =	vand.u32 $0x1FFF, v4  }
0x58f: {  	[tilespmem:v5+s16+$0x0] =	vst.idx.msk vm14, v4  }
0x590: {  	[tilespmem:v5+s17+$0x0] =	vst.idx.msk vm14, v7  }
0x591: {  	v4 =	vld [tilespmem:s22+$0x10];
	_ =	sdelay $0x4  }
0x592: {  	v5 =	vand.u32 $0xFFFFE000, v4  }
0x593: {  	vm15 =	veq.s32 v5, $0x6000  }
0x594: {  	v5 =	vsel vm15, $0x1, v3  }
0x595: {  	(xrf0) =	vadd.scan.msk.s32 $0xffff, v5  }
0x596: {  	(v2sf) =	vpush v61, $0xF;
	_ =	sdelay $0x4  }
0x597: {  	v5, _, _ =	vpop (xrf0)  }
0x598: {  	(v2sf) =	vpush v5, $0xF;
	_ =	sdelay $0x8  }
0x599: {  	s30 =	spop (v2sf)  }
0x59a: {  	s22 =	sadd.s32 s23, s30  }
0x59b: {  	v62 =	vmov s22  }
0x59c: {  	v6 =	vadd.s32 $0xFFFFFFFF, v62  }
0x59d: {  	v6 =	vbroadcast v6, $0x0;
	_ =	sdelay $0x1  }
0x59e: {  	v5 =	vadd.s32 v5, v6;
	s31 =	spop (v2sf)  }
0x59f: {  	v63 =	vld [tilespmem:s21+$0x10];
	s25 =	sadd.s32 s22, s31  }
0x5a0: {  	s21 =	sadd.s32 $0xF, s25  }
0x5a1: {  	s24 =	sshra.s32 s21, $0x4  }
0x5a2: {  	v4 =	vand.u32 $0x1FFF, v4;
	p0 =	slt.s32 s24, $0x1  }
.Ltmp20:
0x5a3: {  	[tilespmem:v5+s16+$0x0] =	vst.idx.msk vm15, v4;
	(pc) =	sbr.rel @p0 .LBB2_34-.Ltmp20, $4  }
0x5a4: {  	[tilespmem:v5+s17+$0x0] =	vst.idx.msk vm15, v63  }
0x5a5: {  	_ =	swait.ge [sflag:s18], $0x10000  }
0x5a6: {  	[sflag:s18] =	ssyncset.done $0x0  }
0x5a7: {  	[sflag:s18] =	ssyncadd.s32 $0xFFFF0000  }
0x5a8: {  	s21 =	simm.s32 $0x2880  }
0x5a9: {  	v5 =	vld [tilespmem:s21+$0x0];
	_ =	sdelay $0x3  }
0x5aa: {  	s22 =	simm.s32 $0x3900;
	s23 =	simm.s32 $0x0  }
0x5ab: {  	v4 =	vmov s25;
	v6 =	vor.u32 s23, v2;
	v8 =	vld [tilespmem:s22+$0x0];
	v7 =	vshll.u32 v5, $0x3  }
0x5ac: {  	vm0 =	vlt.s32 v6, v4;
	v5 =	vand.u32 $0x7F, v5;
	v6 =	vand.u32 $0xFFFFFC00, v7  }
0x5ad: {  	v5 =	vor.u32 v5, v6;
	_ =	sdelay $0x2  }
0x5ae: {  	v6 =	vshll.u32 v8, $0x3  }
0x5af: {  	v7 =	vand.u32 $0x7F, v8;
	v6 =	vand.u32 $0xFFFFFC00, v6  }
0x5b0: {  	v6 =	vor.u32 v7, v6;
	v8 =	vld.idx.msk [tilespmem:v5+s14+$0x0], vm0  }
0x5b1: {  	v7 =	vor.u32 $0x80, v5;
	_ =	sdelay $0x3  }
0x5b2: {  	[tilespmem:v6+s19+$0x0] =	vst.idx.add.f32.msk vm0, v8  }
0x5b3: {  	v8 =	vor.u32 $0x80, v6;
	v7 =	vld.idx.msk [tilespmem:v7+s14+$0x0], vm0  }
0x5b4: {  	v9 =	vor.u32 $0x100, v5;
	_ =	sdelay $0x3  }
0x5b5: {  	[tilespmem:v8+s19+$0x0] =	vst.idx.add.f32.msk vm0, v7  }
0x5b6: {  	v8 =	vor.u32 $0x100, v6;
	v7 =	vld.idx.msk [tilespmem:v9+s14+$0x0], vm0  }
0x5b7: {  	v60 =	vor.u32 $0x180, v5;
	_ =	sdelay $0x3  }
0x5b8: {  	[tilespmem:v8+s19+$0x0] =	vst.idx.add.f32.msk vm0, v7  }
0x5b9: {  	v8 =	vor.u32 $0x180, v6;
	v7 =	vld.idx.msk [tilespmem:v60+s14+$0x0], vm0  }
0x5ba: {  	v61 =	vor.u32 $0x200, v5;
	_ =	sdelay $0x3  }
0x5bb: {  	[tilespmem:v8+s19+$0x0] =	vst.idx.add.f32.msk vm0, v7  }
0x5bc: {  	v8 =	vor.u32 $0x200, v6;
	v7 =	vld.idx.msk [tilespmem:v61+s14+$0x0], vm0  }
0x5bd: {  	v62 =	vor.u32 $0x280, v5;
	_ =	sdelay $0x3  }
0x5be: {  	[tilespmem:v8+s19+$0x0] =	vst.idx.add.f32.msk vm0, v7  }
0x5bf: {  	v8 =	vor.u32 $0x280, v6;
	v7 =	vld.idx.msk [tilespmem:v62+s14+$0x0], vm0  }
0x5c0: {  	v63 =	vor.u32 $0x300, v5;
	_ =	sdelay $0x3  }
0x5c1: {  	[tilespmem:v8+s19+$0x0] =	vst.idx.add.f32.msk vm0, v7  }
0x5c2: {  	v8 =	vor.u32 $0x300, v6;
	v7 =	vld.idx.msk [tilespmem:v63+s14+$0x0], vm0  }
0x5c3: {  	p0 =	sne.s32 s24, $0x1;
	v5 =	vor.u32 $0x380, v5  }
.Ltmp21:
0x5c4: {  	_ = 	snop;
	(pc) =	sbr.rel @!p0 .LBB2_33-.Ltmp21, $3  }
0x5c5: {  	_ =	sdelay $0x1  }
0x5c6: {  	[tilespmem:v8+s19+$0x0] =	vst.idx.add.f32.msk vm0, v7  }
0x5c7: {  	s24 =	sadd.s32 $0xFFFFFFFF, s24;
	v6 =	vor.u32 $0x380, v6;
	v5 =	vld.idx.msk [tilespmem:v5+s14+$0x0], vm0  }
.LBB2_32:
0x5c8: {  	_ =	sdelay $0x3  }
0x5c9: {  	s21 =	sadd.s32 $0x10, s21;
	s22 =	sadd.s32 $0x10, s22;
	s23 =	sadd.s32 $0x10, s23;
	[tilespmem:v6+s19+$0x0] =	vst.idx.add.f32.msk vm0, v5  }
0x5ca: {  	p0 =	sne.s32 s24, $0x1;
	s24 =	sadd.s32 $0xFFFFFFFF, s24;
	v5 =	vld [tilespmem:s21+$0x0];
	_ =	sdelay $0x4  }
0x5cb: {  	v6 =	vor.u32 s23, v2;
	v7 =	vshll.u32 v5, $0x3  }
0x5cc: {  	vm0 =	vlt.s32 v6, v4;
	v5 =	vand.u32 $0x7F, v5;
	v6 =	vld [tilespmem:s22+$0x0];
	v7 =	vand.u32 $0xFFFFFC00, v7  }
0x5cd: {  	v5 =	vor.u32 v5, v7;
	_ =	sdelay $0x3  }
0x5ce: {  	v7 =	vshll.u32 v6, $0x3  }
0x5cf: {  	v6 =	vand.u32 $0x7F, v6;
	v8 =	vld.idx.msk [tilespmem:v5+s14+$0x0], vm0;
	v7 =	vand.u32 $0xFFFFFC00, v7  }
0x5d0: {  	v6 =	vor.u32 v6, v7  }
0x5d1: {  	v7 =	vor.u32 $0x80, v5;
	_ =	sdelay $0x3  }
0x5d2: {  	[tilespmem:v6+s19+$0x0] =	vst.idx.add.f32.msk vm0, v8  }
0x5d3: {  	v7 =	vld.idx.msk [tilespmem:v7+s14+$0x0], vm0  }
0x5d4: {  	v8 =	vor.u32 $0x80, v6  }
0x5d5: {  	v9 =	vor.u32 $0x100, v5;
	_ =	sdelay $0x3  }
0x5d6: {  	[tilespmem:v8+s19+$0x0] =	vst.idx.add.f32.msk vm0, v7  }
0x5d7: {  	v7 =	vld.idx.msk [tilespmem:v9+s14+$0x0], vm0  }
0x5d8: {  	v8 =	vor.u32 $0x100, v6  }
0x5d9: {  	v9 =	vor.u32 $0x180, v5;
	_ =	sdelay $0x3  }
0x5da: {  	[tilespmem:v8+s19+$0x0] =	vst.idx.add.f32.msk vm0, v7  }
0x5db: {  	v7 =	vld.idx.msk [tilespmem:v9+s14+$0x0], vm0  }
0x5dc: {  	v8 =	vor.u32 $0x180, v6  }
0x5dd: {  	v9 =	vor.u32 $0x200, v5;
	_ =	sdelay $0x3  }
0x5de: {  	[tilespmem:v8+s19+$0x0] =	vst.idx.add.f32.msk vm0, v7  }
0x5df: {  	v7 =	vld.idx.msk [tilespmem:v9+s14+$0x0], vm0  }
0x5e0: {  	v8 =	vor.u32 $0x200, v6  }
0x5e1: {  	v9 =	vor.u32 $0x280, v5;
	_ =	sdelay $0x3  }
0x5e2: {  	[tilespmem:v8+s19+$0x0] =	vst.idx.add.f32.msk vm0, v7  }
0x5e3: {  	v7 =	vld.idx.msk [tilespmem:v9+s14+$0x0], vm0  }
0x5e4: {  	v8 =	vor.u32 $0x280, v6  }
0x5e5: {  	v9 =	vor.u32 $0x300, v5;
	_ =	sdelay $0x3  }
0x5e6: {  	[tilespmem:v8+s19+$0x0] =	vst.idx.add.f32.msk vm0, v7  }
0x5e7: {  	v7 =	vld.idx.msk [tilespmem:v9+s14+$0x0], vm0  }
0x5e8: {  	v8 =	vor.u32 $0x300, v6  }
0x5e9: {  	v5 =	vor.u32 $0x380, v5;
	_ =	sdelay $0x1  }
.Ltmp22:
0x5ea: {  	(pc) =	sbr.rel @p0 .LBB2_32-.Ltmp22, $4  }
0x5eb: {  	_ = 	snop  }
0x5ec: {  	[tilespmem:v8+s19+$0x0] =	vst.idx.add.f32.msk vm0, v7  }
0x5ed: {  	v5 =	vld.idx.msk [tilespmem:v5+s14+$0x0], vm0  }
0x5ee: {  	v6 =	vor.u32 $0x380, v6  }
.LBB2_33:
0x5ef: {  	_ =	sdelay $0x4  }
0x5f0: {  	[tilespmem:v6+s19+$0x0] =	vst.idx.add.f32.msk vm0, v5  }
.LBB2_34:
0x5f1: {  	s21 =	simm.s32 $0x0;
	s22 =	simm.s32 $0x8A0  }
0x5f2: {  	[tilespmem:s14], [sflag:$0x1] =	stream.linear.gather [hbm4b:s8+s21], $0x10000, $0x38;
	[tilespmem:$0x18980] =	vst v63  }
0x5f3: {  	v4 =	vld [tilespmem:s22+$0xFFFFFFE0];
	_ =	sdelay $0x4  }
0x5f4: {  	v5 =	vand.u32 $0xFFFFE000, v4  }
0x5f5: {  	vm0 =	veq.s32 v5, $0x8000  }
0x5f6: {  	v5 =	vsel vm0, $0x1, v3  }
0x5f7: {  	(xrf0) =	vadd.scan.msk.s32 $0xffff, v5;
	_ =	sdelay $0x2  }
0x5f8: {  	v5 =	vmov s21  }
0x5f9: {  	v5 =	vadd.s32 $0xFFFFFFFF, v5  }
0x5fa: {  	v5 =	vbroadcast v5, $0x0  }
0x5fb: {  	v6, _, _ =	vpop (xrf0)  }
0x5fc: {  	s21 =	simm.s32 $0x18A0;
	v5 =	vadd.s32 v6, v5  }
0x5fd: {  	(v2sf) =	vpush v6, $0xF;
	v6 =	vld [tilespmem:s21+$0xFFFFFFE0];
	_ =	sdelay $0x2  }
0x5fe: {  	v4 =	vand.u32 $0x1FFF, v4  }
0x5ff: {  	[tilespmem:v5+s16+$0x0] =	vst.idx.msk vm0, v4  }
0x600: {  	[tilespmem:v5+s17+$0x0] =	vst.idx.msk vm0, v6  }
0x601: {  	v4 =	vld [tilespmem:s22+$0xFFFFFFF0];
	_ =	sdelay $0x4  }
0x602: {  	v5 =	vand.u32 $0xFFFFE000, v4  }
0x603: {  	vm0 =	veq.s32 v5, $0x8000  }
0x604: {  	v5 =	vsel vm0, $0x1, v3  }
0x605: {  	(xrf0) =	vadd.scan.msk.s32 $0xffff, v5  }
0x606: {  	s23 =	spop (v2sf)  }
0x607: {  	s23 =	sadd.s32 $0x0, s23  }
0x608: {  	v5 =	vmov s23  }
0x609: {  	v5 =	vadd.s32 $0xFFFFFFFF, v5  }
0x60a: {  	v5 =	vbroadcast v5, $0x0  }
0x60b: {  	v6, _, _ =	vpop (xrf0)  }
0x60c: {  	v5 =	vadd.s32 v6, v5  }
0x60d: {  	(v2sf) =	vpush v6, $0xF;
	v6 =	vld [tilespmem:s21+$0xFFFFFFF0];
	_ =	sdelay $0x2  }
0x60e: {  	v4 =	vand.u32 $0x1FFF, v4  }
0x60f: {  	[tilespmem:v5+s16+$0x0] =	vst.idx.msk vm0, v4  }
0x610: {  	[tilespmem:v5+s17+$0x0] =	vst.idx.msk vm0, v6  }
0x611: {  	v4 =	vld [tilespmem:s22+$0x0];
	_ =	sdelay $0x4  }
0x612: {  	v5 =	vand.u32 $0xFFFFE000, v4  }
0x613: {  	vm0 =	veq.s32 v5, $0x8000  }
0x614: {  	v5 =	vsel vm0, $0x1, v3  }
0x615: {  	(xrf0) =	vadd.scan.msk.s32 $0xffff, v5  }
0x616: {  	s24 =	spop (v2sf)  }
0x617: {  	s23 =	sadd.s32 s23, s24  }
0x618: {  	v5 =	vmov s23  }
0x619: {  	v5 =	vadd.s32 $0xFFFFFFFF, v5  }
0x61a: {  	v5 =	vbroadcast v5, $0x0  }
0x61b: {  	v6, _, _ =	vpop (xrf0)  }
0x61c: {  	v5 =	vadd.s32 v6, v5  }
0x61d: {  	(v2sf) =	vpush v6, $0xF;
	v6 =	vld [tilespmem:s21+$0x0];
	_ =	sdelay $0x2  }
0x61e: {  	v4 =	vand.u32 $0x1FFF, v4  }
0x61f: {  	[tilespmem:v5+s16+$0x0] =	vst.idx.msk vm0, v4  }
0x620: {  	[tilespmem:v5+s17+$0x0] =	vst.idx.msk vm0, v6  }
0x621: {  	v4 =	vld [tilespmem:s22+$0x10];
	_ =	sdelay $0x4  }
0x622: {  	v5 =	vand.u32 $0xFFFFE000, v4  }
0x623: {  	vm0 =	veq.s32 v5, $0x8000  }
0x624: {  	v5 =	vsel vm0, $0x1, v3  }
0x625: {  	(xrf0) =	vadd.scan.msk.s32 $0xffff, v5  }
0x626: {  	s31 =	spop (v2sf)  }
0x627: {  	s24 =	sadd.s32 s23, s31  }
0x628: {  	v5 =	vmov s24  }
0x629: {  	v5 =	vadd.s32 $0xFFFFFFFF, v5  }
0x62a: {  	v5 =	vbroadcast v5, $0x0  }
0x62b: {  	v6, _, _ =	vpop (xrf0)  }
0x62c: {  	v5 =	vadd.s32 v6, v5;
	(v2sf) =	vpush v6, $0xF  }
0x62d: {  	v6 =	vld [tilespmem:s21+$0x10];
	_ =	sdelay $0x2  }
0x62e: {  	v4 =	vand.u32 $0x1FFF, v4  }
0x62f: {  	[tilespmem:v5+s16+$0x0] =	vst.idx.msk vm0, v4  }
0x630: {  	s22 =	simm.s32 $0x8E0;
	[tilespmem:v5+s17+$0x0] =	vst.idx.msk vm0, v6  }
0x631: {  	v4 =	vld [tilespmem:s22+$0xFFFFFFE0];
	_ =	sdelay $0x4  }
0x632: {  	v5 =	vand.u32 $0xFFFFE000, v4  }
0x633: {  	vm0 =	veq.s32 v5, $0x8000  }
0x634: {  	v5 =	vsel vm0, $0x1, v3  }
0x635: {  	s23 =	simm.s32 $0x4;
	(xrf0) =	vadd.scan.msk.s32 $0xffff, v5;
	s25 =	spop (v2sf)  }
.LBB2_35:
0x636: {  	s23 =	sadd.s32 $0x4, s23;
	s24 =	sadd.s32 s24, s25;
	s21 =	sadd.s32 $0x40, s21  }
0x637: {  	p0 =	slt.u32 s23, $0xFC;
	v5 =	vmov s24  }
0x638: {  	v5 =	vadd.s32 $0xFFFFFFFF, v5;
	_ =	sdelay $0x1  }
0x639: {  	v5 =	vbroadcast v5, $0x0  }
0x63a: {  	v6, _, _ =	vpop (xrf0)  }
0x63b: {  	v5 =	vadd.s32 v6, v5;
	(v2sf) =	vpush v6, $0xF  }
0x63c: {  	v6 =	vld [tilespmem:s21+$0xFFFFFFE0];
	_ =	sdelay $0x2  }
0x63d: {  	v4 =	vand.u32 $0x1FFF, v4  }
0x63e: {  	[tilespmem:v5+s16+$0x0] =	vst.idx.msk vm0, v4  }
0x63f: {  	[tilespmem:v5+s17+$0x0] =	vst.idx.msk vm0, v6  }
0x640: {  	v4 =	vld [tilespmem:s22+$0xFFFFFFF0];
	_ =	sdelay $0x4  }
0x641: {  	v5 =	vand.u32 $0xFFFFE000, v4  }
0x642: {  	vm0 =	veq.s32 v5, $0x8000  }
0x643: {  	v5 =	vsel vm0, $0x1, v3  }
0x644: {  	s25 =	spop (v2sf);
	(xrf0) =	vadd.scan.msk.s32 $0xffff, v5  }
0x645: {  	s24 =	sadd.s32 s24, s25  }
0x646: {  	v5 =	vmov s24  }
0x647: {  	v5 =	vadd.s32 $0xFFFFFFFF, v5;
	_ =	sdelay $0x1  }
0x648: {  	v5 =	vbroadcast v5, $0x0  }
0x649: {  	v6, _, _ =	vpop (xrf0)  }
0x64a: {  	v5 =	vadd.s32 v6, v5;
	(v2sf) =	vpush v6, $0xF  }
0x64b: {  	v6 =	vld [tilespmem:s21+$0xFFFFFFF0];
	_ =	sdelay $0x2  }
0x64c: {  	v4 =	vand.u32 $0x1FFF, v4  }
0x64d: {  	[tilespmem:v5+s16+$0x0] =	vst.idx.msk vm0, v4  }
0x64e: {  	[tilespmem:v5+s17+$0x0] =	vst.idx.msk vm0, v6  }
0x64f: {  	v4 =	vld [tilespmem:s22+$0x0];
	_ =	sdelay $0x4  }
0x650: {  	v5 =	vand.u32 $0xFFFFE000, v4  }
0x651: {  	vm0 =	veq.s32 v5, $0x8000  }
0x652: {  	v5 =	vsel vm0, $0x1, v3  }
0x653: {  	s25 =	spop (v2sf);
	(xrf0) =	vadd.scan.msk.s32 $0xffff, v5  }
0x654: {  	s24 =	sadd.s32 s24, s25  }
0x655: {  	v5 =	vmov s24  }
0x656: {  	v5 =	vadd.s32 $0xFFFFFFFF, v5;
	_ =	sdelay $0x1  }
0x657: {  	v5 =	vbroadcast v5, $0x0  }
0x658: {  	v6, _, _ =	vpop (xrf0)  }
0x659: {  	v5 =	vadd.s32 v6, v5;
	(v2sf) =	vpush v6, $0xF  }
0x65a: {  	v6 =	vld [tilespmem:s21+$0x0];
	_ =	sdelay $0x2  }
0x65b: {  	v4 =	vand.u32 $0x1FFF, v4  }
0x65c: {  	[tilespmem:v5+s16+$0x0] =	vst.idx.msk vm0, v4  }
0x65d: {  	[tilespmem:v5+s17+$0x0] =	vst.idx.msk vm0, v6  }
0x65e: {  	v4 =	vld [tilespmem:s22+$0x10]  }
0x65f: {  	v5 =	vld [tilespmem:s21+$0x10];
	_ =	sdelay $0x3  }
0x660: {  	v6 =	vand.u32 $0xFFFFE000, v4  }
0x661: {  	vm0 =	veq.s32 v6, $0x8000  }
0x662: {  	v6 =	vsel vm0, $0x1, v3  }
0x663: {  	s25 =	spop (v2sf);
	(xrf0) =	vadd.scan.msk.s32 $0xffff, v6  }
0x664: {  	s24 =	sadd.s32 s24, s25  }
0x665: {  	v6 =	vmov s24  }
0x666: {  	v6 =	vadd.s32 $0xFFFFFFFF, v6;
	_ =	sdelay $0x1  }
0x667: {  	v6 =	vbroadcast v6, $0x0  }
0x668: {  	v7, _, _ =	vpop (xrf0)  }
0x669: {  	v6 =	vadd.s32 v7, v6;
	(v2sf) =	vpush v7, $0xF;
	_ =	sdelay $0x3  }
0x66a: {  	v4 =	vand.u32 $0x1FFF, v4  }
0x66b: {  	[tilespmem:v6+s16+$0x0] =	vst.idx.msk vm0, v4  }
0x66c: {  	s22 =	sadd.s32 $0x40, s22;
	[tilespmem:v6+s17+$0x0] =	vst.idx.msk vm0, v5  }
0x66d: {  	v4 =	vld [tilespmem:s22+$0xFFFFFFE0];
	_ =	sdelay $0x3  }
.Ltmp23:
0x66e: {  	(pc) =	sbr.rel @p0 .LBB2_35-.Ltmp23, $4  }
0x66f: {  	v5 =	vand.u32 $0xFFFFE000, v4  }
0x670: {  	vm0 =	veq.s32 v5, $0x8000  }
0x671: {  	v5 =	vsel vm0, $0x1, v3  }
0x672: {  	(xrf0) =	vadd.scan.msk.s32 $0xffff, v5;
	s25 =	spop (v2sf)  }
0x673: {  	_ = 	snop  }
0x674: {  	s23 =	sadd.s32 s24, s25  }
0x675: {  	v5 =	vmov s23  }
0x676: {  	v5 =	vadd.s32 $0xFFFFFFFF, v5  }
0x677: {  	v5 =	vbroadcast v5, $0x0  }
0x678: {  	v6, _, _ =	vpop (xrf0)  }
0x679: {  	s21 =	sadd.s32 $0x40, s21;
	v5 =	vadd.s32 v6, v5  }
0x67a: {  	v58 =	vld [tilespmem:s21+$0xFFFFFFE0];
	(v2sf) =	vpush v6, $0xF;
	_ =	sdelay $0x2  }
0x67b: {  	v4 =	vand.u32 $0x1FFF, v4  }
0x67c: {  	[tilespmem:v5+s16+$0x0] =	vst.idx.msk vm0, v4  }
0x67d: {  	[tilespmem:v5+s17+$0x0] =	vst.idx.msk vm0, v58  }
0x67e: {  	v4 =	vld [tilespmem:s22+$0xFFFFFFF0];
	_ =	sdelay $0x4  }
0x67f: {  	v5 =	vand.u32 $0xFFFFE000, v4  }
0x680: {  	vm13 =	veq.s32 v5, $0x8000  }
0x681: {  	v5 =	vsel vm13, $0x1, v3  }
0x682: {  	(xrf0) =	vadd.scan.msk.s32 $0xffff, v5  }
0x683: {  	s28 =	spop (v2sf)  }
0x684: {  	s23 =	sadd.s32 s23, s28  }
0x685: {  	v5 =	vmov s23  }
0x686: {  	v5 =	vadd.s32 $0xFFFFFFFF, v5  }
0x687: {  	v5 =	vbroadcast v5, $0x0  }
0x688: {  	v59, _, _ =	vpop (xrf0)  }
0x689: {  	v5 =	vadd.s32 v59, v5  }
0x68a: {  	v60 =	vld [tilespmem:s21+$0xFFFFFFF0];
	(v2sf) =	vpush v59, $0xF;
	_ =	sdelay $0x2  }
0x68b: {  	v4 =	vand.u32 $0x1FFF, v4  }
0x68c: {  	[tilespmem:v5+s16+$0x0] =	vst.idx.msk vm13, v4  }
0x68d: {  	[tilespmem:v5+s17+$0x0] =	vst.idx.msk vm13, v60  }
0x68e: {  	v4 =	vld [tilespmem:s22+$0x0];
	_ =	sdelay $0x4  }
0x68f: {  	v5 =	vand.u32 $0xFFFFE000, v4  }
0x690: {  	vm14 =	veq.s32 v5, $0x8000  }
0x691: {  	v5 =	vsel vm14, $0x1, v3  }
0x692: {  	(xrf0) =	vadd.scan.msk.s32 $0xffff, v5  }
0x693: {  	s29 =	spop (v2sf)  }
0x694: {  	s23 =	sadd.s32 s23, s29  }
0x695: {  	v5 =	vmov s23  }
0x696: {  	v5 =	vadd.s32 $0xFFFFFFFF, v5  }
0x697: {  	v5 =	vbroadcast v5, $0x0  }
0x698: {  	v61, _, _ =	vpop (xrf0)  }
0x699: {  	v5 =	vadd.s32 v61, v5  }
0x69a: {  	v7 =	vld [tilespmem:s21+$0x0];
	_ =	sdelay $0x2  }
0x69b: {  	v4 =	vand.u32 $0x1FFF, v4  }
0x69c: {  	[tilespmem:v5+s16+$0x0] =	vst.idx.msk vm14, v4  }
0x69d: {  	[tilespmem:v5+s17+$0x0] =	vst.idx.msk vm14, v7  }
0x69e: {  	v4 =	vld [tilespmem:s22+$0x10];
	_ =	sdelay $0x4  }
0x69f: {  	v5 =	vand.u32 $0xFFFFE000, v4  }
0x6a0: {  	vm15 =	veq.s32 v5, $0x8000  }
0x6a1: {  	v5 =	vsel vm15, $0x1, v3  }
0x6a2: {  	(xrf0) =	vadd.scan.msk.s32 $0xffff, v5  }
0x6a3: {  	(v2sf) =	vpush v61, $0xF;
	_ =	sdelay $0x4  }
0x6a4: {  	v5, _, _ =	vpop (xrf0)  }
0x6a5: {  	(v2sf) =	vpush v5, $0xF;
	_ =	sdelay $0x8  }
0x6a6: {  	s30 =	spop (v2sf)  }
0x6a7: {  	s22 =	sadd.s32 s23, s30  }
0x6a8: {  	v62 =	vmov s22  }
0x6a9: {  	v6 =	vadd.s32 $0xFFFFFFFF, v62  }
0x6aa: {  	v6 =	vbroadcast v6, $0x0;
	_ =	sdelay $0x1  }
0x6ab: {  	v5 =	vadd.s32 v5, v6;
	s31 =	spop (v2sf)  }
0x6ac: {  	v63 =	vld [tilespmem:s21+$0x10];
	s25 =	sadd.s32 s22, s31  }
0x6ad: {  	s21 =	sadd.s32 $0xF, s25  }
0x6ae: {  	s24 =	sshra.s32 s21, $0x4  }
0x6af: {  	v4 =	vand.u32 $0x1FFF, v4;
	p0 =	slt.s32 s24, $0x1  }
.Ltmp24:
0x6b0: {  	[tilespmem:v5+s16+$0x0] =	vst.idx.msk vm15, v4;
	(pc) =	sbr.rel @p0 .LBB2_40-.Ltmp24, $4  }
0x6b1: {  	[tilespmem:v5+s17+$0x0] =	vst.idx.msk vm15, v63  }
0x6b2: {  	_ =	swait.ge [sflag:s18], $0x10000  }
0x6b3: {  	[sflag:s18] =	ssyncset.done $0x0  }
0x6b4: {  	[sflag:s18] =	ssyncadd.s32 $0xFFFF0000  }
0x6b5: {  	s21 =	simm.s32 $0x2880  }
0x6b6: {  	v5 =	vld [tilespmem:s21+$0x0];
	_ =	sdelay $0x3  }
0x6b7: {  	s22 =	simm.s32 $0x3900;
	s23 =	simm.s32 $0x0  }
0x6b8: {  	v4 =	vmov s25;
	v6 =	vor.u32 s23, v2;
	v8 =	vld [tilespmem:s22+$0x0];
	v7 =	vshll.u32 v5, $0x3  }
0x6b9: {  	vm0 =	vlt.s32 v6, v4;
	v5 =	vand.u32 $0x7F, v5;
	v6 =	vand.u32 $0xFFFFFC00, v7  }
0x6ba: {  	v5 =	vor.u32 v5, v6;
	_ =	sdelay $0x2  }
0x6bb: {  	v6 =	vshll.u32 v8, $0x3  }
0x6bc: {  	v7 =	vand.u32 $0x7F, v8;
	v6 =	vand.u32 $0xFFFFFC00, v6  }
0x6bd: {  	v6 =	vor.u32 v7, v6;
	v8 =	vld.idx.msk [tilespmem:v5+s14+$0x0], vm0  }
0x6be: {  	v7 =	vor.u32 $0x80, v5;
	_ =	sdelay $0x3  }
0x6bf: {  	[tilespmem:v6+s19+$0x0] =	vst.idx.add.f32.msk vm0, v8  }
0x6c0: {  	v8 =	vor.u32 $0x80, v6;
	v7 =	vld.idx.msk [tilespmem:v7+s14+$0x0], vm0  }
0x6c1: {  	v9 =	vor.u32 $0x100, v5;
	_ =	sdelay $0x3  }
0x6c2: {  	[tilespmem:v8+s19+$0x0] =	vst.idx.add.f32.msk vm0, v7  }
0x6c3: {  	v8 =	vor.u32 $0x100, v6;
	v7 =	vld.idx.msk [tilespmem:v9+s14+$0x0], vm0  }
0x6c4: {  	v60 =	vor.u32 $0x180, v5;
	_ =	sdelay $0x3  }
0x6c5: {  	[tilespmem:v8+s19+$0x0] =	vst.idx.add.f32.msk vm0, v7  }
0x6c6: {  	v8 =	vor.u32 $0x180, v6;
	v7 =	vld.idx.msk [tilespmem:v60+s14+$0x0], vm0  }
0x6c7: {  	v61 =	vor.u32 $0x200, v5;
	_ =	sdelay $0x3  }
0x6c8: {  	[tilespmem:v8+s19+$0x0] =	vst.idx.add.f32.msk vm0, v7  }
0x6c9: {  	v8 =	vor.u32 $0x200, v6;
	v7 =	vld.idx.msk [tilespmem:v61+s14+$0x0], vm0  }
0x6ca: {  	v62 =	vor.u32 $0x280, v5;
	_ =	sdelay $0x3  }
0x6cb: {  	[tilespmem:v8+s19+$0x0] =	vst.idx.add.f32.msk vm0, v7  }
0x6cc: {  	v8 =	vor.u32 $0x280, v6;
	v7 =	vld.idx.msk [tilespmem:v62+s14+$0x0], vm0  }
0x6cd: {  	v63 =	vor.u32 $0x300, v5;
	_ =	sdelay $0x3  }
0x6ce: {  	[tilespmem:v8+s19+$0x0] =	vst.idx.add.f32.msk vm0, v7  }
0x6cf: {  	v8 =	vor.u32 $0x300, v6;
	v7 =	vld.idx.msk [tilespmem:v63+s14+$0x0], vm0  }
0x6d0: {  	p0 =	sne.s32 s24, $0x1;
	v5 =	vor.u32 $0x380, v5  }
.Ltmp25:
0x6d1: {  	_ = 	snop;
	(pc) =	sbr.rel @!p0 .LBB2_39-.Ltmp25, $3  }
0x6d2: {  	_ =	sdelay $0x1  }
0x6d3: {  	[tilespmem:v8+s19+$0x0] =	vst.idx.add.f32.msk vm0, v7  }
0x6d4: {  	s24 =	sadd.s32 $0xFFFFFFFF, s24;
	v6 =	vor.u32 $0x380, v6;
	v5 =	vld.idx.msk [tilespmem:v5+s14+$0x0], vm0  }
.LBB2_38:
0x6d5: {  	_ =	sdelay $0x3  }
0x6d6: {  	s21 =	sadd.s32 $0x10, s21;
	s22 =	sadd.s32 $0x10, s22;
	s23 =	sadd.s32 $0x10, s23;
	[tilespmem:v6+s19+$0x0] =	vst.idx.add.f32.msk vm0, v5  }
0x6d7: {  	p0 =	sne.s32 s24, $0x1;
	s24 =	sadd.s32 $0xFFFFFFFF, s24;
	v5 =	vld [tilespmem:s21+$0x0];
	_ =	sdelay $0x4  }
0x6d8: {  	v6 =	vor.u32 s23, v2;
	v7 =	vshll.u32 v5, $0x3  }
0x6d9: {  	vm0 =	vlt.s32 v6, v4;
	v5 =	vand.u32 $0x7F, v5;
	v6 =	vld [tilespmem:s22+$0x0];
	v7 =	vand.u32 $0xFFFFFC00, v7  }
0x6da: {  	v5 =	vor.u32 v5, v7;
	_ =	sdelay $0x3  }
0x6db: {  	v7 =	vshll.u32 v6, $0x3  }
0x6dc: {  	v6 =	vand.u32 $0x7F, v6;
	v8 =	vld.idx.msk [tilespmem:v5+s14+$0x0], vm0;
	v7 =	vand.u32 $0xFFFFFC00, v7  }
0x6dd: {  	v6 =	vor.u32 v6, v7  }
0x6de: {  	v7 =	vor.u32 $0x80, v5;
	_ =	sdelay $0x3  }
0x6df: {  	[tilespmem:v6+s19+$0x0] =	vst.idx.add.f32.msk vm0, v8  }
0x6e0: {  	v7 =	vld.idx.msk [tilespmem:v7+s14+$0x0], vm0  }
0x6e1: {  	v8 =	vor.u32 $0x80, v6  }
0x6e2: {  	v9 =	vor.u32 $0x100, v5;
	_ =	sdelay $0x3  }
0x6e3: {  	[tilespmem:v8+s19+$0x0] =	vst.idx.add.f32.msk vm0, v7  }
0x6e4: {  	v7 =	vld.idx.msk [tilespmem:v9+s14+$0x0], vm0  }
0x6e5: {  	v8 =	vor.u32 $0x100, v6  }
0x6e6: {  	v9 =	vor.u32 $0x180, v5;
	_ =	sdelay $0x3  }
0x6e7: {  	[tilespmem:v8+s19+$0x0] =	vst.idx.add.f32.msk vm0, v7  }
0x6e8: {  	v7 =	vld.idx.msk [tilespmem:v9+s14+$0x0], vm0  }
0x6e9: {  	v8 =	vor.u32 $0x180, v6  }
0x6ea: {  	v9 =	vor.u32 $0x200, v5;
	_ =	sdelay $0x3  }
0x6eb: {  	[tilespmem:v8+s19+$0x0] =	vst.idx.add.f32.msk vm0, v7  }
0x6ec: {  	v7 =	vld.idx.msk [tilespmem:v9+s14+$0x0], vm0  }
0x6ed: {  	v8 =	vor.u32 $0x200, v6  }
0x6ee: {  	v9 =	vor.u32 $0x280, v5;
	_ =	sdelay $0x3  }
0x6ef: {  	[tilespmem:v8+s19+$0x0] =	vst.idx.add.f32.msk vm0, v7  }
0x6f0: {  	v7 =	vld.idx.msk [tilespmem:v9+s14+$0x0], vm0  }
0x6f1: {  	v8 =	vor.u32 $0x280, v6  }
0x6f2: {  	v9 =	vor.u32 $0x300, v5;
	_ =	sdelay $0x3  }
0x6f3: {  	[tilespmem:v8+s19+$0x0] =	vst.idx.add.f32.msk vm0, v7  }
0x6f4: {  	v7 =	vld.idx.msk [tilespmem:v9+s14+$0x0], vm0  }
0x6f5: {  	v8 =	vor.u32 $0x300, v6  }
0x6f6: {  	v5 =	vor.u32 $0x380, v5;
	_ =	sdelay $0x1  }
.Ltmp26:
0x6f7: {  	(pc) =	sbr.rel @p0 .LBB2_38-.Ltmp26, $4  }
0x6f8: {  	_ = 	snop  }
0x6f9: {  	[tilespmem:v8+s19+$0x0] =	vst.idx.add.f32.msk vm0, v7  }
0x6fa: {  	v5 =	vld.idx.msk [tilespmem:v5+s14+$0x0], vm0  }
0x6fb: {  	v6 =	vor.u32 $0x380, v6  }
.LBB2_39:
0x6fc: {  	_ =	sdelay $0x4  }
0x6fd: {  	[tilespmem:v6+s19+$0x0] =	vst.idx.add.f32.msk vm0, v5  }
.LBB2_40:
0x6fe: {  	s21 =	simm.s32 $0x0;
	s22 =	simm.s32 $0x8A0  }
0x6ff: {  	[tilespmem:s14], [sflag:$0x1] =	stream.linear.gather [hbm4b:s9+s21], $0x10000, $0x38;
	[tilespmem:$0x18980] =	vst v63  }
0x700: {  	v4 =	vld [tilespmem:s22+$0xFFFFFFE0];
	_ =	sdelay $0x4  }
0x701: {  	v5 =	vand.u32 $0xFFFFE000, v4  }
0x702: {  	vm0 =	veq.s32 v5, $0xA000  }
0x703: {  	v5 =	vsel vm0, $0x1, v3  }
0x704: {  	(xrf0) =	vadd.scan.msk.s32 $0xffff, v5;
	_ =	sdelay $0x2  }
0x705: {  	v5 =	vmov s21  }
0x706: {  	v5 =	vadd.s32 $0xFFFFFFFF, v5  }
0x707: {  	v5 =	vbroadcast v5, $0x0  }
0x708: {  	v6, _, _ =	vpop (xrf0)  }
0x709: {  	s21 =	simm.s32 $0x18A0;
	v5 =	vadd.s32 v6, v5  }
0x70a: {  	(v2sf) =	vpush v6, $0xF;
	v6 =	vld [tilespmem:s21+$0xFFFFFFE0];
	_ =	sdelay $0x2  }
0x70b: {  	v4 =	vand.u32 $0x1FFF, v4  }
0x70c: {  	[tilespmem:v5+s16+$0x0] =	vst.idx.msk vm0, v4  }
0x70d: {  	[tilespmem:v5+s17+$0x0] =	vst.idx.msk vm0, v6  }
0x70e: {  	v4 =	vld [tilespmem:s22+$0xFFFFFFF0];
	_ =	sdelay $0x4  }
0x70f: {  	v5 =	vand.u32 $0xFFFFE000, v4  }
0x710: {  	vm0 =	veq.s32 v5, $0xA000  }
0x711: {  	v5 =	vsel vm0, $0x1, v3  }
0x712: {  	(xrf0) =	vadd.scan.msk.s32 $0xffff, v5  }
0x713: {  	s23 =	spop (v2sf)  }
0x714: {  	s23 =	sadd.s32 $0x0, s23  }
0x715: {  	v5 =	vmov s23  }
0x716: {  	v5 =	vadd.s32 $0xFFFFFFFF, v5  }
0x717: {  	v5 =	vbroadcast v5, $0x0  }
0x718: {  	v6, _, _ =	vpop (xrf0)  }
0x719: {  	v5 =	vadd.s32 v6, v5  }
0x71a: {  	(v2sf) =	vpush v6, $0xF;
	v6 =	vld [tilespmem:s21+$0xFFFFFFF0];
	_ =	sdelay $0x2  }
0x71b: {  	v4 =	vand.u32 $0x1FFF, v4  }
0x71c: {  	[tilespmem:v5+s16+$0x0] =	vst.idx.msk vm0, v4  }
0x71d: {  	[tilespmem:v5+s17+$0x0] =	vst.idx.msk vm0, v6  }
0x71e: {  	v4 =	vld [tilespmem:s22+$0x0];
	_ =	sdelay $0x4  }
0x71f: {  	v5 =	vand.u32 $0xFFFFE000, v4  }
0x720: {  	vm0 =	veq.s32 v5, $0xA000  }
0x721: {  	v5 =	vsel vm0, $0x1, v3  }
0x722: {  	(xrf0) =	vadd.scan.msk.s32 $0xffff, v5  }
0x723: {  	s24 =	spop (v2sf)  }
0x724: {  	s23 =	sadd.s32 s23, s24  }
0x725: {  	v5 =	vmov s23  }
0x726: {  	v5 =	vadd.s32 $0xFFFFFFFF, v5  }
0x727: {  	v5 =	vbroadcast v5, $0x0  }
0x728: {  	v6, _, _ =	vpop (xrf0)  }
0x729: {  	v5 =	vadd.s32 v6, v5  }
0x72a: {  	(v2sf) =	vpush v6, $0xF;
	v6 =	vld [tilespmem:s21+$0x0];
	_ =	sdelay $0x2  }
0x72b: {  	v4 =	vand.u32 $0x1FFF, v4  }
0x72c: {  	[tilespmem:v5+s16+$0x0] =	vst.idx.msk vm0, v4  }
0x72d: {  	[tilespmem:v5+s17+$0x0] =	vst.idx.msk vm0, v6  }
0x72e: {  	v4 =	vld [tilespmem:s22+$0x10];
	_ =	sdelay $0x4  }
0x72f: {  	v5 =	vand.u32 $0xFFFFE000, v4  }
0x730: {  	vm0 =	veq.s32 v5, $0xA000  }
0x731: {  	v5 =	vsel vm0, $0x1, v3  }
0x732: {  	(xrf0) =	vadd.scan.msk.s32 $0xffff, v5  }
0x733: {  	s31 =	spop (v2sf)  }
0x734: {  	s24 =	sadd.s32 s23, s31  }
0x735: {  	v5 =	vmov s24  }
0x736: {  	v5 =	vadd.s32 $0xFFFFFFFF, v5  }
0x737: {  	v5 =	vbroadcast v5, $0x0  }
0x738: {  	v6, _, _ =	vpop (xrf0)  }
0x739: {  	v5 =	vadd.s32 v6, v5;
	(v2sf) =	vpush v6, $0xF  }
0x73a: {  	v6 =	vld [tilespmem:s21+$0x10];
	_ =	sdelay $0x2  }
0x73b: {  	v4 =	vand.u32 $0x1FFF, v4  }
0x73c: {  	[tilespmem:v5+s16+$0x0] =	vst.idx.msk vm0, v4  }
0x73d: {  	s22 =	simm.s32 $0x8E0;
	[tilespmem:v5+s17+$0x0] =	vst.idx.msk vm0, v6  }
0x73e: {  	v4 =	vld [tilespmem:s22+$0xFFFFFFE0];
	_ =	sdelay $0x4  }
0x73f: {  	v5 =	vand.u32 $0xFFFFE000, v4  }
0x740: {  	vm0 =	veq.s32 v5, $0xA000  }
0x741: {  	v5 =	vsel vm0, $0x1, v3  }
0x742: {  	s23 =	simm.s32 $0x4;
	(xrf0) =	vadd.scan.msk.s32 $0xffff, v5;
	s25 =	spop (v2sf)  }
.LBB2_41:
0x743: {  	s23 =	sadd.s32 $0x4, s23;
	s24 =	sadd.s32 s24, s25;
	s21 =	sadd.s32 $0x40, s21  }
0x744: {  	p0 =	slt.u32 s23, $0xFC;
	v5 =	vmov s24  }
0x745: {  	v5 =	vadd.s32 $0xFFFFFFFF, v5;
	_ =	sdelay $0x1  }
0x746: {  	v5 =	vbroadcast v5, $0x0  }
0x747: {  	v6, _, _ =	vpop (xrf0)  }
0x748: {  	v5 =	vadd.s32 v6, v5;
	(v2sf) =	vpush v6, $0xF  }
0x749: {  	v6 =	vld [tilespmem:s21+$0xFFFFFFE0];
	_ =	sdelay $0x2  }
0x74a: {  	v4 =	vand.u32 $0x1FFF, v4  }
0x74b: {  	[tilespmem:v5+s16+$0x0] =	vst.idx.msk vm0, v4  }
0x74c: {  	[tilespmem:v5+s17+$0x0] =	vst.idx.msk vm0, v6  }
0x74d: {  	v4 =	vld [tilespmem:s22+$0xFFFFFFF0];
	_ =	sdelay $0x4  }
0x74e: {  	v5 =	vand.u32 $0xFFFFE000, v4  }
0x74f: {  	vm0 =	veq.s32 v5, $0xA000  }
0x750: {  	v5 =	vsel vm0, $0x1, v3  }
0x751: {  	s25 =	spop (v2sf);
	(xrf0) =	vadd.scan.msk.s32 $0xffff, v5  }
0x752: {  	s24 =	sadd.s32 s24, s25  }
0x753: {  	v5 =	vmov s24  }
0x754: {  	v5 =	vadd.s32 $0xFFFFFFFF, v5;
	_ =	sdelay $0x1  }
0x755: {  	v5 =	vbroadcast v5, $0x0  }
0x756: {  	v6, _, _ =	vpop (xrf0)  }
0x757: {  	v5 =	vadd.s32 v6, v5;
	(v2sf) =	vpush v6, $0xF  }
0x758: {  	v6 =	vld [tilespmem:s21+$0xFFFFFFF0];
	_ =	sdelay $0x2  }
0x759: {  	v4 =	vand.u32 $0x1FFF, v4  }
0x75a: {  	[tilespmem:v5+s16+$0x0] =	vst.idx.msk vm0, v4  }
0x75b: {  	[tilespmem:v5+s17+$0x0] =	vst.idx.msk vm0, v6  }
0x75c: {  	v4 =	vld [tilespmem:s22+$0x0];
	_ =	sdelay $0x4  }
0x75d: {  	v5 =	vand.u32 $0xFFFFE000, v4  }
0x75e: {  	vm0 =	veq.s32 v5, $0xA000  }
0x75f: {  	v5 =	vsel vm0, $0x1, v3  }
0x760: {  	s25 =	spop (v2sf);
	(xrf0) =	vadd.scan.msk.s32 $0xffff, v5  }
0x761: {  	s24 =	sadd.s32 s24, s25  }
0x762: {  	v5 =	vmov s24  }
0x763: {  	v5 =	vadd.s32 $0xFFFFFFFF, v5;
	_ =	sdelay $0x1  }
0x764: {  	v5 =	vbroadcast v5, $0x0  }
0x765: {  	v6, _, _ =	vpop (xrf0)  }
0x766: {  	v5 =	vadd.s32 v6, v5;
	(v2sf) =	vpush v6, $0xF  }
0x767: {  	v6 =	vld [tilespmem:s21+$0x0];
	_ =	sdelay $0x2  }
0x768: {  	v4 =	vand.u32 $0x1FFF, v4  }
0x769: {  	[tilespmem:v5+s16+$0x0] =	vst.idx.msk vm0, v4  }
0x76a: {  	[tilespmem:v5+s17+$0x0] =	vst.idx.msk vm0, v6  }
0x76b: {  	v4 =	vld [tilespmem:s22+$0x10]  }
0x76c: {  	v5 =	vld [tilespmem:s21+$0x10];
	_ =	sdelay $0x3  }
0x76d: {  	v6 =	vand.u32 $0xFFFFE000, v4  }
0x76e: {  	vm0 =	veq.s32 v6, $0xA000  }
0x76f: {  	v6 =	vsel vm0, $0x1, v3  }
0x770: {  	s25 =	spop (v2sf);
	(xrf0) =	vadd.scan.msk.s32 $0xffff, v6  }
0x771: {  	s24 =	sadd.s32 s24, s25  }
0x772: {  	v6 =	vmov s24  }
0x773: {  	v6 =	vadd.s32 $0xFFFFFFFF, v6;
	_ =	sdelay $0x1  }
0x774: {  	v6 =	vbroadcast v6, $0x0  }
0x775: {  	v7, _, _ =	vpop (xrf0)  }
0x776: {  	v6 =	vadd.s32 v7, v6;
	(v2sf) =	vpush v7, $0xF;
	_ =	sdelay $0x3  }
0x777: {  	v4 =	vand.u32 $0x1FFF, v4  }
0x778: {  	[tilespmem:v6+s16+$0x0] =	vst.idx.msk vm0, v4  }
0x779: {  	s22 =	sadd.s32 $0x40, s22;
	[tilespmem:v6+s17+$0x0] =	vst.idx.msk vm0, v5  }
0x77a: {  	v4 =	vld [tilespmem:s22+$0xFFFFFFE0];
	_ =	sdelay $0x3  }
.Ltmp27:
0x77b: {  	(pc) =	sbr.rel @p0 .LBB2_41-.Ltmp27, $4  }
0x77c: {  	v5 =	vand.u32 $0xFFFFE000, v4  }
0x77d: {  	vm0 =	veq.s32 v5, $0xA000  }
0x77e: {  	v5 =	vsel vm0, $0x1, v3  }
0x77f: {  	(xrf0) =	vadd.scan.msk.s32 $0xffff, v5;
	s25 =	spop (v2sf)  }
0x780: {  	_ = 	snop  }
0x781: {  	s23 =	sadd.s32 s24, s25  }
0x782: {  	v5 =	vmov s23  }
0x783: {  	v5 =	vadd.s32 $0xFFFFFFFF, v5  }
0x784: {  	v5 =	vbroadcast v5, $0x0  }
0x785: {  	v6, _, _ =	vpop (xrf0)  }
0x786: {  	s21 =	sadd.s32 $0x40, s21;
	v5 =	vadd.s32 v6, v5  }
0x787: {  	v58 =	vld [tilespmem:s21+$0xFFFFFFE0];
	(v2sf) =	vpush v6, $0xF;
	_ =	sdelay $0x2  }
0x788: {  	v4 =	vand.u32 $0x1FFF, v4  }
0x789: {  	[tilespmem:v5+s16+$0x0] =	vst.idx.msk vm0, v4  }
0x78a: {  	[tilespmem:v5+s17+$0x0] =	vst.idx.msk vm0, v58  }
0x78b: {  	v4 =	vld [tilespmem:s22+$0xFFFFFFF0];
	_ =	sdelay $0x4  }
0x78c: {  	v5 =	vand.u32 $0xFFFFE000, v4  }
0x78d: {  	vm13 =	veq.s32 v5, $0xA000  }
0x78e: {  	v5 =	vsel vm13, $0x1, v3  }
0x78f: {  	(xrf0) =	vadd.scan.msk.s32 $0xffff, v5  }
0x790: {  	s28 =	spop (v2sf)  }
0x791: {  	s23 =	sadd.s32 s23, s28  }
0x792: {  	v5 =	vmov s23  }
0x793: {  	v5 =	vadd.s32 $0xFFFFFFFF, v5  }
0x794: {  	v5 =	vbroadcast v5, $0x0  }
0x795: {  	v59, _, _ =	vpop (xrf0)  }
0x796: {  	v5 =	vadd.s32 v59, v5  }
0x797: {  	v60 =	vld [tilespmem:s21+$0xFFFFFFF0];
	(v2sf) =	vpush v59, $0xF;
	_ =	sdelay $0x2  }
0x798: {  	v4 =	vand.u32 $0x1FFF, v4  }
0x799: {  	[tilespmem:v5+s16+$0x0] =	vst.idx.msk vm13, v4  }
0x79a: {  	[tilespmem:v5+s17+$0x0] =	vst.idx.msk vm13, v60  }
0x79b: {  	v4 =	vld [tilespmem:s22+$0x0];
	_ =	sdelay $0x4  }
0x79c: {  	v5 =	vand.u32 $0xFFFFE000, v4  }
0x79d: {  	vm14 =	veq.s32 v5, $0xA000  }
0x79e: {  	v5 =	vsel vm14, $0x1, v3  }
0x79f: {  	(xrf0) =	vadd.scan.msk.s32 $0xffff, v5  }
0x7a0: {  	s29 =	spop (v2sf)  }
0x7a1: {  	s23 =	sadd.s32 s23, s29  }
0x7a2: {  	v5 =	vmov s23  }
0x7a3: {  	v5 =	vadd.s32 $0xFFFFFFFF, v5  }
0x7a4: {  	v5 =	vbroadcast v5, $0x0  }
0x7a5: {  	v61, _, _ =	vpop (xrf0)  }
0x7a6: {  	v5 =	vadd.s32 v61, v5  }
0x7a7: {  	v7 =	vld [tilespmem:s21+$0x0];
	_ =	sdelay $0x2  }
0x7a8: {  	v4 =	vand.u32 $0x1FFF, v4  }
0x7a9: {  	[tilespmem:v5+s16+$0x0] =	vst.idx.msk vm14, v4  }
0x7aa: {  	[tilespmem:v5+s17+$0x0] =	vst.idx.msk vm14, v7  }
0x7ab: {  	v4 =	vld [tilespmem:s22+$0x10];
	_ =	sdelay $0x4  }
0x7ac: {  	v5 =	vand.u32 $0xFFFFE000, v4  }
0x7ad: {  	vm15 =	veq.s32 v5, $0xA000  }
0x7ae: {  	v5 =	vsel vm15, $0x1, v3  }
0x7af: {  	(xrf0) =	vadd.scan.msk.s32 $0xffff, v5  }
0x7b0: {  	(v2sf) =	vpush v61, $0xF;
	_ =	sdelay $0x4  }
0x7b1: {  	v5, _, _ =	vpop (xrf0)  }
0x7b2: {  	(v2sf) =	vpush v5, $0xF;
	_ =	sdelay $0x8  }
0x7b3: {  	s30 =	spop (v2sf)  }
0x7b4: {  	s22 =	sadd.s32 s23, s30  }
0x7b5: {  	v62 =	vmov s22  }
0x7b6: {  	v6 =	vadd.s32 $0xFFFFFFFF, v62  }
0x7b7: {  	v6 =	vbroadcast v6, $0x0;
	_ =	sdelay $0x1  }
0x7b8: {  	v5 =	vadd.s32 v5, v6;
	s31 =	spop (v2sf)  }
0x7b9: {  	v63 =	vld [tilespmem:s21+$0x10];
	s25 =	sadd.s32 s22, s31  }
0x7ba: {  	s21 =	sadd.s32 $0xF, s25  }
0x7bb: {  	s24 =	sshra.s32 s21, $0x4  }
0x7bc: {  	v4 =	vand.u32 $0x1FFF, v4;
	p0 =	slt.s32 s24, $0x1  }
.Ltmp28:
0x7bd: {  	[tilespmem:v5+s16+$0x0] =	vst.idx.msk vm15, v4;
	(pc) =	sbr.rel @p0 .LBB2_46-.Ltmp28, $4  }
0x7be: {  	[tilespmem:v5+s17+$0x0] =	vst.idx.msk vm15, v63  }
0x7bf: {  	_ =	swait.ge [sflag:s18], $0x10000  }
0x7c0: {  	[sflag:s18] =	ssyncset.done $0x0  }
0x7c1: {  	[sflag:s18] =	ssyncadd.s32 $0xFFFF0000  }
0x7c2: {  	s21 =	simm.s32 $0x2880  }
0x7c3: {  	v5 =	vld [tilespmem:s21+$0x0];
	_ =	sdelay $0x3  }
0x7c4: {  	s22 =	simm.s32 $0x3900;
	s23 =	simm.s32 $0x0  }
0x7c5: {  	v4 =	vmov s25;
	v6 =	vor.u32 s23, v2;
	v8 =	vld [tilespmem:s22+$0x0];
	v7 =	vshll.u32 v5, $0x3  }
0x7c6: {  	vm0 =	vlt.s32 v6, v4;
	v5 =	vand.u32 $0x7F, v5;
	v6 =	vand.u32 $0xFFFFFC00, v7  }
0x7c7: {  	v5 =	vor.u32 v5, v6;
	_ =	sdelay $0x2  }
0x7c8: {  	v6 =	vshll.u32 v8, $0x3  }
0x7c9: {  	v7 =	vand.u32 $0x7F, v8;
	v6 =	vand.u32 $0xFFFFFC00, v6  }
0x7ca: {  	v6 =	vor.u32 v7, v6;
	v8 =	vld.idx.msk [tilespmem:v5+s14+$0x0], vm0  }
0x7cb: {  	v7 =	vor.u32 $0x80, v5;
	_ =	sdelay $0x3  }
0x7cc: {  	[tilespmem:v6+s19+$0x0] =	vst.idx.add.f32.msk vm0, v8  }
0x7cd: {  	v8 =	vor.u32 $0x80, v6;
	v7 =	vld.idx.msk [tilespmem:v7+s14+$0x0], vm0  }
0x7ce: {  	v9 =	vor.u32 $0x100, v5;
	_ =	sdelay $0x3  }
0x7cf: {  	[tilespmem:v8+s19+$0x0] =	vst.idx.add.f32.msk vm0, v7  }
0x7d0: {  	v8 =	vor.u32 $0x100, v6;
	v7 =	vld.idx.msk [tilespmem:v9+s14+$0x0], vm0  }
0x7d1: {  	v60 =	vor.u32 $0x180, v5;
	_ =	sdelay $0x3  }
0x7d2: {  	[tilespmem:v8+s19+$0x0] =	vst.idx.add.f32.msk vm0, v7  }
0x7d3: {  	v8 =	vor.u32 $0x180, v6;
	v7 =	vld.idx.msk [tilespmem:v60+s14+$0x0], vm0  }
0x7d4: {  	v61 =	vor.u32 $0x200, v5;
	_ =	sdelay $0x3  }
0x7d5: {  	[tilespmem:v8+s19+$0x0] =	vst.idx.add.f32.msk vm0, v7  }
0x7d6: {  	v8 =	vor.u32 $0x200, v6;
	v7 =	vld.idx.msk [tilespmem:v61+s14+$0x0], vm0  }
0x7d7: {  	v62 =	vor.u32 $0x280, v5;
	_ =	sdelay $0x3  }
0x7d8: {  	[tilespmem:v8+s19+$0x0] =	vst.idx.add.f32.msk vm0, v7  }
0x7d9: {  	v8 =	vor.u32 $0x280, v6;
	v7 =	vld.idx.msk [tilespmem:v62+s14+$0x0], vm0  }
0x7da: {  	v63 =	vor.u32 $0x300, v5;
	_ =	sdelay $0x3  }
0x7db: {  	[tilespmem:v8+s19+$0x0] =	vst.idx.add.f32.msk vm0, v7  }
0x7dc: {  	v8 =	vor.u32 $0x300, v6;
	v7 =	vld.idx.msk [tilespmem:v63+s14+$0x0], vm0  }
0x7dd: {  	p0 =	sne.s32 s24, $0x1;
	v5 =	vor.u32 $0x380, v5  }
.Ltmp29:
0x7de: {  	_ = 	snop;
	(pc) =	sbr.rel @!p0 .LBB2_45-.Ltmp29, $3  }
0x7df: {  	_ =	sdelay $0x1  }
0x7e0: {  	[tilespmem:v8+s19+$0x0] =	vst.idx.add.f32.msk vm0, v7  }
0x7e1: {  	s24 =	sadd.s32 $0xFFFFFFFF, s24;
	v6 =	vor.u32 $0x380, v6;
	v5 =	vld.idx.msk [tilespmem:v5+s14+$0x0], vm0  }
.LBB2_44:
0x7e2: {  	_ =	sdelay $0x3  }
0x7e3: {  	s21 =	sadd.s32 $0x10, s21;
	s22 =	sadd.s32 $0x10, s22;
	s23 =	sadd.s32 $0x10, s23;
	[tilespmem:v6+s19+$0x0] =	vst.idx.add.f32.msk vm0, v5  }
0x7e4: {  	p0 =	sne.s32 s24, $0x1;
	s24 =	sadd.s32 $0xFFFFFFFF, s24;
	v5 =	vld [tilespmem:s21+$0x0];
	_ =	sdelay $0x4  }
0x7e5: {  	v6 =	vor.u32 s23, v2;
	v7 =	vshll.u32 v5, $0x3  }
0x7e6: {  	vm0 =	vlt.s32 v6, v4;
	v5 =	vand.u32 $0x7F, v5;
	v6 =	vld [tilespmem:s22+$0x0];
	v7 =	vand.u32 $0xFFFFFC00, v7  }
0x7e7: {  	v5 =	vor.u32 v5, v7;
	_ =	sdelay $0x3  }
0x7e8: {  	v7 =	vshll.u32 v6, $0x3  }
0x7e9: {  	v6 =	vand.u32 $0x7F, v6;
	v8 =	vld.idx.msk [tilespmem:v5+s14+$0x0], vm0;
	v7 =	vand.u32 $0xFFFFFC00, v7  }
0x7ea: {  	v6 =	vor.u32 v6, v7  }
0x7eb: {  	v7 =	vor.u32 $0x80, v5;
	_ =	sdelay $0x3  }
0x7ec: {  	[tilespmem:v6+s19+$0x0] =	vst.idx.add.f32.msk vm0, v8  }
0x7ed: {  	v7 =	vld.idx.msk [tilespmem:v7+s14+$0x0], vm0  }
0x7ee: {  	v8 =	vor.u32 $0x80, v6  }
0x7ef: {  	v9 =	vor.u32 $0x100, v5;
	_ =	sdelay $0x3  }
0x7f0: {  	[tilespmem:v8+s19+$0x0] =	vst.idx.add.f32.msk vm0, v7  }
0x7f1: {  	v7 =	vld.idx.msk [tilespmem:v9+s14+$0x0], vm0  }
0x7f2: {  	v8 =	vor.u32 $0x100, v6  }
0x7f3: {  	v9 =	vor.u32 $0x180, v5;
	_ =	sdelay $0x3  }
0x7f4: {  	[tilespmem:v8+s19+$0x0] =	vst.idx.add.f32.msk vm0, v7  }
0x7f5: {  	v7 =	vld.idx.msk [tilespmem:v9+s14+$0x0], vm0  }
0x7f6: {  	v8 =	vor.u32 $0x180, v6  }
0x7f7: {  	v9 =	vor.u32 $0x200, v5;
	_ =	sdelay $0x3  }
0x7f8: {  	[tilespmem:v8+s19+$0x0] =	vst.idx.add.f32.msk vm0, v7  }
0x7f9: {  	v7 =	vld.idx.msk [tilespmem:v9+s14+$0x0], vm0  }
0x7fa: {  	v8 =	vor.u32 $0x200, v6  }
0x7fb: {  	v9 =	vor.u32 $0x280, v5;
	_ =	sdelay $0x3  }
0x7fc: {  	[tilespmem:v8+s19+$0x0] =	vst.idx.add.f32.msk vm0, v7  }
0x7fd: {  	v7 =	vld.idx.msk [tilespmem:v9+s14+$0x0], vm0  }
0x7fe: {  	v8 =	vor.u32 $0x280, v6  }
0x7ff: {  	v9 =	vor.u32 $0x300, v5;
	_ =	sdelay $0x3  }
0x800: {  	[tilespmem:v8+s19+$0x0] =	vst.idx.add.f32.msk vm0, v7  }
0x801: {  	v7 =	vld.idx.msk [tilespmem:v9+s14+$0x0], vm0  }
0x802: {  	v8 =	vor.u32 $0x300, v6  }
0x803: {  	v5 =	vor.u32 $0x380, v5;
	_ =	sdelay $0x1  }
.Ltmp30:
0x804: {  	(pc) =	sbr.rel @p0 .LBB2_44-.Ltmp30, $4  }
0x805: {  	_ = 	snop  }
0x806: {  	[tilespmem:v8+s19+$0x0] =	vst.idx.add.f32.msk vm0, v7  }
0x807: {  	v5 =	vld.idx.msk [tilespmem:v5+s14+$0x0], vm0  }
0x808: {  	v6 =	vor.u32 $0x380, v6  }
.LBB2_45:
0x809: {  	_ =	sdelay $0x4  }
0x80a: {  	[tilespmem:v6+s19+$0x0] =	vst.idx.add.f32.msk vm0, v5  }
.LBB2_46:
0x80b: {  	s21 =	simm.s32 $0x0;
	s22 =	simm.s32 $0x8A0  }
0x80c: {  	[tilespmem:s14], [sflag:$0x1] =	stream.linear.gather [hbm4b:s10+s21], $0x10000, $0x38;
	[tilespmem:$0x18980] =	vst v63  }
0x80d: {  	v4 =	vld [tilespmem:s22+$0xFFFFFFE0];
	_ =	sdelay $0x4  }
0x80e: {  	v5 =	vand.u32 $0xFFFFE000, v4  }
0x80f: {  	vm0 =	veq.s32 v5, $0xC000  }
0x810: {  	v5 =	vsel vm0, $0x1, v3  }
0x811: {  	(xrf0) =	vadd.scan.msk.s32 $0xffff, v5;
	_ =	sdelay $0x2  }
0x812: {  	v5 =	vmov s21  }
0x813: {  	v5 =	vadd.s32 $0xFFFFFFFF, v5  }
0x814: {  	v5 =	vbroadcast v5, $0x0  }
0x815: {  	v6, _, _ =	vpop (xrf0)  }
0x816: {  	s21 =	simm.s32 $0x18A0;
	v5 =	vadd.s32 v6, v5  }
0x817: {  	(v2sf) =	vpush v6, $0xF;
	v6 =	vld [tilespmem:s21+$0xFFFFFFE0];
	_ =	sdelay $0x2  }
0x818: {  	v4 =	vand.u32 $0x1FFF, v4  }
0x819: {  	[tilespmem:v5+s16+$0x0] =	vst.idx.msk vm0, v4  }
0x81a: {  	[tilespmem:v5+s17+$0x0] =	vst.idx.msk vm0, v6  }
0x81b: {  	v4 =	vld [tilespmem:s22+$0xFFFFFFF0];
	_ =	sdelay $0x4  }
0x81c: {  	v5 =	vand.u32 $0xFFFFE000, v4  }
0x81d: {  	vm0 =	veq.s32 v5, $0xC000  }
0x81e: {  	v5 =	vsel vm0, $0x1, v3  }
0x81f: {  	(xrf0) =	vadd.scan.msk.s32 $0xffff, v5  }
0x820: {  	s23 =	spop (v2sf)  }
0x821: {  	s23 =	sadd.s32 $0x0, s23  }
0x822: {  	v5 =	vmov s23  }
0x823: {  	v5 =	vadd.s32 $0xFFFFFFFF, v5  }
0x824: {  	v5 =	vbroadcast v5, $0x0  }
0x825: {  	v6, _, _ =	vpop (xrf0)  }
0x826: {  	v5 =	vadd.s32 v6, v5  }
0x827: {  	(v2sf) =	vpush v6, $0xF;
	v6 =	vld [tilespmem:s21+$0xFFFFFFF0];
	_ =	sdelay $0x2  }
0x828: {  	v4 =	vand.u32 $0x1FFF, v4  }
0x829: {  	[tilespmem:v5+s16+$0x0] =	vst.idx.msk vm0, v4  }
0x82a: {  	[tilespmem:v5+s17+$0x0] =	vst.idx.msk vm0, v6  }
0x82b: {  	v4 =	vld [tilespmem:s22+$0x0];
	_ =	sdelay $0x4  }
0x82c: {  	v5 =	vand.u32 $0xFFFFE000, v4  }
0x82d: {  	vm0 =	veq.s32 v5, $0xC000  }
0x82e: {  	v5 =	vsel vm0, $0x1, v3  }
0x82f: {  	(xrf0) =	vadd.scan.msk.s32 $0xffff, v5  }
0x830: {  	s24 =	spop (v2sf)  }
0x831: {  	s23 =	sadd.s32 s23, s24  }
0x832: {  	v5 =	vmov s23  }
0x833: {  	v5 =	vadd.s32 $0xFFFFFFFF, v5  }
0x834: {  	v5 =	vbroadcast v5, $0x0  }
0x835: {  	v6, _, _ =	vpop (xrf0)  }
0x836: {  	v5 =	vadd.s32 v6, v5  }
0x837: {  	(v2sf) =	vpush v6, $0xF;
	v6 =	vld [tilespmem:s21+$0x0];
	_ =	sdelay $0x2  }
0x838: {  	v4 =	vand.u32 $0x1FFF, v4  }
0x839: {  	[tilespmem:v5+s16+$0x0] =	vst.idx.msk vm0, v4  }
0x83a: {  	[tilespmem:v5+s17+$0x0] =	vst.idx.msk vm0, v6  }
0x83b: {  	v4 =	vld [tilespmem:s22+$0x10];
	_ =	sdelay $0x4  }
0x83c: {  	v5 =	vand.u32 $0xFFFFE000, v4  }
0x83d: {  	vm0 =	veq.s32 v5, $0xC000  }
0x83e: {  	v5 =	vsel vm0, $0x1, v3  }
0x83f: {  	(xrf0) =	vadd.scan.msk.s32 $0xffff, v5  }
0x840: {  	s31 =	spop (v2sf)  }
0x841: {  	s24 =	sadd.s32 s23, s31  }
0x842: {  	v5 =	vmov s24  }
0x843: {  	v5 =	vadd.s32 $0xFFFFFFFF, v5  }
0x844: {  	v5 =	vbroadcast v5, $0x0  }
0x845: {  	v6, _, _ =	vpop (xrf0)  }
0x846: {  	v5 =	vadd.s32 v6, v5;
	(v2sf) =	vpush v6, $0xF  }
0x847: {  	v6 =	vld [tilespmem:s21+$0x10];
	_ =	sdelay $0x2  }
0x848: {  	v4 =	vand.u32 $0x1FFF, v4  }
0x849: {  	[tilespmem:v5+s16+$0x0] =	vst.idx.msk vm0, v4  }
0x84a: {  	s22 =	simm.s32 $0x8E0;
	[tilespmem:v5+s17+$0x0] =	vst.idx.msk vm0, v6  }
0x84b: {  	v4 =	vld [tilespmem:s22+$0xFFFFFFE0];
	_ =	sdelay $0x4  }
0x84c: {  	v5 =	vand.u32 $0xFFFFE000, v4  }
0x84d: {  	vm0 =	veq.s32 v5, $0xC000  }
0x84e: {  	v5 =	vsel vm0, $0x1, v3  }
0x84f: {  	s23 =	simm.s32 $0x4;
	(xrf0) =	vadd.scan.msk.s32 $0xffff, v5;
	s25 =	spop (v2sf)  }
.LBB2_47:
0x850: {  	s23 =	sadd.s32 $0x4, s23;
	s24 =	sadd.s32 s24, s25;
	s21 =	sadd.s32 $0x40, s21  }
0x851: {  	p0 =	slt.u32 s23, $0xFC;
	v5 =	vmov s24  }
0x852: {  	v5 =	vadd.s32 $0xFFFFFFFF, v5;
	_ =	sdelay $0x1  }
0x853: {  	v5 =	vbroadcast v5, $0x0  }
0x854: {  	v6, _, _ =	vpop (xrf0)  }
0x855: {  	v5 =	vadd.s32 v6, v5;
	(v2sf) =	vpush v6, $0xF  }
0x856: {  	v6 =	vld [tilespmem:s21+$0xFFFFFFE0];
	_ =	sdelay $0x2  }
0x857: {  	v4 =	vand.u32 $0x1FFF, v4  }
0x858: {  	[tilespmem:v5+s16+$0x0] =	vst.idx.msk vm0, v4  }
0x859: {  	[tilespmem:v5+s17+$0x0] =	vst.idx.msk vm0, v6  }
0x85a: {  	v4 =	vld [tilespmem:s22+$0xFFFFFFF0];
	_ =	sdelay $0x4  }
0x85b: {  	v5 =	vand.u32 $0xFFFFE000, v4  }
0x85c: {  	vm0 =	veq.s32 v5, $0xC000  }
0x85d: {  	v5 =	vsel vm0, $0x1, v3  }
0x85e: {  	s25 =	spop (v2sf);
	(xrf0) =	vadd.scan.msk.s32 $0xffff, v5  }
0x85f: {  	s24 =	sadd.s32 s24, s25  }
0x860: {  	v5 =	vmov s24  }
0x861: {  	v5 =	vadd.s32 $0xFFFFFFFF, v5;
	_ =	sdelay $0x1  }
0x862: {  	v5 =	vbroadcast v5, $0x0  }
0x863: {  	v6, _, _ =	vpop (xrf0)  }
0x864: {  	v5 =	vadd.s32 v6, v5;
	(v2sf) =	vpush v6, $0xF  }
0x865: {  	v6 =	vld [tilespmem:s21+$0xFFFFFFF0];
	_ =	sdelay $0x2  }
0x866: {  	v4 =	vand.u32 $0x1FFF, v4  }
0x867: {  	[tilespmem:v5+s16+$0x0] =	vst.idx.msk vm0, v4  }
0x868: {  	[tilespmem:v5+s17+$0x0] =	vst.idx.msk vm0, v6  }
0x869: {  	v4 =	vld [tilespmem:s22+$0x0];
	_ =	sdelay $0x4  }
0x86a: {  	v5 =	vand.u32 $0xFFFFE000, v4  }
0x86b: {  	vm0 =	veq.s32 v5, $0xC000  }
0x86c: {  	v5 =	vsel vm0, $0x1, v3  }
0x86d: {  	s25 =	spop (v2sf);
	(xrf0) =	vadd.scan.msk.s32 $0xffff, v5  }
0x86e: {  	s24 =	sadd.s32 s24, s25  }
0x86f: {  	v5 =	vmov s24  }
0x870: {  	v5 =	vadd.s32 $0xFFFFFFFF, v5;
	_ =	sdelay $0x1  }
0x871: {  	v5 =	vbroadcast v5, $0x0  }
0x872: {  	v6, _, _ =	vpop (xrf0)  }
0x873: {  	v5 =	vadd.s32 v6, v5;
	(v2sf) =	vpush v6, $0xF  }
0x874: {  	v6 =	vld [tilespmem:s21+$0x0];
	_ =	sdelay $0x2  }
0x875: {  	v4 =	vand.u32 $0x1FFF, v4  }
0x876: {  	[tilespmem:v5+s16+$0x0] =	vst.idx.msk vm0, v4  }
0x877: {  	[tilespmem:v5+s17+$0x0] =	vst.idx.msk vm0, v6  }
0x878: {  	v4 =	vld [tilespmem:s22+$0x10]  }
0x879: {  	v5 =	vld [tilespmem:s21+$0x10];
	_ =	sdelay $0x3  }
0x87a: {  	v6 =	vand.u32 $0xFFFFE000, v4  }
0x87b: {  	vm0 =	veq.s32 v6, $0xC000  }
0x87c: {  	v6 =	vsel vm0, $0x1, v3  }
0x87d: {  	s25 =	spop (v2sf);
	(xrf0) =	vadd.scan.msk.s32 $0xffff, v6  }
0x87e: {  	s24 =	sadd.s32 s24, s25  }
0x87f: {  	v6 =	vmov s24  }
0x880: {  	v6 =	vadd.s32 $0xFFFFFFFF, v6;
	_ =	sdelay $0x1  }
0x881: {  	v6 =	vbroadcast v6, $0x0  }
0x882: {  	v7, _, _ =	vpop (xrf0)  }
0x883: {  	v6 =	vadd.s32 v7, v6;
	(v2sf) =	vpush v7, $0xF;
	_ =	sdelay $0x3  }
0x884: {  	v4 =	vand.u32 $0x1FFF, v4  }
0x885: {  	[tilespmem:v6+s16+$0x0] =	vst.idx.msk vm0, v4  }
0x886: {  	s22 =	sadd.s32 $0x40, s22;
	[tilespmem:v6+s17+$0x0] =	vst.idx.msk vm0, v5  }
0x887: {  	v4 =	vld [tilespmem:s22+$0xFFFFFFE0];
	_ =	sdelay $0x3  }
.Ltmp31:
0x888: {  	(pc) =	sbr.rel @p0 .LBB2_47-.Ltmp31, $4  }
0x889: {  	v5 =	vand.u32 $0xFFFFE000, v4  }
0x88a: {  	vm0 =	veq.s32 v5, $0xC000  }
0x88b: {  	v5 =	vsel vm0, $0x1, v3  }
0x88c: {  	(xrf0) =	vadd.scan.msk.s32 $0xffff, v5;
	s25 =	spop (v2sf)  }
0x88d: {  	_ = 	snop  }
0x88e: {  	s23 =	sadd.s32 s24, s25  }
0x88f: {  	v5 =	vmov s23  }
0x890: {  	v5 =	vadd.s32 $0xFFFFFFFF, v5  }
0x891: {  	v5 =	vbroadcast v5, $0x0  }
0x892: {  	v6, _, _ =	vpop (xrf0)  }
0x893: {  	s21 =	sadd.s32 $0x40, s21;
	v5 =	vadd.s32 v6, v5  }
0x894: {  	v58 =	vld [tilespmem:s21+$0xFFFFFFE0];
	(v2sf) =	vpush v6, $0xF;
	_ =	sdelay $0x2  }
0x895: {  	v4 =	vand.u32 $0x1FFF, v4  }
0x896: {  	[tilespmem:v5+s16+$0x0] =	vst.idx.msk vm0, v4  }
0x897: {  	[tilespmem:v5+s17+$0x0] =	vst.idx.msk vm0, v58  }
0x898: {  	v4 =	vld [tilespmem:s22+$0xFFFFFFF0];
	_ =	sdelay $0x4  }
0x899: {  	v5 =	vand.u32 $0xFFFFE000, v4  }
0x89a: {  	vm13 =	veq.s32 v5, $0xC000  }
0x89b: {  	v5 =	vsel vm13, $0x1, v3  }
0x89c: {  	(xrf0) =	vadd.scan.msk.s32 $0xffff, v5  }
0x89d: {  	s28 =	spop (v2sf)  }
0x89e: {  	s23 =	sadd.s32 s23, s28  }
0x89f: {  	v5 =	vmov s23  }
0x8a0: {  	v5 =	vadd.s32 $0xFFFFFFFF, v5  }
0x8a1: {  	v5 =	vbroadcast v5, $0x0  }
0x8a2: {  	v59, _, _ =	vpop (xrf0)  }
0x8a3: {  	v5 =	vadd.s32 v59, v5  }
0x8a4: {  	v60 =	vld [tilespmem:s21+$0xFFFFFFF0];
	(v2sf) =	vpush v59, $0xF;
	_ =	sdelay $0x2  }
0x8a5: {  	v4 =	vand.u32 $0x1FFF, v4  }
0x8a6: {  	[tilespmem:v5+s16+$0x0] =	vst.idx.msk vm13, v4  }
0x8a7: {  	[tilespmem:v5+s17+$0x0] =	vst.idx.msk vm13, v60  }
0x8a8: {  	v4 =	vld [tilespmem:s22+$0x0];
	_ =	sdelay $0x4  }
0x8a9: {  	v5 =	vand.u32 $0xFFFFE000, v4  }
0x8aa: {  	vm14 =	veq.s32 v5, $0xC000  }
0x8ab: {  	v5 =	vsel vm14, $0x1, v3  }
0x8ac: {  	(xrf0) =	vadd.scan.msk.s32 $0xffff, v5  }
0x8ad: {  	s29 =	spop (v2sf)  }
0x8ae: {  	s23 =	sadd.s32 s23, s29  }
0x8af: {  	v5 =	vmov s23  }
0x8b0: {  	v5 =	vadd.s32 $0xFFFFFFFF, v5  }
0x8b1: {  	v5 =	vbroadcast v5, $0x0  }
0x8b2: {  	v61, _, _ =	vpop (xrf0)  }
0x8b3: {  	v5 =	vadd.s32 v61, v5  }
0x8b4: {  	v7 =	vld [tilespmem:s21+$0x0];
	_ =	sdelay $0x2  }
0x8b5: {  	v4 =	vand.u32 $0x1FFF, v4  }
0x8b6: {  	[tilespmem:v5+s16+$0x0] =	vst.idx.msk vm14, v4  }
0x8b7: {  	[tilespmem:v5+s17+$0x0] =	vst.idx.msk vm14, v7  }
0x8b8: {  	v4 =	vld [tilespmem:s22+$0x10];
	_ =	sdelay $0x4  }
0x8b9: {  	v5 =	vand.u32 $0xFFFFE000, v4  }
0x8ba: {  	vm15 =	veq.s32 v5, $0xC000  }
0x8bb: {  	v5 =	vsel vm15, $0x1, v3  }
0x8bc: {  	(xrf0) =	vadd.scan.msk.s32 $0xffff, v5  }
0x8bd: {  	(v2sf) =	vpush v61, $0xF;
	_ =	sdelay $0x4  }
0x8be: {  	v5, _, _ =	vpop (xrf0)  }
0x8bf: {  	(v2sf) =	vpush v5, $0xF;
	_ =	sdelay $0x8  }
0x8c0: {  	s30 =	spop (v2sf)  }
0x8c1: {  	s22 =	sadd.s32 s23, s30  }
0x8c2: {  	v62 =	vmov s22  }
0x8c3: {  	v6 =	vadd.s32 $0xFFFFFFFF, v62  }
0x8c4: {  	v6 =	vbroadcast v6, $0x0;
	_ =	sdelay $0x1  }
0x8c5: {  	v5 =	vadd.s32 v5, v6;
	s31 =	spop (v2sf)  }
0x8c6: {  	v63 =	vld [tilespmem:s21+$0x10];
	s25 =	sadd.s32 s22, s31  }
0x8c7: {  	s21 =	sadd.s32 $0xF, s25  }
0x8c8: {  	s24 =	sshra.s32 s21, $0x4  }
0x8c9: {  	v4 =	vand.u32 $0x1FFF, v4;
	p0 =	slt.s32 s24, $0x1  }
.Ltmp32:
0x8ca: {  	[tilespmem:v5+s16+$0x0] =	vst.idx.msk vm15, v4;
	(pc) =	sbr.rel @p0 .LBB2_52-.Ltmp32, $4  }
0x8cb: {  	[tilespmem:v5+s17+$0x0] =	vst.idx.msk vm15, v63  }
0x8cc: {  	_ =	swait.ge [sflag:s18], $0x10000  }
0x8cd: {  	[sflag:s18] =	ssyncset.done $0x0  }
0x8ce: {  	[sflag:s18] =	ssyncadd.s32 $0xFFFF0000  }
0x8cf: {  	s21 =	simm.s32 $0x2880  }
0x8d0: {  	v5 =	vld [tilespmem:s21+$0x0];
	_ =	sdelay $0x3  }
0x8d1: {  	s22 =	simm.s32 $0x3900;
	s23 =	simm.s32 $0x0  }
0x8d2: {  	v4 =	vmov s25;
	v6 =	vor.u32 s23, v2;
	v8 =	vld [tilespmem:s22+$0x0];
	v7 =	vshll.u32 v5, $0x3  }
0x8d3: {  	vm0 =	vlt.s32 v6, v4;
	v5 =	vand.u32 $0x7F, v5;
	v6 =	vand.u32 $0xFFFFFC00, v7  }
0x8d4: {  	v5 =	vor.u32 v5, v6;
	_ =	sdelay $0x2  }
0x8d5: {  	v6 =	vshll.u32 v8, $0x3  }
0x8d6: {  	v7 =	vand.u32 $0x7F, v8;
	v6 =	vand.u32 $0xFFFFFC00, v6  }
0x8d7: {  	v6 =	vor.u32 v7, v6;
	v8 =	vld.idx.msk [tilespmem:v5+s14+$0x0], vm0  }
0x8d8: {  	v7 =	vor.u32 $0x80, v5;
	_ =	sdelay $0x3  }
0x8d9: {  	[tilespmem:v6+s19+$0x0] =	vst.idx.add.f32.msk vm0, v8  }
0x8da: {  	v8 =	vor.u32 $0x80, v6;
	v7 =	vld.idx.msk [tilespmem:v7+s14+$0x0], vm0  }
0x8db: {  	v9 =	vor.u32 $0x100, v5;
	_ =	sdelay $0x3  }
0x8dc: {  	[tilespmem:v8+s19+$0x0] =	vst.idx.add.f32.msk vm0, v7  }
0x8dd: {  	v8 =	vor.u32 $0x100, v6;
	v7 =	vld.idx.msk [tilespmem:v9+s14+$0x0], vm0  }
0x8de: {  	v60 =	vor.u32 $0x180, v5;
	_ =	sdelay $0x3  }
0x8df: {  	[tilespmem:v8+s19+$0x0] =	vst.idx.add.f32.msk vm0, v7  }
0x8e0: {  	v8 =	vor.u32 $0x180, v6;
	v7 =	vld.idx.msk [tilespmem:v60+s14+$0x0], vm0  }
0x8e1: {  	v61 =	vor.u32 $0x200, v5;
	_ =	sdelay $0x3  }
0x8e2: {  	[tilespmem:v8+s19+$0x0] =	vst.idx.add.f32.msk vm0, v7  }
0x8e3: {  	v8 =	vor.u32 $0x200, v6;
	v7 =	vld.idx.msk [tilespmem:v61+s14+$0x0], vm0  }
0x8e4: {  	v62 =	vor.u32 $0x280, v5;
	_ =	sdelay $0x3  }
0x8e5: {  	[tilespmem:v8+s19+$0x0] =	vst.idx.add.f32.msk vm0, v7  }
0x8e6: {  	v8 =	vor.u32 $0x280, v6;
	v7 =	vld.idx.msk [tilespmem:v62+s14+$0x0], vm0  }
0x8e7: {  	v63 =	vor.u32 $0x300, v5;
	_ =	sdelay $0x3  }
0x8e8: {  	[tilespmem:v8+s19+$0x0] =	vst.idx.add.f32.msk vm0, v7  }
0x8e9: {  	v8 =	vor.u32 $0x300, v6;
	v7 =	vld.idx.msk [tilespmem:v63+s14+$0x0], vm0  }
0x8ea: {  	p0 =	sne.s32 s24, $0x1;
	v5 =	vor.u32 $0x380, v5  }
.Ltmp33:
0x8eb: {  	_ = 	snop;
	(pc) =	sbr.rel @!p0 .LBB2_51-.Ltmp33, $3  }
0x8ec: {  	_ =	sdelay $0x1  }
0x8ed: {  	[tilespmem:v8+s19+$0x0] =	vst.idx.add.f32.msk vm0, v7  }
0x8ee: {  	s24 =	sadd.s32 $0xFFFFFFFF, s24;
	v6 =	vor.u32 $0x380, v6;
	v5 =	vld.idx.msk [tilespmem:v5+s14+$0x0], vm0  }
.LBB2_50:
0x8ef: {  	_ =	sdelay $0x3  }
0x8f0: {  	s21 =	sadd.s32 $0x10, s21;
	s22 =	sadd.s32 $0x10, s22;
	s23 =	sadd.s32 $0x10, s23;
	[tilespmem:v6+s19+$0x0] =	vst.idx.add.f32.msk vm0, v5  }
0x8f1: {  	p0 =	sne.s32 s24, $0x1;
	s24 =	sadd.s32 $0xFFFFFFFF, s24;
	v5 =	vld [tilespmem:s21+$0x0];
	_ =	sdelay $0x4  }
0x8f2: {  	v6 =	vor.u32 s23, v2;
	v7 =	vshll.u32 v5, $0x3  }
0x8f3: {  	vm0 =	vlt.s32 v6, v4;
	v5 =	vand.u32 $0x7F, v5;
	v6 =	vld [tilespmem:s22+$0x0];
	v7 =	vand.u32 $0xFFFFFC00, v7  }
0x8f4: {  	v5 =	vor.u32 v5, v7;
	_ =	sdelay $0x3  }
0x8f5: {  	v7 =	vshll.u32 v6, $0x3  }
0x8f6: {  	v6 =	vand.u32 $0x7F, v6;
	v8 =	vld.idx.msk [tilespmem:v5+s14+$0x0], vm0;
	v7 =	vand.u32 $0xFFFFFC00, v7  }
0x8f7: {  	v6 =	vor.u32 v6, v7  }
0x8f8: {  	v7 =	vor.u32 $0x80, v5;
	_ =	sdelay $0x3  }
0x8f9: {  	[tilespmem:v6+s19+$0x0] =	vst.idx.add.f32.msk vm0, v8  }
0x8fa: {  	v7 =	vld.idx.msk [tilespmem:v7+s14+$0x0], vm0  }
0x8fb: {  	v8 =	vor.u32 $0x80, v6  }
0x8fc: {  	v9 =	vor.u32 $0x100, v5;
	_ =	sdelay $0x3  }
0x8fd: {  	[tilespmem:v8+s19+$0x0] =	vst.idx.add.f32.msk vm0, v7  }
0x8fe: {  	v7 =	vld.idx.msk [tilespmem:v9+s14+$0x0], vm0  }
0x8ff: {  	v8 =	vor.u32 $0x100, v6  }
0x900: {  	v9 =	vor.u32 $0x180, v5;
	_ =	sdelay $0x3  }
0x901: {  	[tilespmem:v8+s19+$0x0] =	vst.idx.add.f32.msk vm0, v7  }
0x902: {  	v7 =	vld.idx.msk [tilespmem:v9+s14+$0x0], vm0  }
0x903: {  	v8 =	vor.u32 $0x180, v6  }
0x904: {  	v9 =	vor.u32 $0x200, v5;
	_ =	sdelay $0x3  }
0x905: {  	[tilespmem:v8+s19+$0x0] =	vst.idx.add.f32.msk vm0, v7  }
0x906: {  	v7 =	vld.idx.msk [tilespmem:v9+s14+$0x0], vm0  }
0x907: {  	v8 =	vor.u32 $0x200, v6  }
0x908: {  	v9 =	vor.u32 $0x280, v5;
	_ =	sdelay $0x3  }
0x909: {  	[tilespmem:v8+s19+$0x0] =	vst.idx.add.f32.msk vm0, v7  }
0x90a: {  	v7 =	vld.idx.msk [tilespmem:v9+s14+$0x0], vm0  }
0x90b: {  	v8 =	vor.u32 $0x280, v6  }
0x90c: {  	v9 =	vor.u32 $0x300, v5;
	_ =	sdelay $0x3  }
0x90d: {  	[tilespmem:v8+s19+$0x0] =	vst.idx.add.f32.msk vm0, v7  }
0x90e: {  	v7 =	vld.idx.msk [tilespmem:v9+s14+$0x0], vm0  }
0x90f: {  	v8 =	vor.u32 $0x300, v6  }
0x910: {  	v5 =	vor.u32 $0x380, v5;
	_ =	sdelay $0x1  }
.Ltmp34:
0x911: {  	(pc) =	sbr.rel @p0 .LBB2_50-.Ltmp34, $4  }
0x912: {  	_ = 	snop  }
0x913: {  	[tilespmem:v8+s19+$0x0] =	vst.idx.add.f32.msk vm0, v7  }
0x914: {  	v5 =	vld.idx.msk [tilespmem:v5+s14+$0x0], vm0  }
0x915: {  	v6 =	vor.u32 $0x380, v6  }
.LBB2_51:
0x916: {  	_ =	sdelay $0x4  }
0x917: {  	[tilespmem:v6+s19+$0x0] =	vst.idx.add.f32.msk vm0, v5  }
.LBB2_52:
0x918: {  	s21 =	simm.s32 $0x0;
	s22 =	simm.s32 $0x8A0  }
0x919: {  	[tilespmem:s14], [sflag:$0x1] =	stream.linear.gather [hbm4b:s11+s21], $0x10000, $0x38;
	[tilespmem:$0x18980] =	vst v63  }
0x91a: {  	v4 =	vld [tilespmem:s22+$0xFFFFFFE0];
	_ =	sdelay $0x4  }
0x91b: {  	v5 =	vand.u32 $0xFFFFE000, v4  }
0x91c: {  	vm0 =	veq.s32 v5, $0xE000  }
0x91d: {  	v5 =	vsel vm0, $0x1, v3  }
0x91e: {  	(xrf0) =	vadd.scan.msk.s32 $0xffff, v5;
	_ =	sdelay $0x2  }
0x91f: {  	v5 =	vmov s21  }
0x920: {  	v5 =	vadd.s32 $0xFFFFFFFF, v5  }
0x921: {  	v5 =	vbroadcast v5, $0x0  }
0x922: {  	v6, _, _ =	vpop (xrf0)  }
0x923: {  	s21 =	simm.s32 $0x18A0;
	v5 =	vadd.s32 v6, v5  }
0x924: {  	(v2sf) =	vpush v6, $0xF;
	v6 =	vld [tilespmem:s21+$0xFFFFFFE0];
	_ =	sdelay $0x2  }
0x925: {  	v4 =	vand.u32 $0x1FFF, v4  }
0x926: {  	[tilespmem:v5+s16+$0x0] =	vst.idx.msk vm0, v4  }
0x927: {  	[tilespmem:v5+s17+$0x0] =	vst.idx.msk vm0, v6  }
0x928: {  	v4 =	vld [tilespmem:s22+$0xFFFFFFF0];
	_ =	sdelay $0x4  }
0x929: {  	v5 =	vand.u32 $0xFFFFE000, v4  }
0x92a: {  	vm0 =	veq.s32 v5, $0xE000  }
0x92b: {  	v5 =	vsel vm0, $0x1, v3  }
0x92c: {  	(xrf0) =	vadd.scan.msk.s32 $0xffff, v5  }
0x92d: {  	s23 =	spop (v2sf)  }
0x92e: {  	s23 =	sadd.s32 $0x0, s23  }
0x92f: {  	v5 =	vmov s23  }
0x930: {  	v5 =	vadd.s32 $0xFFFFFFFF, v5  }
0x931: {  	v5 =	vbroadcast v5, $0x0  }
0x932: {  	v6, _, _ =	vpop (xrf0)  }
0x933: {  	v5 =	vadd.s32 v6, v5  }
0x934: {  	(v2sf) =	vpush v6, $0xF;
	v6 =	vld [tilespmem:s21+$0xFFFFFFF0];
	_ =	sdelay $0x2  }
0x935: {  	v4 =	vand.u32 $0x1FFF, v4  }
0x936: {  	[tilespmem:v5+s16+$0x0] =	vst.idx.msk vm0, v4  }
0x937: {  	[tilespmem:v5+s17+$0x0] =	vst.idx.msk vm0, v6  }
0x938: {  	v4 =	vld [tilespmem:s22+$0x0];
	_ =	sdelay $0x4  }
0x939: {  	v5 =	vand.u32 $0xFFFFE000, v4  }
0x93a: {  	vm0 =	veq.s32 v5, $0xE000  }
0x93b: {  	v5 =	vsel vm0, $0x1, v3  }
0x93c: {  	(xrf0) =	vadd.scan.msk.s32 $0xffff, v5  }
0x93d: {  	s24 =	spop (v2sf)  }
0x93e: {  	s23 =	sadd.s32 s23, s24  }
0x93f: {  	v5 =	vmov s23  }
0x940: {  	v5 =	vadd.s32 $0xFFFFFFFF, v5  }
0x941: {  	v5 =	vbroadcast v5, $0x0  }
0x942: {  	v6, _, _ =	vpop (xrf0)  }
0x943: {  	v5 =	vadd.s32 v6, v5  }
0x944: {  	(v2sf) =	vpush v6, $0xF;
	v6 =	vld [tilespmem:s21+$0x0];
	_ =	sdelay $0x2  }
0x945: {  	v4 =	vand.u32 $0x1FFF, v4  }
0x946: {  	[tilespmem:v5+s16+$0x0] =	vst.idx.msk vm0, v4  }
0x947: {  	[tilespmem:v5+s17+$0x0] =	vst.idx.msk vm0, v6  }
0x948: {  	v4 =	vld [tilespmem:s22+$0x10];
	_ =	sdelay $0x4  }
0x949: {  	v5 =	vand.u32 $0xFFFFE000, v4  }
0x94a: {  	vm0 =	veq.s32 v5, $0xE000  }
0x94b: {  	v5 =	vsel vm0, $0x1, v3  }
0x94c: {  	(xrf0) =	vadd.scan.msk.s32 $0xffff, v5  }
0x94d: {  	s31 =	spop (v2sf)  }
0x94e: {  	s24 =	sadd.s32 s23, s31  }
0x94f: {  	v5 =	vmov s24  }
0x950: {  	v5 =	vadd.s32 $0xFFFFFFFF, v5  }
0x951: {  	v5 =	vbroadcast v5, $0x0  }
0x952: {  	v6, _, _ =	vpop (xrf0)  }
0x953: {  	v5 =	vadd.s32 v6, v5;
	(v2sf) =	vpush v6, $0xF  }
0x954: {  	v6 =	vld [tilespmem:s21+$0x10];
	_ =	sdelay $0x2  }
0x955: {  	v4 =	vand.u32 $0x1FFF, v4  }
0x956: {  	[tilespmem:v5+s16+$0x0] =	vst.idx.msk vm0, v4  }
0x957: {  	s22 =	simm.s32 $0x8E0;
	[tilespmem:v5+s17+$0x0] =	vst.idx.msk vm0, v6  }
0x958: {  	v4 =	vld [tilespmem:s22+$0xFFFFFFE0];
	_ =	sdelay $0x4  }
0x959: {  	v5 =	vand.u32 $0xFFFFE000, v4  }
0x95a: {  	vm0 =	veq.s32 v5, $0xE000  }
0x95b: {  	v5 =	vsel vm0, $0x1, v3  }
0x95c: {  	s23 =	simm.s32 $0x4;
	(xrf0) =	vadd.scan.msk.s32 $0xffff, v5;
	s25 =	spop (v2sf)  }
.LBB2_53:
0x95d: {  	s23 =	sadd.s32 $0x4, s23;
	s24 =	sadd.s32 s24, s25;
	s21 =	sadd.s32 $0x40, s21  }
0x95e: {  	p0 =	slt.u32 s23, $0xFC;
	v5 =	vmov s24  }
0x95f: {  	v5 =	vadd.s32 $0xFFFFFFFF, v5;
	_ =	sdelay $0x1  }
0x960: {  	v5 =	vbroadcast v5, $0x0  }
0x961: {  	v6, _, _ =	vpop (xrf0)  }
0x962: {  	v5 =	vadd.s32 v6, v5;
	(v2sf) =	vpush v6, $0xF  }
0x963: {  	v6 =	vld [tilespmem:s21+$0xFFFFFFE0];
	_ =	sdelay $0x2  }
0x964: {  	v4 =	vand.u32 $0x1FFF, v4  }
0x965: {  	[tilespmem:v5+s16+$0x0] =	vst.idx.msk vm0, v4  }
0x966: {  	[tilespmem:v5+s17+$0x0] =	vst.idx.msk vm0, v6  }
0x967: {  	v4 =	vld [tilespmem:s22+$0xFFFFFFF0];
	_ =	sdelay $0x4  }
0x968: {  	v5 =	vand.u32 $0xFFFFE000, v4  }
0x969: {  	vm0 =	veq.s32 v5, $0xE000  }
0x96a: {  	v5 =	vsel vm0, $0x1, v3  }
0x96b: {  	s25 =	spop (v2sf);
	(xrf0) =	vadd.scan.msk.s32 $0xffff, v5  }
0x96c: {  	s24 =	sadd.s32 s24, s25  }
0x96d: {  	v5 =	vmov s24  }
0x96e: {  	v5 =	vadd.s32 $0xFFFFFFFF, v5;
	_ =	sdelay $0x1  }
0x96f: {  	v5 =	vbroadcast v5, $0x0  }
0x970: {  	v6, _, _ =	vpop (xrf0)  }
0x971: {  	v5 =	vadd.s32 v6, v5;
	(v2sf) =	vpush v6, $0xF  }
0x972: {  	v6 =	vld [tilespmem:s21+$0xFFFFFFF0];
	_ =	sdelay $0x2  }
0x973: {  	v4 =	vand.u32 $0x1FFF, v4  }
0x974: {  	[tilespmem:v5+s16+$0x0] =	vst.idx.msk vm0, v4  }
0x975: {  	[tilespmem:v5+s17+$0x0] =	vst.idx.msk vm0, v6  }
0x976: {  	v4 =	vld [tilespmem:s22+$0x0];
	_ =	sdelay $0x4  }
0x977: {  	v5 =	vand.u32 $0xFFFFE000, v4  }
0x978: {  	vm0 =	veq.s32 v5, $0xE000  }
0x979: {  	v5 =	vsel vm0, $0x1, v3  }
0x97a: {  	s25 =	spop (v2sf);
	(xrf0) =	vadd.scan.msk.s32 $0xffff, v5  }
0x97b: {  	s24 =	sadd.s32 s24, s25  }
0x97c: {  	v5 =	vmov s24  }
0x97d: {  	v5 =	vadd.s32 $0xFFFFFFFF, v5;
	_ =	sdelay $0x1  }
0x97e: {  	v5 =	vbroadcast v5, $0x0  }
0x97f: {  	v6, _, _ =	vpop (xrf0)  }
0x980: {  	v5 =	vadd.s32 v6, v5;
	(v2sf) =	vpush v6, $0xF  }
0x981: {  	v6 =	vld [tilespmem:s21+$0x0];
	_ =	sdelay $0x2  }
0x982: {  	v4 =	vand.u32 $0x1FFF, v4  }
0x983: {  	[tilespmem:v5+s16+$0x0] =	vst.idx.msk vm0, v4  }
0x984: {  	[tilespmem:v5+s17+$0x0] =	vst.idx.msk vm0, v6  }
0x985: {  	v4 =	vld [tilespmem:s22+$0x10]  }
0x986: {  	v5 =	vld [tilespmem:s21+$0x10];
	_ =	sdelay $0x3  }
0x987: {  	v6 =	vand.u32 $0xFFFFE000, v4  }
0x988: {  	vm0 =	veq.s32 v6, $0xE000  }
0x989: {  	v6 =	vsel vm0, $0x1, v3  }
0x98a: {  	s25 =	spop (v2sf);
	(xrf0) =	vadd.scan.msk.s32 $0xffff, v6  }
0x98b: {  	s24 =	sadd.s32 s24, s25  }
0x98c: {  	v6 =	vmov s24  }
0x98d: {  	v6 =	vadd.s32 $0xFFFFFFFF, v6;
	_ =	sdelay $0x1  }
0x98e: {  	v6 =	vbroadcast v6, $0x0  }
0x98f: {  	v7, _, _ =	vpop (xrf0)  }
0x990: {  	v6 =	vadd.s32 v7, v6;
	(v2sf) =	vpush v7, $0xF;
	_ =	sdelay $0x3  }
0x991: {  	v4 =	vand.u32 $0x1FFF, v4  }
0x992: {  	[tilespmem:v6+s16+$0x0] =	vst.idx.msk vm0, v4  }
0x993: {  	s22 =	sadd.s32 $0x40, s22;
	[tilespmem:v6+s17+$0x0] =	vst.idx.msk vm0, v5  }
0x994: {  	v4 =	vld [tilespmem:s22+$0xFFFFFFE0];
	_ =	sdelay $0x3  }
.Ltmp35:
0x995: {  	(pc) =	sbr.rel @p0 .LBB2_53-.Ltmp35, $4  }
0x996: {  	v5 =	vand.u32 $0xFFFFE000, v4  }
0x997: {  	vm0 =	veq.s32 v5, $0xE000  }
0x998: {  	v5 =	vsel vm0, $0x1, v3  }
0x999: {  	(xrf0) =	vadd.scan.msk.s32 $0xffff, v5;
	s25 =	spop (v2sf)  }
0x99a: {  	_ = 	snop  }
0x99b: {  	s23 =	sadd.s32 s24, s25  }
0x99c: {  	v5 =	vmov s23  }
0x99d: {  	v5 =	vadd.s32 $0xFFFFFFFF, v5  }
0x99e: {  	v5 =	vbroadcast v5, $0x0  }
0x99f: {  	v6, _, _ =	vpop (xrf0)  }
0x9a0: {  	s21 =	sadd.s32 $0x40, s21;
	v5 =	vadd.s32 v6, v5  }
0x9a1: {  	v58 =	vld [tilespmem:s21+$0xFFFFFFE0];
	(v2sf) =	vpush v6, $0xF;
	_ =	sdelay $0x2  }
0x9a2: {  	v4 =	vand.u32 $0x1FFF, v4  }
0x9a3: {  	[tilespmem:v5+s16+$0x0] =	vst.idx.msk vm0, v4  }
0x9a4: {  	[tilespmem:v5+s17+$0x0] =	vst.idx.msk vm0, v58  }
0x9a5: {  	v4 =	vld [tilespmem:s22+$0xFFFFFFF0];
	_ =	sdelay $0x4  }
0x9a6: {  	v5 =	vand.u32 $0xFFFFE000, v4  }
0x9a7: {  	vm13 =	veq.s32 v5, $0xE000  }
0x9a8: {  	v5 =	vsel vm13, $0x1, v3  }
0x9a9: {  	(xrf0) =	vadd.scan.msk.s32 $0xffff, v5  }
0x9aa: {  	s28 =	spop (v2sf)  }
0x9ab: {  	s23 =	sadd.s32 s23, s28  }
0x9ac: {  	v5 =	vmov s23  }
0x9ad: {  	v5 =	vadd.s32 $0xFFFFFFFF, v5  }
0x9ae: {  	v5 =	vbroadcast v5, $0x0  }
0x9af: {  	v59, _, _ =	vpop (xrf0)  }
0x9b0: {  	v5 =	vadd.s32 v59, v5  }
0x9b1: {  	v60 =	vld [tilespmem:s21+$0xFFFFFFF0];
	(v2sf) =	vpush v59, $0xF;
	_ =	sdelay $0x2  }
0x9b2: {  	v4 =	vand.u32 $0x1FFF, v4  }
0x9b3: {  	[tilespmem:v5+s16+$0x0] =	vst.idx.msk vm13, v4  }
0x9b4: {  	[tilespmem:v5+s17+$0x0] =	vst.idx.msk vm13, v60  }
0x9b5: {  	v4 =	vld [tilespmem:s22+$0x0];
	_ =	sdelay $0x4  }
0x9b6: {  	v5 =	vand.u32 $0xFFFFE000, v4  }
0x9b7: {  	vm14 =	veq.s32 v5, $0xE000  }
0x9b8: {  	v5 =	vsel vm14, $0x1, v3  }
0x9b9: {  	(xrf0) =	vadd.scan.msk.s32 $0xffff, v5  }
0x9ba: {  	s29 =	spop (v2sf)  }
0x9bb: {  	s23 =	sadd.s32 s23, s29  }
0x9bc: {  	v5 =	vmov s23  }
0x9bd: {  	v5 =	vadd.s32 $0xFFFFFFFF, v5  }
0x9be: {  	v5 =	vbroadcast v5, $0x0  }
0x9bf: {  	v61, _, _ =	vpop (xrf0)  }
0x9c0: {  	v5 =	vadd.s32 v61, v5  }
0x9c1: {  	v7 =	vld [tilespmem:s21+$0x0];
	_ =	sdelay $0x2  }
0x9c2: {  	v4 =	vand.u32 $0x1FFF, v4  }
0x9c3: {  	[tilespmem:v5+s16+$0x0] =	vst.idx.msk vm14, v4  }
0x9c4: {  	[tilespmem:v5+s17+$0x0] =	vst.idx.msk vm14, v7  }
0x9c5: {  	v4 =	vld [tilespmem:s22+$0x10];
	_ =	sdelay $0x4  }
0x9c6: {  	v5 =	vand.u32 $0xFFFFE000, v4  }
0x9c7: {  	vm15 =	veq.s32 v5, $0xE000  }
0x9c8: {  	v5 =	vsel vm15, $0x1, v3  }
0x9c9: {  	(xrf0) =	vadd.scan.msk.s32 $0xffff, v5  }
0x9ca: {  	(v2sf) =	vpush v61, $0xF;
	_ =	sdelay $0x4  }
0x9cb: {  	v5, _, _ =	vpop (xrf0)  }
0x9cc: {  	(v2sf) =	vpush v5, $0xF;
	_ =	sdelay $0x8  }
0x9cd: {  	s30 =	spop (v2sf)  }
0x9ce: {  	s22 =	sadd.s32 s23, s30  }
0x9cf: {  	v62 =	vmov s22  }
0x9d0: {  	v6 =	vadd.s32 $0xFFFFFFFF, v62  }
0x9d1: {  	v6 =	vbroadcast v6, $0x0;
	_ =	sdelay $0x1  }
0x9d2: {  	v5 =	vadd.s32 v5, v6;
	s31 =	spop (v2sf)  }
0x9d3: {  	v63 =	vld [tilespmem:s21+$0x10];
	s25 =	sadd.s32 s22, s31  }
0x9d4: {  	s21 =	sadd.s32 $0xF, s25  }
0x9d5: {  	s24 =	sshra.s32 s21, $0x4  }
0x9d6: {  	v4 =	vand.u32 $0x1FFF, v4;
	p0 =	slt.s32 s24, $0x1  }
.Ltmp36:
0x9d7: {  	[tilespmem:v5+s16+$0x0] =	vst.idx.msk vm15, v4;
	(pc) =	sbr.rel @p0 .LBB2_58-.Ltmp36, $4  }
0x9d8: {  	[tilespmem:v5+s17+$0x0] =	vst.idx.msk vm15, v63  }
0x9d9: {  	_ =	swait.ge [sflag:s18], $0x10000  }
0x9da: {  	[sflag:s18] =	ssyncset.done $0x0  }
0x9db: {  	[sflag:s18] =	ssyncadd.s32 $0xFFFF0000  }
0x9dc: {  	s21 =	simm.s32 $0x2880  }
0x9dd: {  	v5 =	vld [tilespmem:s21+$0x0];
	_ =	sdelay $0x3  }
0x9de: {  	s22 =	simm.s32 $0x3900;
	s23 =	simm.s32 $0x0  }
0x9df: {  	v4 =	vmov s25;
	v6 =	vor.u32 s23, v2;
	v8 =	vld [tilespmem:s22+$0x0];
	v7 =	vshll.u32 v5, $0x3  }
0x9e0: {  	vm0 =	vlt.s32 v6, v4;
	v5 =	vand.u32 $0x7F, v5;
	v6 =	vand.u32 $0xFFFFFC00, v7  }
0x9e1: {  	v5 =	vor.u32 v5, v6;
	_ =	sdelay $0x2  }
0x9e2: {  	v6 =	vshll.u32 v8, $0x3  }
0x9e3: {  	v7 =	vand.u32 $0x7F, v8;
	v6 =	vand.u32 $0xFFFFFC00, v6  }
0x9e4: {  	v6 =	vor.u32 v7, v6;
	v8 =	vld.idx.msk [tilespmem:v5+s14+$0x0], vm0  }
0x9e5: {  	v7 =	vor.u32 $0x80, v5;
	_ =	sdelay $0x3  }
0x9e6: {  	[tilespmem:v6+s19+$0x0] =	vst.idx.add.f32.msk vm0, v8  }
0x9e7: {  	v8 =	vor.u32 $0x80, v6;
	v7 =	vld.idx.msk [tilespmem:v7+s14+$0x0], vm0  }
0x9e8: {  	v9 =	vor.u32 $0x100, v5;
	_ =	sdelay $0x3  }
0x9e9: {  	[tilespmem:v8+s19+$0x0] =	vst.idx.add.f32.msk vm0, v7  }
0x9ea: {  	v8 =	vor.u32 $0x100, v6;
	v7 =	vld.idx.msk [tilespmem:v9+s14+$0x0], vm0  }
0x9eb: {  	v60 =	vor.u32 $0x180, v5;
	_ =	sdelay $0x3  }
0x9ec: {  	[tilespmem:v8+s19+$0x0] =	vst.idx.add.f32.msk vm0, v7  }
0x9ed: {  	v8 =	vor.u32 $0x180, v6;
	v7 =	vld.idx.msk [tilespmem:v60+s14+$0x0], vm0  }
0x9ee: {  	v61 =	vor.u32 $0x200, v5;
	_ =	sdelay $0x3  }
0x9ef: {  	[tilespmem:v8+s19+$0x0] =	vst.idx.add.f32.msk vm0, v7  }
0x9f0: {  	v8 =	vor.u32 $0x200, v6;
	v7 =	vld.idx.msk [tilespmem:v61+s14+$0x0], vm0  }
0x9f1: {  	v62 =	vor.u32 $0x280, v5;
	_ =	sdelay $0x3  }
0x9f2: {  	[tilespmem:v8+s19+$0x0] =	vst.idx.add.f32.msk vm0, v7  }
0x9f3: {  	v8 =	vor.u32 $0x280, v6;
	v7 =	vld.idx.msk [tilespmem:v62+s14+$0x0], vm0  }
0x9f4: {  	v63 =	vor.u32 $0x300, v5;
	_ =	sdelay $0x3  }
0x9f5: {  	[tilespmem:v8+s19+$0x0] =	vst.idx.add.f32.msk vm0, v7  }
0x9f6: {  	v8 =	vor.u32 $0x300, v6;
	v7 =	vld.idx.msk [tilespmem:v63+s14+$0x0], vm0  }
0x9f7: {  	v5 =	vor.u32 $0x380, v5;
	_ =	sdelay $0x3  }
0x9f8: {  	p0 =	sne.s32 s24, $0x1;
	[tilespmem:v8+s19+$0x0] =	vst.idx.add.f32.msk vm0, v7  }
.Ltmp37:
0x9f9: {  	v6 =	vor.u32 $0x380, v6;
	v5 =	vld.idx.msk [tilespmem:v5+s14+$0x0], vm0;
	(pc) =	sbr.rel @!p0 .LBB2_57-.Ltmp37, $2  }
0x9fa: {  	_ =	sdelay $0x2  }
0x9fb: {  	s24 =	sadd.s32 $0xFFFFFFFF, s24  }
.LBB2_56:
0x9fc: {  	[tilespmem:v6+s19+$0x0] =	vst.idx.add.f32.msk vm0, v5;
	s21 =	sadd.s32 $0x10, s21;
	s22 =	sadd.s32 $0x10, s22;
	s23 =	sadd.s32 $0x10, s23  }
0x9fd: {  	p0 =	sne.s32 s24, $0x1;
	s24 =	sadd.s32 $0xFFFFFFFF, s24;
	v5 =	vld [tilespmem:s21+$0x0];
	_ =	sdelay $0x4  }
0x9fe: {  	v6 =	vor.u32 s23, v2;
	v7 =	vshll.u32 v5, $0x3  }
0x9ff: {  	vm0 =	vlt.s32 v6, v4;
	v5 =	vand.u32 $0x7F, v5;
	v6 =	vld [tilespmem:s22+$0x0];
	v7 =	vand.u32 $0xFFFFFC00, v7  }
0xa00: {  	v5 =	vor.u32 v5, v7;
	_ =	sdelay $0x3  }
0xa01: {  	v7 =	vshll.u32 v6, $0x3  }
0xa02: {  	v6 =	vand.u32 $0x7F, v6;
	v8 =	vld.idx.msk [tilespmem:v5+s14+$0x0], vm0;
	v7 =	vand.u32 $0xFFFFFC00, v7  }
0xa03: {  	v6 =	vor.u32 v6, v7  }
0xa04: {  	v7 =	vor.u32 $0x80, v5;
	_ =	sdelay $0x3  }
0xa05: {  	[tilespmem:v6+s19+$0x0] =	vst.idx.add.f32.msk vm0, v8  }
0xa06: {  	v7 =	vld.idx.msk [tilespmem:v7+s14+$0x0], vm0  }
0xa07: {  	v8 =	vor.u32 $0x80, v6  }
0xa08: {  	v9 =	vor.u32 $0x100, v5;
	_ =	sdelay $0x3  }
0xa09: {  	[tilespmem:v8+s19+$0x0] =	vst.idx.add.f32.msk vm0, v7  }
0xa0a: {  	v7 =	vld.idx.msk [tilespmem:v9+s14+$0x0], vm0  }
0xa0b: {  	v8 =	vor.u32 $0x100, v6  }
0xa0c: {  	v9 =	vor.u32 $0x180, v5;
	_ =	sdelay $0x3  }
0xa0d: {  	[tilespmem:v8+s19+$0x0] =	vst.idx.add.f32.msk vm0, v7  }
0xa0e: {  	v7 =	vld.idx.msk [tilespmem:v9+s14+$0x0], vm0  }
0xa0f: {  	v8 =	vor.u32 $0x180, v6  }
0xa10: {  	v9 =	vor.u32 $0x200, v5;
	_ =	sdelay $0x3  }
0xa11: {  	[tilespmem:v8+s19+$0x0] =	vst.idx.add.f32.msk vm0, v7  }
0xa12: {  	v7 =	vld.idx.msk [tilespmem:v9+s14+$0x0], vm0  }
0xa13: {  	v8 =	vor.u32 $0x200, v6  }
0xa14: {  	v9 =	vor.u32 $0x280, v5;
	_ =	sdelay $0x3  }
0xa15: {  	[tilespmem:v8+s19+$0x0] =	vst.idx.add.f32.msk vm0, v7  }
0xa16: {  	v7 =	vld.idx.msk [tilespmem:v9+s14+$0x0], vm0  }
0xa17: {  	v8 =	vor.u32 $0x280, v6  }
0xa18: {  	v9 =	vor.u32 $0x300, v5;
	_ =	sdelay $0x3  }
0xa19: {  	[tilespmem:v8+s19+$0x0] =	vst.idx.add.f32.msk vm0, v7  }
0xa1a: {  	v7 =	vld.idx.msk [tilespmem:v9+s14+$0x0], vm0  }
0xa1b: {  	v8 =	vor.u32 $0x300, v6  }
0xa1c: {  	v5 =	vor.u32 $0x380, v5;
	_ =	sdelay $0x1  }
.Ltmp38:
0xa1d: {  	(pc) =	sbr.rel @p0 .LBB2_56-.Ltmp38, $4  }
0xa1e: {  	_ = 	snop  }
0xa1f: {  	[tilespmem:v8+s19+$0x0] =	vst.idx.add.f32.msk vm0, v7  }
0xa20: {  	v5 =	vld.idx.msk [tilespmem:v5+s14+$0x0], vm0  }
0xa21: {  	v6 =	vor.u32 $0x380, v6  }
.Ltmp39:
0xa22: {  	_ = 	snop;
	(pc) =	sbr.rel .LBB2_57-.Ltmp39, $1  }
0xa23: {  	_ =	sdelay $0x3  }
.LBB2_8:
.Ltmp40:
0xa24: {  	(pc) =	sbr.rel .LBB2_12-.Ltmp40, $2  }
0xa25: {  	_ =	sdelay $0x2  }
0xa26: {  	s24 =	simm.s32 $0x18A0  }
.LBB2_10:
.Ltmp41:
0xa27: {  	(pc) =	sbr.rel .LBB2_12-.Ltmp41, $2  }
0xa28: {  	_ =	sdelay $0x2  }
0xa29: {  	s24 =	simm.s32 $0x18A0  }
.LBB2_59:
0xa2a: {  	_ =	sfence.sel $0x180000  }
0xa2b: {  	[bflag:$0x0] =	sbarrier.arrive $0xFFFF  }
0xa2c: {  	p0 =	sne.s32 s2, $0x0;
	_ =	strace $0x90000047  }
0xa2d: {  	s0 =	sadd.s32 @!p0 $0x100000, s0;
	[bflag:$0x2] =	sbarrier.arrive $0xFFFF  }
0xa2e: {  	[sflag:s0] =	ssyncadd.tile.s32 @!p0 $0x1;
	_ =	shalt  }
.Lfunc_end2:
_tile_overlayer_lowered:
.L_overlay_start_2:
0xa2f: {  	(tag) =	ssettag $0x2  }
0xa30: {  	s0 =	rddreg [dreg:$0x0];
	s2 =	stileid.u32  }
0xa31: {  	s1 =	rddreg [dreg:$0x1];
	p0 =	sne.s32 s2, $0x0  }
0xa32: {  	s3 =	rddreg [dreg:$0x2];
	[bflag:$0x3] =	sbarrier.arrive $0xFFFF;
	s2 =	simm.s32 @!p0 $0x1C02  }
0xa33: {  	[timem:s3], [sflag:s2] =	dma.local @!p0 [hbm:s0], s1  }
0xa34: {  	s0 =	simm.s32 @!p0 $0x2  }
0xa35: {  	_ =	swait.ge @!p0 [sflag:s0], s1  }
0xa36: {  	s1 =	ssub.s32 @!p0 $0x0, s1;
	[sflag:s0] =	ssyncset.done @!p0 $0x0  }
0xa37: {  	[sflag:s0] =	ssyncadd.s32 @!p0 s1  }
0xa38: {  	[bflag:$0x3] =	sbarrier.arrive $0xFFFF  }
0xa39: {  	_ =	shalt  }

</sc_bundles>
